<compile_context>
chip_gen: v7x
topology: tpu7x:2x2x1
jax: 0.10.2.dev20260603
libtpu: 0.0.44.dev20260713+nightly
codegen_flags: <defaults>
</compile_context>

<pallas_src>
import functools

import jax
import jax.numpy as jnp
from jax import lax
from jax.experimental import pallas as pl
from jax.experimental.pallas import tpu as pltpu
from jax.experimental.pallas import tpu_sc as plsc

N = 100000
E = 3200000
G = 64
INCH = 128
HID = 12
HP = 16
OUT = 16
NRD = 102400
NR = 100016
CH = 1024
RPC = CH // 128
NW = 32
NCH = -(-E // (NW * CH))
EP = NW * NCH * CH
RPTD = NRD // 16
RPT = NR // 16
RB = 5000
NB = N // RB

_mesh = plsc.VectorSubcoreMesh(core_axis_name="c", subcore_axis_name="s")


@functools.partial(
    pl.kernel,
    out_type=jax.ShapeDtypeStruct((2, NRD), jnp.float32),
    mesh=_mesh,
    scratch_types=[
        pltpu.VMEM((128,), jnp.float32),
        pltpu.VMEM((1024,), jnp.float32),
        pltpu.VMEM((RPC, 128), jnp.int32),
        pltpu.VMEM_SHARED((NRD,), jnp.float32),
        pltpu.SemaphoreType.DMA,
    ],
    compiler_params=pltpu.CompilerParams(use_tc_tiling_on_sc=False),
)
def _deg_kernel(dst_hbm, deg_out, ones_v, zeros_v, idx_v, acc, sem):
    cid = lax.axis_index("c")
    sid = lax.axis_index("s")
    wid = cid * 16 + sid
    for k in range(8):
        ones_v[pl.ds(k * 16, 16)] = jnp.ones((16,), jnp.float32)

    def _z(i, c):
        zeros_v[pl.ds(i * 16, 16)] = jnp.zeros((16,), jnp.float32)
        return c

    lax.fori_loop(0, 64, _z, 0)
    base = sid * RPTD
    for k in range(6):
        pltpu.sync_copy(zeros_v, acc.at[pl.ds(base + k * 1024, 1024)])
    pltpu.sync_copy(zeros_v.at[pl.ds(0, 256)], acc.at[pl.ds(base + 6144, 256)])
    plsc.subcore_barrier()

    def _chunk(c, carry):
        row0 = (wid * NCH + c) * RPC
        pltpu.sync_copy(dst_hbm.at[pl.ds(row0, RPC)], idx_v)
        cps = [
            pltpu.async_copy(ones_v, acc.at[idx_v.at[j]], sem, add=True)
            for j in range(RPC)
        ]
        for cp in cps:
            cp.wait()
        return carry

    lax.fori_loop(0, NCH, _chunk, 0)
    plsc.subcore_barrier()
    pltpu.sync_copy(acc.at[pl.ds(base, RPTD)],
                    deg_out.at[cid, pl.ds(base, RPTD)])


@functools.partial(
    pl.kernel,
    out_type=jax.ShapeDtypeStruct((2, NR, HP), jnp.float32),
    mesh=_mesh,
    scratch_types=[
        pltpu.VMEM((RPC, 128), jnp.int32),
        pltpu.VMEM((RPC, 128), jnp.int32),
        pltpu.VMEM((CH, HP), jnp.float32),
        pltpu.VMEM_SHARED((NR, HP), jnp.float32),
        pltpu.SemaphoreType.DMA,
        pltpu.SemaphoreType.DMA,
    ],
    compiler_params=pltpu.CompilerParams(use_tc_tiling_on_sc=False),
)
def _prop_kernel(src_hbm, dst_hbm, tab_hbm, zer_hbm, out_hbm,
                 isrc, idst, rows, acc, gsem, ssem):
    cid = lax.axis_index("c")
    sid = lax.axis_index("s")
    wid = cid * 16 + sid
    base = sid * RPT
    pltpu.sync_copy(zer_hbm, acc.at[pl.ds(base, RPT)])
    plsc.subcore_barrier()

    dummy = jnp.broadcast_to(N + (wid % (NR - N)), (16,)).astype(jnp.int32)
    for k in range(8 * RPC):
        idst[k // 8, pl.ds((k % 8) * 16, 16)] = dummy
    for j in range(RPC):
        pltpu.async_copy(rows.at[pl.ds(j * 128, 128)],
                         acc.at[idst.at[j]], ssem, add=True)

    def _chunk(c, carry):
        pltpu.make_async_copy(zer_hbm.at[pl.ds(0, CH)], rows, ssem).wait()
        row0 = (wid * NCH + c) * RPC
        pltpu.sync_copy(src_hbm.at[pl.ds(row0, RPC)], isrc)
        pltpu.sync_copy(dst_hbm.at[pl.ds(row0, RPC)], idst)
        gs = [
            pltpu.async_copy(tab_hbm.at[isrc.at[j]],
                             rows.at[pl.ds(j * 128, 128)], gsem)
            for j in range(RPC)
        ]
        for j in range(RPC):
            gs[j].wait()
            pltpu.async_copy(rows.at[pl.ds(j * 128, 128)],
                             acc.at[idst.at[j]], ssem, add=True)
        return carry

    lax.fori_loop(0, NCH, _chunk, 0)
    pltpu.make_async_copy(zer_hbm.at[pl.ds(0, CH)], rows, ssem).wait()
    plsc.subcore_barrier()
    pltpu.sync_copy(acc.at[pl.ds(base, RPT)],
                    out_hbm.at[cid, pl.ds(base, RPT)])


def _mm1_body(x_ref, deg_ref, w_ref, p_ref):
    d = deg_ref[0, 0, 0, :] + deg_ref[1, 0, 0, :] + 1.0
    dinv = lax.rsqrt(d)[:, None]
    h = jnp.dot(x_ref[...], w_ref[...], preferred_element_type=jnp.float32)
    p_ref[...] = h * dinv


_mm1 = pl.pallas_call(
    _mm1_body,
    grid=(NB,),
    in_specs=[
        pl.BlockSpec((RB, INCH), lambda i: (i, 0)),
        pl.BlockSpec((2, 1, 1, RB), lambda i: (0, i, 0, 0)),
        pl.BlockSpec((INCH, HP), lambda i: (0, 0)),
    ],
    out_specs=pl.BlockSpec((RB, HP), lambda i: (i, 0)),
    out_shape=jax.ShapeDtypeStruct((NR, HP), jnp.float32),
)


def _mid_body(s_ref, p_ref, deg_ref, b1_ref, w2_ref, o_ref):
    d = deg_ref[0, 0, 0, :] + deg_ref[1, 0, 0, :] + 1.0
    dinv = lax.rsqrt(d)[:, None]
    h = (s_ref[0] + s_ref[1] + p_ref[...]) * dinv + b1_ref[...]
    a = jnp.where(h >= 0.0, h, 0.01 * h)
    o_ref[...] = jnp.dot(a, w2_ref[...],
                         preferred_element_type=jnp.float32) * dinv


_mid = pl.pallas_call(
    _mid_body,
    grid=(NB,),
    in_specs=[
        pl.BlockSpec((2, RB, HP), lambda i: (0, i, 0)),
        pl.BlockSpec((RB, HP), lambda i: (i, 0)),
        pl.BlockSpec((2, 1, 1, RB), lambda i: (0, i, 0, 0)),
        pl.BlockSpec((1, HP), lambda i: (0, 0)),
        pl.BlockSpec((HP, HP), lambda i: (0, 0)),
    ],
    out_specs=pl.BlockSpec((RB, HP), lambda i: (i, 0)),
    out_shape=jax.ShapeDtypeStruct((NR, HP), jnp.float32),
)


def _pool_body(s_ref, p_ref, deg_ref, b2_ref, batch_ref, o_ref):
    i = pl.program_id(0)

    @pl.when(i == 0)
    def _():
        o_ref[...] = jnp.zeros_like(o_ref)

    d = deg_ref[0, 0, 0, :] + deg_ref[1, 0, 0, :] + 1.0
    dinv = lax.rsqrt(d)[:, None]
    h = (s_ref[0] + s_ref[1] + p_ref[...]) * dinv + b2_ref[...]
    a = jnp.where(h >= 0.0, h, 0.01 * h)
    seg = batch_ref[0]
    ids = lax.broadcasted_iota(jnp.int32, (G, RB), 0)
    onehot = (seg == ids).astype(jnp.float32)
    o_ref[...] += jnp.dot(onehot, a, preferred_element_type=jnp.float32)


_pool = pl.pallas_call(
    _pool_body,
    grid=(NB,),
    in_specs=[
        pl.BlockSpec((2, RB, HP), lambda i: (0, i, 0)),
        pl.BlockSpec((RB, HP), lambda i: (i, 0)),
        pl.BlockSpec((2, 1, 1, RB), lambda i: (0, i, 0, 0)),
        pl.BlockSpec((1, HP), lambda i: (0, 0)),
        pl.BlockSpec((1, 1, RB), lambda i: (i, 0, 0)),
    ],
    out_specs=pl.BlockSpec((G, HP), lambda i: (0, 0)),
    out_shape=jax.ShapeDtypeStruct((G, HP), jnp.float32),
)


def _head_body(pool_ref, ws_ref, w0_ref, b0_ref, o_ref):
    o_ref[...] = (jnp.dot(pool_ref[...], ws_ref[...],
                          preferred_element_type=jnp.float32)
                  + w0_ref[...] + b0_ref[...])


_head = pl.pallas_call(
    _head_body,
    grid=(1,),
    in_specs=[
        pl.BlockSpec((G, HP), lambda i: (0, 0)),
        pl.BlockSpec((HP, OUT), lambda i: (0, 0)),
        pl.BlockSpec((1, OUT), lambda i: (0, 0)),
        pl.BlockSpec((1, OUT), lambda i: (0, 0)),
    ],
    out_specs=pl.BlockSpec((G, OUT), lambda i: (0, 0)),
    out_shape=jax.ShapeDtypeStruct((G, OUT), jnp.float32),
)


def kernel(x, edge_index, batch, features,
           W1, b1, W2, b2, Wa, ba, Wb, bb, Wc, bc, Wo, bo):
    del features, Wa, ba, Wb, bb, Wc, bc
    padv = (jnp.arange(EP - E, dtype=jnp.int32) % (NR - N)) + N
    src2 = jnp.concatenate([edge_index[0], padv]).reshape(EP // 128, 128)
    dst2 = jnp.concatenate([edge_index[1], padv]).reshape(EP // 128, 128)
    W1p = jnp.pad(W1, ((0, 0), (0, HP - HID)))
    W2p = jnp.pad(W2, ((0, HP - HID), (0, HP - HID)))
    b1p = jnp.pad(b1, (0, HP - HID)).reshape(1, HP)
    b2p = jnp.pad(b2, (0, HP - HID)).reshape(1, HP)
    Wsp = jnp.pad(Wo[1:, :], ((0, HP - HID), (0, 0)))
    w0 = Wo[0, :].reshape(1, OUT)
    b0 = bo.reshape(1, OUT)
    batch3 = batch.reshape(NB, 1, RB)
    zer = jnp.zeros((RPT, HP), jnp.float32)

    degp = _deg_kernel(dst2)
    deg4 = degp[:, :N].reshape(2, NB, 1, RB)
    p1 = _mm1(x, deg4, W1p)
    s1 = _prop_kernel(src2, dst2, p1, zer)
    p2 = _mid(s1, p1, deg4, b1p, W2p)
    s2 = _prop_kernel(src2, dst2, p2, zer)
    pooled = _pool(s2, p2, deg4, b2p, batch3)
    return _head(pooled, Wsp, w0, b0)

# --- scband reference (transcript-rebuilt; emitter-appended) ---
"""Pipeline reference for scband-gnnmodel-simple-66030827208836 (READ-ONLY COPY).

The authoritative reference and input builder live on the scoring server;
editing this copy changes nothing except your own understanding.
"""

import jax, jax.numpy as jnp
import numpy as np

N_NODES = 100000
N_EDGES = 3200000
N_GRAPHS = 64
IN_CH = 128
HID = 12
ATT = 4
OUT_CH = 16


def setup_inputs(seed: int = 0) -> dict:
    key = jax.random.key(seed)
    ks = jax.random.split(key, 20)
    x = jax.random.normal(ks[0], (N_NODES, IN_CH), dtype=jnp.float32)
    edge_index = jax.random.randint(ks[1], (2, N_EDGES), 0, N_NODES, dtype=jnp.int32)
    batch = jnp.sort(jax.random.randint(ks[2], (N_NODES,), 0, N_GRAPHS, dtype=jnp.int32))
    features = jnp.zeros((N_GRAPHS, 1), dtype=jnp.float32)
    # learned parameters
    W1 = jax.random.normal(ks[3], (IN_CH, HID), dtype=jnp.float32) * 0.08
    b1 = jnp.zeros((HID,), dtype=jnp.float32)
    W2 = jax.random.normal(ks[4], (HID, HID), dtype=jnp.float32) * 0.28
    b2 = jnp.zeros((HID,), dtype=jnp.float32)
    Wa = jax.random.normal(ks[5], (HID, ATT), dtype=jnp.float32) * 0.25
    ba = jnp.zeros((ATT,), dtype=jnp.float32)
    Wb = jax.random.normal(ks[6], (HID, ATT), dtype=jnp.float32) * 0.25
    bb = jnp.zeros((ATT,), dtype=jnp.float32)
    Wc = jax.random.normal(ks[7], (ATT, 1), dtype=jnp.float32) * 0.5
    bc = jnp.zeros((1,), dtype=jnp.float32)
    Wo = jax.random.normal(ks[8], (HID + 1, OUT_CH), dtype=jnp.float32) * 0.27
    bo = jnp.zeros((OUT_CH,), dtype=jnp.float32)
    return {"x": x, "edge_index": edge_index, "batch": batch, "features": features,
            "W1": W1, "b1": b1, "W2": W2, "b2": b2,
            "Wa": Wa, "ba": ba, "Wb": Wb, "bb": bb,
            "Wc": Wc, "bc": bc, "Wo": Wo, "bo": bo}


def _gcn_conv(x, edge_index, W, b):
    # PyG GCNConv: out = D^{-1/2}(A+I)D^{-1/2} (X W) + b
    n = x.shape[0]
    h = x @ W
    loop = jnp.arange(n, dtype=edge_index.dtype)
    src = jnp.concatenate([edge_index[0], loop])
    dst = jnp.concatenate([edge_index[1], loop])
    deg = jnp.zeros((n,), dtype=h.dtype).at[dst].add(1.0)
    dinv = jnp.where(deg > 0, deg ** -0.5, 0.0)
    norm = dinv[src] * dinv[dst]
    msg = h[src] * norm[:, None]
    out = jnp.zeros((n, h.shape[1]), dtype=h.dtype).at[dst].add(msg)
    return out + b


def reference(x, edge_index, batch, features, W1, b1, W2, b2, Wa, ba, Wb, bb, Wc, bc, Wo, bo):
    # conv1 Sequential: GCNConv -> LeakyReLU -> GCNConv -> LeakyReLU
    h = _gcn_conv(x, edge_index, W1, b1)
    h = jax.nn.leaky_relu(h, 0.01)
    h = _gcn_conv(h, edge_index, W2, b2)
    h = jax.nn.leaky_relu(h, 0.01)
    # global_add_pool
    xGCN = jax.ops.segment_sum(h, batch, num_segments=N_GRAPHS)
    # attention branches (dropout is identity in eval)
    attention_amut = jnp.tanh(xGCN @ Wa + ba)
    attention_bmut = jax.nn.sigmoid(xGCN @ Wb + bb)
    A = attention_amut * attention_bmut
    c = A @ Wc + bc  # [G, 1]
    attn = jax.nn.softmax(c, axis=1)
    xGCNAttention = jnp.hstack((attn, xGCN))
    output = xGCNAttention @ Wo + bo
    return output

if __name__ == "__main__":
    import jax
    _d = setup_inputs()
    print(jax.jit(kernel)(*tuple(_d.values())))

</pallas_src>

<mosaic_0001>
#map = affine_map<(d0, d1) -> (0, 0)>
module attributes {stable_mosaic.version = 14 : i64} {
  func.func @_deg_kernel(%arg0: i32, %arg1: i32, %arg2: memref<25088x128xi32, #tpu.memory_space<hbm>>, %arg3: memref<2x102400xf32, #tpu.memory_space<hbm>>, %arg4: memref<128xf32, #tpu.memory_space<vmem>>, %arg5: memref<1024xf32, #tpu.memory_space<vmem>>, %arg6: memref<8x128xi32, #tpu.memory_space<vmem>>, %arg7: memref<102400xf32, #tpu.memory_space<vmem_shared>>, %arg8: memref<!tpu.dma_semaphore, #tpu.memory_space<semaphore_mem>>) attributes {dimension_semantics = [#tpu.dimension_semantics<core_parallel>, #tpu.dimension_semantics<subcore_parallel>], iteration_bounds = array<i64: 2, 16>, scalar_prefetch = 0 : i64, scratch_operands = 5 : i64, tpu.core_type = #tpu.core_type<sc_vector_subcore>, window_params = [{transform_indices = #map}, {transform_indices = #map}]} {
    %mul3A = arith.constant 16 : i32
    %mul3A_0 = arith.muli %arg0, %mul3A : i32
    %add3A = arith.addi %mul3A_0, %arg1 : i32
    %broadcast_in_dim3A = arith.constant 1.000000e+00 : f32
    %broadcast_in_dim3A_1 = vector.broadcast %broadcast_in_dim3A : f32 to vector<16xf32>
    %swap3A = arith.constant 0 : index
    %swap3A_2 = tpu.vector_load %arg4[%swap3A] {strides = array<i32>} : memref<128xf32, #tpu.memory_space<vmem>>, vector<16xf32>,
    %swap3A_3 = vector.shape_cast %swap3A_2 : vector<16xf32> to vector<16xf32>
    %swap3A_4 = vector.shape_cast %broadcast_in_dim3A_1 : vector<16xf32> to vector<16xf32>
    tpu.vector_store %arg4[%swap3A], %swap3A_4 {strides = array<i32>} : memref<128xf32, #tpu.memory_space<vmem>>, vector<16xf32>,
    %broadcast_in_dim3A_5 = arith.constant 1.000000e+00 : f32
    %broadcast_in_dim3A_6 = vector.broadcast %broadcast_in_dim3A_5 : f32 to vector<16xf32>
    %swap3A_7 = arith.constant 16 : index
    %swap3A_8 = tpu.vector_load %arg4[%swap3A_7] {strides = array<i32>} : memref<128xf32, #tpu.memory_space<vmem>>, vector<16xf32>,
    %swap3A_9 = vector.shape_cast %swap3A_8 : vector<16xf32> to vector<16xf32>
    %swap3A_10 = vector.shape_cast %broadcast_in_dim3A_6 : vector<16xf32> to vector<16xf32>
    tpu.vector_store %arg4[%swap3A_7], %swap3A_10 {strides = array<i32>} : memref<128xf32, #tpu.memory_space<vmem>>, vector<16xf32>,
    %broadcast_in_dim3A_11 = arith.constant 1.000000e+00 : f32
    %broadcast_in_dim3A_12 = vector.broadcast %broadcast_in_dim3A_11 : f32 to vector<16xf32>
    %swap3A_13 = arith.constant 32 : index
    %swap3A_14 = tpu.vector_load %arg4[%swap3A_13] {strides = array<i32>} : memref<128xf32, #tpu.memory_space<vmem>>, vector<16xf32>,
    %swap3A_15 = vector.shape_cast %swap3A_14 : vector<16xf32> to vector<16xf32>
    %swap3A_16 = vector.shape_cast %broadcast_in_dim3A_12 : vector<16xf32> to vector<16xf32>
    tpu.vector_store %arg4[%swap3A_13], %swap3A_16 {strides = array<i32>} : memref<128xf32, #tpu.memory_space<vmem>>, vector<16xf32>,
    %broadcast_in_dim3A_17 = arith.constant 1.000000e+00 : f32
    %broadcast_in_dim3A_18 = vector.broadcast %broadcast_in_dim3A_17 : f32 to vector<16xf32>
    %swap3A_19 = arith.constant 48 : index
    %swap3A_20 = tpu.vector_load %arg4[%swap3A_19] {strides = array<i32>} : memref<128xf32, #tpu.memory_space<vmem>>, vector<16xf32>,
    %swap3A_21 = vector.shape_cast %swap3A_20 : vector<16xf32> to vector<16xf32>
    %swap3A_22 = vector.shape_cast %broadcast_in_dim3A_18 : vector<16xf32> to vector<16xf32>
    tpu.vector_store %arg4[%swap3A_19], %swap3A_22 {strides = array<i32>} : memref<128xf32, #tpu.memory_space<vmem>>, vector<16xf32>,
    %broadcast_in_dim3A_23 = arith.constant 1.000000e+00 : f32
    %broadcast_in_dim3A_24 = vector.broadcast %broadcast_in_dim3A_23 : f32 to vector<16xf32>
    %swap3A_25 = arith.constant 64 : index
    %swap3A_26 = tpu.vector_load %arg4[%swap3A_25] {strides = array<i32>} : memref<128xf32, #tpu.memory_space<vmem>>, vector<16xf32>,
    %swap3A_27 = vector.shape_cast %swap3A_26 : vector<16xf32> to vector<16xf32>
    %swap3A_28 = vector.shape_cast %broadcast_in_dim3A_24 : vector<16xf32> to vector<16xf32>
    tpu.vector_store %arg4[%swap3A_25], %swap3A_28 {strides = array<i32>} : memref<128xf32, #tpu.memory_space<vmem>>, vector<16xf32>,
    %broadcast_in_dim3A_29 = arith.constant 1.000000e+00 : f32
    %broadcast_in_dim3A_30 = vector.broadcast %broadcast_in_dim3A_29 : f32 to vector<16xf32>
    %swap3A_31 = arith.constant 80 : index
    %swap3A_32 = tpu.vector_load %arg4[%swap3A_31] {strides = array<i32>} : memref<128xf32, #tpu.memory_space<vmem>>, vector<16xf32>,
    %swap3A_33 = vector.shape_cast %swap3A_32 : vector<16xf32> to vector<16xf32>
    %swap3A_34 = vector.shape_cast %broadcast_in_dim3A_30 : vector<16xf32> to vector<16xf32>
    tpu.vector_store %arg4[%swap3A_31], %swap3A_34 {strides = array<i32>} : memref<128xf32, #tpu.memory_space<vmem>>, vector<16xf32>,
    %broadcast_in_dim3A_35 = arith.constant 1.000000e+00 : f32
    %broadcast_in_dim3A_36 = vector.broadcast %broadcast_in_dim3A_35 : f32 to vector<16xf32>
    %swap3A_37 = arith.constant 96 : index
    %swap3A_38 = tpu.vector_load %arg4[%swap3A_37] {strides = array<i32>} : memref<128xf32, #tpu.memory_space<vmem>>, vector<16xf32>,
    %swap3A_39 = vector.shape_cast %swap3A_38 : vector<16xf32> to vector<16xf32>
    %swap3A_40 = vector.shape_cast %broadcast_in_dim3A_36 : vector<16xf32> to vector<16xf32>
    tpu.vector_store %arg4[%swap3A_37], %swap3A_40 {strides = array<i32>} : memref<128xf32, #tpu.memory_space<vmem>>, vector<16xf32>,
    %broadcast_in_dim3A_41 = arith.constant 1.000000e+00 : f32
    %broadcast_in_dim3A_42 = vector.broadcast %broadcast_in_dim3A_41 : f32 to vector<16xf32>
    %swap3A_43 = arith.constant 112 : index
    %swap3A_44 = tpu.vector_load %arg4[%swap3A_43] {strides = array<i32>} : memref<128xf32, #tpu.memory_space<vmem>>, vector<16xf32>,
    %swap3A_45 = vector.shape_cast %swap3A_44 : vector<16xf32> to vector<16xf32>
    %swap3A_46 = vector.shape_cast %broadcast_in_dim3A_42 : vector<16xf32> to vector<16xf32>
    tpu.vector_store %arg4[%swap3A_43], %swap3A_46 {strides = array<i32>} : memref<128xf32, #tpu.memory_space<vmem>>, vector<16xf32>,
    %scan3A = arith.constant 0 : i32
    %scan3A_47 = arith.constant 0 : i32
    %scan3A_48 = arith.constant 64 : i32
    %scan3A_49 = arith.addi %scan3A_47, %scan3A_48 : i32
    %scan3A_50 = arith.constant 1 : i32
    scf.for %scan3A_75 = %scan3A_47 to %scan3A_49 step %scan3A_50  : i32 {
      %broadcast_in_dim3A_76 = arith.constant 0.000000e+00 : f32
      %broadcast_in_dim3A_77 = vector.broadcast %broadcast_in_dim3A_76 : f32 to vector<16xf32>
      %mul3A_78 = arith.constant 16 : i32
      %mul3A_79 = arith.muli %scan3A_75, %mul3A_78 : i32
      %swap3A_80 = arith.index_cast %mul3A_79 : i32 to index
      %swap3A_81 = tpu.vector_load %arg5[%swap3A_80] {strides = array<i32>} : memref<1024xf32, #tpu.memory_space<vmem>>, vector<16xf32>,
      %swap3A_82 = vector.shape_cast %swap3A_81 : vector<16xf32> to vector<16xf32>
      %swap3A_83 = vector.shape_cast %broadcast_in_dim3A_77 : vector<16xf32> to vector<16xf32>
      tpu.vector_store %arg5[%swap3A_80], %swap3A_83 {strides = array<i32>} : memref<1024xf32, #tpu.memory_space<vmem>>, vector<16xf32>,
    }
    %scan3A_51 = arith.constant 64 : i32
    %mul3A_52 = arith.constant 6400 : i32
    %mul3A_53 = arith.muli %arg1, %mul3A_52 : i32
    %add3A_54 = arith.constant 0 : i32
    %add3A_55 = arith.addi %mul3A_53, %add3A_54 : i32
    "tpu.region"() ({
      %run_scoped3A = tpu.sem_alloc : memref<!tpu.dma_semaphore, #tpu.memory_space<semaphore_mem>>
      %dma_start3A = tpu.memref_slice %arg7[%add3A_55] : memref<102400xf32, #tpu.memory_space<vmem_shared>> -> memref<1024xf32, #tpu.memory_space<vmem_shared>>
      %dma_start3A_75 = tpu.memref_slice %arg7[%add3A_55] : memref<102400xf32, #tpu.memory_space<vmem_shared>> -> memref<1024xf32, #tpu.memory_space<vmem_shared>>
      tpu.enqueue_dma source(%arg5 : memref<1024xf32, #tpu.memory_space<vmem>>) target(%dma_start3A_75 : memref<1024xf32, #tpu.memory_space<vmem_shared>>) target_semaphore(%run_scoped3A : memref<!tpu.dma_semaphore, #tpu.memory_space<semaphore_mem>>)
      %dma_wait3A = tpu.memref_slice %arg7[%add3A_55] : memref<102400xf32, #tpu.memory_space<vmem_shared>> -> memref<1024xf32, #tpu.memory_space<vmem_shared>>
      %dma_wait3A_76 = tpu.memref_slice %arg7[%add3A_55] : memref<102400xf32, #tpu.memory_space<vmem_shared>> -> memref<1024xf32, #tpu.memory_space<vmem_shared>>
      tpu.wait_dma2 semaphore(%run_scoped3A : memref<!tpu.dma_semaphore, #tpu.memory_space<semaphore_mem>>) src(%arg5 : memref<1024xf32, #tpu.memory_space<vmem>>) dst(%dma_wait3A_76 : memref<1024xf32, #tpu.memory_space<vmem_shared>>)
      tpu.yield
    }) : () -> ()
    %add3A_56 = arith.constant 1024 : i32
    %add3A_57 = arith.addi %mul3A_53, %add3A_56 : i32
    "tpu.region"() ({
      %run_scoped3A = tpu.sem_alloc : memref<!tpu.dma_semaphore, #tpu.memory_space<semaphore_mem>>
      %dma_start3A = tpu.memref_slice %arg7[%add3A_57] : memref<102400xf32, #tpu.memory_space<vmem_shared>> -> memref<1024xf32, #tpu.memory_space<vmem_shared>>
      %dma_start3A_75 = tpu.memref_slice %arg7[%add3A_57] : memref<102400xf32, #tpu.memory_space<vmem_shared>> -> memref<1024xf32, #tpu.memory_space<vmem_shared>>
      tpu.enqueue_dma source(%arg5 : memref<1024xf32, #tpu.memory_space<vmem>>) target(%dma_start3A_75 : memref<1024xf32, #tpu.memory_space<vmem_shared>>) target_semaphore(%run_scoped3A : memref<!tpu.dma_semaphore, #tpu.memory_space<semaphore_mem>>)
      %dma_wait3A = tpu.memref_slice %arg7[%add3A_57] : memref<102400xf32, #tpu.memory_space<vmem_shared>> -> memref<1024xf32, #tpu.memory_space<vmem_shared>>
      %dma_wait3A_76 = tpu.memref_slice %arg7[%add3A_57] : memref<102400xf32, #tpu.memory_space<vmem_shared>> -> memref<1024xf32, #tpu.memory_space<vmem_shared>>
      tpu.wait_dma2 semaphore(%run_scoped3A : memref<!tpu.dma_semaphore, #tpu.memory_space<semaphore_mem>>) src(%arg5 : memref<1024xf32, #tpu.memory_space<vmem>>) dst(%dma_wait3A_76 : memref<1024xf32, #tpu.memory_space<vmem_shared>>)
      tpu.yield
    }) : () -> ()
    %add3A_58 = arith.constant 2048 : i32
    %add3A_59 = arith.addi %mul3A_53, %add3A_58 : i32
    "tpu.region"() ({
      %run_scoped3A = tpu.sem_alloc : memref<!tpu.dma_semaphore, #tpu.memory_space<semaphore_mem>>
      %dma_start3A = tpu.memref_slice %arg7[%add3A_59] : memref<102400xf32, #tpu.memory_space<vmem_shared>> -> memref<1024xf32, #tpu.memory_space<vmem_shared>>
      %dma_start3A_75 = tpu.memref_slice %arg7[%add3A_59] : memref<102400xf32, #tpu.memory_space<vmem_shared>> -> memref<1024xf32, #tpu.memory_space<vmem_shared>>
      tpu.enqueue_dma source(%arg5 : memref<1024xf32, #tpu.memory_space<vmem>>) target(%dma_start3A_75 : memref<1024xf32, #tpu.memory_space<vmem_shared>>) target_semaphore(%run_scoped3A : memref<!tpu.dma_semaphore, #tpu.memory_space<semaphore_mem>>)
      %dma_wait3A = tpu.memref_slice %arg7[%add3A_59] : memref<102400xf32, #tpu.memory_space<vmem_shared>> -> memref<1024xf32, #tpu.memory_space<vmem_shared>>
      %dma_wait3A_76 = tpu.memref_slice %arg7[%add3A_59] : memref<102400xf32, #tpu.memory_space<vmem_shared>> -> memref<1024xf32, #tpu.memory_space<vmem_shared>>
      tpu.wait_dma2 semaphore(%run_scoped3A : memref<!tpu.dma_semaphore, #tpu.memory_space<semaphore_mem>>) src(%arg5 : memref<1024xf32, #tpu.memory_space<vmem>>) dst(%dma_wait3A_76 : memref<1024xf32, #tpu.memory_space<vmem_shared>>)
      tpu.yield
    }) : () -> ()
    %add3A_60 = arith.constant 3072 : i32
    %add3A_61 = arith.addi %mul3A_53, %add3A_60 : i32
    "tpu.region"() ({
      %run_scoped3A = tpu.sem_alloc : memref<!tpu.dma_semaphore, #tpu.memory_space<semaphore_mem>>
      %dma_start3A = tpu.memref_slice %arg7[%add3A_61] : memref<102400xf32, #tpu.memory_space<vmem_shared>> -> memref<1024xf32, #tpu.memory_space<vmem_shared>>
      %dma_start3A_75 = tpu.memref_slice %arg7[%add3A_61] : memref<102400xf32, #tpu.memory_space<vmem_shared>> -> memref<1024xf32, #tpu.memory_space<vmem_shared>>
      tpu.enqueue_dma source(%arg5 : memref<1024xf32, #tpu.memory_space<vmem>>) target(%dma_start3A_75 : memref<1024xf32, #tpu.memory_space<vmem_shared>>) target_semaphore(%run_scoped3A : memref<!tpu.dma_semaphore, #tpu.memory_space<semaphore_mem>>)
      %dma_wait3A = tpu.memref_slice %arg7[%add3A_61] : memref<102400xf32, #tpu.memory_space<vmem_shared>> -> memref<1024xf32, #tpu.memory_space<vmem_shared>>
      %dma_wait3A_76 = tpu.memref_slice %arg7[%add3A_61] : memref<102400xf32, #tpu.memory_space<vmem_shared>> -> memref<1024xf32, #tpu.memory_space<vmem_shared>>
      tpu.wait_dma2 semaphore(%run_scoped3A : memref<!tpu.dma_semaphore, #tpu.memory_space<semaphore_mem>>) src(%arg5 : memref<1024xf32, #tpu.memory_space<vmem>>) dst(%dma_wait3A_76 : memref<1024xf32, #tpu.memory_space<vmem_shared>>)
      tpu.yield
    }) : () -> ()
    %add3A_62 = arith.constant 4096 : i32
    %add3A_63 = arith.addi %mul3A_53, %add3A_62 : i32
    "tpu.region"() ({
      %run_scoped3A = tpu.sem_alloc : memref<!tpu.dma_semaphore, #tpu.memory_space<semaphore_mem>>
      %dma_start3A = tpu.memref_slice %arg7[%add3A_63] : memref<102400xf32, #tpu.memory_space<vmem_shared>> -> memref<1024xf32, #tpu.memory_space<vmem_shared>>
      %dma_start3A_75 = tpu.memref_slice %arg7[%add3A_63] : memref<102400xf32, #tpu.memory_space<vmem_shared>> -> memref<1024xf32, #tpu.memory_space<vmem_shared>>
      tpu.enqueue_dma source(%arg5 : memref<1024xf32, #tpu.memory_space<vmem>>) target(%dma_start3A_75 : memref<1024xf32, #tpu.memory_space<vmem_shared>>) target_semaphore(%run_scoped3A : memref<!tpu.dma_semaphore, #tpu.memory_space<semaphore_mem>>)
      %dma_wait3A = tpu.memref_slice %arg7[%add3A_63] : memref<102400xf32, #tpu.memory_space<vmem_shared>> -> memref<1024xf32, #tpu.memory_space<vmem_shared>>
      %dma_wait3A_76 = tpu.memref_slice %arg7[%add3A_63] : memref<102400xf32, #tpu.memory_space<vmem_shared>> -> memref<1024xf32, #tpu.memory_space<vmem_shared>>
      tpu.wait_dma2 semaphore(%run_scoped3A : memref<!tpu.dma_semaphore, #tpu.memory_space<semaphore_mem>>) src(%arg5 : memref<1024xf32, #tpu.memory_space<vmem>>) dst(%dma_wait3A_76 : memref<1024xf32, #tpu.memory_space<vmem_shared>>)
      tpu.yield
    }) : () -> ()
    %add3A_64 = arith.constant 5120 : i32
    %add3A_65 = arith.addi %mul3A_53, %add3A_64 : i32
    "tpu.region"() ({
      %run_scoped3A = tpu.sem_alloc : memref<!tpu.dma_semaphore, #tpu.memory_space<semaphore_mem>>
      %dma_start3A = tpu.memref_slice %arg7[%add3A_65] : memref<102400xf32, #tpu.memory_space<vmem_shared>> -> memref<1024xf32, #tpu.memory_space<vmem_shared>>
      %dma_start3A_75 = tpu.memref_slice %arg7[%add3A_65] : memref<102400xf32, #tpu.memory_space<vmem_shared>> -> memref<1024xf32, #tpu.memory_space<vmem_shared>>
      tpu.enqueue_dma source(%arg5 : memref<1024xf32, #tpu.memory_space<vmem>>) target(%dma_start3A_75 : memref<1024xf32, #tpu.memory_space<vmem_shared>>) target_semaphore(%run_scoped3A : memref<!tpu.dma_semaphore, #tpu.memory_space<semaphore_mem>>)
      %dma_wait3A = tpu.memref_slice %arg7[%add3A_65] : memref<102400xf32, #tpu.memory_space<vmem_shared>> -> memref<1024xf32, #tpu.memory_space<vmem_shared>>
      %dma_wait3A_76 = tpu.memref_slice %arg7[%add3A_65] : memref<102400xf32, #tpu.memory_space<vmem_shared>> -> memref<1024xf32, #tpu.memory_space<vmem_shared>>
      tpu.wait_dma2 semaphore(%run_scoped3A : memref<!tpu.dma_semaphore, #tpu.memory_space<semaphore_mem>>) src(%arg5 : memref<1024xf32, #tpu.memory_space<vmem>>) dst(%dma_wait3A_76 : memref<1024xf32, #tpu.memory_space<vmem_shared>>)
      tpu.yield
    }) : () -> ()
    %add3A_66 = arith.constant 6144 : i32
    %add3A_67 = arith.addi %mul3A_53, %add3A_66 : i32
    "tpu.region"() ({
      %run_scoped3A = tpu.sem_alloc : memref<!tpu.dma_semaphore, #tpu.memory_space<semaphore_mem>>
      %dma_start3A = arith.constant 0 : i32
      %dma_start3A_75 = tpu.memref_slice %arg5[%dma_start3A] : memref<1024xf32, #tpu.memory_space<vmem>> -> memref<256xf32, #tpu.memory_space<vmem>>
      %dma_start3A_76 = tpu.memref_slice %arg7[%add3A_67] : memref<102400xf32, #tpu.memory_space<vmem_shared>> -> memref<256xf32, #tpu.memory_space<vmem_shared>>
      %dma_start3A_77 = tpu.memref_slice %arg7[%add3A_67] : memref<102400xf32, #tpu.memory_space<vmem_shared>> -> memref<256xf32, #tpu.memory_space<vmem_shared>>
      %dma_start3A_78 = arith.constant 0 : i32
      %dma_start3A_79 = tpu.memref_slice %arg5[%dma_start3A_78] : memref<1024xf32, #tpu.memory_space<vmem>> -> memref<256xf32, #tpu.memory_space<vmem>>
      tpu.enqueue_dma source(%dma_start3A_79 : memref<256xf32, #tpu.memory_space<vmem>>) target(%dma_start3A_77 : memref<256xf32, #tpu.memory_space<vmem_shared>>) target_semaphore(%run_scoped3A : memref<!tpu.dma_semaphore, #tpu.memory_space<semaphore_mem>>)
      %dma_wait3A = arith.constant 0 : i32
      %dma_wait3A_80 = tpu.memref_slice %arg5[%dma_wait3A] : memref<1024xf32, #tpu.memory_space<vmem>> -> memref<256xf32, #tpu.memory_space<vmem>>
      %dma_wait3A_81 = tpu.memref_slice %arg7[%add3A_67] : memref<102400xf32, #tpu.memory_space<vmem_shared>> -> memref<256xf32, #tpu.memory_space<vmem_shared>>
      %dma_wait3A_82 = tpu.memref_slice %arg7[%add3A_67] : memref<102400xf32, #tpu.memory_space<vmem_shared>> -> memref<256xf32, #tpu.memory_space<vmem_shared>>
      %dma_wait3A_83 = arith.constant 0 : i32
      %dma_wait3A_84 = tpu.memref_slice %arg5[%dma_wait3A_83] : memref<1024xf32, #tpu.memory_space<vmem>> -> memref<256xf32, #tpu.memory_space<vmem>>
      tpu.wait_dma2 semaphore(%run_scoped3A : memref<!tpu.dma_semaphore, #tpu.memory_space<semaphore_mem>>) src(%dma_wait3A_84 : memref<256xf32, #tpu.memory_space<vmem>>) dst(%dma_wait3A_82 : memref<256xf32, #tpu.memory_space<vmem_shared>>)
      tpu.yield
    }) : () -> ()
    %barrier3A = arith.constant 0 : index
    tpu.barrier barrier_id(%barrier3A)
    %scan3A_68 = arith.constant 0 : i32
    %scan3A_69 = arith.constant 0 : i32
    %scan3A_70 = arith.constant 98 : i32
    %scan3A_71 = arith.addi %scan3A_69, %scan3A_70 : i32
    %scan3A_72 = arith.constant 1 : i32
    scf.for %scan3A_75 = %scan3A_69 to %scan3A_71 step %scan3A_72  : i32 {
      %mul3A_76 = arith.constant 98 : i32
      %mul3A_77 = arith.muli %add3A, %mul3A_76 : i32
      %add3A_78 = arith.addi %mul3A_77, %scan3A_75 : i32
      %mul3A_79 = arith.constant 8 : i32
      %mul3A_80 = arith.muli %add3A_78, %mul3A_79 : i32
      "tpu.region"() ({
        %run_scoped3A = tpu.sem_alloc : memref<!tpu.dma_semaphore, #tpu.memory_space<semaphore_mem>>
        %dma_start3A_175 = arith.constant 0 : i32
        %dma_start3A_176 = tpu.memref_slice %arg2[%mul3A_80, %dma_start3A_175] : memref<25088x128xi32, #tpu.memory_space<hbm>> -> memref<8x128xi32, #tpu.memory_space<hbm>>
        %dma_start3A_177 = arith.constant 0 : i32
        %dma_start3A_178 = tpu.memref_slice %arg2[%mul3A_80, %dma_start3A_177] : memref<25088x128xi32, #tpu.memory_space<hbm>> -> memref<8x128xi32, #tpu.memory_space<hbm>>
        tpu.enqueue_dma source(%dma_start3A_178 : memref<8x128xi32, #tpu.memory_space<hbm>>) target(%arg6 : memref<8x128xi32, #tpu.memory_space<vmem>>) target_semaphore(%run_scoped3A : memref<!tpu.dma_semaphore, #tpu.memory_space<semaphore_mem>>)
        %dma_wait3A_179 = arith.constant 0 : i32
        %dma_wait3A_180 = tpu.memref_slice %arg2[%mul3A_80, %dma_wait3A_179] : memref<25088x128xi32, #tpu.memory_space<hbm>> -> memref<8x128xi32, #tpu.memory_space<hbm>>
        %dma_wait3A_181 = arith.constant 0 : i32
        %dma_wait3A_182 = tpu.memref_slice %arg2[%mul3A_80, %dma_wait3A_181] : memref<25088x128xi32, #tpu.memory_space<hbm>> -> memref<8x128xi32, #tpu.memory_space<hbm>>
        tpu.wait_dma2 semaphore(%run_scoped3A : memref<!tpu.dma_semaphore, #tpu.memory_space<semaphore_mem>>) src(%dma_wait3A_182 : memref<8x128xi32, #tpu.memory_space<hbm>>) dst(%arg6 : memref<8x128xi32, #tpu.memory_space<vmem>>)
        tpu.yield
      }) : () -> ()
      %dma_start3A = arith.constant 0 : i32
      %dma_start3A_81 = arith.constant 0 : i32
      %dma_start3A_82 = tpu.memref_slice %arg6[%dma_start3A, %dma_start3A_81] : memref<8x128xi32, #tpu.memory_space<vmem>> -> memref<1x128xi32, #tpu.memory_space<vmem>>
      %dma_start3A_83 = tpu.memref_squeeze %dma_start3A_82 : memref<1x128xi32, #tpu.memory_space<vmem>> -> memref<128xi32, #tpu.memory_space<vmem>>
      %dma_start3A_84 = arith.constant 0 : i32
      %dma_start3A_85 = tpu.memref_slice %arg7[%dma_start3A_84] : memref<102400xf32, #tpu.memory_space<vmem_shared>> -> memref<102400xf32, #tpu.memory_space<vmem_shared>>
      tpu.enqueue_indirect_dma source(%arg4 : memref<128xf32, #tpu.memory_space<vmem>>) target(%dma_start3A_85 : memref<102400xf32, #tpu.memory_space<vmem_shared>>) offsets(%dma_start3A_83 : memref<128xi32, #tpu.memory_space<vmem>>) semaphore(%arg8 : memref<!tpu.dma_semaphore, #tpu.memory_space<semaphore_mem>>) {add = true}
      %dma_start3A_86 = arith.constant 1 : i32
      %dma_start3A_87 = arith.constant 0 : i32
      %dma_start3A_88 = tpu.memref_slice %arg6[%dma_start3A_86, %dma_start3A_87] : memref<8x128xi32, #tpu.memory_space<vmem>> -> memref<1x128xi32, #tpu.memory_space<vmem>>
      %dma_start3A_89 = tpu.memref_squeeze %dma_start3A_88 : memref<1x128xi32, #tpu.memory_space<vmem>> -> memref<128xi32, #tpu.memory_space<vmem>>
      %dma_start3A_90 = arith.constant 0 : i32
      %dma_start3A_91 = tpu.memref_slice %arg7[%dma_start3A_90] : memref<102400xf32, #tpu.memory_space<vmem_shared>> -> memref<102400xf32, #tpu.memory_space<vmem_shared>>
      tpu.enqueue_indirect_dma source(%arg4 : memref<128xf32, #tpu.memory_space<vmem>>) target(%dma_start3A_91 : memref<102400xf32, #tpu.memory_space<vmem_shared>>) offsets(%dma_start3A_89 : memref<128xi32, #tpu.memory_space<vmem>>) semaphore(%arg8 : memref<!tpu.dma_semaphore, #tpu.memory_space<semaphore_mem>>) {add = true}
      %dma_start3A_92 = arith.constant 2 : i32
      %dma_start3A_93 = arith.constant 0 : i32
      %dma_start3A_94 = tpu.memref_slice %arg6[%dma_start3A_92, %dma_start3A_93] : memref<8x128xi32, #tpu.memory_space<vmem>> -> memref<1x128xi32, #tpu.memory_space<vmem>>
      %dma_start3A_95 = tpu.memref_squeeze %dma_start3A_94 : memref<1x128xi32, #tpu.memory_space<vmem>> -> memref<128xi32, #tpu.memory_space<vmem>>
      %dma_start3A_96 = arith.constant 0 : i32
      %dma_start3A_97 = tpu.memref_slice %arg7[%dma_start3A_96] : memref<102400xf32, #tpu.memory_space<vmem_shared>> -> memref<102400xf32, #tpu.memory_space<vmem_shared>>
      tpu.enqueue_indirect_dma source(%arg4 : memref<128xf32, #tpu.memory_space<vmem>>) target(%dma_start3A_97 : memref<102400xf32, #tpu.memory_space<vmem_shared>>) offsets(%dma_start3A_95 : memref<128xi32, #tpu.memory_space<vmem>>) semaphore(%arg8 : memref<!tpu.dma_semaphore, #tpu.memory_space<semaphore_mem>>) {add = true}
      %dma_start3A_98 = arith.constant 3 : i32
      %dma_start3A_99 = arith.constant 0 : i32
      %dma_start3A_100 = tpu.memref_slice %arg6[%dma_start3A_98, %dma_start3A_99] : memref<8x128xi32, #tpu.memory_space<vmem>> -> memref<1x128xi32, #tpu.memory_space<vmem>>
      %dma_start3A_101 = tpu.memref_squeeze %dma_start3A_100 : memref<1x128xi32, #tpu.memory_space<vmem>> -> memref<128xi32, #tpu.memory_space<vmem>>
      %dma_start3A_102 = arith.constant 0 : i32
      %dma_start3A_103 = tpu.memref_slice %arg7[%dma_start3A_102] : memref<102400xf32, #tpu.memory_space<vmem_shared>> -> memref<102400xf32, #tpu.memory_space<vmem_shared>>
      tpu.enqueue_indirect_dma source(%arg4 : memref<128xf32, #tpu.memory_space<vmem>>) target(%dma_start3A_103 : memref<102400xf32, #tpu.memory_space<vmem_shared>>) offsets(%dma_start3A_101 : memref<128xi32, #tpu.memory_space<vmem>>) semaphore(%arg8 : memref<!tpu.dma_semaphore, #tpu.memory_space<semaphore_mem>>) {add = true}
      %dma_start3A_104 = arith.constant 4 : i32
      %dma_start3A_105 = arith.constant 0 : i32
      %dma_start3A_106 = tpu.memref_slice %arg6[%dma_start3A_104, %dma_start3A_105] : memref<8x128xi32, #tpu.memory_space<vmem>> -> memref<1x128xi32, #tpu.memory_space<vmem>>
      %dma_start3A_107 = tpu.memref_squeeze %dma_start3A_106 : memref<1x128xi32, #tpu.memory_space<vmem>> -> memref<128xi32, #tpu.memory_space<vmem>>
      %dma_start3A_108 = arith.constant 0 : i32
      %dma_start3A_109 = tpu.memref_slice %arg7[%dma_start3A_108] : memref<102400xf32, #tpu.memory_space<vmem_shared>> -> memref<102400xf32, #tpu.memory_space<vmem_shared>>
      tpu.enqueue_indirect_dma source(%arg4 : memref<128xf32, #tpu.memory_space<vmem>>) target(%dma_start3A_109 : memref<102400xf32, #tpu.memory_space<vmem_shared>>) offsets(%dma_start3A_107 : memref<128xi32, #tpu.memory_space<vmem>>) semaphore(%arg8 : memref<!tpu.dma_semaphore, #tpu.memory_space<semaphore_mem>>) {add = true}
      %dma_start3A_110 = arith.constant 5 : i32
      %dma_start3A_111 = arith.constant 0 : i32
      %dma_start3A_112 = tpu.memref_slice %arg6[%dma_start3A_110, %dma_start3A_111] : memref<8x128xi32, #tpu.memory_space<vmem>> -> memref<1x128xi32, #tpu.memory_space<vmem>>
      %dma_start3A_113 = tpu.memref_squeeze %dma_start3A_112 : memref<1x128xi32, #tpu.memory_space<vmem>> -> memref<128xi32, #tpu.memory_space<vmem>>
      %dma_start3A_114 = arith.constant 0 : i32
      %dma_start3A_115 = tpu.memref_slice %arg7[%dma_start3A_114] : memref<102400xf32, #tpu.memory_space<vmem_shared>> -> memref<102400xf32, #tpu.memory_space<vmem_shared>>
      tpu.enqueue_indirect_dma source(%arg4 : memref<128xf32, #tpu.memory_space<vmem>>) target(%dma_start3A_115 : memref<102400xf32, #tpu.memory_space<vmem_shared>>) offsets(%dma_start3A_113 : memref<128xi32, #tpu.memory_space<vmem>>) semaphore(%arg8 : memref<!tpu.dma_semaphore, #tpu.memory_space<semaphore_mem>>) {add = true}
      %dma_start3A_116 = arith.constant 6 : i32
      %dma_start3A_117 = arith.constant 0 : i32
      %dma_start3A_118 = tpu.memref_slice %arg6[%dma_start3A_116, %dma_start3A_117] : memref<8x128xi32, #tpu.memory_space<vmem>> -> memref<1x128xi32, #tpu.memory_space<vmem>>
      %dma_start3A_119 = tpu.memref_squeeze %dma_start3A_118 : memref<1x128xi32, #tpu.memory_space<vmem>> -> memref<128xi32, #tpu.memory_space<vmem>>
      %dma_start3A_120 = arith.constant 0 : i32
      %dma_start3A_121 = tpu.memref_slice %arg7[%dma_start3A_120] : memref<102400xf32, #tpu.memory_space<vmem_shared>> -> memref<102400xf32, #tpu.memory_space<vmem_shared>>
      tpu.enqueue_indirect_dma source(%arg4 : memref<128xf32, #tpu.memory_space<vmem>>) target(%dma_start3A_121 : memref<102400xf32, #tpu.memory_space<vmem_shared>>) offsets(%dma_start3A_119 : memref<128xi32, #tpu.memory_space<vmem>>) semaphore(%arg8 : memref<!tpu.dma_semaphore, #tpu.memory_space<semaphore_mem>>) {add = true}
      %dma_start3A_122 = arith.constant 7 : i32
      %dma_start3A_123 = arith.constant 0 : i32
      %dma_start3A_124 = tpu.memref_slice %arg6[%dma_start3A_122, %dma_start3A_123] : memref<8x128xi32, #tpu.memory_space<vmem>> -> memref<1x128xi32, #tpu.memory_space<vmem>>
      %dma_start3A_125 = tpu.memref_squeeze %dma_start3A_124 : memref<1x128xi32, #tpu.memory_space<vmem>> -> memref<128xi32, #tpu.memory_space<vmem>>
      %dma_start3A_126 = arith.constant 0 : i32
      %dma_start3A_127 = tpu.memref_slice %arg7[%dma_start3A_126] : memref<102400xf32, #tpu.memory_space<vmem_shared>> -> memref<102400xf32, #tpu.memory_space<vmem_shared>>
      tpu.enqueue_indirect_dma source(%arg4 : memref<128xf32, #tpu.memory_space<vmem>>) target(%dma_start3A_127 : memref<102400xf32, #tpu.memory_space<vmem_shared>>) offsets(%dma_start3A_125 : memref<128xi32, #tpu.memory_space<vmem>>) semaphore(%arg8 : memref<!tpu.dma_semaphore, #tpu.memory_space<semaphore_mem>>) {add = true}
      %dma_wait3A = arith.constant 0 : i32
      %dma_wait3A_128 = arith.constant 0 : i32
      %dma_wait3A_129 = tpu.memref_slice %arg6[%dma_wait3A, %dma_wait3A_128] : memref<8x128xi32, #tpu.memory_space<vmem>> -> memref<1x128xi32, #tpu.memory_space<vmem>>
      %dma_wait3A_130 = tpu.memref_squeeze %dma_wait3A_129 : memref<1x128xi32, #tpu.memory_space<vmem>> -> memref<128xi32, #tpu.memory_space<vmem>>
      %dma_wait3A_131 = arith.constant 0 : i32
      %dma_wait3A_132 = tpu.memref_slice %arg7[%dma_wait3A_131] : memref<102400xf32, #tpu.memory_space<vmem_shared>> -> memref<102400xf32, #tpu.memory_space<vmem_shared>>
      tpu.wait_indirect_dma semaphore(%arg8 : memref<!tpu.dma_semaphore, #tpu.memory_space<semaphore_mem>>) src(%arg4 : memref<128xf32, #tpu.memory_space<vmem>>) dst(%dma_wait3A_132 : memref<102400xf32, #tpu.memory_space<vmem_shared>>)
      %dma_wait3A_133 = arith.constant 1 : i32
      %dma_wait3A_134 = arith.constant 0 : i32
      %dma_wait3A_135 = tpu.memref_slice %arg6[%dma_wait3A_133, %dma_wait3A_134] : memref<8x128xi32, #tpu.memory_space<vmem>> -> memref<1x128xi32, #tpu.memory_space<vmem>>
      %dma_wait3A_136 = tpu.memref_squeeze %dma_wait3A_135 : memref<1x128xi32, #tpu.memory_space<vmem>> -> memref<128xi32, #tpu.memory_space<vmem>>
      %dma_wait3A_137 = arith.constant 0 : i32
      %dma_wait3A_138 = tpu.memref_slice %arg7[%dma_wait3A_137] : memref<102400xf32, #tpu.memory_space<vmem_shared>> -> memref<102400xf32, #tpu.memory_space<vmem_shared>>
      tpu.wait_indirect_dma semaphore(%arg8 : memref<!tpu.dma_semaphore, #tpu.memory_space<semaphore_mem>>) src(%arg4 : memref<128xf32, #tpu.memory_space<vmem>>) dst(%dma_wait3A_138 : memref<102400xf32, #tpu.memory_space<vmem_shared>>)
      %dma_wait3A_139 = arith.constant 2 : i32
      %dma_wait3A_140 = arith.constant 0 : i32
      %dma_wait3A_141 = tpu.memref_slice %arg6[%dma_wait3A_139, %dma_wait3A_140] : memref<8x128xi32, #tpu.memory_space<vmem>> -> memref<1x128xi32, #tpu.memory_space<vmem>>
      %dma_wait3A_142 = tpu.memref_squeeze %dma_wait3A_141 : memref<1x128xi32, #tpu.memory_space<vmem>> -> memref<128xi32, #tpu.memory_space<vmem>>
      %dma_wait3A_143 = arith.constant 0 : i32
      %dma_wait3A_144 = tpu.memref_slice %arg7[%dma_wait3A_143] : memref<102400xf32, #tpu.memory_space<vmem_shared>> -> memref<102400xf32, #tpu.memory_space<vmem_shared>>
      tpu.wait_indirect_dma semaphore(%arg8 : memref<!tpu.dma_semaphore, #tpu.memory_space<semaphore_mem>>) src(%arg4 : memref<128xf32, #tpu.memory_space<vmem>>) dst(%dma_wait3A_144 : memref<102400xf32, #tpu.memory_space<vmem_shared>>)
      %dma_wait3A_145 = arith.constant 3 : i32
      %dma_wait3A_146 = arith.constant 0 : i32
      %dma_wait3A_147 = tpu.memref_slice %arg6[%dma_wait3A_145, %dma_wait3A_146] : memref<8x128xi32, #tpu.memory_space<vmem>> -> memref<1x128xi32, #tpu.memory_space<vmem>>
      %dma_wait3A_148 = tpu.memref_squeeze %dma_wait3A_147 : memref<1x128xi32, #tpu.memory_space<vmem>> -> memref<128xi32, #tpu.memory_space<vmem>>
      %dma_wait3A_149 = arith.constant 0 : i32
      %dma_wait3A_150 = tpu.memref_slice %arg7[%dma_wait3A_149] : memref<102400xf32, #tpu.memory_space<vmem_shared>> -> memref<102400xf32, #tpu.memory_space<vmem_shared>>
      tpu.wait_indirect_dma semaphore(%arg8 : memref<!tpu.dma_semaphore, #tpu.memory_space<semaphore_mem>>) src(%arg4 : memref<128xf32, #tpu.memory_space<vmem>>) dst(%dma_wait3A_150 : memref<102400xf32, #tpu.memory_space<vmem_shared>>)
      %dma_wait3A_151 = arith.constant 4 : i32
      %dma_wait3A_152 = arith.constant 0 : i32
      %dma_wait3A_153 = tpu.memref_slice %arg6[%dma_wait3A_151, %dma_wait3A_152] : memref<8x128xi32, #tpu.memory_space<vmem>> -> memref<1x128xi32, #tpu.memory_space<vmem>>
      %dma_wait3A_154 = tpu.memref_squeeze %dma_wait3A_153 : memref<1x128xi32, #tpu.memory_space<vmem>> -> memref<128xi32, #tpu.memory_space<vmem>>
      %dma_wait3A_155 = arith.constant 0 : i32
      %dma_wait3A_156 = tpu.memref_slice %arg7[%dma_wait3A_155] : memref<102400xf32, #tpu.memory_space<vmem_shared>> -> memref<102400xf32, #tpu.memory_space<vmem_shared>>
      tpu.wait_indirect_dma semaphore(%arg8 : memref<!tpu.dma_semaphore, #tpu.memory_space<semaphore_mem>>) src(%arg4 : memref<128xf32, #tpu.memory_space<vmem>>) dst(%dma_wait3A_156 : memref<102400xf32, #tpu.memory_space<vmem_shared>>)
      %dma_wait3A_157 = arith.constant 5 : i32
      %dma_wait3A_158 = arith.constant 0 : i32
      %dma_wait3A_159 = tpu.memref_slice %arg6[%dma_wait3A_157, %dma_wait3A_158] : memref<8x128xi32, #tpu.memory_space<vmem>> -> memref<1x128xi32, #tpu.memory_space<vmem>>
      %dma_wait3A_160 = tpu.memref_squeeze %dma_wait3A_159 : memref<1x128xi32, #tpu.memory_space<vmem>> -> memref<128xi32, #tpu.memory_space<vmem>>
      %dma_wait3A_161 = arith.constant 0 : i32
      %dma_wait3A_162 = tpu.memref_slice %arg7[%dma_wait3A_161] : memref<102400xf32, #tpu.memory_space<vmem_shared>> -> memref<102400xf32, #tpu.memory_space<vmem_shared>>
      tpu.wait_indirect_dma semaphore(%arg8 : memref<!tpu.dma_semaphore, #tpu.memory_space<semaphore_mem>>) src(%arg4 : memref<128xf32, #tpu.memory_space<vmem>>) dst(%dma_wait3A_162 : memref<102400xf32, #tpu.memory_space<vmem_shared>>)
      %dma_wait3A_163 = arith.constant 6 : i32
      %dma_wait3A_164 = arith.constant 0 : i32
      %dma_wait3A_165 = tpu.memref_slice %arg6[%dma_wait3A_163, %dma_wait3A_164] : memref<8x128xi32, #tpu.memory_space<vmem>> -> memref<1x128xi32, #tpu.memory_space<vmem>>
      %dma_wait3A_166 = tpu.memref_squeeze %dma_wait3A_165 : memref<1x128xi32, #tpu.memory_space<vmem>> -> memref<128xi32, #tpu.memory_space<vmem>>
      %dma_wait3A_167 = arith.constant 0 : i32
      %dma_wait3A_168 = tpu.memref_slice %arg7[%dma_wait3A_167] : memref<102400xf32, #tpu.memory_space<vmem_shared>> -> memref<102400xf32, #tpu.memory_space<vmem_shared>>
      tpu.wait_indirect_dma semaphore(%arg8 : memref<!tpu.dma_semaphore, #tpu.memory_space<semaphore_mem>>) src(%arg4 : memref<128xf32, #tpu.memory_space<vmem>>) dst(%dma_wait3A_168 : memref<102400xf32, #tpu.memory_space<vmem_shared>>)
      %dma_wait3A_169 = arith.constant 7 : i32
      %dma_wait3A_170 = arith.constant 0 : i32
      %dma_wait3A_171 = tpu.memref_slice %arg6[%dma_wait3A_169, %dma_wait3A_170] : memref<8x128xi32, #tpu.memory_space<vmem>> -> memref<1x128xi32, #tpu.memory_space<vmem>>
      %dma_wait3A_172 = tpu.memref_squeeze %dma_wait3A_171 : memref<1x128xi32, #tpu.memory_space<vmem>> -> memref<128xi32, #tpu.memory_space<vmem>>
      %dma_wait3A_173 = arith.constant 0 : i32
      %dma_wait3A_174 = tpu.memref_slice %arg7[%dma_wait3A_173] : memref<102400xf32, #tpu.memory_space<vmem_shared>> -> memref<102400xf32, #tpu.memory_space<vmem_shared>>
      tpu.wait_indirect_dma semaphore(%arg8 : memref<!tpu.dma_semaphore, #tpu.memory_space<semaphore_mem>>) src(%arg4 : memref<128xf32, #tpu.memory_space<vmem>>) dst(%dma_wait3A_174 : memref<102400xf32, #tpu.memory_space<vmem_shared>>)
    }
    %scan3A_73 = arith.constant 98 : i32
    %barrier3A_74 = arith.constant 0 : index
    tpu.barrier barrier_id(%barrier3A_74)
    "tpu.region"() ({
      %run_scoped3A = tpu.sem_alloc : memref<!tpu.dma_semaphore, #tpu.memory_space<semaphore_mem>>
      %dma_start3A = tpu.memref_slice %arg3[%arg0, %mul3A_53] : memref<2x102400xf32, #tpu.memory_space<hbm>> -> memref<1x6400xf32, #tpu.memory_space<hbm>>
      %dma_start3A_75 = tpu.memref_squeeze %dma_start3A : memref<1x6400xf32, #tpu.memory_space<hbm>> -> memref<6400xf32, #tpu.memory_space<hbm>>
      %dma_start3A_76 = tpu.memref_slice %arg7[%mul3A_53] : memref<102400xf32, #tpu.memory_space<vmem_shared>> -> memref<6400xf32, #tpu.memory_space<vmem_shared>>
      tpu.enqueue_dma source(%dma_start3A_76 : memref<6400xf32, #tpu.memory_space<vmem_shared>>) target(%dma_start3A_75 : memref<6400xf32, #tpu.memory_space<hbm>>) target_semaphore(%run_scoped3A : memref<!tpu.dma_semaphore, #tpu.memory_space<semaphore_mem>>)
      %dma_wait3A = tpu.memref_slice %arg3[%arg0, %mul3A_53] : memref<2x102400xf32, #tpu.memory_space<hbm>> -> memref<1x6400xf32, #tpu.memory_space<hbm>>
      %dma_wait3A_77 = tpu.memref_squeeze %dma_wait3A : memref<1x6400xf32, #tpu.memory_space<hbm>> -> memref<6400xf32, #tpu.memory_space<hbm>>
      %dma_wait3A_78 = tpu.memref_slice %arg7[%mul3A_53] : memref<102400xf32, #tpu.memory_space<vmem_shared>> -> memref<6400xf32, #tpu.memory_space<vmem_shared>>
      tpu.wait_dma2 semaphore(%run_scoped3A : memref<!tpu.dma_semaphore, #tpu.memory_space<semaphore_mem>>) src(%dma_wait3A_78 : memref<6400xf32, #tpu.memory_space<vmem_shared>>) dst(%dma_wait3A_77 : memref<6400xf32, #tpu.memory_space<hbm>>)
      tpu.yield
    }) : () -> ()
    return
  }
}

#map = affine_map<(d0, d1) -> (0, 0)>
#map1 = affine_map<(d0, d1) -> (0, 0, 0)>
module attributes {stable_mosaic.version = 14 : i64} {
  func.func @_prop_kernel(%arg0: i32, %arg1: i32, %arg2: memref<25088x128xi32, #tpu.memory_space<hbm>>, %arg3: memref<25088x128xi32, #tpu.memory_space<hbm>>, %arg4: memref<100016x16xf32, #tpu.memory_space<hbm>>, %arg5: memref<6251x16xf32, #tpu.memory_space<hbm>>, %arg6: memref<2x100016x16xf32, #tpu.memory_space<hbm>>, %arg7: memref<8x128xi32, #tpu.memory_space<vmem>>, %arg8: memref<8x128xi32, #tpu.memory_space<vmem>>, %arg9: memref<1024x16xf32, #tpu.memory_space<vmem>>, %arg10: memref<100016x16xf32, #tpu.memory_space<vmem_shared>>, %arg11: memref<!tpu.dma_semaphore, #tpu.memory_space<semaphore_mem>>, %arg12: memref<!tpu.dma_semaphore, #tpu.memory_space<semaphore_mem>>) attributes {dimension_semantics = [#tpu.dimension_semantics<core_parallel>, #tpu.dimension_semantics<subcore_parallel>], iteration_bounds = array<i64: 2, 16>, scalar_prefetch = 0 : i64, scratch_operands = 6 : i64, tpu.core_type = #tpu.core_type<sc_vector_subcore>, window_params = [{transform_indices = #map}, {transform_indices = #map}, {transform_indices = #map}, {transform_indices = #map}, {transform_indices = #map1}]} {
    %mul3A = arith.constant 16 : i32
    %mul3A_0 = arith.muli %arg0, %mul3A : i32
    %add3A = arith.addi %mul3A_0, %arg1 : i32
    %mul3A_1 = arith.constant 6251 : i32
    %mul3A_2 = arith.muli %arg1, %mul3A_1 : i32
    "tpu.region"() ({
      %run_scoped3A = tpu.sem_alloc : memref<!tpu.dma_semaphore, #tpu.memory_space<semaphore_mem>>
      %dma_start3A_487 = arith.constant 0 : i32
      %dma_start3A_488 = tpu.memref_slice %arg10[%mul3A_2, %dma_start3A_487] : memref<100016x16xf32, #tpu.memory_space<vmem_shared>> -> memref<6251x16xf32, #tpu.memory_space<vmem_shared>>
      tpu.enqueue_dma source(%arg5 : memref<6251x16xf32, #tpu.memory_space<hbm>>) target(%dma_start3A_488 : memref<6251x16xf32, #tpu.memory_space<vmem_shared>>) target_semaphore(%run_scoped3A : memref<!tpu.dma_semaphore, #tpu.memory_space<semaphore_mem>>)
      %dma_wait3A_489 = arith.constant 0 : i32
      %dma_wait3A_490 = tpu.memref_slice %arg10[%mul3A_2, %dma_wait3A_489] : memref<100016x16xf32, #tpu.memory_space<vmem_shared>> -> memref<6251x16xf32, #tpu.memory_space<vmem_shared>>
      tpu.wait_dma2 semaphore(%run_scoped3A : memref<!tpu.dma_semaphore, #tpu.memory_space<semaphore_mem>>) src(%arg5 : memref<6251x16xf32, #tpu.memory_space<hbm>>) dst(%dma_wait3A_490 : memref<6251x16xf32, #tpu.memory_space<vmem_shared>>)
      tpu.yield
    }) : () -> ()
    %barrier3A = arith.constant 0 : index
    tpu.barrier barrier_id(%barrier3A)
    %jit3A = arith.constant 16 : i32
    %eq3A = arith.constant 0 : i32
    %eq3A_3 = arith.cmpi eq, %jit3A, %eq3A : i32
    %jit3A_4 = arith.constant 1 : i32
    %select_n3A = arith.select %eq3A_3, %jit3A_4, %jit3A : i32
    %rem3A = arith.remsi %add3A, %select_n3A : i32
    %ne3A = arith.constant 0 : i32
    %ne3A_5 = arith.cmpi ne, %rem3A, %ne3A : i32
    %lt3A = arith.constant 0 : i32
    %lt3A_6 = arith.cmpi slt, %rem3A, %lt3A : i32
    %lt3A_7 = arith.constant 0 : i32
    %lt3A_8 = arith.cmpi slt, %select_n3A, %lt3A_7 : i32
    %ne3A_9 = arith.xori %lt3A_6, %lt3A_8 : i1
    %and3A = arith.andi %ne3A_9, %ne3A_5 : i1
    %add3A_10 = arith.addi %rem3A, %select_n3A : i32
    %select_n3A_11 = arith.select %and3A, %add3A_10, %rem3A : i32
    %add3A_12 = arith.constant 100000 : i32
    %add3A_13 = arith.addi %add3A_12, %select_n3A_11 : i32
    %broadcast_in_dim3A = vector.broadcast %add3A_13 : i32 to vector<16xi32>
    %swap3A = arith.constant 0 : i32
    %swap3A_14 = arith.index_cast %swap3A : i32 to index
    %swap3A_15 = arith.constant 0 : index
    %swap3A_16 = tpu.vector_load %arg8[%swap3A_14, %swap3A_15] {strides = array<i32>} : memref<8x128xi32, #tpu.memory_space<vmem>>, vector<1x16xi32>,
    %swap3A_17 = vector.shape_cast %swap3A_16 : vector<1x16xi32> to vector<16xi32>
    %swap3A_18 = vector.shape_cast %broadcast_in_dim3A : vector<16xi32> to vector<1x16xi32>
    tpu.vector_store %arg8[%swap3A_14, %swap3A_15], %swap3A_18 {strides = array<i32>} : memref<8x128xi32, #tpu.memory_space<vmem>>, vector<1x16xi32>,
    %swap3A_19 = arith.constant 0 : i32
    %swap3A_20 = arith.index_cast %swap3A_19 : i32 to index
    %swap3A_21 = arith.constant 16 : index
    %swap3A_22 = tpu.vector_load %arg8[%swap3A_20, %swap3A_21] {strides = array<i32>} : memref<8x128xi32, #tpu.memory_space<vmem>>, vector<1x16xi32>,
    %swap3A_23 = vector.shape_cast %swap3A_22 : vector<1x16xi32> to vector<16xi32>
    %swap3A_24 = vector.shape_cast %broadcast_in_dim3A : vector<16xi32> to vector<1x16xi32>
    tpu.vector_store %arg8[%swap3A_20, %swap3A_21], %swap3A_24 {strides = array<i32>} : memref<8x128xi32, #tpu.memory_space<vmem>>, vector<1x16xi32>,
    %swap3A_25 = arith.constant 0 : i32
    %swap3A_26 = arith.index_cast %swap3A_25 : i32 to index
    %swap3A_27 = arith.constant 32 : index
    %swap3A_28 = tpu.vector_load %arg8[%swap3A_26, %swap3A_27] {strides = array<i32>} : memref<8x128xi32, #tpu.memory_space<vmem>>, vector<1x16xi32>,
    %swap3A_29 = vector.shape_cast %swap3A_28 : vector<1x16xi32> to vector<16xi32>
    %swap3A_30 = vector.shape_cast %broadcast_in_dim3A : vector<16xi32> to vector<1x16xi32>
    tpu.vector_store %arg8[%swap3A_26, %swap3A_27], %swap3A_30 {strides = array<i32>} : memref<8x128xi32, #tpu.memory_space<vmem>>, vector<1x16xi32>,
    %swap3A_31 = arith.constant 0 : i32
    %swap3A_32 = arith.index_cast %swap3A_31 : i32 to index
    %swap3A_33 = arith.constant 48 : index
    %swap3A_34 = tpu.vector_load %arg8[%swap3A_32, %swap3A_33] {strides = array<i32>} : memref<8x128xi32, #tpu.memory_space<vmem>>, vector<1x16xi32>,
    %swap3A_35 = vector.shape_cast %swap3A_34 : vector<1x16xi32> to vector<16xi32>
    %swap3A_36 = vector.shape_cast %broadcast_in_dim3A : vector<16xi32> to vector<1x16xi32>
    tpu.vector_store %arg8[%swap3A_32, %swap3A_33], %swap3A_36 {strides = array<i32>} : memref<8x128xi32, #tpu.memory_space<vmem>>, vector<1x16xi32>,
    %swap3A_37 = arith.constant 0 : i32
    %swap3A_38 = arith.index_cast %swap3A_37 : i32 to index
    %swap3A_39 = arith.constant 64 : index
    %swap3A_40 = tpu.vector_load %arg8[%swap3A_38, %swap3A_39] {strides = array<i32>} : memref<8x128xi32, #tpu.memory_space<vmem>>, vector<1x16xi32>,
    %swap3A_41 = vector.shape_cast %swap3A_40 : vector<1x16xi32> to vector<16xi32>
    %swap3A_42 = vector.shape_cast %broadcast_in_dim3A : vector<16xi32> to vector<1x16xi32>
    tpu.vector_store %arg8[%swap3A_38, %swap3A_39], %swap3A_42 {strides = array<i32>} : memref<8x128xi32, #tpu.memory_space<vmem>>, vector<1x16xi32>,
    %swap3A_43 = arith.constant 0 : i32
    %swap3A_44 = arith.index_cast %swap3A_43 : i32 to index
    %swap3A_45 = arith.constant 80 : index
    %swap3A_46 = tpu.vector_load %arg8[%swap3A_44, %swap3A_45] {strides = array<i32>} : memref<8x128xi32, #tpu.memory_space<vmem>>, vector<1x16xi32>,
    %swap3A_47 = vector.shape_cast %swap3A_46 : vector<1x16xi32> to vector<16xi32>
    %swap3A_48 = vector.shape_cast %broadcast_in_dim3A : vector<16xi32> to vector<1x16xi32>
    tpu.vector_store %arg8[%swap3A_44, %swap3A_45], %swap3A_48 {strides = array<i32>} : memref<8x128xi32, #tpu.memory_space<vmem>>, vector<1x16xi32>,
    %swap3A_49 = arith.constant 0 : i32
    %swap3A_50 = arith.index_cast %swap3A_49 : i32 to index
    %swap3A_51 = arith.constant 96 : index
    %swap3A_52 = tpu.vector_load %arg8[%swap3A_50, %swap3A_51] {strides = array<i32>} : memref<8x128xi32, #tpu.memory_space<vmem>>, vector<1x16xi32>,
    %swap3A_53 = vector.shape_cast %swap3A_52 : vector<1x16xi32> to vector<16xi32>
    %swap3A_54 = vector.shape_cast %broadcast_in_dim3A : vector<16xi32> to vector<1x16xi32>
    tpu.vector_store %arg8[%swap3A_50, %swap3A_51], %swap3A_54 {strides = array<i32>} : memref<8x128xi32, #tpu.memory_space<vmem>>, vector<1x16xi32>,
    %swap3A_55 = arith.constant 0 : i32
    %swap3A_56 = arith.index_cast %swap3A_55 : i32 to index
    %swap3A_57 = arith.constant 112 : index
    %swap3A_58 = tpu.vector_load %arg8[%swap3A_56, %swap3A_57] {strides = array<i32>} : memref<8x128xi32, #tpu.memory_space<vmem>>, vector<1x16xi32>,
    %swap3A_59 = vector.shape_cast %swap3A_58 : vector<1x16xi32> to vector<16xi32>
    %swap3A_60 = vector.shape_cast %broadcast_in_dim3A : vector<16xi32> to vector<1x16xi32>
    tpu.vector_store %arg8[%swap3A_56, %swap3A_57], %swap3A_60 {strides = array<i32>} : memref<8x128xi32, #tpu.memory_space<vmem>>, vector<1x16xi32>,
    %swap3A_61 = arith.constant 1 : i32
    %swap3A_62 = arith.index_cast %swap3A_61 : i32 to index
    %swap3A_63 = arith.constant 0 : index
    %swap3A_64 = tpu.vector_load %arg8[%swap3A_62, %swap3A_63] {strides = array<i32>} : memref<8x128xi32, #tpu.memory_space<vmem>>, vector<1x16xi32>,
    %swap3A_65 = vector.shape_cast %swap3A_64 : vector<1x16xi32> to vector<16xi32>
    %swap3A_66 = vector.shape_cast %broadcast_in_dim3A : vector<16xi32> to vector<1x16xi32>
    tpu.vector_store %arg8[%swap3A_62, %swap3A_63], %swap3A_66 {strides = array<i32>} : memref<8x128xi32, #tpu.memory_space<vmem>>, vector<1x16xi32>,
    %swap3A_67 = arith.constant 1 : i32
    %swap3A_68 = arith.index_cast %swap3A_67 : i32 to index
    %swap3A_69 = arith.constant 16 : index
    %swap3A_70 = tpu.vector_load %arg8[%swap3A_68, %swap3A_69] {strides = array<i32>} : memref<8x128xi32, #tpu.memory_space<vmem>>, vector<1x16xi32>,
    %swap3A_71 = vector.shape_cast %swap3A_70 : vector<1x16xi32> to vector<16xi32>
    %swap3A_72 = vector.shape_cast %broadcast_in_dim3A : vector<16xi32> to vector<1x16xi32>
    tpu.vector_store %arg8[%swap3A_68, %swap3A_69], %swap3A_72 {strides = array<i32>} : memref<8x128xi32, #tpu.memory_space<vmem>>, vector<1x16xi32>,
    %swap3A_73 = arith.constant 1 : i32
    %swap3A_74 = arith.index_cast %swap3A_73 : i32 to index
    %swap3A_75 = arith.constant 32 : index
    %swap3A_76 = tpu.vector_load %arg8[%swap3A_74, %swap3A_75] {strides = array<i32>} : memref<8x128xi32, #tpu.memory_space<vmem>>, vector<1x16xi32>,
    %swap3A_77 = vector.shape_cast %swap3A_76 : vector<1x16xi32> to vector<16xi32>
    %swap3A_78 = vector.shape_cast %broadcast_in_dim3A : vector<16xi32> to vector<1x16xi32>
    tpu.vector_store %arg8[%swap3A_74, %swap3A_75], %swap3A_78 {strides = array<i32>} : memref<8x128xi32, #tpu.memory_space<vmem>>, vector<1x16xi32>,
    %swap3A_79 = arith.constant 1 : i32
    %swap3A_80 = arith.index_cast %swap3A_79 : i32 to index
    %swap3A_81 = arith.constant 48 : index
    %swap3A_82 = tpu.vector_load %arg8[%swap3A_80, %swap3A_81] {strides = array<i32>} : memref<8x128xi32, #tpu.memory_space<vmem>>, vector<1x16xi32>,
    %swap3A_83 = vector.shape_cast %swap3A_82 : vector<1x16xi32> to vector<16xi32>
    %swap3A_84 = vector.shape_cast %broadcast_in_dim3A : vector<16xi32> to vector<1x16xi32>
    tpu.vector_store %arg8[%swap3A_80, %swap3A_81], %swap3A_84 {strides = array<i32>} : memref<8x128xi32, #tpu.memory_space<vmem>>, vector<1x16xi32>,
    %swap3A_85 = arith.constant 1 : i32
    %swap3A_86 = arith.index_cast %swap3A_85 : i32 to index
    %swap3A_87 = arith.constant 64 : index
    %swap3A_88 = tpu.vector_load %arg8[%swap3A_86, %swap3A_87] {strides = array<i32>} : memref<8x128xi32, #tpu.memory_space<vmem>>, vector<1x16xi32>,
    %swap3A_89 = vector.shape_cast %swap3A_88 : vector<1x16xi32> to vector<16xi32>
    %swap3A_90 = vector.shape_cast %broadcast_in_dim3A : vector<16xi32> to vector<1x16xi32>
    tpu.vector_store %arg8[%swap3A_86, %swap3A_87], %swap3A_90 {strides = array<i32>} : memref<8x128xi32, #tpu.memory_space<vmem>>, vector<1x16xi32>,
    %swap3A_91 = arith.constant 1 : i32
    %swap3A_92 = arith.index_cast %swap3A_91 : i32 to index
    %swap3A_93 = arith.constant 80 : index
    %swap3A_94 = tpu.vector_load %arg8[%swap3A_92, %swap3A_93] {strides = array<i32>} : memref<8x128xi32, #tpu.memory_space<vmem>>, vector<1x16xi32>,
    %swap3A_95 = vector.shape_cast %swap3A_94 : vector<1x16xi32> to vector<16xi32>
    %swap3A_96 = vector.shape_cast %broadcast_in_dim3A : vector<16xi32> to vector<1x16xi32>
    tpu.vector_store %arg8[%swap3A_92, %swap3A_93], %swap3A_96 {strides = array<i32>} : memref<8x128xi32, #tpu.memory_space<vmem>>, vector<1x16xi32>,
    %swap3A_97 = arith.constant 1 : i32
    %swap3A_98 = arith.index_cast %swap3A_97 : i32 to index
    %swap3A_99 = arith.constant 96 : index
    %swap3A_100 = tpu.vector_load %arg8[%swap3A_98, %swap3A_99] {strides = array<i32>} : memref<8x128xi32, #tpu.memory_space<vmem>>, vector<1x16xi32>,
    %swap3A_101 = vector.shape_cast %swap3A_100 : vector<1x16xi32> to vector<16xi32>
    %swap3A_102 = vector.shape_cast %broadcast_in_dim3A : vector<16xi32> to vector<1x16xi32>
    tpu.vector_store %arg8[%swap3A_98, %swap3A_99], %swap3A_102 {strides = array<i32>} : memref<8x128xi32, #tpu.memory_space<vmem>>, vector<1x16xi32>,
    %swap3A_103 = arith.constant 1 : i32
    %swap3A_104 = arith.index_cast %swap3A_103 : i32 to index
    %swap3A_105 = arith.constant 112 : index
    %swap3A_106 = tpu.vector_load %arg8[%swap3A_104, %swap3A_105] {strides = array<i32>} : memref<8x128xi32, #tpu.memory_space<vmem>>, vector<1x16xi32>,
    %swap3A_107 = vector.shape_cast %swap3A_106 : vector<1x16xi32> to vector<16xi32>
    %swap3A_108 = vector.shape_cast %broadcast_in_dim3A : vector<16xi32> to vector<1x16xi32>
    tpu.vector_store %arg8[%swap3A_104, %swap3A_105], %swap3A_108 {strides = array<i32>} : memref<8x128xi32, #tpu.memory_space<vmem>>, vector<1x16xi32>,
    %swap3A_109 = arith.constant 2 : i32
    %swap3A_110 = arith.index_cast %swap3A_109 : i32 to index
    %swap3A_111 = arith.constant 0 : index
    %swap3A_112 = tpu.vector_load %arg8[%swap3A_110, %swap3A_111] {strides = array<i32>} : memref<8x128xi32, #tpu.memory_space<vmem>>, vector<1x16xi32>,
    %swap3A_113 = vector.shape_cast %swap3A_112 : vector<1x16xi32> to vector<16xi32>
    %swap3A_114 = vector.shape_cast %broadcast_in_dim3A : vector<16xi32> to vector<1x16xi32>
    tpu.vector_store %arg8[%swap3A_110, %swap3A_111], %swap3A_114 {strides = array<i32>} : memref<8x128xi32, #tpu.memory_space<vmem>>, vector<1x16xi32>,
    %swap3A_115 = arith.constant 2 : i32
    %swap3A_116 = arith.index_cast %swap3A_115 : i32 to index
    %swap3A_117 = arith.constant 16 : index
    %swap3A_118 = tpu.vector_load %arg8[%swap3A_116, %swap3A_117] {strides = array<i32>} : memref<8x128xi32, #tpu.memory_space<vmem>>, vector<1x16xi32>,
    %swap3A_119 = vector.shape_cast %swap3A_118 : vector<1x16xi32> to vector<16xi32>
    %swap3A_120 = vector.shape_cast %broadcast_in_dim3A : vector<16xi32> to vector<1x16xi32>
    tpu.vector_store %arg8[%swap3A_116, %swap3A_117], %swap3A_120 {strides = array<i32>} : memref<8x128xi32, #tpu.memory_space<vmem>>, vector<1x16xi32>,
    %swap3A_121 = arith.constant 2 : i32
    %swap3A_122 = arith.index_cast %swap3A_121 : i32 to index
    %swap3A_123 = arith.constant 32 : index
    %swap3A_124 = tpu.vector_load %arg8[%swap3A_122, %swap3A_123] {strides = array<i32>} : memref<8x128xi32, #tpu.memory_space<vmem>>, vector<1x16xi32>,
    %swap3A_125 = vector.shape_cast %swap3A_124 : vector<1x16xi32> to vector<16xi32>
    %swap3A_126 = vector.shape_cast %broadcast_in_dim3A : vector<16xi32> to vector<1x16xi32>
    tpu.vector_store %arg8[%swap3A_122, %swap3A_123], %swap3A_126 {strides = array<i32>} : memref<8x128xi32, #tpu.memory_space<vmem>>, vector<1x16xi32>,
    %swap3A_127 = arith.constant 2 : i32
    %swap3A_128 = arith.index_cast %swap3A_127 : i32 to index
    %swap3A_129 = arith.constant 48 : index
    %swap3A_130 = tpu.vector_load %arg8[%swap3A_128, %swap3A_129] {strides = array<i32>} : memref<8x128xi32, #tpu.memory_space<vmem>>, vector<1x16xi32>,
    %swap3A_131 = vector.shape_cast %swap3A_130 : vector<1x16xi32> to vector<16xi32>
    %swap3A_132 = vector.shape_cast %broadcast_in_dim3A : vector<16xi32> to vector<1x16xi32>
    tpu.vector_store %arg8[%swap3A_128, %swap3A_129], %swap3A_132 {strides = array<i32>} : memref<8x128xi32, #tpu.memory_space<vmem>>, vector<1x16xi32>,
    %swap3A_133 = arith.constant 2 : i32
    %swap3A_134 = arith.index_cast %swap3A_133 : i32 to index
    %swap3A_135 = arith.constant 64 : index
    %swap3A_136 = tpu.vector_load %arg8[%swap3A_134, %swap3A_135] {strides = array<i32>} : memref<8x128xi32, #tpu.memory_space<vmem>>, vector<1x16xi32>,
    %swap3A_137 = vector.shape_cast %swap3A_136 : vector<1x16xi32> to vector<16xi32>
    %swap3A_138 = vector.shape_cast %broadcast_in_dim3A : vector<16xi32> to vector<1x16xi32>
    tpu.vector_store %arg8[%swap3A_134, %swap3A_135], %swap3A_138 {strides = array<i32>} : memref<8x128xi32, #tpu.memory_space<vmem>>, vector<1x16xi32>,
    %swap3A_139 = arith.constant 2 : i32
    %swap3A_140 = arith.index_cast %swap3A_139 : i32 to index
    %swap3A_141 = arith.constant 80 : index
    %swap3A_142 = tpu.vector_load %arg8[%swap3A_140, %swap3A_141] {strides = array<i32>} : memref<8x128xi32, #tpu.memory_space<vmem>>, vector<1x16xi32>,
    %swap3A_143 = vector.shape_cast %swap3A_142 : vector<1x16xi32> to vector<16xi32>
    %swap3A_144 = vector.shape_cast %broadcast_in_dim3A : vector<16xi32> to vector<1x16xi32>
    tpu.vector_store %arg8[%swap3A_140, %swap3A_141], %swap3A_144 {strides = array<i32>} : memref<8x128xi32, #tpu.memory_space<vmem>>, vector<1x16xi32>,
    %swap3A_145 = arith.constant 2 : i32
    %swap3A_146 = arith.index_cast %swap3A_145 : i32 to index
    %swap3A_147 = arith.constant 96 : index
    %swap3A_148 = tpu.vector_load %arg8[%swap3A_146, %swap3A_147] {strides = array<i32>} : memref<8x128xi32, #tpu.memory_space<vmem>>, vector<1x16xi32>,
    %swap3A_149 = vector.shape_cast %swap3A_148 : vector<1x16xi32> to vector<16xi32>
    %swap3A_150 = vector.shape_cast %broadcast_in_dim3A : vector<16xi32> to vector<1x16xi32>
    tpu.vector_store %arg8[%swap3A_146, %swap3A_147], %swap3A_150 {strides = array<i32>} : memref<8x128xi32, #tpu.memory_space<vmem>>, vector<1x16xi32>,
    %swap3A_151 = arith.constant 2 : i32
    %swap3A_152 = arith.index_cast %swap3A_151 : i32 to index
    %swap3A_153 = arith.constant 112 : index
    %swap3A_154 = tpu.vector_load %arg8[%swap3A_152, %swap3A_153] {strides = array<i32>} : memref<8x128xi32, #tpu.memory_space<vmem>>, vector<1x16xi32>,
    %swap3A_155 = vector.shape_cast %swap3A_154 : vector<1x16xi32> to vector<16xi32>
    %swap3A_156 = vector.shape_cast %broadcast_in_dim3A : vector<16xi32> to vector<1x16xi32>
    tpu.vector_store %arg8[%swap3A_152, %swap3A_153], %swap3A_156 {strides = array<i32>} : memref<8x128xi32, #tpu.memory_space<vmem>>, vector<1x16xi32>,
    %swap3A_157 = arith.constant 3 : i32
    %swap3A_158 = arith.index_cast %swap3A_157 : i32 to index
    %swap3A_159 = arith.constant 0 : index
    %swap3A_160 = tpu.vector_load %arg8[%swap3A_158, %swap3A_159] {strides = array<i32>} : memref<8x128xi32, #tpu.memory_space<vmem>>, vector<1x16xi32>,
    %swap3A_161 = vector.shape_cast %swap3A_160 : vector<1x16xi32> to vector<16xi32>
    %swap3A_162 = vector.shape_cast %broadcast_in_dim3A : vector<16xi32> to vector<1x16xi32>
    tpu.vector_store %arg8[%swap3A_158, %swap3A_159], %swap3A_162 {strides = array<i32>} : memref<8x128xi32, #tpu.memory_space<vmem>>, vector<1x16xi32>,
    %swap3A_163 = arith.constant 3 : i32
    %swap3A_164 = arith.index_cast %swap3A_163 : i32 to index
    %swap3A_165 = arith.constant 16 : index
    %swap3A_166 = tpu.vector_load %arg8[%swap3A_164, %swap3A_165] {strides = array<i32>} : memref<8x128xi32, #tpu.memory_space<vmem>>, vector<1x16xi32>,
    %swap3A_167 = vector.shape_cast %swap3A_166 : vector<1x16xi32> to vector<16xi32>
    %swap3A_168 = vector.shape_cast %broadcast_in_dim3A : vector<16xi32> to vector<1x16xi32>
    tpu.vector_store %arg8[%swap3A_164, %swap3A_165], %swap3A_168 {strides = array<i32>} : memref<8x128xi32, #tpu.memory_space<vmem>>, vector<1x16xi32>,
    %swap3A_169 = arith.constant 3 : i32
    %swap3A_170 = arith.index_cast %swap3A_169 : i32 to index
    %swap3A_171 = arith.constant 32 : index
    %swap3A_172 = tpu.vector_load %arg8[%swap3A_170, %swap3A_171] {strides = array<i32>} : memref<8x128xi32, #tpu.memory_space<vmem>>, vector<1x16xi32>,
    %swap3A_173 = vector.shape_cast %swap3A_172 : vector<1x16xi32> to vector<16xi32>
    %swap3A_174 = vector.shape_cast %broadcast_in_dim3A : vector<16xi32> to vector<1x16xi32>
    tpu.vector_store %arg8[%swap3A_170, %swap3A_171], %swap3A_174 {strides = array<i32>} : memref<8x128xi32, #tpu.memory_space<vmem>>, vector<1x16xi32>,
    %swap3A_175 = arith.constant 3 : i32
    %swap3A_176 = arith.index_cast %swap3A_175 : i32 to index
    %swap3A_177 = arith.constant 48 : index
    %swap3A_178 = tpu.vector_load %arg8[%swap3A_176, %swap3A_177] {strides = array<i32>} : memref<8x128xi32, #tpu.memory_space<vmem>>, vector<1x16xi32>,
    %swap3A_179 = vector.shape_cast %swap3A_178 : vector<1x16xi32> to vector<16xi32>
    %swap3A_180 = vector.shape_cast %broadcast_in_dim3A : vector<16xi32> to vector<1x16xi32>
    tpu.vector_store %arg8[%swap3A_176, %swap3A_177], %swap3A_180 {strides = array<i32>} : memref<8x128xi32, #tpu.memory_space<vmem>>, vector<1x16xi32>,
    %swap3A_181 = arith.constant 3 : i32
    %swap3A_182 = arith.index_cast %swap3A_181 : i32 to index
    %swap3A_183 = arith.constant 64 : index
    %swap3A_184 = tpu.vector_load %arg8[%swap3A_182, %swap3A_183] {strides = array<i32>} : memref<8x128xi32, #tpu.memory_space<vmem>>, vector<1x16xi32>,
    %swap3A_185 = vector.shape_cast %swap3A_184 : vector<1x16xi32> to vector<16xi32>
    %swap3A_186 = vector.shape_cast %broadcast_in_dim3A : vector<16xi32> to vector<1x16xi32>
    tpu.vector_store %arg8[%swap3A_182, %swap3A_183], %swap3A_186 {strides = array<i32>} : memref<8x128xi32, #tpu.memory_space<vmem>>, vector<1x16xi32>,
    %swap3A_187 = arith.constant 3 : i32
    %swap3A_188 = arith.index_cast %swap3A_187 : i32 to index
    %swap3A_189 = arith.constant 80 : index
    %swap3A_190 = tpu.vector_load %arg8[%swap3A_188, %swap3A_189] {strides = array<i32>} : memref<8x128xi32, #tpu.memory_space<vmem>>, vector<1x16xi32>,
    %swap3A_191 = vector.shape_cast %swap3A_190 : vector<1x16xi32> to vector<16xi32>
    %swap3A_192 = vector.shape_cast %broadcast_in_dim3A : vector<16xi32> to vector<1x16xi32>
    tpu.vector_store %arg8[%swap3A_188, %swap3A_189], %swap3A_192 {strides = array<i32>} : memref<8x128xi32, #tpu.memory_space<vmem>>, vector<1x16xi32>,
    %swap3A_193 = arith.constant 3 : i32
    %swap3A_194 = arith.index_cast %swap3A_193 : i32 to index
    %swap3A_195 = arith.constant 96 : index
    %swap3A_196 = tpu.vector_load %arg8[%swap3A_194, %swap3A_195] {strides = array<i32>} : memref<8x128xi32, #tpu.memory_space<vmem>>, vector<1x16xi32>,
    %swap3A_197 = vector.shape_cast %swap3A_196 : vector<1x16xi32> to vector<16xi32>
    %swap3A_198 = vector.shape_cast %broadcast_in_dim3A : vector<16xi32> to vector<1x16xi32>
    tpu.vector_store %arg8[%swap3A_194, %swap3A_195], %swap3A_198 {strides = array<i32>} : memref<8x128xi32, #tpu.memory_space<vmem>>, vector<1x16xi32>,
    %swap3A_199 = arith.constant 3 : i32
    %swap3A_200 = arith.index_cast %swap3A_199 : i32 to index
    %swap3A_201 = arith.constant 112 : index
    %swap3A_202 = tpu.vector_load %arg8[%swap3A_200, %swap3A_201] {strides = array<i32>} : memref<8x128xi32, #tpu.memory_space<vmem>>, vector<1x16xi32>,
    %swap3A_203 = vector.shape_cast %swap3A_202 : vector<1x16xi32> to vector<16xi32>
    %swap3A_204 = vector.shape_cast %broadcast_in_dim3A : vector<16xi32> to vector<1x16xi32>
    tpu.vector_store %arg8[%swap3A_200, %swap3A_201], %swap3A_204 {strides = array<i32>} : memref<8x128xi32, #tpu.memory_space<vmem>>, vector<1x16xi32>,
    %swap3A_205 = arith.constant 4 : i32
    %swap3A_206 = arith.index_cast %swap3A_205 : i32 to index
    %swap3A_207 = arith.constant 0 : index
    %swap3A_208 = tpu.vector_load %arg8[%swap3A_206, %swap3A_207] {strides = array<i32>} : memref<8x128xi32, #tpu.memory_space<vmem>>, vector<1x16xi32>,
    %swap3A_209 = vector.shape_cast %swap3A_208 : vector<1x16xi32> to vector<16xi32>
    %swap3A_210 = vector.shape_cast %broadcast_in_dim3A : vector<16xi32> to vector<1x16xi32>
    tpu.vector_store %arg8[%swap3A_206, %swap3A_207], %swap3A_210 {strides = array<i32>} : memref<8x128xi32, #tpu.memory_space<vmem>>, vector<1x16xi32>,
    %swap3A_211 = arith.constant 4 : i32
    %swap3A_212 = arith.index_cast %swap3A_211 : i32 to index
    %swap3A_213 = arith.constant 16 : index
    %swap3A_214 = tpu.vector_load %arg8[%swap3A_212, %swap3A_213] {strides = array<i32>} : memref<8x128xi32, #tpu.memory_space<vmem>>, vector<1x16xi32>,
    %swap3A_215 = vector.shape_cast %swap3A_214 : vector<1x16xi32> to vector<16xi32>
    %swap3A_216 = vector.shape_cast %broadcast_in_dim3A : vector<16xi32> to vector<1x16xi32>
    tpu.vector_store %arg8[%swap3A_212, %swap3A_213], %swap3A_216 {strides = array<i32>} : memref<8x128xi32, #tpu.memory_space<vmem>>, vector<1x16xi32>,
    %swap3A_217 = arith.constant 4 : i32
    %swap3A_218 = arith.index_cast %swap3A_217 : i32 to index
    %swap3A_219 = arith.constant 32 : index
    %swap3A_220 = tpu.vector_load %arg8[%swap3A_218, %swap3A_219] {strides = array<i32>} : memref<8x128xi32, #tpu.memory_space<vmem>>, vector<1x16xi32>,
    %swap3A_221 = vector.shape_cast %swap3A_220 : vector<1x16xi32> to vector<16xi32>
    %swap3A_222 = vector.shape_cast %broadcast_in_dim3A : vector<16xi32> to vector<1x16xi32>
    tpu.vector_store %arg8[%swap3A_218, %swap3A_219], %swap3A_222 {strides = array<i32>} : memref<8x128xi32, #tpu.memory_space<vmem>>, vector<1x16xi32>,
    %swap3A_223 = arith.constant 4 : i32
    %swap3A_224 = arith.index_cast %swap3A_223 : i32 to index
    %swap3A_225 = arith.constant 48 : index
    %swap3A_226 = tpu.vector_load %arg8[%swap3A_224, %swap3A_225] {strides = array<i32>} : memref<8x128xi32, #tpu.memory_space<vmem>>, vector<1x16xi32>,
    %swap3A_227 = vector.shape_cast %swap3A_226 : vector<1x16xi32> to vector<16xi32>
    %swap3A_228 = vector.shape_cast %broadcast_in_dim3A : vector<16xi32> to vector<1x16xi32>
    tpu.vector_store %arg8[%swap3A_224, %swap3A_225], %swap3A_228 {strides = array<i32>} : memref<8x128xi32, #tpu.memory_space<vmem>>, vector<1x16xi32>,
    %swap3A_229 = arith.constant 4 : i32
    %swap3A_230 = arith.index_cast %swap3A_229 : i32 to index
    %swap3A_231 = arith.constant 64 : index
    %swap3A_232 = tpu.vector_load %arg8[%swap3A_230, %swap3A_231] {strides = array<i32>} : memref<8x128xi32, #tpu.memory_space<vmem>>, vector<1x16xi32>,
    %swap3A_233 = vector.shape_cast %swap3A_232 : vector<1x16xi32> to vector<16xi32>
    %swap3A_234 = vector.shape_cast %broadcast_in_dim3A : vector<16xi32> to vector<1x16xi32>
    tpu.vector_store %arg8[%swap3A_230, %swap3A_231], %swap3A_234 {strides = array<i32>} : memref<8x128xi32, #tpu.memory_space<vmem>>, vector<1x16xi32>,
    %swap3A_235 = arith.constant 4 : i32
    %swap3A_236 = arith.index_cast %swap3A_235 : i32 to index
    %swap3A_237 = arith.constant 80 : index
    %swap3A_238 = tpu.vector_load %arg8[%swap3A_236, %swap3A_237] {strides = array<i32>} : memref<8x128xi32, #tpu.memory_space<vmem>>, vector<1x16xi32>,
    %swap3A_239 = vector.shape_cast %swap3A_238 : vector<1x16xi32> to vector<16xi32>
    %swap3A_240 = vector.shape_cast %broadcast_in_dim3A : vector<16xi32> to vector<1x16xi32>
    tpu.vector_store %arg8[%swap3A_236, %swap3A_237], %swap3A_240 {strides = array<i32>} : memref<8x128xi32, #tpu.memory_space<vmem>>, vector<1x16xi32>,
    %swap3A_241 = arith.constant 4 : i32
    %swap3A_242 = arith.index_cast %swap3A_241 : i32 to index
    %swap3A_243 = arith.constant 96 : index
    %swap3A_244 = tpu.vector_load %arg8[%swap3A_242, %swap3A_243] {strides = array<i32>} : memref<8x128xi32, #tpu.memory_space<vmem>>, vector<1x16xi32>,
    %swap3A_245 = vector.shape_cast %swap3A_244 : vector<1x16xi32> to vector<16xi32>
    %swap3A_246 = vector.shape_cast %broadcast_in_dim3A : vector<16xi32> to vector<1x16xi32>
    tpu.vector_store %arg8[%swap3A_242, %swap3A_243], %swap3A_246 {strides = array<i32>} : memref<8x128xi32, #tpu.memory_space<vmem>>, vector<1x16xi32>,
    %swap3A_247 = arith.constant 4 : i32
    %swap3A_248 = arith.index_cast %swap3A_247 : i32 to index
    %swap3A_249 = arith.constant 112 : index
    %swap3A_250 = tpu.vector_load %arg8[%swap3A_248, %swap3A_249] {strides = array<i32>} : memref<8x128xi32, #tpu.memory_space<vmem>>, vector<1x16xi32>,
    %swap3A_251 = vector.shape_cast %swap3A_250 : vector<1x16xi32> to vector<16xi32>
    %swap3A_252 = vector.shape_cast %broadcast_in_dim3A : vector<16xi32> to vector<1x16xi32>
    tpu.vector_store %arg8[%swap3A_248, %swap3A_249], %swap3A_252 {strides = array<i32>} : memref<8x128xi32, #tpu.memory_space<vmem>>, vector<1x16xi32>,
    %swap3A_253 = arith.constant 5 : i32
    %swap3A_254 = arith.index_cast %swap3A_253 : i32 to index
    %swap3A_255 = arith.constant 0 : index
    %swap3A_256 = tpu.vector_load %arg8[%swap3A_254, %swap3A_255] {strides = array<i32>} : memref<8x128xi32, #tpu.memory_space<vmem>>, vector<1x16xi32>,
    %swap3A_257 = vector.shape_cast %swap3A_256 : vector<1x16xi32> to vector<16xi32>
    %swap3A_258 = vector.shape_cast %broadcast_in_dim3A : vector<16xi32> to vector<1x16xi32>
    tpu.vector_store %arg8[%swap3A_254, %swap3A_255], %swap3A_258 {strides = array<i32>} : memref<8x128xi32, #tpu.memory_space<vmem>>, vector<1x16xi32>,
    %swap3A_259 = arith.constant 5 : i32
    %swap3A_260 = arith.index_cast %swap3A_259 : i32 to index
    %swap3A_261 = arith.constant 16 : index
    %swap3A_262 = tpu.vector_load %arg8[%swap3A_260, %swap3A_261] {strides = array<i32>} : memref<8x128xi32, #tpu.memory_space<vmem>>, vector<1x16xi32>,
    %swap3A_263 = vector.shape_cast %swap3A_262 : vector<1x16xi32> to vector<16xi32>
    %swap3A_264 = vector.shape_cast %broadcast_in_dim3A : vector<16xi32> to vector<1x16xi32>
    tpu.vector_store %arg8[%swap3A_260, %swap3A_261], %swap3A_264 {strides = array<i32>} : memref<8x128xi32, #tpu.memory_space<vmem>>, vector<1x16xi32>,
    %swap3A_265 = arith.constant 5 : i32
    %swap3A_266 = arith.index_cast %swap3A_265 : i32 to index
    %swap3A_267 = arith.constant 32 : index
    %swap3A_268 = tpu.vector_load %arg8[%swap3A_266, %swap3A_267] {strides = array<i32>} : memref<8x128xi32, #tpu.memory_space<vmem>>, vector<1x16xi32>,
    %swap3A_269 = vector.shape_cast %swap3A_268 : vector<1x16xi32> to vector<16xi32>
    %swap3A_270 = vector.shape_cast %broadcast_in_dim3A : vector<16xi32> to vector<1x16xi32>
    tpu.vector_store %arg8[%swap3A_266, %swap3A_267], %swap3A_270 {strides = array<i32>} : memref<8x128xi32, #tpu.memory_space<vmem>>, vector<1x16xi32>,
    %swap3A_271 = arith.constant 5 : i32
    %swap3A_272 = arith.index_cast %swap3A_271 : i32 to index
    %swap3A_273 = arith.constant 48 : index
    %swap3A_274 = tpu.vector_load %arg8[%swap3A_272, %swap3A_273] {strides = array<i32>} : memref<8x128xi32, #tpu.memory_space<vmem>>, vector<1x16xi32>,
    %swap3A_275 = vector.shape_cast %swap3A_274 : vector<1x16xi32> to vector<16xi32>
    %swap3A_276 = vector.shape_cast %broadcast_in_dim3A : vector<16xi32> to vector<1x16xi32>
    tpu.vector_store %arg8[%swap3A_272, %swap3A_273], %swap3A_276 {strides = array<i32>} : memref<8x128xi32, #tpu.memory_space<vmem>>, vector<1x16xi32>,
    %swap3A_277 = arith.constant 5 : i32
    %swap3A_278 = arith.index_cast %swap3A_277 : i32 to index
    %swap3A_279 = arith.constant 64 : index
    %swap3A_280 = tpu.vector_load %arg8[%swap3A_278, %swap3A_279] {strides = array<i32>} : memref<8x128xi32, #tpu.memory_space<vmem>>, vector<1x16xi32>,
    %swap3A_281 = vector.shape_cast %swap3A_280 : vector<1x16xi32> to vector<16xi32>
    %swap3A_282 = vector.shape_cast %broadcast_in_dim3A : vector<16xi32> to vector<1x16xi32>
    tpu.vector_store %arg8[%swap3A_278, %swap3A_279], %swap3A_282 {strides = array<i32>} : memref<8x128xi32, #tpu.memory_space<vmem>>, vector<1x16xi32>,
    %swap3A_283 = arith.constant 5 : i32
    %swap3A_284 = arith.index_cast %swap3A_283 : i32 to index
    %swap3A_285 = arith.constant 80 : index
    %swap3A_286 = tpu.vector_load %arg8[%swap3A_284, %swap3A_285] {strides = array<i32>} : memref<8x128xi32, #tpu.memory_space<vmem>>, vector<1x16xi32>,
    %swap3A_287 = vector.shape_cast %swap3A_286 : vector<1x16xi32> to vector<16xi32>
    %swap3A_288 = vector.shape_cast %broadcast_in_dim3A : vector<16xi32> to vector<1x16xi32>
    tpu.vector_store %arg8[%swap3A_284, %swap3A_285], %swap3A_288 {strides = array<i32>} : memref<8x128xi32, #tpu.memory_space<vmem>>, vector<1x16xi32>,
    %swap3A_289 = arith.constant 5 : i32
    %swap3A_290 = arith.index_cast %swap3A_289 : i32 to index
    %swap3A_291 = arith.constant 96 : index
    %swap3A_292 = tpu.vector_load %arg8[%swap3A_290, %swap3A_291] {strides = array<i32>} : memref<8x128xi32, #tpu.memory_space<vmem>>, vector<1x16xi32>,
    %swap3A_293 = vector.shape_cast %swap3A_292 : vector<1x16xi32> to vector<16xi32>
    %swap3A_294 = vector.shape_cast %broadcast_in_dim3A : vector<16xi32> to vector<1x16xi32>
    tpu.vector_store %arg8[%swap3A_290, %swap3A_291], %swap3A_294 {strides = array<i32>} : memref<8x128xi32, #tpu.memory_space<vmem>>, vector<1x16xi32>,
    %swap3A_295 = arith.constant 5 : i32
    %swap3A_296 = arith.index_cast %swap3A_295 : i32 to index
    %swap3A_297 = arith.constant 112 : index
    %swap3A_298 = tpu.vector_load %arg8[%swap3A_296, %swap3A_297] {strides = array<i32>} : memref<8x128xi32, #tpu.memory_space<vmem>>, vector<1x16xi32>,
    %swap3A_299 = vector.shape_cast %swap3A_298 : vector<1x16xi32> to vector<16xi32>
    %swap3A_300 = vector.shape_cast %broadcast_in_dim3A : vector<16xi32> to vector<1x16xi32>
    tpu.vector_store %arg8[%swap3A_296, %swap3A_297], %swap3A_300 {strides = array<i32>} : memref<8x128xi32, #tpu.memory_space<vmem>>, vector<1x16xi32>,
    %swap3A_301 = arith.constant 6 : i32
    %swap3A_302 = arith.index_cast %swap3A_301 : i32 to index
    %swap3A_303 = arith.constant 0 : index
    %swap3A_304 = tpu.vector_load %arg8[%swap3A_302, %swap3A_303] {strides = array<i32>} : memref<8x128xi32, #tpu.memory_space<vmem>>, vector<1x16xi32>,
    %swap3A_305 = vector.shape_cast %swap3A_304 : vector<1x16xi32> to vector<16xi32>
    %swap3A_306 = vector.shape_cast %broadcast_in_dim3A : vector<16xi32> to vector<1x16xi32>
    tpu.vector_store %arg8[%swap3A_302, %swap3A_303], %swap3A_306 {strides = array<i32>} : memref<8x128xi32, #tpu.memory_space<vmem>>, vector<1x16xi32>,
    %swap3A_307 = arith.constant 6 : i32
    %swap3A_308 = arith.index_cast %swap3A_307 : i32 to index
    %swap3A_309 = arith.constant 16 : index
    %swap3A_310 = tpu.vector_load %arg8[%swap3A_308, %swap3A_309] {strides = array<i32>} : memref<8x128xi32, #tpu.memory_space<vmem>>, vector<1x16xi32>,
    %swap3A_311 = vector.shape_cast %swap3A_310 : vector<1x16xi32> to vector<16xi32>
    %swap3A_312 = vector.shape_cast %broadcast_in_dim3A : vector<16xi32> to vector<1x16xi32>
    tpu.vector_store %arg8[%swap3A_308, %swap3A_309], %swap3A_312 {strides = array<i32>} : memref<8x128xi32, #tpu.memory_space<vmem>>, vector<1x16xi32>,
    %swap3A_313 = arith.constant 6 : i32
    %swap3A_314 = arith.index_cast %swap3A_313 : i32 to index
    %swap3A_315 = arith.constant 32 : index
    %swap3A_316 = tpu.vector_load %arg8[%swap3A_314, %swap3A_315] {strides = array<i32>} : memref<8x128xi32, #tpu.memory_space<vmem>>, vector<1x16xi32>,
    %swap3A_317 = vector.shape_cast %swap3A_316 : vector<1x16xi32> to vector<16xi32>
    %swap3A_318 = vector.shape_cast %broadcast_in_dim3A : vector<16xi32> to vector<1x16xi32>
    tpu.vector_store %arg8[%swap3A_314, %swap3A_315], %swap3A_318 {strides = array<i32>} : memref<8x128xi32, #tpu.memory_space<vmem>>, vector<1x16xi32>,
    %swap3A_319 = arith.constant 6 : i32
    %swap3A_320 = arith.index_cast %swap3A_319 : i32 to index
    %swap3A_321 = arith.constant 48 : index
    %swap3A_322 = tpu.vector_load %arg8[%swap3A_320, %swap3A_321] {strides = array<i32>} : memref<8x128xi32, #tpu.memory_space<vmem>>, vector<1x16xi32>,
    %swap3A_323 = vector.shape_cast %swap3A_322 : vector<1x16xi32> to vector<16xi32>
    %swap3A_324 = vector.shape_cast %broadcast_in_dim3A : vector<16xi32> to vector<1x16xi32>
    tpu.vector_store %arg8[%swap3A_320, %swap3A_321], %swap3A_324 {strides = array<i32>} : memref<8x128xi32, #tpu.memory_space<vmem>>, vector<1x16xi32>,
    %swap3A_325 = arith.constant 6 : i32
    %swap3A_326 = arith.index_cast %swap3A_325 : i32 to index
    %swap3A_327 = arith.constant 64 : index
    %swap3A_328 = tpu.vector_load %arg8[%swap3A_326, %swap3A_327] {strides = array<i32>} : memref<8x128xi32, #tpu.memory_space<vmem>>, vector<1x16xi32>,
    %swap3A_329 = vector.shape_cast %swap3A_328 : vector<1x16xi32> to vector<16xi32>
    %swap3A_330 = vector.shape_cast %broadcast_in_dim3A : vector<16xi32> to vector<1x16xi32>
    tpu.vector_store %arg8[%swap3A_326, %swap3A_327], %swap3A_330 {strides = array<i32>} : memref<8x128xi32, #tpu.memory_space<vmem>>, vector<1x16xi32>,
    %swap3A_331 = arith.constant 6 : i32
    %swap3A_332 = arith.index_cast %swap3A_331 : i32 to index
    %swap3A_333 = arith.constant 80 : index
    %swap3A_334 = tpu.vector_load %arg8[%swap3A_332, %swap3A_333] {strides = array<i32>} : memref<8x128xi32, #tpu.memory_space<vmem>>, vector<1x16xi32>,
    %swap3A_335 = vector.shape_cast %swap3A_334 : vector<1x16xi32> to vector<16xi32>
    %swap3A_336 = vector.shape_cast %broadcast_in_dim3A : vector<16xi32> to vector<1x16xi32>
    tpu.vector_store %arg8[%swap3A_332, %swap3A_333], %swap3A_336 {strides = array<i32>} : memref<8x128xi32, #tpu.memory_space<vmem>>, vector<1x16xi32>,
    %swap3A_337 = arith.constant 6 : i32
    %swap3A_338 = arith.index_cast %swap3A_337 : i32 to index
    %swap3A_339 = arith.constant 96 : index
    %swap3A_340 = tpu.vector_load %arg8[%swap3A_338, %swap3A_339] {strides = array<i32>} : memref<8x128xi32, #tpu.memory_space<vmem>>, vector<1x16xi32>,
    %swap3A_341 = vector.shape_cast %swap3A_340 : vector<1x16xi32> to vector<16xi32>
    %swap3A_342 = vector.shape_cast %broadcast_in_dim3A : vector<16xi32> to vector<1x16xi32>
    tpu.vector_store %arg8[%swap3A_338, %swap3A_339], %swap3A_342 {strides = array<i32>} : memref<8x128xi32, #tpu.memory_space<vmem>>, vector<1x16xi32>,
    %swap3A_343 = arith.constant 6 : i32
    %swap3A_344 = arith.index_cast %swap3A_343 : i32 to index
    %swap3A_345 = arith.constant 112 : index
    %swap3A_346 = tpu.vector_load %arg8[%swap3A_344, %swap3A_345] {strides = array<i32>} : memref<8x128xi32, #tpu.memory_space<vmem>>, vector<1x16xi32>,
    %swap3A_347 = vector.shape_cast %swap3A_346 : vector<1x16xi32> to vector<16xi32>
    %swap3A_348 = vector.shape_cast %broadcast_in_dim3A : vector<16xi32> to vector<1x16xi32>
    tpu.vector_store %arg8[%swap3A_344, %swap3A_345], %swap3A_348 {strides = array<i32>} : memref<8x128xi32, #tpu.memory_space<vmem>>, vector<1x16xi32>,
    %swap3A_349 = arith.constant 7 : i32
    %swap3A_350 = arith.index_cast %swap3A_349 : i32 to index
    %swap3A_351 = arith.constant 0 : index
    %swap3A_352 = tpu.vector_load %arg8[%swap3A_350, %swap3A_351] {strides = array<i32>} : memref<8x128xi32, #tpu.memory_space<vmem>>, vector<1x16xi32>,
    %swap3A_353 = vector.shape_cast %swap3A_352 : vector<1x16xi32> to vector<16xi32>
    %swap3A_354 = vector.shape_cast %broadcast_in_dim3A : vector<16xi32> to vector<1x16xi32>
    tpu.vector_store %arg8[%swap3A_350, %swap3A_351], %swap3A_354 {strides = array<i32>} : memref<8x128xi32, #tpu.memory_space<vmem>>, vector<1x16xi32>,
    %swap3A_355 = arith.constant 7 : i32
    %swap3A_356 = arith.index_cast %swap3A_355 : i32 to index
    %swap3A_357 = arith.constant 16 : index
    %swap3A_358 = tpu.vector_load %arg8[%swap3A_356, %swap3A_357] {strides = array<i32>} : memref<8x128xi32, #tpu.memory_space<vmem>>, vector<1x16xi32>,
    %swap3A_359 = vector.shape_cast %swap3A_358 : vector<1x16xi32> to vector<16xi32>
    %swap3A_360 = vector.shape_cast %broadcast_in_dim3A : vector<16xi32> to vector<1x16xi32>
    tpu.vector_store %arg8[%swap3A_356, %swap3A_357], %swap3A_360 {strides = array<i32>} : memref<8x128xi32, #tpu.memory_space<vmem>>, vector<1x16xi32>,
    %swap3A_361 = arith.constant 7 : i32
    %swap3A_362 = arith.index_cast %swap3A_361 : i32 to index
    %swap3A_363 = arith.constant 32 : index
    %swap3A_364 = tpu.vector_load %arg8[%swap3A_362, %swap3A_363] {strides = array<i32>} : memref<8x128xi32, #tpu.memory_space<vmem>>, vector<1x16xi32>,
    %swap3A_365 = vector.shape_cast %swap3A_364 : vector<1x16xi32> to vector<16xi32>
    %swap3A_366 = vector.shape_cast %broadcast_in_dim3A : vector<16xi32> to vector<1x16xi32>
    tpu.vector_store %arg8[%swap3A_362, %swap3A_363], %swap3A_366 {strides = array<i32>} : memref<8x128xi32, #tpu.memory_space<vmem>>, vector<1x16xi32>,
    %swap3A_367 = arith.constant 7 : i32
    %swap3A_368 = arith.index_cast %swap3A_367 : i32 to index
    %swap3A_369 = arith.constant 48 : index
    %swap3A_370 = tpu.vector_load %arg8[%swap3A_368, %swap3A_369] {strides = array<i32>} : memref<8x128xi32, #tpu.memory_space<vmem>>, vector<1x16xi32>,
    %swap3A_371 = vector.shape_cast %swap3A_370 : vector<1x16xi32> to vector<16xi32>
    %swap3A_372 = vector.shape_cast %broadcast_in_dim3A : vector<16xi32> to vector<1x16xi32>
    tpu.vector_store %arg8[%swap3A_368, %swap3A_369], %swap3A_372 {strides = array<i32>} : memref<8x128xi32, #tpu.memory_space<vmem>>, vector<1x16xi32>,
    %swap3A_373 = arith.constant 7 : i32
    %swap3A_374 = arith.index_cast %swap3A_373 : i32 to index
    %swap3A_375 = arith.constant 64 : index
    %swap3A_376 = tpu.vector_load %arg8[%swap3A_374, %swap3A_375] {strides = array<i32>} : memref<8x128xi32, #tpu.memory_space<vmem>>, vector<1x16xi32>,
    %swap3A_377 = vector.shape_cast %swap3A_376 : vector<1x16xi32> to vector<16xi32>
    %swap3A_378 = vector.shape_cast %broadcast_in_dim3A : vector<16xi32> to vector<1x16xi32>
    tpu.vector_store %arg8[%swap3A_374, %swap3A_375], %swap3A_378 {strides = array<i32>} : memref<8x128xi32, #tpu.memory_space<vmem>>, vector<1x16xi32>,
    %swap3A_379 = arith.constant 7 : i32
    %swap3A_380 = arith.index_cast %swap3A_379 : i32 to index
    %swap3A_381 = arith.constant 80 : index
    %swap3A_382 = tpu.vector_load %arg8[%swap3A_380, %swap3A_381] {strides = array<i32>} : memref<8x128xi32, #tpu.memory_space<vmem>>, vector<1x16xi32>,
    %swap3A_383 = vector.shape_cast %swap3A_382 : vector<1x16xi32> to vector<16xi32>
    %swap3A_384 = vector.shape_cast %broadcast_in_dim3A : vector<16xi32> to vector<1x16xi32>
    tpu.vector_store %arg8[%swap3A_380, %swap3A_381], %swap3A_384 {strides = array<i32>} : memref<8x128xi32, #tpu.memory_space<vmem>>, vector<1x16xi32>,
    %swap3A_385 = arith.constant 7 : i32
    %swap3A_386 = arith.index_cast %swap3A_385 : i32 to index
    %swap3A_387 = arith.constant 96 : index
    %swap3A_388 = tpu.vector_load %arg8[%swap3A_386, %swap3A_387] {strides = array<i32>} : memref<8x128xi32, #tpu.memory_space<vmem>>, vector<1x16xi32>,
    %swap3A_389 = vector.shape_cast %swap3A_388 : vector<1x16xi32> to vector<16xi32>
    %swap3A_390 = vector.shape_cast %broadcast_in_dim3A : vector<16xi32> to vector<1x16xi32>
    tpu.vector_store %arg8[%swap3A_386, %swap3A_387], %swap3A_390 {strides = array<i32>} : memref<8x128xi32, #tpu.memory_space<vmem>>, vector<1x16xi32>,
    %swap3A_391 = arith.constant 7 : i32
    %swap3A_392 = arith.index_cast %swap3A_391 : i32 to index
    %swap3A_393 = arith.constant 112 : index
    %swap3A_394 = tpu.vector_load %arg8[%swap3A_392, %swap3A_393] {strides = array<i32>} : memref<8x128xi32, #tpu.memory_space<vmem>>, vector<1x16xi32>,
    %swap3A_395 = vector.shape_cast %swap3A_394 : vector<1x16xi32> to vector<16xi32>
    %swap3A_396 = vector.shape_cast %broadcast_in_dim3A : vector<16xi32> to vector<1x16xi32>
    tpu.vector_store %arg8[%swap3A_392, %swap3A_393], %swap3A_396 {strides = array<i32>} : memref<8x128xi32, #tpu.memory_space<vmem>>, vector<1x16xi32>,
    %dma_start3A = arith.constant 0 : i32
    %dma_start3A_397 = arith.constant 0 : i32
    %dma_start3A_398 = arith.constant 0 : i32
    %dma_start3A_399 = tpu.memref_slice %arg9[%dma_start3A_397, %dma_start3A_398] : memref<1024x16xf32, #tpu.memory_space<vmem>> -> memref<128x16xf32, #tpu.memory_space<vmem>>
    %dma_start3A_400 = arith.constant 0 : i32
    %dma_start3A_401 = tpu.memref_slice %arg8[%dma_start3A, %dma_start3A_400] : memref<8x128xi32, #tpu.memory_space<vmem>> -> memref<1x128xi32, #tpu.memory_space<vmem>>
    %dma_start3A_402 = tpu.memref_squeeze %dma_start3A_401 : memref<1x128xi32, #tpu.memory_space<vmem>> -> memref<128xi32, #tpu.memory_space<vmem>>
    %dma_start3A_403 = arith.constant 0 : i32
    %dma_start3A_404 = arith.constant 0 : i32
    %dma_start3A_405 = tpu.memref_slice %arg10[%dma_start3A_403, %dma_start3A_404] : memref<100016x16xf32, #tpu.memory_space<vmem_shared>> -> memref<100016x16xf32, #tpu.memory_space<vmem_shared>>
    tpu.enqueue_indirect_dma source(%dma_start3A_399 : memref<128x16xf32, #tpu.memory_space<vmem>>) target(%dma_start3A_405 : memref<100016x16xf32, #tpu.memory_space<vmem_shared>>) offsets(%dma_start3A_402 : memref<128xi32, #tpu.memory_space<vmem>>) semaphore(%arg12 : memref<!tpu.dma_semaphore, #tpu.memory_space<semaphore_mem>>) {add = true}
    %dma_start3A_406 = arith.constant 1 : i32
    %dma_start3A_407 = arith.constant 128 : i32
    %dma_start3A_408 = arith.constant 0 : i32
    %dma_start3A_409 = tpu.memref_slice %arg9[%dma_start3A_407, %dma_start3A_408] : memref<1024x16xf32, #tpu.memory_space<vmem>> -> memref<128x16xf32, #tpu.memory_space<vmem>>
    %dma_start3A_410 = arith.constant 0 : i32
    %dma_start3A_411 = tpu.memref_slice %arg8[%dma_start3A_406, %dma_start3A_410] : memref<8x128xi32, #tpu.memory_space<vmem>> -> memref<1x128xi32, #tpu.memory_space<vmem>>
    %dma_start3A_412 = tpu.memref_squeeze %dma_start3A_411 : memref<1x128xi32, #tpu.memory_space<vmem>> -> memref<128xi32, #tpu.memory_space<vmem>>
    %dma_start3A_413 = arith.constant 0 : i32
    %dma_start3A_414 = arith.constant 0 : i32
    %dma_start3A_415 = tpu.memref_slice %arg10[%dma_start3A_413, %dma_start3A_414] : memref<100016x16xf32, #tpu.memory_space<vmem_shared>> -> memref<100016x16xf32, #tpu.memory_space<vmem_shared>>
    tpu.enqueue_indirect_dma source(%dma_start3A_409 : memref<128x16xf32, #tpu.memory_space<vmem>>) target(%dma_start3A_415 : memref<100016x16xf32, #tpu.memory_space<vmem_shared>>) offsets(%dma_start3A_412 : memref<128xi32, #tpu.memory_space<vmem>>) semaphore(%arg12 : memref<!tpu.dma_semaphore, #tpu.memory_space<semaphore_mem>>) {add = true}
    %dma_start3A_416 = arith.constant 2 : i32
    %dma_start3A_417 = arith.constant 256 : i32
    %dma_start3A_418 = arith.constant 0 : i32
    %dma_start3A_419 = tpu.memref_slice %arg9[%dma_start3A_417, %dma_start3A_418] : memref<1024x16xf32, #tpu.memory_space<vmem>> -> memref<128x16xf32, #tpu.memory_space<vmem>>
    %dma_start3A_420 = arith.constant 0 : i32
    %dma_start3A_421 = tpu.memref_slice %arg8[%dma_start3A_416, %dma_start3A_420] : memref<8x128xi32, #tpu.memory_space<vmem>> -> memref<1x128xi32, #tpu.memory_space<vmem>>
    %dma_start3A_422 = tpu.memref_squeeze %dma_start3A_421 : memref<1x128xi32, #tpu.memory_space<vmem>> -> memref<128xi32, #tpu.memory_space<vmem>>
    %dma_start3A_423 = arith.constant 0 : i32
    %dma_start3A_424 = arith.constant 0 : i32
    %dma_start3A_425 = tpu.memref_slice %arg10[%dma_start3A_423, %dma_start3A_424] : memref<100016x16xf32, #tpu.memory_space<vmem_shared>> -> memref<100016x16xf32, #tpu.memory_space<vmem_shared>>
    tpu.enqueue_indirect_dma source(%dma_start3A_419 : memref<128x16xf32, #tpu.memory_space<vmem>>) target(%dma_start3A_425 : memref<100016x16xf32, #tpu.memory_space<vmem_shared>>) offsets(%dma_start3A_422 : memref<128xi32, #tpu.memory_space<vmem>>) semaphore(%arg12 : memref<!tpu.dma_semaphore, #tpu.memory_space<semaphore_mem>>) {add = true}
    %dma_start3A_426 = arith.constant 3 : i32
    %dma_start3A_427 = arith.constant 384 : i32
    %dma_start3A_428 = arith.constant 0 : i32
    %dma_start3A_429 = tpu.memref_slice %arg9[%dma_start3A_427, %dma_start3A_428] : memref<1024x16xf32, #tpu.memory_space<vmem>> -> memref<128x16xf32, #tpu.memory_space<vmem>>
    %dma_start3A_430 = arith.constant 0 : i32
    %dma_start3A_431 = tpu.memref_slice %arg8[%dma_start3A_426, %dma_start3A_430] : memref<8x128xi32, #tpu.memory_space<vmem>> -> memref<1x128xi32, #tpu.memory_space<vmem>>
    %dma_start3A_432 = tpu.memref_squeeze %dma_start3A_431 : memref<1x128xi32, #tpu.memory_space<vmem>> -> memref<128xi32, #tpu.memory_space<vmem>>
    %dma_start3A_433 = arith.constant 0 : i32
    %dma_start3A_434 = arith.constant 0 : i32
    %dma_start3A_435 = tpu.memref_slice %arg10[%dma_start3A_433, %dma_start3A_434] : memref<100016x16xf32, #tpu.memory_space<vmem_shared>> -> memref<100016x16xf32, #tpu.memory_space<vmem_shared>>
    tpu.enqueue_indirect_dma source(%dma_start3A_429 : memref<128x16xf32, #tpu.memory_space<vmem>>) target(%dma_start3A_435 : memref<100016x16xf32, #tpu.memory_space<vmem_shared>>) offsets(%dma_start3A_432 : memref<128xi32, #tpu.memory_space<vmem>>) semaphore(%arg12 : memref<!tpu.dma_semaphore, #tpu.memory_space<semaphore_mem>>) {add = true}
    %dma_start3A_436 = arith.constant 4 : i32
    %dma_start3A_437 = arith.constant 512 : i32
    %dma_start3A_438 = arith.constant 0 : i32
    %dma_start3A_439 = tpu.memref_slice %arg9[%dma_start3A_437, %dma_start3A_438] : memref<1024x16xf32, #tpu.memory_space<vmem>> -> memref<128x16xf32, #tpu.memory_space<vmem>>
    %dma_start3A_440 = arith.constant 0 : i32
    %dma_start3A_441 = tpu.memref_slice %arg8[%dma_start3A_436, %dma_start3A_440] : memref<8x128xi32, #tpu.memory_space<vmem>> -> memref<1x128xi32, #tpu.memory_space<vmem>>
    %dma_start3A_442 = tpu.memref_squeeze %dma_start3A_441 : memref<1x128xi32, #tpu.memory_space<vmem>> -> memref<128xi32, #tpu.memory_space<vmem>>
    %dma_start3A_443 = arith.constant 0 : i32
    %dma_start3A_444 = arith.constant 0 : i32
    %dma_start3A_445 = tpu.memref_slice %arg10[%dma_start3A_443, %dma_start3A_444] : memref<100016x16xf32, #tpu.memory_space<vmem_shared>> -> memref<100016x16xf32, #tpu.memory_space<vmem_shared>>
    tpu.enqueue_indirect_dma source(%dma_start3A_439 : memref<128x16xf32, #tpu.memory_space<vmem>>) target(%dma_start3A_445 : memref<100016x16xf32, #tpu.memory_space<vmem_shared>>) offsets(%dma_start3A_442 : memref<128xi32, #tpu.memory_space<vmem>>) semaphore(%arg12 : memref<!tpu.dma_semaphore, #tpu.memory_space<semaphore_mem>>) {add = true}
    %dma_start3A_446 = arith.constant 5 : i32
    %dma_start3A_447 = arith.constant 640 : i32
    %dma_start3A_448 = arith.constant 0 : i32
    %dma_start3A_449 = tpu.memref_slice %arg9[%dma_start3A_447, %dma_start3A_448] : memref<1024x16xf32, #tpu.memory_space<vmem>> -> memref<128x16xf32, #tpu.memory_space<vmem>>
    %dma_start3A_450 = arith.constant 0 : i32
    %dma_start3A_451 = tpu.memref_slice %arg8[%dma_start3A_446, %dma_start3A_450] : memref<8x128xi32, #tpu.memory_space<vmem>> -> memref<1x128xi32, #tpu.memory_space<vmem>>
    %dma_start3A_452 = tpu.memref_squeeze %dma_start3A_451 : memref<1x128xi32, #tpu.memory_space<vmem>> -> memref<128xi32, #tpu.memory_space<vmem>>
    %dma_start3A_453 = arith.constant 0 : i32
    %dma_start3A_454 = arith.constant 0 : i32
    %dma_start3A_455 = tpu.memref_slice %arg10[%dma_start3A_453, %dma_start3A_454] : memref<100016x16xf32, #tpu.memory_space<vmem_shared>> -> memref<100016x16xf32, #tpu.memory_space<vmem_shared>>
    tpu.enqueue_indirect_dma source(%dma_start3A_449 : memref<128x16xf32, #tpu.memory_space<vmem>>) target(%dma_start3A_455 : memref<100016x16xf32, #tpu.memory_space<vmem_shared>>) offsets(%dma_start3A_452 : memref<128xi32, #tpu.memory_space<vmem>>) semaphore(%arg12 : memref<!tpu.dma_semaphore, #tpu.memory_space<semaphore_mem>>) {add = true}
    %dma_start3A_456 = arith.constant 6 : i32
    %dma_start3A_457 = arith.constant 768 : i32
    %dma_start3A_458 = arith.constant 0 : i32
    %dma_start3A_459 = tpu.memref_slice %arg9[%dma_start3A_457, %dma_start3A_458] : memref<1024x16xf32, #tpu.memory_space<vmem>> -> memref<128x16xf32, #tpu.memory_space<vmem>>
    %dma_start3A_460 = arith.constant 0 : i32
    %dma_start3A_461 = tpu.memref_slice %arg8[%dma_start3A_456, %dma_start3A_460] : memref<8x128xi32, #tpu.memory_space<vmem>> -> memref<1x128xi32, #tpu.memory_space<vmem>>
    %dma_start3A_462 = tpu.memref_squeeze %dma_start3A_461 : memref<1x128xi32, #tpu.memory_space<vmem>> -> memref<128xi32, #tpu.memory_space<vmem>>
    %dma_start3A_463 = arith.constant 0 : i32
    %dma_start3A_464 = arith.constant 0 : i32
    %dma_start3A_465 = tpu.memref_slice %arg10[%dma_start3A_463, %dma_start3A_464] : memref<100016x16xf32, #tpu.memory_space<vmem_shared>> -> memref<100016x16xf32, #tpu.memory_space<vmem_shared>>
    tpu.enqueue_indirect_dma source(%dma_start3A_459 : memref<128x16xf32, #tpu.memory_space<vmem>>) target(%dma_start3A_465 : memref<100016x16xf32, #tpu.memory_space<vmem_shared>>) offsets(%dma_start3A_462 : memref<128xi32, #tpu.memory_space<vmem>>) semaphore(%arg12 : memref<!tpu.dma_semaphore, #tpu.memory_space<semaphore_mem>>) {add = true}
    %dma_start3A_466 = arith.constant 7 : i32
    %dma_start3A_467 = arith.constant 896 : i32
    %dma_start3A_468 = arith.constant 0 : i32
    %dma_start3A_469 = tpu.memref_slice %arg9[%dma_start3A_467, %dma_start3A_468] : memref<1024x16xf32, #tpu.memory_space<vmem>> -> memref<128x16xf32, #tpu.memory_space<vmem>>
    %dma_start3A_470 = arith.constant 0 : i32
    %dma_start3A_471 = tpu.memref_slice %arg8[%dma_start3A_466, %dma_start3A_470] : memref<8x128xi32, #tpu.memory_space<vmem>> -> memref<1x128xi32, #tpu.memory_space<vmem>>
    %dma_start3A_472 = tpu.memref_squeeze %dma_start3A_471 : memref<1x128xi32, #tpu.memory_space<vmem>> -> memref<128xi32, #tpu.memory_space<vmem>>
    %dma_start3A_473 = arith.constant 0 : i32
    %dma_start3A_474 = arith.constant 0 : i32
    %dma_start3A_475 = tpu.memref_slice %arg10[%dma_start3A_473, %dma_start3A_474] : memref<100016x16xf32, #tpu.memory_space<vmem_shared>> -> memref<100016x16xf32, #tpu.memory_space<vmem_shared>>
    tpu.enqueue_indirect_dma source(%dma_start3A_469 : memref<128x16xf32, #tpu.memory_space<vmem>>) target(%dma_start3A_475 : memref<100016x16xf32, #tpu.memory_space<vmem_shared>>) offsets(%dma_start3A_472 : memref<128xi32, #tpu.memory_space<vmem>>) semaphore(%arg12 : memref<!tpu.dma_semaphore, #tpu.memory_space<semaphore_mem>>) {add = true}
    %scan3A = arith.constant 0 : i32
    %scan3A_476 = arith.constant 0 : i32
    %scan3A_477 = arith.constant 98 : i32
    %scan3A_478 = arith.addi %scan3A_476, %scan3A_477 : i32
    %scan3A_479 = arith.constant 1 : i32
    scf.for %scan3A_487 = %scan3A_476 to %scan3A_478 step %scan3A_479  : i32 {
      %dma_wait3A_488 = arith.constant 0 : i32
      %dma_wait3A_489 = arith.constant 0 : i32
      %dma_wait3A_490 = tpu.memref_slice %arg5[%dma_wait3A_488, %dma_wait3A_489] : memref<6251x16xf32, #tpu.memory_space<hbm>> -> memref<1024x16xf32, #tpu.memory_space<hbm>>
      %dma_wait3A_491 = arith.constant 0 : i32
      %dma_wait3A_492 = arith.constant 0 : i32
      %dma_wait3A_493 = tpu.memref_slice %arg5[%dma_wait3A_491, %dma_wait3A_492] : memref<6251x16xf32, #tpu.memory_space<hbm>> -> memref<1024x16xf32, #tpu.memory_space<hbm>>
      tpu.wait_dma2 semaphore(%arg12 : memref<!tpu.dma_semaphore, #tpu.memory_space<semaphore_mem>>) src(%dma_wait3A_493 : memref<1024x16xf32, #tpu.memory_space<hbm>>) dst(%arg9 : memref<1024x16xf32, #tpu.memory_space<vmem>>)
      %mul3A_494 = arith.constant 98 : i32
      %mul3A_495 = arith.muli %add3A, %mul3A_494 : i32
      %add3A_496 = arith.addi %mul3A_495, %scan3A_487 : i32
      %mul3A_497 = arith.constant 8 : i32
      %mul3A_498 = arith.muli %add3A_496, %mul3A_497 : i32
      "tpu.region"() ({
        %run_scoped3A = tpu.sem_alloc : memref<!tpu.dma_semaphore, #tpu.memory_space<semaphore_mem>>
        %dma_start3A_739 = arith.constant 0 : i32
        %dma_start3A_740 = tpu.memref_slice %arg2[%mul3A_498, %dma_start3A_739] : memref<25088x128xi32, #tpu.memory_space<hbm>> -> memref<8x128xi32, #tpu.memory_space<hbm>>
        %dma_start3A_741 = arith.constant 0 : i32
        %dma_start3A_742 = tpu.memref_slice %arg2[%mul3A_498, %dma_start3A_741] : memref<25088x128xi32, #tpu.memory_space<hbm>> -> memref<8x128xi32, #tpu.memory_space<hbm>>
        tpu.enqueue_dma source(%dma_start3A_742 : memref<8x128xi32, #tpu.memory_space<hbm>>) target(%arg7 : memref<8x128xi32, #tpu.memory_space<vmem>>) target_semaphore(%run_scoped3A : memref<!tpu.dma_semaphore, #tpu.memory_space<semaphore_mem>>)
        %dma_wait3A_743 = arith.constant 0 : i32
        %dma_wait3A_744 = tpu.memref_slice %arg2[%mul3A_498, %dma_wait3A_743] : memref<25088x128xi32, #tpu.memory_space<hbm>> -> memref<8x128xi32, #tpu.memory_space<hbm>>
        %dma_wait3A_745 = arith.constant 0 : i32
        %dma_wait3A_746 = tpu.memref_slice %arg2[%mul3A_498, %dma_wait3A_745] : memref<25088x128xi32, #tpu.memory_space<hbm>> -> memref<8x128xi32, #tpu.memory_space<hbm>>
        tpu.wait_dma2 semaphore(%run_scoped3A : memref<!tpu.dma_semaphore, #tpu.memory_space<semaphore_mem>>) src(%dma_wait3A_746 : memref<8x128xi32, #tpu.memory_space<hbm>>) dst(%arg7 : memref<8x128xi32, #tpu.memory_space<vmem>>)
        tpu.yield
      }) : () -> ()
      "tpu.region"() ({
        %run_scoped3A = tpu.sem_alloc : memref<!tpu.dma_semaphore, #tpu.memory_space<semaphore_mem>>
        %dma_start3A_739 = arith.constant 0 : i32
        %dma_start3A_740 = tpu.memref_slice %arg3[%mul3A_498, %dma_start3A_739] : memref<25088x128xi32, #tpu.memory_space<hbm>> -> memref<8x128xi32, #tpu.memory_space<hbm>>
        %dma_start3A_741 = arith.constant 0 : i32
        %dma_start3A_742 = tpu.memref_slice %arg3[%mul3A_498, %dma_start3A_741] : memref<25088x128xi32, #tpu.memory_space<hbm>> -> memref<8x128xi32, #tpu.memory_space<hbm>>
        tpu.enqueue_dma source(%dma_start3A_742 : memref<8x128xi32, #tpu.memory_space<hbm>>) target(%arg8 : memref<8x128xi32, #tpu.memory_space<vmem>>) target_semaphore(%run_scoped3A : memref<!tpu.dma_semaphore, #tpu.memory_space<semaphore_mem>>)
        %dma_wait3A_743 = arith.constant 0 : i32
        %dma_wait3A_744 = tpu.memref_slice %arg3[%mul3A_498, %dma_wait3A_743] : memref<25088x128xi32, #tpu.memory_space<hbm>> -> memref<8x128xi32, #tpu.memory_space<hbm>>
        %dma_wait3A_745 = arith.constant 0 : i32
        %dma_wait3A_746 = tpu.memref_slice %arg3[%mul3A_498, %dma_wait3A_745] : memref<25088x128xi32, #tpu.memory_space<hbm>> -> memref<8x128xi32, #tpu.memory_space<hbm>>
        tpu.wait_dma2 semaphore(%run_scoped3A : memref<!tpu.dma_semaphore, #tpu.memory_space<semaphore_mem>>) src(%dma_wait3A_746 : memref<8x128xi32, #tpu.memory_space<hbm>>) dst(%arg8 : memref<8x128xi32, #tpu.memory_space<vmem>>)
        tpu.yield
      }) : () -> ()
      %dma_start3A_499 = arith.constant 0 : i32
      %dma_start3A_500 = arith.constant 0 : i32
      %dma_start3A_501 = arith.constant 0 : i32
      %dma_start3A_502 = tpu.memref_slice %arg9[%dma_start3A_500, %dma_start3A_501] : memref<1024x16xf32, #tpu.memory_space<vmem>> -> memref<128x16xf32, #tpu.memory_space<vmem>>
      %dma_start3A_503 = arith.constant 0 : i32
      %dma_start3A_504 = tpu.memref_slice %arg7[%dma_start3A_499, %dma_start3A_503] : memref<8x128xi32, #tpu.memory_space<vmem>> -> memref<1x128xi32, #tpu.memory_space<vmem>>
      %dma_start3A_505 = tpu.memref_squeeze %dma_start3A_504 : memref<1x128xi32, #tpu.memory_space<vmem>> -> memref<128xi32, #tpu.memory_space<vmem>>
      %dma_start3A_506 = arith.constant 0 : i32
      %dma_start3A_507 = arith.constant 0 : i32
      %dma_start3A_508 = tpu.memref_slice %arg4[%dma_start3A_506, %dma_start3A_507] : memref<100016x16xf32, #tpu.memory_space<hbm>> -> memref<100016x16xf32, #tpu.memory_space<hbm>>
      tpu.enqueue_indirect_dma source(%dma_start3A_508 : memref<100016x16xf32, #tpu.memory_space<hbm>>) target(%dma_start3A_502 : memref<128x16xf32, #tpu.memory_space<vmem>>) offsets(%dma_start3A_505 : memref<128xi32, #tpu.memory_space<vmem>>) semaphore(%arg11 : memref<!tpu.dma_semaphore, #tpu.memory_space<semaphore_mem>>)
      %dma_start3A_509 = arith.constant 1 : i32
      %dma_start3A_510 = arith.constant 128 : i32
      %dma_start3A_511 = arith.constant 0 : i32
      %dma_start3A_512 = tpu.memref_slice %arg9[%dma_start3A_510, %dma_start3A_511] : memref<1024x16xf32, #tpu.memory_space<vmem>> -> memref<128x16xf32, #tpu.memory_space<vmem>>
      %dma_start3A_513 = arith.constant 0 : i32
      %dma_start3A_514 = tpu.memref_slice %arg7[%dma_start3A_509, %dma_start3A_513] : memref<8x128xi32, #tpu.memory_space<vmem>> -> memref<1x128xi32, #tpu.memory_space<vmem>>
      %dma_start3A_515 = tpu.memref_squeeze %dma_start3A_514 : memref<1x128xi32, #tpu.memory_space<vmem>> -> memref<128xi32, #tpu.memory_space<vmem>>
      %dma_start3A_516 = arith.constant 0 : i32
      %dma_start3A_517 = arith.constant 0 : i32
      %dma_start3A_518 = tpu.memref_slice %arg4[%dma_start3A_516, %dma_start3A_517] : memref<100016x16xf32, #tpu.memory_space<hbm>> -> memref<100016x16xf32, #tpu.memory_space<hbm>>
      tpu.enqueue_indirect_dma source(%dma_start3A_518 : memref<100016x16xf32, #tpu.memory_space<hbm>>) target(%dma_start3A_512 : memref<128x16xf32, #tpu.memory_space<vmem>>) offsets(%dma_start3A_515 : memref<128xi32, #tpu.memory_space<vmem>>) semaphore(%arg11 : memref<!tpu.dma_semaphore, #tpu.memory_space<semaphore_mem>>)
      %dma_start3A_519 = arith.constant 2 : i32
      %dma_start3A_520 = arith.constant 256 : i32
      %dma_start3A_521 = arith.constant 0 : i32
      %dma_start3A_522 = tpu.memref_slice %arg9[%dma_start3A_520, %dma_start3A_521] : memref<1024x16xf32, #tpu.memory_space<vmem>> -> memref<128x16xf32, #tpu.memory_space<vmem>>
      %dma_start3A_523 = arith.constant 0 : i32
      %dma_start3A_524 = tpu.memref_slice %arg7[%dma_start3A_519, %dma_start3A_523] : memref<8x128xi32, #tpu.memory_space<vmem>> -> memref<1x128xi32, #tpu.memory_space<vmem>>
      %dma_start3A_525 = tpu.memref_squeeze %dma_start3A_524 : memref<1x128xi32, #tpu.memory_space<vmem>> -> memref<128xi32, #tpu.memory_space<vmem>>
      %dma_start3A_526 = arith.constant 0 : i32
      %dma_start3A_527 = arith.constant 0 : i32
      %dma_start3A_528 = tpu.memref_slice %arg4[%dma_start3A_526, %dma_start3A_527] : memref<100016x16xf32, #tpu.memory_space<hbm>> -> memref<100016x16xf32, #tpu.memory_space<hbm>>
      tpu.enqueue_indirect_dma source(%dma_start3A_528 : memref<100016x16xf32, #tpu.memory_space<hbm>>) target(%dma_start3A_522 : memref<128x16xf32, #tpu.memory_space<vmem>>) offsets(%dma_start3A_525 : memref<128xi32, #tpu.memory_space<vmem>>) semaphore(%arg11 : memref<!tpu.dma_semaphore, #tpu.memory_space<semaphore_mem>>)
      %dma_start3A_529 = arith.constant 3 : i32
      %dma_start3A_530 = arith.constant 384 : i32
      %dma_start3A_531 = arith.constant 0 : i32
      %dma_start3A_532 = tpu.memref_slice %arg9[%dma_start3A_530, %dma_start3A_531] : memref<1024x16xf32, #tpu.memory_space<vmem>> -> memref<128x16xf32, #tpu.memory_space<vmem>>
      %dma_start3A_533 = arith.constant 0 : i32
      %dma_start3A_534 = tpu.memref_slice %arg7[%dma_start3A_529, %dma_start3A_533] : memref<8x128xi32, #tpu.memory_space<vmem>> -> memref<1x128xi32, #tpu.memory_space<vmem>>
      %dma_start3A_535 = tpu.memref_squeeze %dma_start3A_534 : memref<1x128xi32, #tpu.memory_space<vmem>> -> memref<128xi32, #tpu.memory_space<vmem>>
      %dma_start3A_536 = arith.constant 0 : i32
      %dma_start3A_537 = arith.constant 0 : i32
      %dma_start3A_538 = tpu.memref_slice %arg4[%dma_start3A_536, %dma_start3A_537] : memref<100016x16xf32, #tpu.memory_space<hbm>> -> memref<100016x16xf32, #tpu.memory_space<hbm>>
      tpu.enqueue_indirect_dma source(%dma_start3A_538 : memref<100016x16xf32, #tpu.memory_space<hbm>>) target(%dma_start3A_532 : memref<128x16xf32, #tpu.memory_space<vmem>>) offsets(%dma_start3A_535 : memref<128xi32, #tpu.memory_space<vmem>>) semaphore(%arg11 : memref<!tpu.dma_semaphore, #tpu.memory_space<semaphore_mem>>)
      %dma_start3A_539 = arith.constant 4 : i32
      %dma_start3A_540 = arith.constant 512 : i32
      %dma_start3A_541 = arith.constant 0 : i32
      %dma_start3A_542 = tpu.memref_slice %arg9[%dma_start3A_540, %dma_start3A_541] : memref<1024x16xf32, #tpu.memory_space<vmem>> -> memref<128x16xf32, #tpu.memory_space<vmem>>
      %dma_start3A_543 = arith.constant 0 : i32
      %dma_start3A_544 = tpu.memref_slice %arg7[%dma_start3A_539, %dma_start3A_543] : memref<8x128xi32, #tpu.memory_space<vmem>> -> memref<1x128xi32, #tpu.memory_space<vmem>>
      %dma_start3A_545 = tpu.memref_squeeze %dma_start3A_544 : memref<1x128xi32, #tpu.memory_space<vmem>> -> memref<128xi32, #tpu.memory_space<vmem>>
      %dma_start3A_546 = arith.constant 0 : i32
      %dma_start3A_547 = arith.constant 0 : i32
      %dma_start3A_548 = tpu.memref_slice %arg4[%dma_start3A_546, %dma_start3A_547] : memref<100016x16xf32, #tpu.memory_space<hbm>> -> memref<100016x16xf32, #tpu.memory_space<hbm>>
      tpu.enqueue_indirect_dma source(%dma_start3A_548 : memref<100016x16xf32, #tpu.memory_space<hbm>>) target(%dma_start3A_542 : memref<128x16xf32, #tpu.memory_space<vmem>>) offsets(%dma_start3A_545 : memref<128xi32, #tpu.memory_space<vmem>>) semaphore(%arg11 : memref<!tpu.dma_semaphore, #tpu.memory_space<semaphore_mem>>)
      %dma_start3A_549 = arith.constant 5 : i32
      %dma_start3A_550 = arith.constant 640 : i32
      %dma_start3A_551 = arith.constant 0 : i32
      %dma_start3A_552 = tpu.memref_slice %arg9[%dma_start3A_550, %dma_start3A_551] : memref<1024x16xf32, #tpu.memory_space<vmem>> -> memref<128x16xf32, #tpu.memory_space<vmem>>
      %dma_start3A_553 = arith.constant 0 : i32
      %dma_start3A_554 = tpu.memref_slice %arg7[%dma_start3A_549, %dma_start3A_553] : memref<8x128xi32, #tpu.memory_space<vmem>> -> memref<1x128xi32, #tpu.memory_space<vmem>>
      %dma_start3A_555 = tpu.memref_squeeze %dma_start3A_554 : memref<1x128xi32, #tpu.memory_space<vmem>> -> memref<128xi32, #tpu.memory_space<vmem>>
      %dma_start3A_556 = arith.constant 0 : i32
      %dma_start3A_557 = arith.constant 0 : i32
      %dma_start3A_558 = tpu.memref_slice %arg4[%dma_start3A_556, %dma_start3A_557] : memref<100016x16xf32, #tpu.memory_space<hbm>> -> memref<100016x16xf32, #tpu.memory_space<hbm>>
      tpu.enqueue_indirect_dma source(%dma_start3A_558 : memref<100016x16xf32, #tpu.memory_space<hbm>>) target(%dma_start3A_552 : memref<128x16xf32, #tpu.memory_space<vmem>>) offsets(%dma_start3A_555 : memref<128xi32, #tpu.memory_space<vmem>>) semaphore(%arg11 : memref<!tpu.dma_semaphore, #tpu.memory_space<semaphore_mem>>)
      %dma_start3A_559 = arith.constant 6 : i32
      %dma_start3A_560 = arith.constant 768 : i32
      %dma_start3A_561 = arith.constant 0 : i32
      %dma_start3A_562 = tpu.memref_slice %arg9[%dma_start3A_560, %dma_start3A_561] : memref<1024x16xf32, #tpu.memory_space<vmem>> -> memref<128x16xf32, #tpu.memory_space<vmem>>
      %dma_start3A_563 = arith.constant 0 : i32
      %dma_start3A_564 = tpu.memref_slice %arg7[%dma_start3A_559, %dma_start3A_563] : memref<8x128xi32, #tpu.memory_space<vmem>> -> memref<1x128xi32, #tpu.memory_space<vmem>>
      %dma_start3A_565 = tpu.memref_squeeze %dma_start3A_564 : memref<1x128xi32, #tpu.memory_space<vmem>> -> memref<128xi32, #tpu.memory_space<vmem>>
      %dma_start3A_566 = arith.constant 0 : i32
      %dma_start3A_567 = arith.constant 0 : i32
      %dma_start3A_568 = tpu.memref_slice %arg4[%dma_start3A_566, %dma_start3A_567] : memref<100016x16xf32, #tpu.memory_space<hbm>> -> memref<100016x16xf32, #tpu.memory_space<hbm>>
      tpu.enqueue_indirect_dma source(%dma_start3A_568 : memref<100016x16xf32, #tpu.memory_space<hbm>>) target(%dma_start3A_562 : memref<128x16xf32, #tpu.memory_space<vmem>>) offsets(%dma_start3A_565 : memref<128xi32, #tpu.memory_space<vmem>>) semaphore(%arg11 : memref<!tpu.dma_semaphore, #tpu.memory_space<semaphore_mem>>)
      %dma_start3A_569 = arith.constant 7 : i32
      %dma_start3A_570 = arith.constant 896 : i32
      %dma_start3A_571 = arith.constant 0 : i32
      %dma_start3A_572 = tpu.memref_slice %arg9[%dma_start3A_570, %dma_start3A_571] : memref<1024x16xf32, #tpu.memory_space<vmem>> -> memref<128x16xf32, #tpu.memory_space<vmem>>
      %dma_start3A_573 = arith.constant 0 : i32
      %dma_start3A_574 = tpu.memref_slice %arg7[%dma_start3A_569, %dma_start3A_573] : memref<8x128xi32, #tpu.memory_space<vmem>> -> memref<1x128xi32, #tpu.memory_space<vmem>>
      %dma_start3A_575 = tpu.memref_squeeze %dma_start3A_574 : memref<1x128xi32, #tpu.memory_space<vmem>> -> memref<128xi32, #tpu.memory_space<vmem>>
      %dma_start3A_576 = arith.constant 0 : i32
      %dma_start3A_577 = arith.constant 0 : i32
      %dma_start3A_578 = tpu.memref_slice %arg4[%dma_start3A_576, %dma_start3A_577] : memref<100016x16xf32, #tpu.memory_space<hbm>> -> memref<100016x16xf32, #tpu.memory_space<hbm>>
      tpu.enqueue_indirect_dma source(%dma_start3A_578 : memref<100016x16xf32, #tpu.memory_space<hbm>>) target(%dma_start3A_572 : memref<128x16xf32, #tpu.memory_space<vmem>>) offsets(%dma_start3A_575 : memref<128xi32, #tpu.memory_space<vmem>>) semaphore(%arg11 : memref<!tpu.dma_semaphore, #tpu.memory_space<semaphore_mem>>)
      %dma_wait3A_579 = arith.constant 0 : i32
      %dma_wait3A_580 = arith.constant 0 : i32
      %dma_wait3A_581 = arith.constant 0 : i32
      %dma_wait3A_582 = tpu.memref_slice %arg9[%dma_wait3A_580, %dma_wait3A_581] : memref<1024x16xf32, #tpu.memory_space<vmem>> -> memref<128x16xf32, #tpu.memory_space<vmem>>
      %dma_wait3A_583 = arith.constant 0 : i32
      %dma_wait3A_584 = tpu.memref_slice %arg7[%dma_wait3A_579, %dma_wait3A_583] : memref<8x128xi32, #tpu.memory_space<vmem>> -> memref<1x128xi32, #tpu.memory_space<vmem>>
      %dma_wait3A_585 = tpu.memref_squeeze %dma_wait3A_584 : memref<1x128xi32, #tpu.memory_space<vmem>> -> memref<128xi32, #tpu.memory_space<vmem>>
      %dma_wait3A_586 = arith.constant 0 : i32
      %dma_wait3A_587 = arith.constant 0 : i32
      %dma_wait3A_588 = tpu.memref_slice %arg4[%dma_wait3A_586, %dma_wait3A_587] : memref<100016x16xf32, #tpu.memory_space<hbm>> -> memref<100016x16xf32, #tpu.memory_space<hbm>>
      tpu.wait_indirect_dma semaphore(%arg11 : memref<!tpu.dma_semaphore, #tpu.memory_space<semaphore_mem>>) src(%dma_wait3A_588 : memref<100016x16xf32, #tpu.memory_space<hbm>>) dst(%dma_wait3A_582 : memref<128x16xf32, #tpu.memory_space<vmem>>)
      %dma_start3A_589 = arith.constant 0 : i32
      %dma_start3A_590 = arith.constant 0 : i32
      %dma_start3A_591 = arith.constant 0 : i32
      %dma_start3A_592 = tpu.memref_slice %arg9[%dma_start3A_590, %dma_start3A_591] : memref<1024x16xf32, #tpu.memory_space<vmem>> -> memref<128x16xf32, #tpu.memory_space<vmem>>
      %dma_start3A_593 = arith.constant 0 : i32
      %dma_start3A_594 = tpu.memref_slice %arg8[%dma_start3A_589, %dma_start3A_593] : memref<8x128xi32, #tpu.memory_space<vmem>> -> memref<1x128xi32, #tpu.memory_space<vmem>>
      %dma_start3A_595 = tpu.memref_squeeze %dma_start3A_594 : memref<1x128xi32, #tpu.memory_space<vmem>> -> memref<128xi32, #tpu.memory_space<vmem>>
      %dma_start3A_596 = arith.constant 0 : i32
      %dma_start3A_597 = arith.constant 0 : i32
      %dma_start3A_598 = tpu.memref_slice %arg10[%dma_start3A_596, %dma_start3A_597] : memref<100016x16xf32, #tpu.memory_space<vmem_shared>> -> memref<100016x16xf32, #tpu.memory_space<vmem_shared>>
      tpu.enqueue_indirect_dma source(%dma_start3A_592 : memref<128x16xf32, #tpu.memory_space<vmem>>) target(%dma_start3A_598 : memref<100016x16xf32, #tpu.memory_space<vmem_shared>>) offsets(%dma_start3A_595 : memref<128xi32, #tpu.memory_space<vmem>>) semaphore(%arg12 : memref<!tpu.dma_semaphore, #tpu.memory_space<semaphore_mem>>) {add = true}
      %dma_wait3A_599 = arith.constant 1 : i32
      %dma_wait3A_600 = arith.constant 128 : i32
      %dma_wait3A_601 = arith.constant 0 : i32
      %dma_wait3A_602 = tpu.memref_slice %arg9[%dma_wait3A_600, %dma_wait3A_601] : memref<1024x16xf32, #tpu.memory_space<vmem>> -> memref<128x16xf32, #tpu.memory_space<vmem>>
      %dma_wait3A_603 = arith.constant 0 : i32
      %dma_wait3A_604 = tpu.memref_slice %arg7[%dma_wait3A_599, %dma_wait3A_603] : memref<8x128xi32, #tpu.memory_space<vmem>> -> memref<1x128xi32, #tpu.memory_space<vmem>>
      %dma_wait3A_605 = tpu.memref_squeeze %dma_wait3A_604 : memref<1x128xi32, #tpu.memory_space<vmem>> -> memref<128xi32, #tpu.memory_space<vmem>>
      %dma_wait3A_606 = arith.constant 0 : i32
      %dma_wait3A_607 = arith.constant 0 : i32
      %dma_wait3A_608 = tpu.memref_slice %arg4[%dma_wait3A_606, %dma_wait3A_607] : memref<100016x16xf32, #tpu.memory_space<hbm>> -> memref<100016x16xf32, #tpu.memory_space<hbm>>
      tpu.wait_indirect_dma semaphore(%arg11 : memref<!tpu.dma_semaphore, #tpu.memory_space<semaphore_mem>>) src(%dma_wait3A_608 : memref<100016x16xf32, #tpu.memory_space<hbm>>) dst(%dma_wait3A_602 : memref<128x16xf32, #tpu.memory_space<vmem>>)
      %dma_start3A_609 = arith.constant 1 : i32
      %dma_start3A_610 = arith.constant 128 : i32
      %dma_start3A_611 = arith.constant 0 : i32
      %dma_start3A_612 = tpu.memref_slice %arg9[%dma_start3A_610, %dma_start3A_611] : memref<1024x16xf32, #tpu.memory_space<vmem>> -> memref<128x16xf32, #tpu.memory_space<vmem>>
      %dma_start3A_613 = arith.constant 0 : i32
      %dma_start3A_614 = tpu.memref_slice %arg8[%dma_start3A_609, %dma_start3A_613] : memref<8x128xi32, #tpu.memory_space<vmem>> -> memref<1x128xi32, #tpu.memory_space<vmem>>
      %dma_start3A_615 = tpu.memref_squeeze %dma_start3A_614 : memref<1x128xi32, #tpu.memory_space<vmem>> -> memref<128xi32, #tpu.memory_space<vmem>>
      %dma_start3A_616 = arith.constant 0 : i32
      %dma_start3A_617 = arith.constant 0 : i32
      %dma_start3A_618 = tpu.memref_slice %arg10[%dma_start3A_616, %dma_start3A_617] : memref<100016x16xf32, #tpu.memory_space<vmem_shared>> -> memref<100016x16xf32, #tpu.memory_space<vmem_shared>>
      tpu.enqueue_indirect_dma source(%dma_start3A_612 : memref<128x16xf32, #tpu.memory_space<vmem>>) target(%dma_start3A_618 : memref<100016x16xf32, #tpu.memory_space<vmem_shared>>) offsets(%dma_start3A_615 : memref<128xi32, #tpu.memory_space<vmem>>) semaphore(%arg12 : memref<!tpu.dma_semaphore, #tpu.memory_space<semaphore_mem>>) {add = true}
      %dma_wait3A_619 = arith.constant 2 : i32
      %dma_wait3A_620 = arith.constant 256 : i32
      %dma_wait3A_621 = arith.constant 0 : i32
      %dma_wait3A_622 = tpu.memref_slice %arg9[%dma_wait3A_620, %dma_wait3A_621] : memref<1024x16xf32, #tpu.memory_space<vmem>> -> memref<128x16xf32, #tpu.memory_space<vmem>>
      %dma_wait3A_623 = arith.constant 0 : i32
      %dma_wait3A_624 = tpu.memref_slice %arg7[%dma_wait3A_619, %dma_wait3A_623] : memref<8x128xi32, #tpu.memory_space<vmem>> -> memref<1x128xi32, #tpu.memory_space<vmem>>
      %dma_wait3A_625 = tpu.memref_squeeze %dma_wait3A_624 : memref<1x128xi32, #tpu.memory_space<vmem>> -> memref<128xi32, #tpu.memory_space<vmem>>
      %dma_wait3A_626 = arith.constant 0 : i32
      %dma_wait3A_627 = arith.constant 0 : i32
      %dma_wait3A_628 = tpu.memref_slice %arg4[%dma_wait3A_626, %dma_wait3A_627] : memref<100016x16xf32, #tpu.memory_space<hbm>> -> memref<100016x16xf32, #tpu.memory_space<hbm>>
      tpu.wait_indirect_dma semaphore(%arg11 : memref<!tpu.dma_semaphore, #tpu.memory_space<semaphore_mem>>) src(%dma_wait3A_628 : memref<100016x16xf32, #tpu.memory_space<hbm>>) dst(%dma_wait3A_622 : memref<128x16xf32, #tpu.memory_space<vmem>>)
      %dma_start3A_629 = arith.constant 2 : i32
      %dma_start3A_630 = arith.constant 256 : i32
      %dma_start3A_631 = arith.constant 0 : i32
      %dma_start3A_632 = tpu.memref_slice %arg9[%dma_start3A_630, %dma_start3A_631] : memref<1024x16xf32, #tpu.memory_space<vmem>> -> memref<128x16xf32, #tpu.memory_space<vmem>>
      %dma_start3A_633 = arith.constant 0 : i32
      %dma_start3A_634 = tpu.memref_slice %arg8[%dma_start3A_629, %dma_start3A_633] : memref<8x128xi32, #tpu.memory_space<vmem>> -> memref<1x128xi32, #tpu.memory_space<vmem>>
      %dma_start3A_635 = tpu.memref_squeeze %dma_start3A_634 : memref<1x128xi32, #tpu.memory_space<vmem>> -> memref<128xi32, #tpu.memory_space<vmem>>
      %dma_start3A_636 = arith.constant 0 : i32
      %dma_start3A_637 = arith.constant 0 : i32
      %dma_start3A_638 = tpu.memref_slice %arg10[%dma_start3A_636, %dma_start3A_637] : memref<100016x16xf32, #tpu.memory_space<vmem_shared>> -> memref<100016x16xf32, #tpu.memory_space<vmem_shared>>
      tpu.enqueue_indirect_dma source(%dma_start3A_632 : memref<128x16xf32, #tpu.memory_space<vmem>>) target(%dma_start3A_638 : memref<100016x16xf32, #tpu.memory_space<vmem_shared>>) offsets(%dma_start3A_635 : memref<128xi32, #tpu.memory_space<vmem>>) semaphore(%arg12 : memref<!tpu.dma_semaphore, #tpu.memory_space<semaphore_mem>>) {add = true}
      %dma_wait3A_639 = arith.constant 3 : i32
      %dma_wait3A_640 = arith.constant 384 : i32
      %dma_wait3A_641 = arith.constant 0 : i32
      %dma_wait3A_642 = tpu.memref_slice %arg9[%dma_wait3A_640, %dma_wait3A_641] : memref<1024x16xf32, #tpu.memory_space<vmem>> -> memref<128x16xf32, #tpu.memory_space<vmem>>
      %dma_wait3A_643 = arith.constant 0 : i32
      %dma_wait3A_644 = tpu.memref_slice %arg7[%dma_wait3A_639, %dma_wait3A_643] : memref<8x128xi32, #tpu.memory_space<vmem>> -> memref<1x128xi32, #tpu.memory_space<vmem>>
      %dma_wait3A_645 = tpu.memref_squeeze %dma_wait3A_644 : memref<1x128xi32, #tpu.memory_space<vmem>> -> memref<128xi32, #tpu.memory_space<vmem>>
      %dma_wait3A_646 = arith.constant 0 : i32
      %dma_wait3A_647 = arith.constant 0 : i32
      %dma_wait3A_648 = tpu.memref_slice %arg4[%dma_wait3A_646, %dma_wait3A_647] : memref<100016x16xf32, #tpu.memory_space<hbm>> -> memref<100016x16xf32, #tpu.memory_space<hbm>>
      tpu.wait_indirect_dma semaphore(%arg11 : memref<!tpu.dma_semaphore, #tpu.memory_space<semaphore_mem>>) src(%dma_wait3A_648 : memref<100016x16xf32, #tpu.memory_space<hbm>>) dst(%dma_wait3A_642 : memref<128x16xf32, #tpu.memory_space<vmem>>)
      %dma_start3A_649 = arith.constant 3 : i32
      %dma_start3A_650 = arith.constant 384 : i32
      %dma_start3A_651 = arith.constant 0 : i32
      %dma_start3A_652 = tpu.memref_slice %arg9[%dma_start3A_650, %dma_start3A_651] : memref<1024x16xf32, #tpu.memory_space<vmem>> -> memref<128x16xf32, #tpu.memory_space<vmem>>
      %dma_start3A_653 = arith.constant 0 : i32
      %dma_start3A_654 = tpu.memref_slice %arg8[%dma_start3A_649, %dma_start3A_653] : memref<8x128xi32, #tpu.memory_space<vmem>> -> memref<1x128xi32, #tpu.memory_space<vmem>>
      %dma_start3A_655 = tpu.memref_squeeze %dma_start3A_654 : memref<1x128xi32, #tpu.memory_space<vmem>> -> memref<128xi32, #tpu.memory_space<vmem>>
      %dma_start3A_656 = arith.constant 0 : i32
      %dma_start3A_657 = arith.constant 0 : i32
      %dma_start3A_658 = tpu.memref_slice %arg10[%dma_start3A_656, %dma_start3A_657] : memref<100016x16xf32, #tpu.memory_space<vmem_shared>> -> memref<100016x16xf32, #tpu.memory_space<vmem_shared>>
      tpu.enqueue_indirect_dma source(%dma_start3A_652 : memref<128x16xf32, #tpu.memory_space<vmem>>) target(%dma_start3A_658 : memref<100016x16xf32, #tpu.memory_space<vmem_shared>>) offsets(%dma_start3A_655 : memref<128xi32, #tpu.memory_space<vmem>>) semaphore(%arg12 : memref<!tpu.dma_semaphore, #tpu.memory_space<semaphore_mem>>) {add = true}
      %dma_wait3A_659 = arith.constant 4 : i32
      %dma_wait3A_660 = arith.constant 512 : i32
      %dma_wait3A_661 = arith.constant 0 : i32
      %dma_wait3A_662 = tpu.memref_slice %arg9[%dma_wait3A_660, %dma_wait3A_661] : memref<1024x16xf32, #tpu.memory_space<vmem>> -> memref<128x16xf32, #tpu.memory_space<vmem>>
      %dma_wait3A_663 = arith.constant 0 : i32
      %dma_wait3A_664 = tpu.memref_slice %arg7[%dma_wait3A_659, %dma_wait3A_663] : memref<8x128xi32, #tpu.memory_space<vmem>> -> memref<1x128xi32, #tpu.memory_space<vmem>>
      %dma_wait3A_665 = tpu.memref_squeeze %dma_wait3A_664 : memref<1x128xi32, #tpu.memory_space<vmem>> -> memref<128xi32, #tpu.memory_space<vmem>>
      %dma_wait3A_666 = arith.constant 0 : i32
      %dma_wait3A_667 = arith.constant 0 : i32
      %dma_wait3A_668 = tpu.memref_slice %arg4[%dma_wait3A_666, %dma_wait3A_667] : memref<100016x16xf32, #tpu.memory_space<hbm>> -> memref<100016x16xf32, #tpu.memory_space<hbm>>
      tpu.wait_indirect_dma semaphore(%arg11 : memref<!tpu.dma_semaphore, #tpu.memory_space<semaphore_mem>>) src(%dma_wait3A_668 : memref<100016x16xf32, #tpu.memory_space<hbm>>) dst(%dma_wait3A_662 : memref<128x16xf32, #tpu.memory_space<vmem>>)
      %dma_start3A_669 = arith.constant 4 : i32
      %dma_start3A_670 = arith.constant 512 : i32
      %dma_start3A_671 = arith.constant 0 : i32
      %dma_start3A_672 = tpu.memref_slice %arg9[%dma_start3A_670, %dma_start3A_671] : memref<1024x16xf32, #tpu.memory_space<vmem>> -> memref<128x16xf32, #tpu.memory_space<vmem>>
      %dma_start3A_673 = arith.constant 0 : i32
      %dma_start3A_674 = tpu.memref_slice %arg8[%dma_start3A_669, %dma_start3A_673] : memref<8x128xi32, #tpu.memory_space<vmem>> -> memref<1x128xi32, #tpu.memory_space<vmem>>
      %dma_start3A_675 = tpu.memref_squeeze %dma_start3A_674 : memref<1x128xi32, #tpu.memory_space<vmem>> -> memref<128xi32, #tpu.memory_space<vmem>>
      %dma_start3A_676 = arith.constant 0 : i32
      %dma_start3A_677 = arith.constant 0 : i32
      %dma_start3A_678 = tpu.memref_slice %arg10[%dma_start3A_676, %dma_start3A_677] : memref<100016x16xf32, #tpu.memory_space<vmem_shared>> -> memref<100016x16xf32, #tpu.memory_space<vmem_shared>>
      tpu.enqueue_indirect_dma source(%dma_start3A_672 : memref<128x16xf32, #tpu.memory_space<vmem>>) target(%dma_start3A_678 : memref<100016x16xf32, #tpu.memory_space<vmem_shared>>) offsets(%dma_start3A_675 : memref<128xi32, #tpu.memory_space<vmem>>) semaphore(%arg12 : memref<!tpu.dma_semaphore, #tpu.memory_space<semaphore_mem>>) {add = true}
      %dma_wait3A_679 = arith.constant 5 : i32
      %dma_wait3A_680 = arith.constant 640 : i32
      %dma_wait3A_681 = arith.constant 0 : i32
      %dma_wait3A_682 = tpu.memref_slice %arg9[%dma_wait3A_680, %dma_wait3A_681] : memref<1024x16xf32, #tpu.memory_space<vmem>> -> memref<128x16xf32, #tpu.memory_space<vmem>>
      %dma_wait3A_683 = arith.constant 0 : i32
      %dma_wait3A_684 = tpu.memref_slice %arg7[%dma_wait3A_679, %dma_wait3A_683] : memref<8x128xi32, #tpu.memory_space<vmem>> -> memref<1x128xi32, #tpu.memory_space<vmem>>
      %dma_wait3A_685 = tpu.memref_squeeze %dma_wait3A_684 : memref<1x128xi32, #tpu.memory_space<vmem>> -> memref<128xi32, #tpu.memory_space<vmem>>
      %dma_wait3A_686 = arith.constant 0 : i32
      %dma_wait3A_687 = arith.constant 0 : i32
      %dma_wait3A_688 = tpu.memref_slice %arg4[%dma_wait3A_686, %dma_wait3A_687] : memref<100016x16xf32, #tpu.memory_space<hbm>> -> memref<100016x16xf32, #tpu.memory_space<hbm>>
      tpu.wait_indirect_dma semaphore(%arg11 : memref<!tpu.dma_semaphore, #tpu.memory_space<semaphore_mem>>) src(%dma_wait3A_688 : memref<100016x16xf32, #tpu.memory_space<hbm>>) dst(%dma_wait3A_682 : memref<128x16xf32, #tpu.memory_space<vmem>>)
      %dma_start3A_689 = arith.constant 5 : i32
      %dma_start3A_690 = arith.constant 640 : i32
      %dma_start3A_691 = arith.constant 0 : i32
      %dma_start3A_692 = tpu.memref_slice %arg9[%dma_start3A_690, %dma_start3A_691] : memref<1024x16xf32, #tpu.memory_space<vmem>> -> memref<128x16xf32, #tpu.memory_space<vmem>>
      %dma_start3A_693 = arith.constant 0 : i32
      %dma_start3A_694 = tpu.memref_slice %arg8[%dma_start3A_689, %dma_start3A_693] : memref<8x128xi32, #tpu.memory_space<vmem>> -> memref<1x128xi32, #tpu.memory_space<vmem>>
      %dma_start3A_695 = tpu.memref_squeeze %dma_start3A_694 : memref<1x128xi32, #tpu.memory_space<vmem>> -> memref<128xi32, #tpu.memory_space<vmem>>
      %dma_start3A_696 = arith.constant 0 : i32
      %dma_start3A_697 = arith.constant 0 : i32
      %dma_start3A_698 = tpu.memref_slice %arg10[%dma_start3A_696, %dma_start3A_697] : memref<100016x16xf32, #tpu.memory_space<vmem_shared>> -> memref<100016x16xf32, #tpu.memory_space<vmem_shared>>
      tpu.enqueue_indirect_dma source(%dma_start3A_692 : memref<128x16xf32, #tpu.memory_space<vmem>>) target(%dma_start3A_698 : memref<100016x16xf32, #tpu.memory_space<vmem_shared>>) offsets(%dma_start3A_695 : memref<128xi32, #tpu.memory_space<vmem>>) semaphore(%arg12 : memref<!tpu.dma_semaphore, #tpu.memory_space<semaphore_mem>>) {add = true}
      %dma_wait3A_699 = arith.constant 6 : i32
      %dma_wait3A_700 = arith.constant 768 : i32
      %dma_wait3A_701 = arith.constant 0 : i32
      %dma_wait3A_702 = tpu.memref_slice %arg9[%dma_wait3A_700, %dma_wait3A_701] : memref<1024x16xf32, #tpu.memory_space<vmem>> -> memref<128x16xf32, #tpu.memory_space<vmem>>
      %dma_wait3A_703 = arith.constant 0 : i32
      %dma_wait3A_704 = tpu.memref_slice %arg7[%dma_wait3A_699, %dma_wait3A_703] : memref<8x128xi32, #tpu.memory_space<vmem>> -> memref<1x128xi32, #tpu.memory_space<vmem>>
      %dma_wait3A_705 = tpu.memref_squeeze %dma_wait3A_704 : memref<1x128xi32, #tpu.memory_space<vmem>> -> memref<128xi32, #tpu.memory_space<vmem>>
      %dma_wait3A_706 = arith.constant 0 : i32
      %dma_wait3A_707 = arith.constant 0 : i32
      %dma_wait3A_708 = tpu.memref_slice %arg4[%dma_wait3A_706, %dma_wait3A_707] : memref<100016x16xf32, #tpu.memory_space<hbm>> -> memref<100016x16xf32, #tpu.memory_space<hbm>>
      tpu.wait_indirect_dma semaphore(%arg11 : memref<!tpu.dma_semaphore, #tpu.memory_space<semaphore_mem>>) src(%dma_wait3A_708 : memref<100016x16xf32, #tpu.memory_space<hbm>>) dst(%dma_wait3A_702 : memref<128x16xf32, #tpu.memory_space<vmem>>)
      %dma_start3A_709 = arith.constant 6 : i32
      %dma_start3A_710 = arith.constant 768 : i32
      %dma_start3A_711 = arith.constant 0 : i32
      %dma_start3A_712 = tpu.memref_slice %arg9[%dma_start3A_710, %dma_start3A_711] : memref<1024x16xf32, #tpu.memory_space<vmem>> -> memref<128x16xf32, #tpu.memory_space<vmem>>
      %dma_start3A_713 = arith.constant 0 : i32
      %dma_start3A_714 = tpu.memref_slice %arg8[%dma_start3A_709, %dma_start3A_713] : memref<8x128xi32, #tpu.memory_space<vmem>> -> memref<1x128xi32, #tpu.memory_space<vmem>>
      %dma_start3A_715 = tpu.memref_squeeze %dma_start3A_714 : memref<1x128xi32, #tpu.memory_space<vmem>> -> memref<128xi32, #tpu.memory_space<vmem>>
      %dma_start3A_716 = arith.constant 0 : i32
      %dma_start3A_717 = arith.constant 0 : i32
      %dma_start3A_718 = tpu.memref_slice %arg10[%dma_start3A_716, %dma_start3A_717] : memref<100016x16xf32, #tpu.memory_space<vmem_shared>> -> memref<100016x16xf32, #tpu.memory_space<vmem_shared>>
      tpu.enqueue_indirect_dma source(%dma_start3A_712 : memref<128x16xf32, #tpu.memory_space<vmem>>) target(%dma_start3A_718 : memref<100016x16xf32, #tpu.memory_space<vmem_shared>>) offsets(%dma_start3A_715 : memref<128xi32, #tpu.memory_space<vmem>>) semaphore(%arg12 : memref<!tpu.dma_semaphore, #tpu.memory_space<semaphore_mem>>) {add = true}
      %dma_wait3A_719 = arith.constant 7 : i32
      %dma_wait3A_720 = arith.constant 896 : i32
      %dma_wait3A_721 = arith.constant 0 : i32
      %dma_wait3A_722 = tpu.memref_slice %arg9[%dma_wait3A_720, %dma_wait3A_721] : memref<1024x16xf32, #tpu.memory_space<vmem>> -> memref<128x16xf32, #tpu.memory_space<vmem>>
      %dma_wait3A_723 = arith.constant 0 : i32
      %dma_wait3A_724 = tpu.memref_slice %arg7[%dma_wait3A_719, %dma_wait3A_723] : memref<8x128xi32, #tpu.memory_space<vmem>> -> memref<1x128xi32, #tpu.memory_space<vmem>>
      %dma_wait3A_725 = tpu.memref_squeeze %dma_wait3A_724 : memref<1x128xi32, #tpu.memory_space<vmem>> -> memref<128xi32, #tpu.memory_space<vmem>>
      %dma_wait3A_726 = arith.constant 0 : i32
      %dma_wait3A_727 = arith.constant 0 : i32
      %dma_wait3A_728 = tpu.memref_slice %arg4[%dma_wait3A_726, %dma_wait3A_727] : memref<100016x16xf32, #tpu.memory_space<hbm>> -> memref<100016x16xf32, #tpu.memory_space<hbm>>
      tpu.wait_indirect_dma semaphore(%arg11 : memref<!tpu.dma_semaphore, #tpu.memory_space<semaphore_mem>>) src(%dma_wait3A_728 : memref<100016x16xf32, #tpu.memory_space<hbm>>) dst(%dma_wait3A_722 : memref<128x16xf32, #tpu.memory_space<vmem>>)
      %dma_start3A_729 = arith.constant 7 : i32
      %dma_start3A_730 = arith.constant 896 : i32
      %dma_start3A_731 = arith.constant 0 : i32
      %dma_start3A_732 = tpu.memref_slice %arg9[%dma_start3A_730, %dma_start3A_731] : memref<1024x16xf32, #tpu.memory_space<vmem>> -> memref<128x16xf32, #tpu.memory_space<vmem>>
      %dma_start3A_733 = arith.constant 0 : i32
      %dma_start3A_734 = tpu.memref_slice %arg8[%dma_start3A_729, %dma_start3A_733] : memref<8x128xi32, #tpu.memory_space<vmem>> -> memref<1x128xi32, #tpu.memory_space<vmem>>
      %dma_start3A_735 = tpu.memref_squeeze %dma_start3A_734 : memref<1x128xi32, #tpu.memory_space<vmem>> -> memref<128xi32, #tpu.memory_space<vmem>>
      %dma_start3A_736 = arith.constant 0 : i32
      %dma_start3A_737 = arith.constant 0 : i32
      %dma_start3A_738 = tpu.memref_slice %arg10[%dma_start3A_736, %dma_start3A_737] : memref<100016x16xf32, #tpu.memory_space<vmem_shared>> -> memref<100016x16xf32, #tpu.memory_space<vmem_shared>>
      tpu.enqueue_indirect_dma source(%dma_start3A_732 : memref<128x16xf32, #tpu.memory_space<vmem>>) target(%dma_start3A_738 : memref<100016x16xf32, #tpu.memory_space<vmem_shared>>) offsets(%dma_start3A_735 : memref<128xi32, #tpu.memory_space<vmem>>) semaphore(%arg12 : memref<!tpu.dma_semaphore, #tpu.memory_space<semaphore_mem>>) {add = true}
    }
    %scan3A_480 = arith.constant 98 : i32
    %dma_wait3A = arith.constant 0 : i32
    %dma_wait3A_481 = arith.constant 0 : i32
    %dma_wait3A_482 = tpu.memref_slice %arg5[%dma_wait3A, %dma_wait3A_481] : memref<6251x16xf32, #tpu.memory_space<hbm>> -> memref<1024x16xf32, #tpu.memory_space<hbm>>
    %dma_wait3A_483 = arith.constant 0 : i32
    %dma_wait3A_484 = arith.constant 0 : i32
    %dma_wait3A_485 = tpu.memref_slice %arg5[%dma_wait3A_483, %dma_wait3A_484] : memref<6251x16xf32, #tpu.memory_space<hbm>> -> memref<1024x16xf32, #tpu.memory_space<hbm>>
    tpu.wait_dma2 semaphore(%arg12 : memref<!tpu.dma_semaphore, #tpu.memory_space<semaphore_mem>>) src(%dma_wait3A_485 : memref<1024x16xf32, #tpu.memory_space<hbm>>) dst(%arg9 : memref<1024x16xf32, #tpu.memory_space<vmem>>)
    %barrier3A_486 = arith.constant 0 : index
    tpu.barrier barrier_id(%barrier3A_486)
    "tpu.region"() ({
      %run_scoped3A = tpu.sem_alloc : memref<!tpu.dma_semaphore, #tpu.memory_space<semaphore_mem>>
      %dma_start3A_487 = arith.constant 0 : i32
      %dma_start3A_488 = tpu.memref_slice %arg6[%arg0, %mul3A_2, %dma_start3A_487] : memref<2x100016x16xf32, #tpu.memory_space<hbm>> -> memref<1x6251x16xf32, #tpu.memory_space<hbm>>
      %dma_start3A_489 = tpu.memref_squeeze %dma_start3A_488 : memref<1x6251x16xf32, #tpu.memory_space<hbm>> -> memref<6251x16xf32, #tpu.memory_space<hbm>>
      %dma_start3A_490 = arith.constant 0 : i32
      %dma_start3A_491 = tpu.memref_slice %arg10[%mul3A_2, %dma_start3A_490] : memref<100016x16xf32, #tpu.memory_space<vmem_shared>> -> memref<6251x16xf32, #tpu.memory_space<vmem_shared>>
      tpu.enqueue_dma source(%dma_start3A_491 : memref<6251x16xf32, #tpu.memory_space<vmem_shared>>) target(%dma_start3A_489 : memref<6251x16xf32, #tpu.memory_space<hbm>>) target_semaphore(%run_scoped3A : memref<!tpu.dma_semaphore, #tpu.memory_space<semaphore_mem>>)
      %dma_wait3A_492 = arith.constant 0 : i32
      %dma_wait3A_493 = tpu.memref_slice %arg6[%arg0, %mul3A_2, %dma_wait3A_492] : memref<2x100016x16xf32, #tpu.memory_space<hbm>> -> memref<1x6251x16xf32, #tpu.memory_space<hbm>>
      %dma_wait3A_494 = tpu.memref_squeeze %dma_wait3A_493 : memref<1x6251x16xf32, #tpu.memory_space<hbm>> -> memref<6251x16xf32, #tpu.memory_space<hbm>>
      %dma_wait3A_495 = arith.constant 0 : i32
      %dma_wait3A_496 = tpu.memref_slice %arg10[%mul3A_2, %dma_wait3A_495] : memref<100016x16xf32, #tpu.memory_space<vmem_shared>> -> memref<6251x16xf32, #tpu.memory_space<vmem_shared>>
      tpu.wait_dma2 semaphore(%run_scoped3A : memref<!tpu.dma_semaphore, #tpu.memory_space<semaphore_mem>>) src(%dma_wait3A_496 : memref<6251x16xf32, #tpu.memory_space<vmem_shared>>) dst(%dma_wait3A_494 : memref<6251x16xf32, #tpu.memory_space<hbm>>)
      tpu.yield
    }) : () -> ()
    return
  }
}

#map = affine_map<(d0, d1) -> (0, 0)>
#map1 = affine_map<(d0, d1) -> (0, 0, 0)>
module attributes {stable_mosaic.version = 14 : i64} {
  func.func @_prop_kernel(%arg0: i32, %arg1: i32, %arg2: memref<25088x128xi32, #tpu.memory_space<hbm>>, %arg3: memref<25088x128xi32, #tpu.memory_space<hbm>>, %arg4: memref<100016x16xf32, #tpu.memory_space<hbm>>, %arg5: memref<6251x16xf32, #tpu.memory_space<hbm>>, %arg6: memref<2x100016x16xf32, #tpu.memory_space<hbm>>, %arg7: memref<8x128xi32, #tpu.memory_space<vmem>>, %arg8: memref<8x128xi32, #tpu.memory_space<vmem>>, %arg9: memref<1024x16xf32, #tpu.memory_space<vmem>>, %arg10: memref<100016x16xf32, #tpu.memory_space<vmem_shared>>, %arg11: memref<!tpu.dma_semaphore, #tpu.memory_space<semaphore_mem>>, %arg12: memref<!tpu.dma_semaphore, #tpu.memory_space<semaphore_mem>>) attributes {dimension_semantics = [#tpu.dimension_semantics<core_parallel>, #tpu.dimension_semantics<subcore_parallel>], iteration_bounds = array<i64: 2, 16>, scalar_prefetch = 0 : i64, scratch_operands = 6 : i64, tpu.core_type = #tpu.core_type<sc_vector_subcore>, window_params = [{transform_indices = #map}, {transform_indices = #map}, {transform_indices = #map}, {transform_indices = #map}, {transform_indices = #map1}]} {
    %mul3A = arith.constant 16 : i32
    %mul3A_0 = arith.muli %arg0, %mul3A : i32
    %add3A = arith.addi %mul3A_0, %arg1 : i32
    %mul3A_1 = arith.constant 6251 : i32
    %mul3A_2 = arith.muli %arg1, %mul3A_1 : i32
    "tpu.region"() ({
      %run_scoped3A = tpu.sem_alloc : memref<!tpu.dma_semaphore, #tpu.memory_space<semaphore_mem>>
      %dma_start3A_487 = arith.constant 0 : i32
      %dma_start3A_488 = tpu.memref_slice %arg10[%mul3A_2, %dma_start3A_487] : memref<100016x16xf32, #tpu.memory_space<vmem_shared>> -> memref<6251x16xf32, #tpu.memory_space<vmem_shared>>
      tpu.enqueue_dma source(%arg5 : memref<6251x16xf32, #tpu.memory_space<hbm>>) target(%dma_start3A_488 : memref<6251x16xf32, #tpu.memory_space<vmem_shared>>) target_semaphore(%run_scoped3A : memref<!tpu.dma_semaphore, #tpu.memory_space<semaphore_mem>>)
      %dma_wait3A_489 = arith.constant 0 : i32
      %dma_wait3A_490 = tpu.memref_slice %arg10[%mul3A_2, %dma_wait3A_489] : memref<100016x16xf32, #tpu.memory_space<vmem_shared>> -> memref<6251x16xf32, #tpu.memory_space<vmem_shared>>
      tpu.wait_dma2 semaphore(%run_scoped3A : memref<!tpu.dma_semaphore, #tpu.memory_space<semaphore_mem>>) src(%arg5 : memref<6251x16xf32, #tpu.memory_space<hbm>>) dst(%dma_wait3A_490 : memref<6251x16xf32, #tpu.memory_space<vmem_shared>>)
      tpu.yield
    }) : () -> ()
    %barrier3A = arith.constant 0 : index
    tpu.barrier barrier_id(%barrier3A)
    %jit3A = arith.constant 16 : i32
    %eq3A = arith.constant 0 : i32
    %eq3A_3 = arith.cmpi eq, %jit3A, %eq3A : i32
    %jit3A_4 = arith.constant 1 : i32
    %select_n3A = arith.select %eq3A_3, %jit3A_4, %jit3A : i32
    %rem3A = arith.remsi %add3A, %select_n3A : i32
    %ne3A = arith.constant 0 : i32
    %ne3A_5 = arith.cmpi ne, %rem3A, %ne3A : i32
    %lt3A = arith.constant 0 : i32
    %lt3A_6 = arith.cmpi slt, %rem3A, %lt3A : i32
    %lt3A_7 = arith.constant 0 : i32
    %lt3A_8 = arith.cmpi slt, %select_n3A, %lt3A_7 : i32
    %ne3A_9 = arith.xori %lt3A_6, %lt3A_8 : i1
    %and3A = arith.andi %ne3A_9, %ne3A_5 : i1
    %add3A_10 = arith.addi %rem3A, %select_n3A : i32
    %select_n3A_11 = arith.select %and3A, %add3A_10, %rem3A : i32
    %add3A_12 = arith.constant 100000 : i32
    %add3A_13 = arith.addi %add3A_12, %select_n3A_11 : i32
    %broadcast_in_dim3A = vector.broadcast %add3A_13 : i32 to vector<16xi32>
    %swap3A = arith.constant 0 : i32
    %swap3A_14 = arith.index_cast %swap3A : i32 to index
    %swap3A_15 = arith.constant 0 : index
    %swap3A_16 = tpu.vector_load %arg8[%swap3A_14, %swap3A_15] {strides = array<i32>} : memref<8x128xi32, #tpu.memory_space<vmem>>, vector<1x16xi32>,
    %swap3A_17 = vector.shape_cast %swap3A_16 : vector<1x16xi32> to vector<16xi32>
    %swap3A_18 = vector.shape_cast %broadcast_in_dim3A : vector<16xi32> to vector<1x16xi32>
    tpu.vector_store %arg8[%swap3A_14, %swap3A_15], %swap3A_18 {strides = array<i32>} : memref<8x128xi32, #tpu.memory_space<vmem>>, vector<1x16xi32>,
    %swap3A_19 = arith.constant 0 : i32
    %swap3A_20 = arith.index_cast %swap3A_19 : i32 to index
    %swap3A_21 = arith.constant 16 : index
    %swap3A_22 = tpu.vector_load %arg8[%swap3A_20, %swap3A_21] {strides = array<i32>} : memref<8x128xi32, #tpu.memory_space<vmem>>, vector<1x16xi32>,
    %swap3A_23 = vector.shape_cast %swap3A_22 : vector<1x16xi32> to vector<16xi32>
    %swap3A_24 = vector.shape_cast %broadcast_in_dim3A : vector<16xi32> to vector<1x16xi32>
    tpu.vector_store %arg8[%swap3A_20, %swap3A_21], %swap3A_24 {strides = array<i32>} : memref<8x128xi32, #tpu.memory_space<vmem>>, vector<1x16xi32>,
    %swap3A_25 = arith.constant 0 : i32
    %swap3A_26 = arith.index_cast %swap3A_25 : i32 to index
    %swap3A_27 = arith.constant 32 : index
    %swap3A_28 = tpu.vector_load %arg8[%swap3A_26, %swap3A_27] {strides = array<i32>} : memref<8x128xi32, #tpu.memory_space<vmem>>, vector<1x16xi32>,
    %swap3A_29 = vector.shape_cast %swap3A_28 : vector<1x16xi32> to vector<16xi32>
    %swap3A_30 = vector.shape_cast %broadcast_in_dim3A : vector<16xi32> to vector<1x16xi32>
    tpu.vector_store %arg8[%swap3A_26, %swap3A_27], %swap3A_30 {strides = array<i32>} : memref<8x128xi32, #tpu.memory_space<vmem>>, vector<1x16xi32>,
    %swap3A_31 = arith.constant 0 : i32
    %swap3A_32 = arith.index_cast %swap3A_31 : i32 to index
    %swap3A_33 = arith.constant 48 : index
    %swap3A_34 = tpu.vector_load %arg8[%swap3A_32, %swap3A_33] {strides = array<i32>} : memref<8x128xi32, #tpu.memory_space<vmem>>, vector<1x16xi32>,
    %swap3A_35 = vector.shape_cast %swap3A_34 : vector<1x16xi32> to vector<16xi32>
    %swap3A_36 = vector.shape_cast %broadcast_in_dim3A : vector<16xi32> to vector<1x16xi32>
    tpu.vector_store %arg8[%swap3A_32, %swap3A_33], %swap3A_36 {strides = array<i32>} : memref<8x128xi32, #tpu.memory_space<vmem>>, vector<1x16xi32>,
    %swap3A_37 = arith.constant 0 : i32
    %swap3A_38 = arith.index_cast %swap3A_37 : i32 to index
    %swap3A_39 = arith.constant 64 : index
    %swap3A_40 = tpu.vector_load %arg8[%swap3A_38, %swap3A_39] {strides = array<i32>} : memref<8x128xi32, #tpu.memory_space<vmem>>, vector<1x16xi32>,
    %swap3A_41 = vector.shape_cast %swap3A_40 : vector<1x16xi32> to vector<16xi32>
    %swap3A_42 = vector.shape_cast %broadcast_in_dim3A : vector<16xi32> to vector<1x16xi32>
    tpu.vector_store %arg8[%swap3A_38, %swap3A_39], %swap3A_42 {strides = array<i32>} : memref<8x128xi32, #tpu.memory_space<vmem>>, vector<1x16xi32>,
    %swap3A_43 = arith.constant 0 : i32
    %swap3A_44 = arith.index_cast %swap3A_43 : i32 to index
    %swap3A_45 = arith.constant 80 : index
    %swap3A_46 = tpu.vector_load %arg8[%swap3A_44, %swap3A_45] {strides = array<i32>} : memref<8x128xi32, #tpu.memory_space<vmem>>, vector<1x16xi32>,
    %swap3A_47 = vector.shape_cast %swap3A_46 : vector<1x16xi32> to vector<16xi32>
    %swap3A_48 = vector.shape_cast %broadcast_in_dim3A : vector<16xi32> to vector<1x16xi32>
    tpu.vector_store %arg8[%swap3A_44, %swap3A_45], %swap3A_48 {strides = array<i32>} : memref<8x128xi32, #tpu.memory_space<vmem>>, vector<1x16xi32>,
    %swap3A_49 = arith.constant 0 : i32
    %swap3A_50 = arith.index_cast %swap3A_49 : i32 to index
    %swap3A_51 = arith.constant 96 : index
    %swap3A_52 = tpu.vector_load %arg8[%swap3A_50, %swap3A_51] {strides = array<i32>} : memref<8x128xi32, #tpu.memory_space<vmem>>, vector<1x16xi32>,
    %swap3A_53 = vector.shape_cast %swap3A_52 : vector<1x16xi32> to vector<16xi32>
    %swap3A_54 = vector.shape_cast %broadcast_in_dim3A : vector<16xi32> to vector<1x16xi32>
    tpu.vector_store %arg8[%swap3A_50, %swap3A_51], %swap3A_54 {strides = array<i32>} : memref<8x128xi32, #tpu.memory_space<vmem>>, vector<1x16xi32>,
    %swap3A_55 = arith.constant 0 : i32
    %swap3A_56 = arith.index_cast %swap3A_55 : i32 to index
    %swap3A_57 = arith.constant 112 : index
    %swap3A_58 = tpu.vector_load %arg8[%swap3A_56, %swap3A_57] {strides = array<i32>} : memref<8x128xi32, #tpu.memory_space<vmem>>, vector<1x16xi32>,
    %swap3A_59 = vector.shape_cast %swap3A_58 : vector<1x16xi32> to vector<16xi32>
    %swap3A_60 = vector.shape_cast %broadcast_in_dim3A : vector<16xi32> to vector<1x16xi32>
    tpu.vector_store %arg8[%swap3A_56, %swap3A_57], %swap3A_60 {strides = array<i32>} : memref<8x128xi32, #tpu.memory_space<vmem>>, vector<1x16xi32>,
    %swap3A_61 = arith.constant 1 : i32
    %swap3A_62 = arith.index_cast %swap3A_61 : i32 to index
    %swap3A_63 = arith.constant 0 : index
    %swap3A_64 = tpu.vector_load %arg8[%swap3A_62, %swap3A_63] {strides = array<i32>} : memref<8x128xi32, #tpu.memory_space<vmem>>, vector<1x16xi32>,
    %swap3A_65 = vector.shape_cast %swap3A_64 : vector<1x16xi32> to vector<16xi32>
    %swap3A_66 = vector.shape_cast %broadcast_in_dim3A : vector<16xi32> to vector<1x16xi32>
    tpu.vector_store %arg8[%swap3A_62, %swap3A_63], %swap3A_66 {strides = array<i32>} : memref<8x128xi32, #tpu.memory_space<vmem>>, vector<1x16xi32>,
    %swap3A_67 = arith.constant 1 : i32
    %swap3A_68 = arith.index_cast %swap3A_67 : i32 to index
    %swap3A_69 = arith.constant 16 : index
    %swap3A_70 = tpu.vector_load %arg8[%swap3A_68, %swap3A_69] {strides = array<i32>} : memref<8x128xi32, #tpu.memory_space<vmem>>, vector<1x16xi32>,
    %swap3A_71 = vector.shape_cast %swap3A_70 : vector<1x16xi32> to vector<16xi32>
    %swap3A_72 = vector.shape_cast %broadcast_in_dim3A : vector<16xi32> to vector<1x16xi32>
    tpu.vector_store %arg8[%swap3A_68, %swap3A_69], %swap3A_72 {strides = array<i32>} : memref<8x128xi32, #tpu.memory_space<vmem>>, vector<1x16xi32>,
    %swap3A_73 = arith.constant 1 : i32
    %swap3A_74 = arith.index_cast %swap3A_73 : i32 to index
    %swap3A_75 = arith.constant 32 : index
    %swap3A_76 = tpu.vector_load %arg8[%swap3A_74, %swap3A_75] {strides = array<i32>} : memref<8x128xi32, #tpu.memory_space<vmem>>, vector<1x16xi32>,
    %swap3A_77 = vector.shape_cast %swap3A_76 : vector<1x16xi32> to vector<16xi32>
    %swap3A_78 = vector.shape_cast %broadcast_in_dim3A : vector<16xi32> to vector<1x16xi32>
    tpu.vector_store %arg8[%swap3A_74, %swap3A_75], %swap3A_78 {strides = array<i32>} : memref<8x128xi32, #tpu.memory_space<vmem>>, vector<1x16xi32>,
    %swap3A_79 = arith.constant 1 : i32
    %swap3A_80 = arith.index_cast %swap3A_79 : i32 to index
    %swap3A_81 = arith.constant 48 : index
    %swap3A_82 = tpu.vector_load %arg8[%swap3A_80, %swap3A_81] {strides = array<i32>} : memref<8x128xi32, #tpu.memory_space<vmem>>, vector<1x16xi32>,
    %swap3A_83 = vector.shape_cast %swap3A_82 : vector<1x16xi32> to vector<16xi32>
    %swap3A_84 = vector.shape_cast %broadcast_in_dim3A : vector<16xi32> to vector<1x16xi32>
    tpu.vector_store %arg8[%swap3A_80, %swap3A_81], %swap3A_84 {strides = array<i32>} : memref<8x128xi32, #tpu.memory_space<vmem>>, vector<1x16xi32>,
    %swap3A_85 = arith.constant 1 : i32
    %swap3A_86 = arith.index_cast %swap3A_85 : i32 to index
    %swap3A_87 = arith.constant 64 : index
    %swap3A_88 = tpu.vector_load %arg8[%swap3A_86, %swap3A_87] {strides = array<i32>} : memref<8x128xi32, #tpu.memory_space<vmem>>, vector<1x16xi32>,
    %swap3A_89 = vector.shape_cast %swap3A_88 : vector<1x16xi32> to vector<16xi32>
    %swap3A_90 = vector.shape_cast %broadcast_in_dim3A : vector<16xi32> to vector<1x16xi32>
    tpu.vector_store %arg8[%swap3A_86, %swap3A_87], %swap3A_90 {strides = array<i32>} : memref<8x128xi32, #tpu.memory_space<vmem>>, vector<1x16xi32>,
    %swap3A_91 = arith.constant 1 : i32
    %swap3A_92 = arith.index_cast %swap3A_91 : i32 to index
    %swap3A_93 = arith.constant 80 : index
    %swap3A_94 = tpu.vector_load %arg8[%swap3A_92, %swap3A_93] {strides = array<i32>} : memref<8x128xi32, #tpu.memory_space<vmem>>, vector<1x16xi32>,
    %swap3A_95 = vector.shape_cast %swap3A_94 : vector<1x16xi32> to vector<16xi32>
    %swap3A_96 = vector.shape_cast %broadcast_in_dim3A : vector<16xi32> to vector<1x16xi32>
    tpu.vector_store %arg8[%swap3A_92, %swap3A_93], %swap3A_96 {strides = array<i32>} : memref<8x128xi32, #tpu.memory_space<vmem>>, vector<1x16xi32>,
    %swap3A_97 = arith.constant 1 : i32
    %swap3A_98 = arith.index_cast %swap3A_97 : i32 to index
    %swap3A_99 = arith.constant 96 : index
    %swap3A_100 = tpu.vector_load %arg8[%swap3A_98, %swap3A_99] {strides = array<i32>} : memref<8x128xi32, #tpu.memory_space<vmem>>, vector<1x16xi32>,
    %swap3A_101 = vector.shape_cast %swap3A_100 : vector<1x16xi32> to vector<16xi32>
    %swap3A_102 = vector.shape_cast %broadcast_in_dim3A : vector<16xi32> to vector<1x16xi32>
    tpu.vector_store %arg8[%swap3A_98, %swap3A_99], %swap3A_102 {strides = array<i32>} : memref<8x128xi32, #tpu.memory_space<vmem>>, vector<1x16xi32>,
    %swap3A_103 = arith.constant 1 : i32
    %swap3A_104 = arith.index_cast %swap3A_103 : i32 to index
    %swap3A_105 = arith.constant 112 : index
    %swap3A_106 = tpu.vector_load %arg8[%swap3A_104, %swap3A_105] {strides = array<i32>} : memref<8x128xi32, #tpu.memory_space<vmem>>, vector<1x16xi32>,
    %swap3A_107 = vector.shape_cast %swap3A_106 : vector<1x16xi32> to vector<16xi32>
    %swap3A_108 = vector.shape_cast %broadcast_in_dim3A : vector<16xi32> to vector<1x16xi32>
    tpu.vector_store %arg8[%swap3A_104, %swap3A_105], %swap3A_108 {strides = array<i32>} : memref<8x128xi32, #tpu.memory_space<vmem>>, vector<1x16xi32>,
    %swap3A_109 = arith.constant 2 : i32
    %swap3A_110 = arith.index_cast %swap3A_109 : i32 to index
    %swap3A_111 = arith.constant 0 : index
    %swap3A_112 = tpu.vector_load %arg8[%swap3A_110, %swap3A_111] {strides = array<i32>} : memref<8x128xi32, #tpu.memory_space<vmem>>, vector<1x16xi32>,
    %swap3A_113 = vector.shape_cast %swap3A_112 : vector<1x16xi32> to vector<16xi32>
    %swap3A_114 = vector.shape_cast %broadcast_in_dim3A : vector<16xi32> to vector<1x16xi32>
    tpu.vector_store %arg8[%swap3A_110, %swap3A_111], %swap3A_114 {strides = array<i32>} : memref<8x128xi32, #tpu.memory_space<vmem>>, vector<1x16xi32>,
    %swap3A_115 = arith.constant 2 : i32
    %swap3A_116 = arith.index_cast %swap3A_115 : i32 to index
    %swap3A_117 = arith.constant 16 : index
    %swap3A_118 = tpu.vector_load %arg8[%swap3A_116, %swap3A_117] {strides = array<i32>} : memref<8x128xi32, #tpu.memory_space<vmem>>, vector<1x16xi32>,
    %swap3A_119 = vector.shape_cast %swap3A_118 : vector<1x16xi32> to vector<16xi32>
    %swap3A_120 = vector.shape_cast %broadcast_in_dim3A : vector<16xi32> to vector<1x16xi32>
    tpu.vector_store %arg8[%swap3A_116, %swap3A_117], %swap3A_120 {strides = array<i32>} : memref<8x128xi32, #tpu.memory_space<vmem>>, vector<1x16xi32>,
    %swap3A_121 = arith.constant 2 : i32
    %swap3A_122 = arith.index_cast %swap3A_121 : i32 to index
    %swap3A_123 = arith.constant 32 : index
    %swap3A_124 = tpu.vector_load %arg8[%swap3A_122, %swap3A_123] {strides = array<i32>} : memref<8x128xi32, #tpu.memory_space<vmem>>, vector<1x16xi32>,
    %swap3A_125 = vector.shape_cast %swap3A_124 : vector<1x16xi32> to vector<16xi32>
    %swap3A_126 = vector.shape_cast %broadcast_in_dim3A : vector<16xi32> to vector<1x16xi32>
    tpu.vector_store %arg8[%swap3A_122, %swap3A_123], %swap3A_126 {strides = array<i32>} : memref<8x128xi32, #tpu.memory_space<vmem>>, vector<1x16xi32>,
    %swap3A_127 = arith.constant 2 : i32
    %swap3A_128 = arith.index_cast %swap3A_127 : i32 to index
    %swap3A_129 = arith.constant 48 : index
    %swap3A_130 = tpu.vector_load %arg8[%swap3A_128, %swap3A_129] {strides = array<i32>} : memref<8x128xi32, #tpu.memory_space<vmem>>, vector<1x16xi32>,
    %swap3A_131 = vector.shape_cast %swap3A_130 : vector<1x16xi32> to vector<16xi32>
    %swap3A_132 = vector.shape_cast %broadcast_in_dim3A : vector<16xi32> to vector<1x16xi32>
    tpu.vector_store %arg8[%swap3A_128, %swap3A_129], %swap3A_132 {strides = array<i32>} : memref<8x128xi32, #tpu.memory_space<vmem>>, vector<1x16xi32>,
    %swap3A_133 = arith.constant 2 : i32
    %swap3A_134 = arith.index_cast %swap3A_133 : i32 to index
    %swap3A_135 = arith.constant 64 : index
    %swap3A_136 = tpu.vector_load %arg8[%swap3A_134, %swap3A_135] {strides = array<i32>} : memref<8x128xi32, #tpu.memory_space<vmem>>, vector<1x16xi32>,
    %swap3A_137 = vector.shape_cast %swap3A_136 : vector<1x16xi32> to vector<16xi32>
    %swap3A_138 = vector.shape_cast %broadcast_in_dim3A : vector<16xi32> to vector<1x16xi32>
    tpu.vector_store %arg8[%swap3A_134, %swap3A_135], %swap3A_138 {strides = array<i32>} : memref<8x128xi32, #tpu.memory_space<vmem>>, vector<1x16xi32>,
    %swap3A_139 = arith.constant 2 : i32
    %swap3A_140 = arith.index_cast %swap3A_139 : i32 to index
    %swap3A_141 = arith.constant 80 : index
    %swap3A_142 = tpu.vector_load %arg8[%swap3A_140, %swap3A_141] {strides = array<i32>} : memref<8x128xi32, #tpu.memory_space<vmem>>, vector<1x16xi32>,
    %swap3A_143 = vector.shape_cast %swap3A_142 : vector<1x16xi32> to vector<16xi32>
    %swap3A_144 = vector.shape_cast %broadcast_in_dim3A : vector<16xi32> to vector<1x16xi32>
    tpu.vector_store %arg8[%swap3A_140, %swap3A_141], %swap3A_144 {strides = array<i32>} : memref<8x128xi32, #tpu.memory_space<vmem>>, vector<1x16xi32>,
    %swap3A_145 = arith.constant 2 : i32
    %swap3A_146 = arith.index_cast %swap3A_145 : i32 to index
    %swap3A_147 = arith.constant 96 : index
    %swap3A_148 = tpu.vector_load %arg8[%swap3A_146, %swap3A_147] {strides = array<i32>} : memref<8x128xi32, #tpu.memory_space<vmem>>, vector<1x16xi32>,
    %swap3A_149 = vector.shape_cast %swap3A_148 : vector<1x16xi32> to vector<16xi32>
    %swap3A_150 = vector.shape_cast %broadcast_in_dim3A : vector<16xi32> to vector<1x16xi32>
    tpu.vector_store %arg8[%swap3A_146, %swap3A_147], %swap3A_150 {strides = array<i32>} : memref<8x128xi32, #tpu.memory_space<vmem>>, vector<1x16xi32>,
    %swap3A_151 = arith.constant 2 : i32
    %swap3A_152 = arith.index_cast %swap3A_151 : i32 to index
    %swap3A_153 = arith.constant 112 : index
    %swap3A_154 = tpu.vector_load %arg8[%swap3A_152, %swap3A_153] {strides = array<i32>} : memref<8x128xi32, #tpu.memory_space<vmem>>, vector<1x16xi32>,
    %swap3A_155 = vector.shape_cast %swap3A_154 : vector<1x16xi32> to vector<16xi32>
    %swap3A_156 = vector.shape_cast %broadcast_in_dim3A : vector<16xi32> to vector<1x16xi32>
    tpu.vector_store %arg8[%swap3A_152, %swap3A_153], %swap3A_156 {strides = array<i32>} : memref<8x128xi32, #tpu.memory_space<vmem>>, vector<1x16xi32>,
    %swap3A_157 = arith.constant 3 : i32
    %swap3A_158 = arith.index_cast %swap3A_157 : i32 to index
    %swap3A_159 = arith.constant 0 : index
    %swap3A_160 = tpu.vector_load %arg8[%swap3A_158, %swap3A_159] {strides = array<i32>} : memref<8x128xi32, #tpu.memory_space<vmem>>, vector<1x16xi32>,
    %swap3A_161 = vector.shape_cast %swap3A_160 : vector<1x16xi32> to vector<16xi32>
    %swap3A_162 = vector.shape_cast %broadcast_in_dim3A : vector<16xi32> to vector<1x16xi32>
    tpu.vector_store %arg8[%swap3A_158, %swap3A_159], %swap3A_162 {strides = array<i32>} : memref<8x128xi32, #tpu.memory_space<vmem>>, vector<1x16xi32>,
    %swap3A_163 = arith.constant 3 : i32
    %swap3A_164 = arith.index_cast %swap3A_163 : i32 to index
    %swap3A_165 = arith.constant 16 : index
    %swap3A_166 = tpu.vector_load %arg8[%swap3A_164, %swap3A_165] {strides = array<i32>} : memref<8x128xi32, #tpu.memory_space<vmem>>, vector<1x16xi32>,
    %swap3A_167 = vector.shape_cast %swap3A_166 : vector<1x16xi32> to vector<16xi32>
    %swap3A_168 = vector.shape_cast %broadcast_in_dim3A : vector<16xi32> to vector<1x16xi32>
    tpu.vector_store %arg8[%swap3A_164, %swap3A_165], %swap3A_168 {strides = array<i32>} : memref<8x128xi32, #tpu.memory_space<vmem>>, vector<1x16xi32>,
    %swap3A_169 = arith.constant 3 : i32
    %swap3A_170 = arith.index_cast %swap3A_169 : i32 to index
    %swap3A_171 = arith.constant 32 : index
    %swap3A_172 = tpu.vector_load %arg8[%swap3A_170, %swap3A_171] {strides = array<i32>} : memref<8x128xi32, #tpu.memory_space<vmem>>, vector<1x16xi32>,
    %swap3A_173 = vector.shape_cast %swap3A_172 : vector<1x16xi32> to vector<16xi32>
    %swap3A_174 = vector.shape_cast %broadcast_in_dim3A : vector<16xi32> to vector<1x16xi32>
    tpu.vector_store %arg8[%swap3A_170, %swap3A_171], %swap3A_174 {strides = array<i32>} : memref<8x128xi32, #tpu.memory_space<vmem>>, vector<1x16xi32>,
    %swap3A_175 = arith.constant 3 : i32
    %swap3A_176 = arith.index_cast %swap3A_175 : i32 to index
    %swap3A_177 = arith.constant 48 : index
    %swap3A_178 = tpu.vector_load %arg8[%swap3A_176, %swap3A_177] {strides = array<i32>} : memref<8x128xi32, #tpu.memory_space<vmem>>, vector<1x16xi32>,
    %swap3A_179 = vector.shape_cast %swap3A_178 : vector<1x16xi32> to vector<16xi32>
    %swap3A_180 = vector.shape_cast %broadcast_in_dim3A : vector<16xi32> to vector<1x16xi32>
    tpu.vector_store %arg8[%swap3A_176, %swap3A_177], %swap3A_180 {strides = array<i32>} : memref<8x128xi32, #tpu.memory_space<vmem>>, vector<1x16xi32>,
    %swap3A_181 = arith.constant 3 : i32
    %swap3A_182 = arith.index_cast %swap3A_181 : i32 to index
    %swap3A_183 = arith.constant 64 : index
    %swap3A_184 = tpu.vector_load %arg8[%swap3A_182, %swap3A_183] {strides = array<i32>} : memref<8x128xi32, #tpu.memory_space<vmem>>, vector<1x16xi32>,
    %swap3A_185 = vector.shape_cast %swap3A_184 : vector<1x16xi32> to vector<16xi32>
    %swap3A_186 = vector.shape_cast %broadcast_in_dim3A : vector<16xi32> to vector<1x16xi32>
    tpu.vector_store %arg8[%swap3A_182, %swap3A_183], %swap3A_186 {strides = array<i32>} : memref<8x128xi32, #tpu.memory_space<vmem>>, vector<1x16xi32>,
    %swap3A_187 = arith.constant 3 : i32
    %swap3A_188 = arith.index_cast %swap3A_187 : i32 to index
    %swap3A_189 = arith.constant 80 : index
    %swap3A_190 = tpu.vector_load %arg8[%swap3A_188, %swap3A_189] {strides = array<i32>} : memref<8x128xi32, #tpu.memory_space<vmem>>, vector<1x16xi32>,
    %swap3A_191 = vector.shape_cast %swap3A_190 : vector<1x16xi32> to vector<16xi32>
    %swap3A_192 = vector.shape_cast %broadcast_in_dim3A : vector<16xi32> to vector<1x16xi32>
    tpu.vector_store %arg8[%swap3A_188, %swap3A_189], %swap3A_192 {strides = array<i32>} : memref<8x128xi32, #tpu.memory_space<vmem>>, vector<1x16xi32>,
    %swap3A_193 = arith.constant 3 : i32
    %swap3A_194 = arith.index_cast %swap3A_193 : i32 to index
    %swap3A_195 = arith.constant 96 : index
    %swap3A_196 = tpu.vector_load %arg8[%swap3A_194, %swap3A_195] {strides = array<i32>} : memref<8x128xi32, #tpu.memory_space<vmem>>, vector<1x16xi32>,
    %swap3A_197 = vector.shape_cast %swap3A_196 : vector<1x16xi32> to vector<16xi32>
    %swap3A_198 = vector.shape_cast %broadcast_in_dim3A : vector<16xi32> to vector<1x16xi32>
    tpu.vector_store %arg8[%swap3A_194, %swap3A_195], %swap3A_198 {strides = array<i32>} : memref<8x128xi32, #tpu.memory_space<vmem>>, vector<1x16xi32>,
    %swap3A_199 = arith.constant 3 : i32
    %swap3A_200 = arith.index_cast %swap3A_199 : i32 to index
    %swap3A_201 = arith.constant 112 : index
    %swap3A_202 = tpu.vector_load %arg8[%swap3A_200, %swap3A_201] {strides = array<i32>} : memref<8x128xi32, #tpu.memory_space<vmem>>, vector<1x16xi32>,
    %swap3A_203 = vector.shape_cast %swap3A_202 : vector<1x16xi32> to vector<16xi32>
    %swap3A_204 = vector.shape_cast %broadcast_in_dim3A : vector<16xi32> to vector<1x16xi32>
    tpu.vector_store %arg8[%swap3A_200, %swap3A_201], %swap3A_204 {strides = array<i32>} : memref<8x128xi32, #tpu.memory_space<vmem>>, vector<1x16xi32>,
    %swap3A_205 = arith.constant 4 : i32
    %swap3A_206 = arith.index_cast %swap3A_205 : i32 to index
    %swap3A_207 = arith.constant 0 : index
    %swap3A_208 = tpu.vector_load %arg8[%swap3A_206, %swap3A_207] {strides = array<i32>} : memref<8x128xi32, #tpu.memory_space<vmem>>, vector<1x16xi32>,
    %swap3A_209 = vector.shape_cast %swap3A_208 : vector<1x16xi32> to vector<16xi32>
    %swap3A_210 = vector.shape_cast %broadcast_in_dim3A : vector<16xi32> to vector<1x16xi32>
    tpu.vector_store %arg8[%swap3A_206, %swap3A_207], %swap3A_210 {strides = array<i32>} : memref<8x128xi32, #tpu.memory_space<vmem>>, vector<1x16xi32>,
    %swap3A_211 = arith.constant 4 : i32
    %swap3A_212 = arith.index_cast %swap3A_211 : i32 to index
    %swap3A_213 = arith.constant 16 : index
    %swap3A_214 = tpu.vector_load %arg8[%swap3A_212, %swap3A_213] {strides = array<i32>} : memref<8x128xi32, #tpu.memory_space<vmem>>, vector<1x16xi32>,
    %swap3A_215 = vector.shape_cast %swap3A_214 : vector<1x16xi32> to vector<16xi32>
    %swap3A_216 = vector.shape_cast %broadcast_in_dim3A : vector<16xi32> to vector<1x16xi32>
    tpu.vector_store %arg8[%swap3A_212, %swap3A_213], %swap3A_216 {strides = array<i32>} : memref<8x128xi32, #tpu.memory_space<vmem>>, vector<1x16xi32>,
    %swap3A_217 = arith.constant 4 : i32
    %swap3A_218 = arith.index_cast %swap3A_217 : i32 to index
    %swap3A_219 = arith.constant 32 : index
    %swap3A_220 = tpu.vector_load %arg8[%swap3A_218, %swap3A_219] {strides = array<i32>} : memref<8x128xi32, #tpu.memory_space<vmem>>, vector<1x16xi32>,
    %swap3A_221 = vector.shape_cast %swap3A_220 : vector<1x16xi32> to vector<16xi32>
    %swap3A_222 = vector.shape_cast %broadcast_in_dim3A : vector<16xi32> to vector<1x16xi32>
    tpu.vector_store %arg8[%swap3A_218, %swap3A_219], %swap3A_222 {strides = array<i32>} : memref<8x128xi32, #tpu.memory_space<vmem>>, vector<1x16xi32>,
    %swap3A_223 = arith.constant 4 : i32
    %swap3A_224 = arith.index_cast %swap3A_223 : i32 to index
    %swap3A_225 = arith.constant 48 : index
    %swap3A_226 = tpu.vector_load %arg8[%swap3A_224, %swap3A_225] {strides = array<i32>} : memref<8x128xi32, #tpu.memory_space<vmem>>, vector<1x16xi32>,
    %swap3A_227 = vector.shape_cast %swap3A_226 : vector<1x16xi32> to vector<16xi32>
    %swap3A_228 = vector.shape_cast %broadcast_in_dim3A : vector<16xi32> to vector<1x16xi32>
    tpu.vector_store %arg8[%swap3A_224, %swap3A_225], %swap3A_228 {strides = array<i32>} : memref<8x128xi32, #tpu.memory_space<vmem>>, vector<1x16xi32>,
    %swap3A_229 = arith.constant 4 : i32
    %swap3A_230 = arith.index_cast %swap3A_229 : i32 to index
    %swap3A_231 = arith.constant 64 : index
    %swap3A_232 = tpu.vector_load %arg8[%swap3A_230, %swap3A_231] {strides = array<i32>} : memref<8x128xi32, #tpu.memory_space<vmem>>, vector<1x16xi32>,
    %swap3A_233 = vector.shape_cast %swap3A_232 : vector<1x16xi32> to vector<16xi32>
    %swap3A_234 = vector.shape_cast %broadcast_in_dim3A : vector<16xi32> to vector<1x16xi32>
    tpu.vector_store %arg8[%swap3A_230, %swap3A_231], %swap3A_234 {strides = array<i32>} : memref<8x128xi32, #tpu.memory_space<vmem>>, vector<1x16xi32>,
    %swap3A_235 = arith.constant 4 : i32
    %swap3A_236 = arith.index_cast %swap3A_235 : i32 to index
    %swap3A_237 = arith.constant 80 : index
    %swap3A_238 = tpu.vector_load %arg8[%swap3A_236, %swap3A_237] {strides = array<i32>} : memref<8x128xi32, #tpu.memory_space<vmem>>, vector<1x16xi32>,
    %swap3A_239 = vector.shape_cast %swap3A_238 : vector<1x16xi32> to vector<16xi32>
    %swap3A_240 = vector.shape_cast %broadcast_in_dim3A : vector<16xi32> to vector<1x16xi32>
    tpu.vector_store %arg8[%swap3A_236, %swap3A_237], %swap3A_240 {strides = array<i32>} : memref<8x128xi32, #tpu.memory_space<vmem>>, vector<1x16xi32>,
    %swap3A_241 = arith.constant 4 : i32
    %swap3A_242 = arith.index_cast %swap3A_241 : i32 to index
    %swap3A_243 = arith.constant 96 : index
    %swap3A_244 = tpu.vector_load %arg8[%swap3A_242, %swap3A_243] {strides = array<i32>} : memref<8x128xi32, #tpu.memory_space<vmem>>, vector<1x16xi32>,
    %swap3A_245 = vector.shape_cast %swap3A_244 : vector<1x16xi32> to vector<16xi32>
    %swap3A_246 = vector.shape_cast %broadcast_in_dim3A : vector<16xi32> to vector<1x16xi32>
    tpu.vector_store %arg8[%swap3A_242, %swap3A_243], %swap3A_246 {strides = array<i32>} : memref<8x128xi32, #tpu.memory_space<vmem>>, vector<1x16xi32>,
    %swap3A_247 = arith.constant 4 : i32
    %swap3A_248 = arith.index_cast %swap3A_247 : i32 to index
    %swap3A_249 = arith.constant 112 : index
    %swap3A_250 = tpu.vector_load %arg8[%swap3A_248, %swap3A_249] {strides = array<i32>} : memref<8x128xi32, #tpu.memory_space<vmem>>, vector<1x16xi32>,
    %swap3A_251 = vector.shape_cast %swap3A_250 : vector<1x16xi32> to vector<16xi32>
    %swap3A_252 = vector.shape_cast %broadcast_in_dim3A : vector<16xi32> to vector<1x16xi32>
    tpu.vector_store %arg8[%swap3A_248, %swap3A_249], %swap3A_252 {strides = array<i32>} : memref<8x128xi32, #tpu.memory_space<vmem>>, vector<1x16xi32>,
    %swap3A_253 = arith.constant 5 : i32
    %swap3A_254 = arith.index_cast %swap3A_253 : i32 to index
    %swap3A_255 = arith.constant 0 : index
    %swap3A_256 = tpu.vector_load %arg8[%swap3A_254, %swap3A_255] {strides = array<i32>} : memref<8x128xi32, #tpu.memory_space<vmem>>, vector<1x16xi32>,
    %swap3A_257 = vector.shape_cast %swap3A_256 : vector<1x16xi32> to vector<16xi32>
    %swap3A_258 = vector.shape_cast %broadcast_in_dim3A : vector<16xi32> to vector<1x16xi32>
    tpu.vector_store %arg8[%swap3A_254, %swap3A_255], %swap3A_258 {strides = array<i32>} : memref<8x128xi32, #tpu.memory_space<vmem>>, vector<1x16xi32>,
    %swap3A_259 = arith.constant 5 : i32
    %swap3A_260 = arith.index_cast %swap3A_259 : i32 to index
    %swap3A_261 = arith.constant 16 : index
    %swap3A_262 = tpu.vector_load %arg8[%swap3A_260, %swap3A_261] {strides = array<i32>} : memref<8x128xi32, #tpu.memory_space<vmem>>, vector<1x16xi32>,
    %swap3A_263 = vector.shape_cast %swap3A_262 : vector<1x16xi32> to vector<16xi32>
    %swap3A_264 = vector.shape_cast %broadcast_in_dim3A : vector<16xi32> to vector<1x16xi32>
    tpu.vector_store %arg8[%swap3A_260, %swap3A_261], %swap3A_264 {strides = array<i32>} : memref<8x128xi32, #tpu.memory_space<vmem>>, vector<1x16xi32>,
    %swap3A_265 = arith.constant 5 : i32
    %swap3A_266 = arith.index_cast %swap3A_265 : i32 to index
    %swap3A_267 = arith.constant 32 : index
    %swap3A_268 = tpu.vector_load %arg8[%swap3A_266, %swap3A_267] {strides = array<i32>} : memref<8x128xi32, #tpu.memory_space<vmem>>, vector<1x16xi32>,
    %swap3A_269 = vector.shape_cast %swap3A_268 : vector<1x16xi32> to vector<16xi32>
    %swap3A_270 = vector.shape_cast %broadcast_in_dim3A : vector<16xi32> to vector<1x16xi32>
    tpu.vector_store %arg8[%swap3A_266, %swap3A_267], %swap3A_270 {strides = array<i32>} : memref<8x128xi32, #tpu.memory_space<vmem>>, vector<1x16xi32>,
    %swap3A_271 = arith.constant 5 : i32
    %swap3A_272 = arith.index_cast %swap3A_271 : i32 to index
    %swap3A_273 = arith.constant 48 : index
    %swap3A_274 = tpu.vector_load %arg8[%swap3A_272, %swap3A_273] {strides = array<i32>} : memref<8x128xi32, #tpu.memory_space<vmem>>, vector<1x16xi32>,
    %swap3A_275 = vector.shape_cast %swap3A_274 : vector<1x16xi32> to vector<16xi32>
    %swap3A_276 = vector.shape_cast %broadcast_in_dim3A : vector<16xi32> to vector<1x16xi32>
    tpu.vector_store %arg8[%swap3A_272, %swap3A_273], %swap3A_276 {strides = array<i32>} : memref<8x128xi32, #tpu.memory_space<vmem>>, vector<1x16xi32>,
    %swap3A_277 = arith.constant 5 : i32
    %swap3A_278 = arith.index_cast %swap3A_277 : i32 to index
    %swap3A_279 = arith.constant 64 : index
    %swap3A_280 = tpu.vector_load %arg8[%swap3A_278, %swap3A_279] {strides = array<i32>} : memref<8x128xi32, #tpu.memory_space<vmem>>, vector<1x16xi32>,
    %swap3A_281 = vector.shape_cast %swap3A_280 : vector<1x16xi32> to vector<16xi32>
    %swap3A_282 = vector.shape_cast %broadcast_in_dim3A : vector<16xi32> to vector<1x16xi32>
    tpu.vector_store %arg8[%swap3A_278, %swap3A_279], %swap3A_282 {strides = array<i32>} : memref<8x128xi32, #tpu.memory_space<vmem>>, vector<1x16xi32>,
    %swap3A_283 = arith.constant 5 : i32
    %swap3A_284 = arith.index_cast %swap3A_283 : i32 to index
    %swap3A_285 = arith.constant 80 : index
    %swap3A_286 = tpu.vector_load %arg8[%swap3A_284, %swap3A_285] {strides = array<i32>} : memref<8x128xi32, #tpu.memory_space<vmem>>, vector<1x16xi32>,
    %swap3A_287 = vector.shape_cast %swap3A_286 : vector<1x16xi32> to vector<16xi32>
    %swap3A_288 = vector.shape_cast %broadcast_in_dim3A : vector<16xi32> to vector<1x16xi32>
    tpu.vector_store %arg8[%swap3A_284, %swap3A_285], %swap3A_288 {strides = array<i32>} : memref<8x128xi32, #tpu.memory_space<vmem>>, vector<1x16xi32>,
    %swap3A_289 = arith.constant 5 : i32
    %swap3A_290 = arith.index_cast %swap3A_289 : i32 to index
    %swap3A_291 = arith.constant 96 : index
    %swap3A_292 = tpu.vector_load %arg8[%swap3A_290, %swap3A_291] {strides = array<i32>} : memref<8x128xi32, #tpu.memory_space<vmem>>, vector<1x16xi32>,
    %swap3A_293 = vector.shape_cast %swap3A_292 : vector<1x16xi32> to vector<16xi32>
    %swap3A_294 = vector.shape_cast %broadcast_in_dim3A : vector<16xi32> to vector<1x16xi32>
    tpu.vector_store %arg8[%swap3A_290, %swap3A_291], %swap3A_294 {strides = array<i32>} : memref<8x128xi32, #tpu.memory_space<vmem>>, vector<1x16xi32>,
    %swap3A_295 = arith.constant 5 : i32
    %swap3A_296 = arith.index_cast %swap3A_295 : i32 to index
    %swap3A_297 = arith.constant 112 : index
    %swap3A_298 = tpu.vector_load %arg8[%swap3A_296, %swap3A_297] {strides = array<i32>} : memref<8x128xi32, #tpu.memory_space<vmem>>, vector<1x16xi32>,
    %swap3A_299 = vector.shape_cast %swap3A_298 : vector<1x16xi32> to vector<16xi32>
    %swap3A_300 = vector.shape_cast %broadcast_in_dim3A : vector<16xi32> to vector<1x16xi32>
    tpu.vector_store %arg8[%swap3A_296, %swap3A_297], %swap3A_300 {strides = array<i32>} : memref<8x128xi32, #tpu.memory_space<vmem>>, vector<1x16xi32>,
    %swap3A_301 = arith.constant 6 : i32
    %swap3A_302 = arith.index_cast %swap3A_301 : i32 to index
    %swap3A_303 = arith.constant 0 : index
    %swap3A_304 = tpu.vector_load %arg8[%swap3A_302, %swap3A_303] {strides = array<i32>} : memref<8x128xi32, #tpu.memory_space<vmem>>, vector<1x16xi32>,
    %swap3A_305 = vector.shape_cast %swap3A_304 : vector<1x16xi32> to vector<16xi32>
    %swap3A_306 = vector.shape_cast %broadcast_in_dim3A : vector<16xi32> to vector<1x16xi32>
    tpu.vector_store %arg8[%swap3A_302, %swap3A_303], %swap3A_306 {strides = array<i32>} : memref<8x128xi32, #tpu.memory_space<vmem>>, vector<1x16xi32>,
    %swap3A_307 = arith.constant 6 : i32
    %swap3A_308 = arith.index_cast %swap3A_307 : i32 to index
    %swap3A_309 = arith.constant 16 : index
    %swap3A_310 = tpu.vector_load %arg8[%swap3A_308, %swap3A_309] {strides = array<i32>} : memref<8x128xi32, #tpu.memory_space<vmem>>, vector<1x16xi32>,
    %swap3A_311 = vector.shape_cast %swap3A_310 : vector<1x16xi32> to vector<16xi32>
    %swap3A_312 = vector.shape_cast %broadcast_in_dim3A : vector<16xi32> to vector<1x16xi32>
    tpu.vector_store %arg8[%swap3A_308, %swap3A_309], %swap3A_312 {strides = array<i32>} : memref<8x128xi32, #tpu.memory_space<vmem>>, vector<1x16xi32>,
    %swap3A_313 = arith.constant 6 : i32
    %swap3A_314 = arith.index_cast %swap3A_313 : i32 to index
    %swap3A_315 = arith.constant 32 : index
    %swap3A_316 = tpu.vector_load %arg8[%swap3A_314, %swap3A_315] {strides = array<i32>} : memref<8x128xi32, #tpu.memory_space<vmem>>, vector<1x16xi32>,
    %swap3A_317 = vector.shape_cast %swap3A_316 : vector<1x16xi32> to vector<16xi32>
    %swap3A_318 = vector.shape_cast %broadcast_in_dim3A : vector<16xi32> to vector<1x16xi32>
    tpu.vector_store %arg8[%swap3A_314, %swap3A_315], %swap3A_318 {strides = array<i32>} : memref<8x128xi32, #tpu.memory_space<vmem>>, vector<1x16xi32>,
    %swap3A_319 = arith.constant 6 : i32
    %swap3A_320 = arith.index_cast %swap3A_319 : i32 to index
    %swap3A_321 = arith.constant 48 : index
    %swap3A_322 = tpu.vector_load %arg8[%swap3A_320, %swap3A_321] {strides = array<i32>} : memref<8x128xi32, #tpu.memory_space<vmem>>, vector<1x16xi32>,
    %swap3A_323 = vector.shape_cast %swap3A_322 : vector<1x16xi32> to vector<16xi32>
    %swap3A_324 = vector.shape_cast %broadcast_in_dim3A : vector<16xi32> to vector<1x16xi32>
    tpu.vector_store %arg8[%swap3A_320, %swap3A_321], %swap3A_324 {strides = array<i32>} : memref<8x128xi32, #tpu.memory_space<vmem>>, vector<1x16xi32>,
    %swap3A_325 = arith.constant 6 : i32
    %swap3A_326 = arith.index_cast %swap3A_325 : i32 to index
    %swap3A_327 = arith.constant 64 : index
    %swap3A_328 = tpu.vector_load %arg8[%swap3A_326, %swap3A_327] {strides = array<i32>} : memref<8x128xi32, #tpu.memory_space<vmem>>, vector<1x16xi32>,
    %swap3A_329 = vector.shape_cast %swap3A_328 : vector<1x16xi32> to vector<16xi32>
    %swap3A_330 = vector.shape_cast %broadcast_in_dim3A : vector<16xi32> to vector<1x16xi32>
    tpu.vector_store %arg8[%swap3A_326, %swap3A_327], %swap3A_330 {strides = array<i32>} : memref<8x128xi32, #tpu.memory_space<vmem>>, vector<1x16xi32>,
    %swap3A_331 = arith.constant 6 : i32
    %swap3A_332 = arith.index_cast %swap3A_331 : i32 to index
    %swap3A_333 = arith.constant 80 : index
    %swap3A_334 = tpu.vector_load %arg8[%swap3A_332, %swap3A_333] {strides = array<i32>} : memref<8x128xi32, #tpu.memory_space<vmem>>, vector<1x16xi32>,
    %swap3A_335 = vector.shape_cast %swap3A_334 : vector<1x16xi32> to vector<16xi32>
    %swap3A_336 = vector.shape_cast %broadcast_in_dim3A : vector<16xi32> to vector<1x16xi32>
    tpu.vector_store %arg8[%swap3A_332, %swap3A_333], %swap3A_336 {strides = array<i32>} : memref<8x128xi32, #tpu.memory_space<vmem>>, vector<1x16xi32>,
    %swap3A_337 = arith.constant 6 : i32
    %swap3A_338 = arith.index_cast %swap3A_337 : i32 to index
    %swap3A_339 = arith.constant 96 : index
    %swap3A_340 = tpu.vector_load %arg8[%swap3A_338, %swap3A_339] {strides = array<i32>} : memref<8x128xi32, #tpu.memory_space<vmem>>, vector<1x16xi32>,
    %swap3A_341 = vector.shape_cast %swap3A_340 : vector<1x16xi32> to vector<16xi32>
    %swap3A_342 = vector.shape_cast %broadcast_in_dim3A : vector<16xi32> to vector<1x16xi32>
    tpu.vector_store %arg8[%swap3A_338, %swap3A_339], %swap3A_342 {strides = array<i32>} : memref<8x128xi32, #tpu.memory_space<vmem>>, vector<1x16xi32>,
    %swap3A_343 = arith.constant 6 : i32
    %swap3A_344 = arith.index_cast %swap3A_343 : i32 to index
    %swap3A_345 = arith.constant 112 : index
    %swap3A_346 = tpu.vector_load %arg8[%swap3A_344, %swap3A_345] {strides = array<i32>} : memref<8x128xi32, #tpu.memory_space<vmem>>, vector<1x16xi32>,
    %swap3A_347 = vector.shape_cast %swap3A_346 : vector<1x16xi32> to vector<16xi32>
    %swap3A_348 = vector.shape_cast %broadcast_in_dim3A : vector<16xi32> to vector<1x16xi32>
    tpu.vector_store %arg8[%swap3A_344, %swap3A_345], %swap3A_348 {strides = array<i32>} : memref<8x128xi32, #tpu.memory_space<vmem>>, vector<1x16xi32>,
    %swap3A_349 = arith.constant 7 : i32
    %swap3A_350 = arith.index_cast %swap3A_349 : i32 to index
    %swap3A_351 = arith.constant 0 : index
    %swap3A_352 = tpu.vector_load %arg8[%swap3A_350, %swap3A_351] {strides = array<i32>} : memref<8x128xi32, #tpu.memory_space<vmem>>, vector<1x16xi32>,
    %swap3A_353 = vector.shape_cast %swap3A_352 : vector<1x16xi32> to vector<16xi32>
    %swap3A_354 = vector.shape_cast %broadcast_in_dim3A : vector<16xi32> to vector<1x16xi32>
    tpu.vector_store %arg8[%swap3A_350, %swap3A_351], %swap3A_354 {strides = array<i32>} : memref<8x128xi32, #tpu.memory_space<vmem>>, vector<1x16xi32>,
    %swap3A_355 = arith.constant 7 : i32
    %swap3A_356 = arith.index_cast %swap3A_355 : i32 to index
    %swap3A_357 = arith.constant 16 : index
    %swap3A_358 = tpu.vector_load %arg8[%swap3A_356, %swap3A_357] {strides = array<i32>} : memref<8x128xi32, #tpu.memory_space<vmem>>, vector<1x16xi32>,
    %swap3A_359 = vector.shape_cast %swap3A_358 : vector<1x16xi32> to vector<16xi32>
    %swap3A_360 = vector.shape_cast %broadcast_in_dim3A : vector<16xi32> to vector<1x16xi32>
    tpu.vector_store %arg8[%swap3A_356, %swap3A_357], %swap3A_360 {strides = array<i32>} : memref<8x128xi32, #tpu.memory_space<vmem>>, vector<1x16xi32>,
    %swap3A_361 = arith.constant 7 : i32
    %swap3A_362 = arith.index_cast %swap3A_361 : i32 to index
    %swap3A_363 = arith.constant 32 : index
    %swap3A_364 = tpu.vector_load %arg8[%swap3A_362, %swap3A_363] {strides = array<i32>} : memref<8x128xi32, #tpu.memory_space<vmem>>, vector<1x16xi32>,
    %swap3A_365 = vector.shape_cast %swap3A_364 : vector<1x16xi32> to vector<16xi32>
    %swap3A_366 = vector.shape_cast %broadcast_in_dim3A : vector<16xi32> to vector<1x16xi32>
    tpu.vector_store %arg8[%swap3A_362, %swap3A_363], %swap3A_366 {strides = array<i32>} : memref<8x128xi32, #tpu.memory_space<vmem>>, vector<1x16xi32>,
    %swap3A_367 = arith.constant 7 : i32
    %swap3A_368 = arith.index_cast %swap3A_367 : i32 to index
    %swap3A_369 = arith.constant 48 : index
    %swap3A_370 = tpu.vector_load %arg8[%swap3A_368, %swap3A_369] {strides = array<i32>} : memref<8x128xi32, #tpu.memory_space<vmem>>, vector<1x16xi32>,
    %swap3A_371 = vector.shape_cast %swap3A_370 : vector<1x16xi32> to vector<16xi32>
    %swap3A_372 = vector.shape_cast %broadcast_in_dim3A : vector<16xi32> to vector<1x16xi32>
    tpu.vector_store %arg8[%swap3A_368, %swap3A_369], %swap3A_372 {strides = array<i32>} : memref<8x128xi32, #tpu.memory_space<vmem>>, vector<1x16xi32>,
    %swap3A_373 = arith.constant 7 : i32
    %swap3A_374 = arith.index_cast %swap3A_373 : i32 to index
    %swap3A_375 = arith.constant 64 : index
    %swap3A_376 = tpu.vector_load %arg8[%swap3A_374, %swap3A_375] {strides = array<i32>} : memref<8x128xi32, #tpu.memory_space<vmem>>, vector<1x16xi32>,
    %swap3A_377 = vector.shape_cast %swap3A_376 : vector<1x16xi32> to vector<16xi32>
    %swap3A_378 = vector.shape_cast %broadcast_in_dim3A : vector<16xi32> to vector<1x16xi32>
    tpu.vector_store %arg8[%swap3A_374, %swap3A_375], %swap3A_378 {strides = array<i32>} : memref<8x128xi32, #tpu.memory_space<vmem>>, vector<1x16xi32>,
    %swap3A_379 = arith.constant 7 : i32
    %swap3A_380 = arith.index_cast %swap3A_379 : i32 to index
    %swap3A_381 = arith.constant 80 : index
    %swap3A_382 = tpu.vector_load %arg8[%swap3A_380, %swap3A_381] {strides = array<i32>} : memref<8x128xi32, #tpu.memory_space<vmem>>, vector<1x16xi32>,
    %swap3A_383 = vector.shape_cast %swap3A_382 : vector<1x16xi32> to vector<16xi32>
    %swap3A_384 = vector.shape_cast %broadcast_in_dim3A : vector<16xi32> to vector<1x16xi32>
    tpu.vector_store %arg8[%swap3A_380, %swap3A_381], %swap3A_384 {strides = array<i32>} : memref<8x128xi32, #tpu.memory_space<vmem>>, vector<1x16xi32>,
    %swap3A_385 = arith.constant 7 : i32
    %swap3A_386 = arith.index_cast %swap3A_385 : i32 to index
    %swap3A_387 = arith.constant 96 : index
    %swap3A_388 = tpu.vector_load %arg8[%swap3A_386, %swap3A_387] {strides = array<i32>} : memref<8x128xi32, #tpu.memory_space<vmem>>, vector<1x16xi32>,
    %swap3A_389 = vector.shape_cast %swap3A_388 : vector<1x16xi32> to vector<16xi32>
    %swap3A_390 = vector.shape_cast %broadcast_in_dim3A : vector<16xi32> to vector<1x16xi32>
    tpu.vector_store %arg8[%swap3A_386, %swap3A_387], %swap3A_390 {strides = array<i32>} : memref<8x128xi32, #tpu.memory_space<vmem>>, vector<1x16xi32>,
    %swap3A_391 = arith.constant 7 : i32
    %swap3A_392 = arith.index_cast %swap3A_391 : i32 to index
    %swap3A_393 = arith.constant 112 : index
    %swap3A_394 = tpu.vector_load %arg8[%swap3A_392, %swap3A_393] {strides = array<i32>} : memref<8x128xi32, #tpu.memory_space<vmem>>, vector<1x16xi32>,
    %swap3A_395 = vector.shape_cast %swap3A_394 : vector<1x16xi32> to vector<16xi32>
    %swap3A_396 = vector.shape_cast %broadcast_in_dim3A : vector<16xi32> to vector<1x16xi32>
    tpu.vector_store %arg8[%swap3A_392, %swap3A_393], %swap3A_396 {strides = array<i32>} : memref<8x128xi32, #tpu.memory_space<vmem>>, vector<1x16xi32>,
    %dma_start3A = arith.constant 0 : i32
    %dma_start3A_397 = arith.constant 0 : i32
    %dma_start3A_398 = arith.constant 0 : i32
    %dma_start3A_399 = tpu.memref_slice %arg9[%dma_start3A_397, %dma_start3A_398] : memref<1024x16xf32, #tpu.memory_space<vmem>> -> memref<128x16xf32, #tpu.memory_space<vmem>>
    %dma_start3A_400 = arith.constant 0 : i32
    %dma_start3A_401 = tpu.memref_slice %arg8[%dma_start3A, %dma_start3A_400] : memref<8x128xi32, #tpu.memory_space<vmem>> -> memref<1x128xi32, #tpu.memory_space<vmem>>
    %dma_start3A_402 = tpu.memref_squeeze %dma_start3A_401 : memref<1x128xi32, #tpu.memory_space<vmem>> -> memref<128xi32, #tpu.memory_space<vmem>>
    %dma_start3A_403 = arith.constant 0 : i32
    %dma_start3A_404 = arith.constant 0 : i32
    %dma_start3A_405 = tpu.memref_slice %arg10[%dma_start3A_403, %dma_start3A_404] : memref<100016x16xf32, #tpu.memory_space<vmem_shared>> -> memref<100016x16xf32, #tpu.memory_space<vmem_shared>>
    tpu.enqueue_indirect_dma source(%dma_start3A_399 : memref<128x16xf32, #tpu.memory_space<vmem>>) target(%dma_start3A_405 : memref<100016x16xf32, #tpu.memory_space<vmem_shared>>) offsets(%dma_start3A_402 : memref<128xi32, #tpu.memory_space<vmem>>) semaphore(%arg12 : memref<!tpu.dma_semaphore, #tpu.memory_space<semaphore_mem>>) {add = true}
    %dma_start3A_406 = arith.constant 1 : i32
    %dma_start3A_407 = arith.constant 128 : i32
    %dma_start3A_408 = arith.constant 0 : i32
    %dma_start3A_409 = tpu.memref_slice %arg9[%dma_start3A_407, %dma_start3A_408] : memref<1024x16xf32, #tpu.memory_space<vmem>> -> memref<128x16xf32, #tpu.memory_space<vmem>>
    %dma_start3A_410 = arith.constant 0 : i32
    %dma_start3A_411 = tpu.memref_slice %arg8[%dma_start3A_406, %dma_start3A_410] : memref<8x128xi32, #tpu.memory_space<vmem>> -> memref<1x128xi32, #tpu.memory_space<vmem>>
    %dma_start3A_412 = tpu.memref_squeeze %dma_start3A_411 : memref<1x128xi32, #tpu.memory_space<vmem>> -> memref<128xi32, #tpu.memory_space<vmem>>
    %dma_start3A_413 = arith.constant 0 : i32
    %dma_start3A_414 = arith.constant 0 : i32
    %dma_start3A_415 = tpu.memref_slice %arg10[%dma_start3A_413, %dma_start3A_414] : memref<100016x16xf32, #tpu.memory_space<vmem_shared>> -> memref<100016x16xf32, #tpu.memory_space<vmem_shared>>
    tpu.enqueue_indirect_dma source(%dma_start3A_409 : memref<128x16xf32, #tpu.memory_space<vmem>>) target(%dma_start3A_415 : memref<100016x16xf32, #tpu.memory_space<vmem_shared>>) offsets(%dma_start3A_412 : memref<128xi32, #tpu.memory_space<vmem>>) semaphore(%arg12 : memref<!tpu.dma_semaphore, #tpu.memory_space<semaphore_mem>>) {add = true}
    %dma_start3A_416 = arith.constant 2 : i32
    %dma_start3A_417 = arith.constant 256 : i32
    %dma_start3A_418 = arith.constant 0 : i32
    %dma_start3A_419 = tpu.memref_slice %arg9[%dma_start3A_417, %dma_start3A_418] : memref<1024x16xf32, #tpu.memory_space<vmem>> -> memref<128x16xf32, #tpu.memory_space<vmem>>
    %dma_start3A_420 = arith.constant 0 : i32
    %dma_start3A_421 = tpu.memref_slice %arg8[%dma_start3A_416, %dma_start3A_420] : memref<8x128xi32, #tpu.memory_space<vmem>> -> memref<1x128xi32, #tpu.memory_space<vmem>>
    %dma_start3A_422 = tpu.memref_squeeze %dma_start3A_421 : memref<1x128xi32, #tpu.memory_space<vmem>> -> memref<128xi32, #tpu.memory_space<vmem>>
    %dma_start3A_423 = arith.constant 0 : i32
    %dma_start3A_424 = arith.constant 0 : i32
    %dma_start3A_425 = tpu.memref_slice %arg10[%dma_start3A_423, %dma_start3A_424] : memref<100016x16xf32, #tpu.memory_space<vmem_shared>> -> memref<100016x16xf32, #tpu.memory_space<vmem_shared>>
    tpu.enqueue_indirect_dma source(%dma_start3A_419 : memref<128x16xf32, #tpu.memory_space<vmem>>) target(%dma_start3A_425 : memref<100016x16xf32, #tpu.memory_space<vmem_shared>>) offsets(%dma_start3A_422 : memref<128xi32, #tpu.memory_space<vmem>>) semaphore(%arg12 : memref<!tpu.dma_semaphore, #tpu.memory_space<semaphore_mem>>) {add = true}
    %dma_start3A_426 = arith.constant 3 : i32
    %dma_start3A_427 = arith.constant 384 : i32
    %dma_start3A_428 = arith.constant 0 : i32
    %dma_start3A_429 = tpu.memref_slice %arg9[%dma_start3A_427, %dma_start3A_428] : memref<1024x16xf32, #tpu.memory_space<vmem>> -> memref<128x16xf32, #tpu.memory_space<vmem>>
    %dma_start3A_430 = arith.constant 0 : i32
    %dma_start3A_431 = tpu.memref_slice %arg8[%dma_start3A_426, %dma_start3A_430] : memref<8x128xi32, #tpu.memory_space<vmem>> -> memref<1x128xi32, #tpu.memory_space<vmem>>
    %dma_start3A_432 = tpu.memref_squeeze %dma_start3A_431 : memref<1x128xi32, #tpu.memory_space<vmem>> -> memref<128xi32, #tpu.memory_space<vmem>>
    %dma_start3A_433 = arith.constant 0 : i32
    %dma_start3A_434 = arith.constant 0 : i32
    %dma_start3A_435 = tpu.memref_slice %arg10[%dma_start3A_433, %dma_start3A_434] : memref<100016x16xf32, #tpu.memory_space<vmem_shared>> -> memref<100016x16xf32, #tpu.memory_space<vmem_shared>>
    tpu.enqueue_indirect_dma source(%dma_start3A_429 : memref<128x16xf32, #tpu.memory_space<vmem>>) target(%dma_start3A_435 : memref<100016x16xf32, #tpu.memory_space<vmem_shared>>) offsets(%dma_start3A_432 : memref<128xi32, #tpu.memory_space<vmem>>) semaphore(%arg12 : memref<!tpu.dma_semaphore, #tpu.memory_space<semaphore_mem>>) {add = true}
    %dma_start3A_436 = arith.constant 4 : i32
    %dma_start3A_437 = arith.constant 512 : i32
    %dma_start3A_438 = arith.constant 0 : i32
    %dma_start3A_439 = tpu.memref_slice %arg9[%dma_start3A_437, %dma_start3A_438] : memref<1024x16xf32, #tpu.memory_space<vmem>> -> memref<128x16xf32, #tpu.memory_space<vmem>>
    %dma_start3A_440 = arith.constant 0 : i32
    %dma_start3A_441 = tpu.memref_slice %arg8[%dma_start3A_436, %dma_start3A_440] : memref<8x128xi32, #tpu.memory_space<vmem>> -> memref<1x128xi32, #tpu.memory_space<vmem>>
    %dma_start3A_442 = tpu.memref_squeeze %dma_start3A_441 : memref<1x128xi32, #tpu.memory_space<vmem>> -> memref<128xi32, #tpu.memory_space<vmem>>
    %dma_start3A_443 = arith.constant 0 : i32
    %dma_start3A_444 = arith.constant 0 : i32
    %dma_start3A_445 = tpu.memref_slice %arg10[%dma_start3A_443, %dma_start3A_444] : memref<100016x16xf32, #tpu.memory_space<vmem_shared>> -> memref<100016x16xf32, #tpu.memory_space<vmem_shared>>
    tpu.enqueue_indirect_dma source(%dma_start3A_439 : memref<128x16xf32, #tpu.memory_space<vmem>>) target(%dma_start3A_445 : memref<100016x16xf32, #tpu.memory_space<vmem_shared>>) offsets(%dma_start3A_442 : memref<128xi32, #tpu.memory_space<vmem>>) semaphore(%arg12 : memref<!tpu.dma_semaphore, #tpu.memory_space<semaphore_mem>>) {add = true}
    %dma_start3A_446 = arith.constant 5 : i32
    %dma_start3A_447 = arith.constant 640 : i32
    %dma_start3A_448 = arith.constant 0 : i32
    %dma_start3A_449 = tpu.memref_slice %arg9[%dma_start3A_447, %dma_start3A_448] : memref<1024x16xf32, #tpu.memory_space<vmem>> -> memref<128x16xf32, #tpu.memory_space<vmem>>
    %dma_start3A_450 = arith.constant 0 : i32
    %dma_start3A_451 = tpu.memref_slice %arg8[%dma_start3A_446, %dma_start3A_450] : memref<8x128xi32, #tpu.memory_space<vmem>> -> memref<1x128xi32, #tpu.memory_space<vmem>>
    %dma_start3A_452 = tpu.memref_squeeze %dma_start3A_451 : memref<1x128xi32, #tpu.memory_space<vmem>> -> memref<128xi32, #tpu.memory_space<vmem>>
    %dma_start3A_453 = arith.constant 0 : i32
    %dma_start3A_454 = arith.constant 0 : i32
    %dma_start3A_455 = tpu.memref_slice %arg10[%dma_start3A_453, %dma_start3A_454] : memref<100016x16xf32, #tpu.memory_space<vmem_shared>> -> memref<100016x16xf32, #tpu.memory_space<vmem_shared>>
    tpu.enqueue_indirect_dma source(%dma_start3A_449 : memref<128x16xf32, #tpu.memory_space<vmem>>) target(%dma_start3A_455 : memref<100016x16xf32, #tpu.memory_space<vmem_shared>>) offsets(%dma_start3A_452 : memref<128xi32, #tpu.memory_space<vmem>>) semaphore(%arg12 : memref<!tpu.dma_semaphore, #tpu.memory_space<semaphore_mem>>) {add = true}
    %dma_start3A_456 = arith.constant 6 : i32
    %dma_start3A_457 = arith.constant 768 : i32
    %dma_start3A_458 = arith.constant 0 : i32
    %dma_start3A_459 = tpu.memref_slice %arg9[%dma_start3A_457, %dma_start3A_458] : memref<1024x16xf32, #tpu.memory_space<vmem>> -> memref<128x16xf32, #tpu.memory_space<vmem>>
    %dma_start3A_460 = arith.constant 0 : i32
    %dma_start3A_461 = tpu.memref_slice %arg8[%dma_start3A_456, %dma_start3A_460] : memref<8x128xi32, #tpu.memory_space<vmem>> -> memref<1x128xi32, #tpu.memory_space<vmem>>
    %dma_start3A_462 = tpu.memref_squeeze %dma_start3A_461 : memref<1x128xi32, #tpu.memory_space<vmem>> -> memref<128xi32, #tpu.memory_space<vmem>>
    %dma_start3A_463 = arith.constant 0 : i32
    %dma_start3A_464 = arith.constant 0 : i32
    %dma_start3A_465 = tpu.memref_slice %arg10[%dma_start3A_463, %dma_start3A_464] : memref<100016x16xf32, #tpu.memory_space<vmem_shared>> -> memref<100016x16xf32, #tpu.memory_space<vmem_shared>>
    tpu.enqueue_indirect_dma source(%dma_start3A_459 : memref<128x16xf32, #tpu.memory_space<vmem>>) target(%dma_start3A_465 : memref<100016x16xf32, #tpu.memory_space<vmem_shared>>) offsets(%dma_start3A_462 : memref<128xi32, #tpu.memory_space<vmem>>) semaphore(%arg12 : memref<!tpu.dma_semaphore, #tpu.memory_space<semaphore_mem>>) {add = true}
    %dma_start3A_466 = arith.constant 7 : i32
    %dma_start3A_467 = arith.constant 896 : i32
    %dma_start3A_468 = arith.constant 0 : i32
    %dma_start3A_469 = tpu.memref_slice %arg9[%dma_start3A_467, %dma_start3A_468] : memref<1024x16xf32, #tpu.memory_space<vmem>> -> memref<128x16xf32, #tpu.memory_space<vmem>>
    %dma_start3A_470 = arith.constant 0 : i32
    %dma_start3A_471 = tpu.memref_slice %arg8[%dma_start3A_466, %dma_start3A_470] : memref<8x128xi32, #tpu.memory_space<vmem>> -> memref<1x128xi32, #tpu.memory_space<vmem>>
    %dma_start3A_472 = tpu.memref_squeeze %dma_start3A_471 : memref<1x128xi32, #tpu.memory_space<vmem>> -> memref<128xi32, #tpu.memory_space<vmem>>
    %dma_start3A_473 = arith.constant 0 : i32
    %dma_start3A_474 = arith.constant 0 : i32
    %dma_start3A_475 = tpu.memref_slice %arg10[%dma_start3A_473, %dma_start3A_474] : memref<100016x16xf32, #tpu.memory_space<vmem_shared>> -> memref<100016x16xf32, #tpu.memory_space<vmem_shared>>
    tpu.enqueue_indirect_dma source(%dma_start3A_469 : memref<128x16xf32, #tpu.memory_space<vmem>>) target(%dma_start3A_475 : memref<100016x16xf32, #tpu.memory_space<vmem_shared>>) offsets(%dma_start3A_472 : memref<128xi32, #tpu.memory_space<vmem>>) semaphore(%arg12 : memref<!tpu.dma_semaphore, #tpu.memory_space<semaphore_mem>>) {add = true}
    %scan3A = arith.constant 0 : i32
    %scan3A_476 = arith.constant 0 : i32
    %scan3A_477 = arith.constant 98 : i32
    %scan3A_478 = arith.addi %scan3A_476, %scan3A_477 : i32
    %scan3A_479 = arith.constant 1 : i32
    scf.for %scan3A_487 = %scan3A_476 to %scan3A_478 step %scan3A_479  : i32 {
      %dma_wait3A_488 = arith.constant 0 : i32
      %dma_wait3A_489 = arith.constant 0 : i32
      %dma_wait3A_490 = tpu.memref_slice %arg5[%dma_wait3A_488, %dma_wait3A_489] : memref<6251x16xf32, #tpu.memory_space<hbm>> -> memref<1024x16xf32, #tpu.memory_space<hbm>>
      %dma_wait3A_491 = arith.constant 0 : i32
      %dma_wait3A_492 = arith.constant 0 : i32
      %dma_wait3A_493 = tpu.memref_slice %arg5[%dma_wait3A_491, %dma_wait3A_492] : memref<6251x16xf32, #tpu.memory_space<hbm>> -> memref<1024x16xf32, #tpu.memory_space<hbm>>
      tpu.wait_dma2 semaphore(%arg12 : memref<!tpu.dma_semaphore, #tpu.memory_space<semaphore_mem>>) src(%dma_wait3A_493 : memref<1024x16xf32, #tpu.memory_space<hbm>>) dst(%arg9 : memref<1024x16xf32, #tpu.memory_space<vmem>>)
      %mul3A_494 = arith.constant 98 : i32
      %mul3A_495 = arith.muli %add3A, %mul3A_494 : i32
      %add3A_496 = arith.addi %mul3A_495, %scan3A_487 : i32
      %mul3A_497 = arith.constant 8 : i32
      %mul3A_498 = arith.muli %add3A_496, %mul3A_497 : i32
      "tpu.region"() ({
        %run_scoped3A = tpu.sem_alloc : memref<!tpu.dma_semaphore, #tpu.memory_space<semaphore_mem>>
        %dma_start3A_739 = arith.constant 0 : i32
        %dma_start3A_740 = tpu.memref_slice %arg2[%mul3A_498, %dma_start3A_739] : memref<25088x128xi32, #tpu.memory_space<hbm>> -> memref<8x128xi32, #tpu.memory_space<hbm>>
        %dma_start3A_741 = arith.constant 0 : i32
        %dma_start3A_742 = tpu.memref_slice %arg2[%mul3A_498, %dma_start3A_741] : memref<25088x128xi32, #tpu.memory_space<hbm>> -> memref<8x128xi32, #tpu.memory_space<hbm>>
        tpu.enqueue_dma source(%dma_start3A_742 : memref<8x128xi32, #tpu.memory_space<hbm>>) target(%arg7 : memref<8x128xi32, #tpu.memory_space<vmem>>) target_semaphore(%run_scoped3A : memref<!tpu.dma_semaphore, #tpu.memory_space<semaphore_mem>>)
        %dma_wait3A_743 = arith.constant 0 : i32
        %dma_wait3A_744 = tpu.memref_slice %arg2[%mul3A_498, %dma_wait3A_743] : memref<25088x128xi32, #tpu.memory_space<hbm>> -> memref<8x128xi32, #tpu.memory_space<hbm>>
        %dma_wait3A_745 = arith.constant 0 : i32
        %dma_wait3A_746 = tpu.memref_slice %arg2[%mul3A_498, %dma_wait3A_745] : memref<25088x128xi32, #tpu.memory_space<hbm>> -> memref<8x128xi32, #tpu.memory_space<hbm>>
        tpu.wait_dma2 semaphore(%run_scoped3A : memref<!tpu.dma_semaphore, #tpu.memory_space<semaphore_mem>>) src(%dma_wait3A_746 : memref<8x128xi32, #tpu.memory_space<hbm>>) dst(%arg7 : memref<8x128xi32, #tpu.memory_space<vmem>>)
        tpu.yield
      }) : () -> ()
      "tpu.region"() ({
        %run_scoped3A = tpu.sem_alloc : memref<!tpu.dma_semaphore, #tpu.memory_space<semaphore_mem>>
        %dma_start3A_739 = arith.constant 0 : i32
        %dma_start3A_740 = tpu.memref_slice %arg3[%mul3A_498, %dma_start3A_739] : memref<25088x128xi32, #tpu.memory_space<hbm>> -> memref<8x128xi32, #tpu.memory_space<hbm>>
        %dma_start3A_741 = arith.constant 0 : i32
        %dma_start3A_742 = tpu.memref_slice %arg3[%mul3A_498, %dma_start3A_741] : memref<25088x128xi32, #tpu.memory_space<hbm>> -> memref<8x128xi32, #tpu.memory_space<hbm>>
        tpu.enqueue_dma source(%dma_start3A_742 : memref<8x128xi32, #tpu.memory_space<hbm>>) target(%arg8 : memref<8x128xi32, #tpu.memory_space<vmem>>) target_semaphore(%run_scoped3A : memref<!tpu.dma_semaphore, #tpu.memory_space<semaphore_mem>>)
        %dma_wait3A_743 = arith.constant 0 : i32
        %dma_wait3A_744 = tpu.memref_slice %arg3[%mul3A_498, %dma_wait3A_743] : memref<25088x128xi32, #tpu.memory_space<hbm>> -> memref<8x128xi32, #tpu.memory_space<hbm>>
        %dma_wait3A_745 = arith.constant 0 : i32
        %dma_wait3A_746 = tpu.memref_slice %arg3[%mul3A_498, %dma_wait3A_745] : memref<25088x128xi32, #tpu.memory_space<hbm>> -> memref<8x128xi32, #tpu.memory_space<hbm>>
        tpu.wait_dma2 semaphore(%run_scoped3A : memref<!tpu.dma_semaphore, #tpu.memory_space<semaphore_mem>>) src(%dma_wait3A_746 : memref<8x128xi32, #tpu.memory_space<hbm>>) dst(%arg8 : memref<8x128xi32, #tpu.memory_space<vmem>>)
        tpu.yield
      }) : () -> ()
      %dma_start3A_499 = arith.constant 0 : i32
      %dma_start3A_500 = arith.constant 0 : i32
      %dma_start3A_501 = arith.constant 0 : i32
      %dma_start3A_502 = tpu.memref_slice %arg9[%dma_start3A_500, %dma_start3A_501] : memref<1024x16xf32, #tpu.memory_space<vmem>> -> memref<128x16xf32, #tpu.memory_space<vmem>>
      %dma_start3A_503 = arith.constant 0 : i32
      %dma_start3A_504 = tpu.memref_slice %arg7[%dma_start3A_499, %dma_start3A_503] : memref<8x128xi32, #tpu.memory_space<vmem>> -> memref<1x128xi32, #tpu.memory_space<vmem>>
      %dma_start3A_505 = tpu.memref_squeeze %dma_start3A_504 : memref<1x128xi32, #tpu.memory_space<vmem>> -> memref<128xi32, #tpu.memory_space<vmem>>
      %dma_start3A_506 = arith.constant 0 : i32
      %dma_start3A_507 = arith.constant 0 : i32
      %dma_start3A_508 = tpu.memref_slice %arg4[%dma_start3A_506, %dma_start3A_507] : memref<100016x16xf32, #tpu.memory_space<hbm>> -> memref<100016x16xf32, #tpu.memory_space<hbm>>
      tpu.enqueue_indirect_dma source(%dma_start3A_508 : memref<100016x16xf32, #tpu.memory_space<hbm>>) target(%dma_start3A_502 : memref<128x16xf32, #tpu.memory_space<vmem>>) offsets(%dma_start3A_505 : memref<128xi32, #tpu.memory_space<vmem>>) semaphore(%arg11 : memref<!tpu.dma_semaphore, #tpu.memory_space<semaphore_mem>>)
      %dma_start3A_509 = arith.constant 1 : i32
      %dma_start3A_510 = arith.constant 128 : i32
      %dma_start3A_511 = arith.constant 0 : i32
      %dma_start3A_512 = tpu.memref_slice %arg9[%dma_start3A_510, %dma_start3A_511] : memref<1024x16xf32, #tpu.memory_space<vmem>> -> memref<128x16xf32, #tpu.memory_space<vmem>>
      %dma_start3A_513 = arith.constant 0 : i32
      %dma_start3A_514 = tpu.memref_slice %arg7[%dma_start3A_509, %dma_start3A_513] : memref<8x128xi32, #tpu.memory_space<vmem>> -> memref<1x128xi32, #tpu.memory_space<vmem>>
      %dma_start3A_515 = tpu.memref_squeeze %dma_start3A_514 : memref<1x128xi32, #tpu.memory_space<vmem>> -> memref<128xi32, #tpu.memory_space<vmem>>
      %dma_start3A_516 = arith.constant 0 : i32
      %dma_start3A_517 = arith.constant 0 : i32
      %dma_start3A_518 = tpu.memref_slice %arg4[%dma_start3A_516, %dma_start3A_517] : memref<100016x16xf32, #tpu.memory_space<hbm>> -> memref<100016x16xf32, #tpu.memory_space<hbm>>
      tpu.enqueue_indirect_dma source(%dma_start3A_518 : memref<100016x16xf32, #tpu.memory_space<hbm>>) target(%dma_start3A_512 : memref<128x16xf32, #tpu.memory_space<vmem>>) offsets(%dma_start3A_515 : memref<128xi32, #tpu.memory_space<vmem>>) semaphore(%arg11 : memref<!tpu.dma_semaphore, #tpu.memory_space<semaphore_mem>>)
      %dma_start3A_519 = arith.constant 2 : i32
      %dma_start3A_520 = arith.constant 256 : i32
      %dma_start3A_521 = arith.constant 0 : i32
      %dma_start3A_522 = tpu.memref_slice %arg9[%dma_start3A_520, %dma_start3A_521] : memref<1024x16xf32, #tpu.memory_space<vmem>> -> memref<128x16xf32, #tpu.memory_space<vmem>>
      %dma_start3A_523 = arith.constant 0 : i32
      %dma_start3A_524 = tpu.memref_slice %arg7[%dma_start3A_519, %dma_start3A_523] : memref<8x128xi32, #tpu.memory_space<vmem>> -> memref<1x128xi32, #tpu.memory_space<vmem>>
      %dma_start3A_525 = tpu.memref_squeeze %dma_start3A_524 : memref<1x128xi32, #tpu.memory_space<vmem>> -> memref<128xi32, #tpu.memory_space<vmem>>
      %dma_start3A_526 = arith.constant 0 : i32
      %dma_start3A_527 = arith.constant 0 : i32
      %dma_start3A_528 = tpu.memref_slice %arg4[%dma_start3A_526, %dma_start3A_527] : memref<100016x16xf32, #tpu.memory_space<hbm>> -> memref<100016x16xf32, #tpu.memory_space<hbm>>
      tpu.enqueue_indirect_dma source(%dma_start3A_528 : memref<100016x16xf32, #tpu.memory_space<hbm>>) target(%dma_start3A_522 : memref<128x16xf32, #tpu.memory_space<vmem>>) offsets(%dma_start3A_525 : memref<128xi32, #tpu.memory_space<vmem>>) semaphore(%arg11 : memref<!tpu.dma_semaphore, #tpu.memory_space<semaphore_mem>>)
      %dma_start3A_529 = arith.constant 3 : i32
      %dma_start3A_530 = arith.constant 384 : i32
      %dma_start3A_531 = arith.constant 0 : i32
      %dma_start3A_532 = tpu.memref_slice %arg9[%dma_start3A_530, %dma_start3A_531] : memref<1024x16xf32, #tpu.memory_space<vmem>> -> memref<128x16xf32, #tpu.memory_space<vmem>>
      %dma_start3A_533 = arith.constant 0 : i32
      %dma_start3A_534 = tpu.memref_slice %arg7[%dma_start3A_529, %dma_start3A_533] : memref<8x128xi32, #tpu.memory_space<vmem>> -> memref<1x128xi32, #tpu.memory_space<vmem>>
      %dma_start3A_535 = tpu.memref_squeeze %dma_start3A_534 : memref<1x128xi32, #tpu.memory_space<vmem>> -> memref<128xi32, #tpu.memory_space<vmem>>
      %dma_start3A_536 = arith.constant 0 : i32
      %dma_start3A_537 = arith.constant 0 : i32
      %dma_start3A_538 = tpu.memref_slice %arg4[%dma_start3A_536, %dma_start3A_537] : memref<100016x16xf32, #tpu.memory_space<hbm>> -> memref<100016x16xf32, #tpu.memory_space<hbm>>
      tpu.enqueue_indirect_dma source(%dma_start3A_538 : memref<100016x16xf32, #tpu.memory_space<hbm>>) target(%dma_start3A_532 : memref<128x16xf32, #tpu.memory_space<vmem>>) offsets(%dma_start3A_535 : memref<128xi32, #tpu.memory_space<vmem>>) semaphore(%arg11 : memref<!tpu.dma_semaphore, #tpu.memory_space<semaphore_mem>>)
      %dma_start3A_539 = arith.constant 4 : i32
      %dma_start3A_540 = arith.constant 512 : i32
      %dma_start3A_541 = arith.constant 0 : i32
      %dma_start3A_542 = tpu.memref_slice %arg9[%dma_start3A_540, %dma_start3A_541] : memref<1024x16xf32, #tpu.memory_space<vmem>> -> memref<128x16xf32, #tpu.memory_space<vmem>>
      %dma_start3A_543 = arith.constant 0 : i32
      %dma_start3A_544 = tpu.memref_slice %arg7[%dma_start3A_539, %dma_start3A_543] : memref<8x128xi32, #tpu.memory_space<vmem>> -> memref<1x128xi32, #tpu.memory_space<vmem>>
      %dma_start3A_545 = tpu.memref_squeeze %dma_start3A_544 : memref<1x128xi32, #tpu.memory_space<vmem>> -> memref<128xi32, #tpu.memory_space<vmem>>
      %dma_start3A_546 = arith.constant 0 : i32
      %dma_start3A_547 = arith.constant 0 : i32
      %dma_start3A_548 = tpu.memref_slice %arg4[%dma_start3A_546, %dma_start3A_547] : memref<100016x16xf32, #tpu.memory_space<hbm>> -> memref<100016x16xf32, #tpu.memory_space<hbm>>
      tpu.enqueue_indirect_dma source(%dma_start3A_548 : memref<100016x16xf32, #tpu.memory_space<hbm>>) target(%dma_start3A_542 : memref<128x16xf32, #tpu.memory_space<vmem>>) offsets(%dma_start3A_545 : memref<128xi32, #tpu.memory_space<vmem>>) semaphore(%arg11 : memref<!tpu.dma_semaphore, #tpu.memory_space<semaphore_mem>>)
      %dma_start3A_549 = arith.constant 5 : i32
      %dma_start3A_550 = arith.constant 640 : i32
      %dma_start3A_551 = arith.constant 0 : i32
      %dma_start3A_552 = tpu.memref_slice %arg9[%dma_start3A_550, %dma_start3A_551] : memref<1024x16xf32, #tpu.memory_space<vmem>> -> memref<128x16xf32, #tpu.memory_space<vmem>>
      %dma_start3A_553 = arith.constant 0 : i32
      %dma_start3A_554 = tpu.memref_slice %arg7[%dma_start3A_549, %dma_start3A_553] : memref<8x128xi32, #tpu.memory_space<vmem>> -> memref<1x128xi32, #tpu.memory_space<vmem>>
      %dma_start3A_555 = tpu.memref_squeeze %dma_start3A_554 : memref<1x128xi32, #tpu.memory_space<vmem>> -> memref<128xi32, #tpu.memory_space<vmem>>
      %dma_start3A_556 = arith.constant 0 : i32
      %dma_start3A_557 = arith.constant 0 : i32
      %dma_start3A_558 = tpu.memref_slice %arg4[%dma_start3A_556, %dma_start3A_557] : memref<100016x16xf32, #tpu.memory_space<hbm>> -> memref<100016x16xf32, #tpu.memory_space<hbm>>
      tpu.enqueue_indirect_dma source(%dma_start3A_558 : memref<100016x16xf32, #tpu.memory_space<hbm>>) target(%dma_start3A_552 : memref<128x16xf32, #tpu.memory_space<vmem>>) offsets(%dma_start3A_555 : memref<128xi32, #tpu.memory_space<vmem>>) semaphore(%arg11 : memref<!tpu.dma_semaphore, #tpu.memory_space<semaphore_mem>>)
      %dma_start3A_559 = arith.constant 6 : i32
      %dma_start3A_560 = arith.constant 768 : i32
      %dma_start3A_561 = arith.constant 0 : i32
      %dma_start3A_562 = tpu.memref_slice %arg9[%dma_start3A_560, %dma_start3A_561] : memref<1024x16xf32, #tpu.memory_space<vmem>> -> memref<128x16xf32, #tpu.memory_space<vmem>>
      %dma_start3A_563 = arith.constant 0 : i32
      %dma_start3A_564 = tpu.memref_slice %arg7[%dma_start3A_559, %dma_start3A_563] : memref<8x128xi32, #tpu.memory_space<vmem>> -> memref<1x128xi32, #tpu.memory_space<vmem>>
      %dma_start3A_565 = tpu.memref_squeeze %dma_start3A_564 : memref<1x128xi32, #tpu.memory_space<vmem>> -> memref<128xi32, #tpu.memory_space<vmem>>
      %dma_start3A_566 = arith.constant 0 : i32
      %dma_start3A_567 = arith.constant 0 : i32
      %dma_start3A_568 = tpu.memref_slice %arg4[%dma_start3A_566, %dma_start3A_567] : memref<100016x16xf32, #tpu.memory_space<hbm>> -> memref<100016x16xf32, #tpu.memory_space<hbm>>
      tpu.enqueue_indirect_dma source(%dma_start3A_568 : memref<100016x16xf32, #tpu.memory_space<hbm>>) target(%dma_start3A_562 : memref<128x16xf32, #tpu.memory_space<vmem>>) offsets(%dma_start3A_565 : memref<128xi32, #tpu.memory_space<vmem>>) semaphore(%arg11 : memref<!tpu.dma_semaphore, #tpu.memory_space<semaphore_mem>>)
      %dma_start3A_569 = arith.constant 7 : i32
      %dma_start3A_570 = arith.constant 896 : i32
      %dma_start3A_571 = arith.constant 0 : i32
      %dma_start3A_572 = tpu.memref_slice %arg9[%dma_start3A_570, %dma_start3A_571] : memref<1024x16xf32, #tpu.memory_space<vmem>> -> memref<128x16xf32, #tpu.memory_space<vmem>>
      %dma_start3A_573 = arith.constant 0 : i32
      %dma_start3A_574 = tpu.memref_slice %arg7[%dma_start3A_569, %dma_start3A_573] : memref<8x128xi32, #tpu.memory_space<vmem>> -> memref<1x128xi32, #tpu.memory_space<vmem>>
      %dma_start3A_575 = tpu.memref_squeeze %dma_start3A_574 : memref<1x128xi32, #tpu.memory_space<vmem>> -> memref<128xi32, #tpu.memory_space<vmem>>
      %dma_start3A_576 = arith.constant 0 : i32
      %dma_start3A_577 = arith.constant 0 : i32
      %dma_start3A_578 = tpu.memref_slice %arg4[%dma_start3A_576, %dma_start3A_577] : memref<100016x16xf32, #tpu.memory_space<hbm>> -> memref<100016x16xf32, #tpu.memory_space<hbm>>
      tpu.enqueue_indirect_dma source(%dma_start3A_578 : memref<100016x16xf32, #tpu.memory_space<hbm>>) target(%dma_start3A_572 : memref<128x16xf32, #tpu.memory_space<vmem>>) offsets(%dma_start3A_575 : memref<128xi32, #tpu.memory_space<vmem>>) semaphore(%arg11 : memref<!tpu.dma_semaphore, #tpu.memory_space<semaphore_mem>>)
      %dma_wait3A_579 = arith.constant 0 : i32
      %dma_wait3A_580 = arith.constant 0 : i32
      %dma_wait3A_581 = arith.constant 0 : i32
      %dma_wait3A_582 = tpu.memref_slice %arg9[%dma_wait3A_580, %dma_wait3A_581] : memref<1024x16xf32, #tpu.memory_space<vmem>> -> memref<128x16xf32, #tpu.memory_space<vmem>>
      %dma_wait3A_583 = arith.constant 0 : i32
      %dma_wait3A_584 = tpu.memref_slice %arg7[%dma_wait3A_579, %dma_wait3A_583] : memref<8x128xi32, #tpu.memory_space<vmem>> -> memref<1x128xi32, #tpu.memory_space<vmem>>
      %dma_wait3A_585 = tpu.memref_squeeze %dma_wait3A_584 : memref<1x128xi32, #tpu.memory_space<vmem>> -> memref<128xi32, #tpu.memory_space<vmem>>
      %dma_wait3A_586 = arith.constant 0 : i32
      %dma_wait3A_587 = arith.constant 0 : i32
      %dma_wait3A_588 = tpu.memref_slice %arg4[%dma_wait3A_586, %dma_wait3A_587] : memref<100016x16xf32, #tpu.memory_space<hbm>> -> memref<100016x16xf32, #tpu.memory_space<hbm>>
      tpu.wait_indirect_dma semaphore(%arg11 : memref<!tpu.dma_semaphore, #tpu.memory_space<semaphore_mem>>) src(%dma_wait3A_588 : memref<100016x16xf32, #tpu.memory_space<hbm>>) dst(%dma_wait3A_582 : memref<128x16xf32, #tpu.memory_space<vmem>>)
      %dma_start3A_589 = arith.constant 0 : i32
      %dma_start3A_590 = arith.constant 0 : i32
      %dma_start3A_591 = arith.constant 0 : i32
      %dma_start3A_592 = tpu.memref_slice %arg9[%dma_start3A_590, %dma_start3A_591] : memref<1024x16xf32, #tpu.memory_space<vmem>> -> memref<128x16xf32, #tpu.memory_space<vmem>>
      %dma_start3A_593 = arith.constant 0 : i32
      %dma_start3A_594 = tpu.memref_slice %arg8[%dma_start3A_589, %dma_start3A_593] : memref<8x128xi32, #tpu.memory_space<vmem>> -> memref<1x128xi32, #tpu.memory_space<vmem>>
      %dma_start3A_595 = tpu.memref_squeeze %dma_start3A_594 : memref<1x128xi32, #tpu.memory_space<vmem>> -> memref<128xi32, #tpu.memory_space<vmem>>
      %dma_start3A_596 = arith.constant 0 : i32
      %dma_start3A_597 = arith.constant 0 : i32
      %dma_start3A_598 = tpu.memref_slice %arg10[%dma_start3A_596, %dma_start3A_597] : memref<100016x16xf32, #tpu.memory_space<vmem_shared>> -> memref<100016x16xf32, #tpu.memory_space<vmem_shared>>
      tpu.enqueue_indirect_dma source(%dma_start3A_592 : memref<128x16xf32, #tpu.memory_space<vmem>>) target(%dma_start3A_598 : memref<100016x16xf32, #tpu.memory_space<vmem_shared>>) offsets(%dma_start3A_595 : memref<128xi32, #tpu.memory_space<vmem>>) semaphore(%arg12 : memref<!tpu.dma_semaphore, #tpu.memory_space<semaphore_mem>>) {add = true}
      %dma_wait3A_599 = arith.constant 1 : i32
      %dma_wait3A_600 = arith.constant 128 : i32
      %dma_wait3A_601 = arith.constant 0 : i32
      %dma_wait3A_602 = tpu.memref_slice %arg9[%dma_wait3A_600, %dma_wait3A_601] : memref<1024x16xf32, #tpu.memory_space<vmem>> -> memref<128x16xf32, #tpu.memory_space<vmem>>
      %dma_wait3A_603 = arith.constant 0 : i32
      %dma_wait3A_604 = tpu.memref_slice %arg7[%dma_wait3A_599, %dma_wait3A_603] : memref<8x128xi32, #tpu.memory_space<vmem>> -> memref<1x128xi32, #tpu.memory_space<vmem>>
      %dma_wait3A_605 = tpu.memref_squeeze %dma_wait3A_604 : memref<1x128xi32, #tpu.memory_space<vmem>> -> memref<128xi32, #tpu.memory_space<vmem>>
      %dma_wait3A_606 = arith.constant 0 : i32
      %dma_wait3A_607 = arith.constant 0 : i32
      %dma_wait3A_608 = tpu.memref_slice %arg4[%dma_wait3A_606, %dma_wait3A_607] : memref<100016x16xf32, #tpu.memory_space<hbm>> -> memref<100016x16xf32, #tpu.memory_space<hbm>>
      tpu.wait_indirect_dma semaphore(%arg11 : memref<!tpu.dma_semaphore, #tpu.memory_space<semaphore_mem>>) src(%dma_wait3A_608 : memref<100016x16xf32, #tpu.memory_space<hbm>>) dst(%dma_wait3A_602 : memref<128x16xf32, #tpu.memory_space<vmem>>)
      %dma_start3A_609 = arith.constant 1 : i32
      %dma_start3A_610 = arith.constant 128 : i32
      %dma_start3A_611 = arith.constant 0 : i32
      %dma_start3A_612 = tpu.memref_slice %arg9[%dma_start3A_610, %dma_start3A_611] : memref<1024x16xf32, #tpu.memory_space<vmem>> -> memref<128x16xf32, #tpu.memory_space<vmem>>
      %dma_start3A_613 = arith.constant 0 : i32
      %dma_start3A_614 = tpu.memref_slice %arg8[%dma_start3A_609, %dma_start3A_613] : memref<8x128xi32, #tpu.memory_space<vmem>> -> memref<1x128xi32, #tpu.memory_space<vmem>>
      %dma_start3A_615 = tpu.memref_squeeze %dma_start3A_614 : memref<1x128xi32, #tpu.memory_space<vmem>> -> memref<128xi32, #tpu.memory_space<vmem>>
      %dma_start3A_616 = arith.constant 0 : i32
      %dma_start3A_617 = arith.constant 0 : i32
      %dma_start3A_618 = tpu.memref_slice %arg10[%dma_start3A_616, %dma_start3A_617] : memref<100016x16xf32, #tpu.memory_space<vmem_shared>> -> memref<100016x16xf32, #tpu.memory_space<vmem_shared>>
      tpu.enqueue_indirect_dma source(%dma_start3A_612 : memref<128x16xf32, #tpu.memory_space<vmem>>) target(%dma_start3A_618 : memref<100016x16xf32, #tpu.memory_space<vmem_shared>>) offsets(%dma_start3A_615 : memref<128xi32, #tpu.memory_space<vmem>>) semaphore(%arg12 : memref<!tpu.dma_semaphore, #tpu.memory_space<semaphore_mem>>) {add = true}
      %dma_wait3A_619 = arith.constant 2 : i32
      %dma_wait3A_620 = arith.constant 256 : i32
      %dma_wait3A_621 = arith.constant 0 : i32
      %dma_wait3A_622 = tpu.memref_slice %arg9[%dma_wait3A_620, %dma_wait3A_621] : memref<1024x16xf32, #tpu.memory_space<vmem>> -> memref<128x16xf32, #tpu.memory_space<vmem>>
      %dma_wait3A_623 = arith.constant 0 : i32
      %dma_wait3A_624 = tpu.memref_slice %arg7[%dma_wait3A_619, %dma_wait3A_623] : memref<8x128xi32, #tpu.memory_space<vmem>> -> memref<1x128xi32, #tpu.memory_space<vmem>>
      %dma_wait3A_625 = tpu.memref_squeeze %dma_wait3A_624 : memref<1x128xi32, #tpu.memory_space<vmem>> -> memref<128xi32, #tpu.memory_space<vmem>>
      %dma_wait3A_626 = arith.constant 0 : i32
      %dma_wait3A_627 = arith.constant 0 : i32
      %dma_wait3A_628 = tpu.memref_slice %arg4[%dma_wait3A_626, %dma_wait3A_627] : memref<100016x16xf32, #tpu.memory_space<hbm>> -> memref<100016x16xf32, #tpu.memory_space<hbm>>
      tpu.wait_indirect_dma semaphore(%arg11 : memref<!tpu.dma_semaphore, #tpu.memory_space<semaphore_mem>>) src(%dma_wait3A_628 : memref<100016x16xf32, #tpu.memory_space<hbm>>) dst(%dma_wait3A_622 : memref<128x16xf32, #tpu.memory_space<vmem>>)
      %dma_start3A_629 = arith.constant 2 : i32
      %dma_start3A_630 = arith.constant 256 : i32
      %dma_start3A_631 = arith.constant 0 : i32
      %dma_start3A_632 = tpu.memref_slice %arg9[%dma_start3A_630, %dma_start3A_631] : memref<1024x16xf32, #tpu.memory_space<vmem>> -> memref<128x16xf32, #tpu.memory_space<vmem>>
      %dma_start3A_633 = arith.constant 0 : i32
      %dma_start3A_634 = tpu.memref_slice %arg8[%dma_start3A_629, %dma_start3A_633] : memref<8x128xi32, #tpu.memory_space<vmem>> -> memref<1x128xi32, #tpu.memory_space<vmem>>
      %dma_start3A_635 = tpu.memref_squeeze %dma_start3A_634 : memref<1x128xi32, #tpu.memory_space<vmem>> -> memref<128xi32, #tpu.memory_space<vmem>>
      %dma_start3A_636 = arith.constant 0 : i32
      %dma_start3A_637 = arith.constant 0 : i32
      %dma_start3A_638 = tpu.memref_slice %arg10[%dma_start3A_636, %dma_start3A_637] : memref<100016x16xf32, #tpu.memory_space<vmem_shared>> -> memref<100016x16xf32, #tpu.memory_space<vmem_shared>>
      tpu.enqueue_indirect_dma source(%dma_start3A_632 : memref<128x16xf32, #tpu.memory_space<vmem>>) target(%dma_start3A_638 : memref<100016x16xf32, #tpu.memory_space<vmem_shared>>) offsets(%dma_start3A_635 : memref<128xi32, #tpu.memory_space<vmem>>) semaphore(%arg12 : memref<!tpu.dma_semaphore, #tpu.memory_space<semaphore_mem>>) {add = true}
      %dma_wait3A_639 = arith.constant 3 : i32
      %dma_wait3A_640 = arith.constant 384 : i32
      %dma_wait3A_641 = arith.constant 0 : i32
      %dma_wait3A_642 = tpu.memref_slice %arg9[%dma_wait3A_640, %dma_wait3A_641] : memref<1024x16xf32, #tpu.memory_space<vmem>> -> memref<128x16xf32, #tpu.memory_space<vmem>>
      %dma_wait3A_643 = arith.constant 0 : i32
      %dma_wait3A_644 = tpu.memref_slice %arg7[%dma_wait3A_639, %dma_wait3A_643] : memref<8x128xi32, #tpu.memory_space<vmem>> -> memref<1x128xi32, #tpu.memory_space<vmem>>
      %dma_wait3A_645 = tpu.memref_squeeze %dma_wait3A_644 : memref<1x128xi32, #tpu.memory_space<vmem>> -> memref<128xi32, #tpu.memory_space<vmem>>
      %dma_wait3A_646 = arith.constant 0 : i32
      %dma_wait3A_647 = arith.constant 0 : i32
      %dma_wait3A_648 = tpu.memref_slice %arg4[%dma_wait3A_646, %dma_wait3A_647] : memref<100016x16xf32, #tpu.memory_space<hbm>> -> memref<100016x16xf32, #tpu.memory_space<hbm>>
      tpu.wait_indirect_dma semaphore(%arg11 : memref<!tpu.dma_semaphore, #tpu.memory_space<semaphore_mem>>) src(%dma_wait3A_648 : memref<100016x16xf32, #tpu.memory_space<hbm>>) dst(%dma_wait3A_642 : memref<128x16xf32, #tpu.memory_space<vmem>>)
      %dma_start3A_649 = arith.constant 3 : i32
      %dma_start3A_650 = arith.constant 384 : i32
      %dma_start3A_651 = arith.constant 0 : i32
      %dma_start3A_652 = tpu.memref_slice %arg9[%dma_start3A_650, %dma_start3A_651] : memref<1024x16xf32, #tpu.memory_space<vmem>> -> memref<128x16xf32, #tpu.memory_space<vmem>>
      %dma_start3A_653 = arith.constant 0 : i32
      %dma_start3A_654 = tpu.memref_slice %arg8[%dma_start3A_649, %dma_start3A_653] : memref<8x128xi32, #tpu.memory_space<vmem>> -> memref<1x128xi32, #tpu.memory_space<vmem>>
      %dma_start3A_655 = tpu.memref_squeeze %dma_start3A_654 : memref<1x128xi32, #tpu.memory_space<vmem>> -> memref<128xi32, #tpu.memory_space<vmem>>
      %dma_start3A_656 = arith.constant 0 : i32
      %dma_start3A_657 = arith.constant 0 : i32
      %dma_start3A_658 = tpu.memref_slice %arg10[%dma_start3A_656, %dma_start3A_657] : memref<100016x16xf32, #tpu.memory_space<vmem_shared>> -> memref<100016x16xf32, #tpu.memory_space<vmem_shared>>
      tpu.enqueue_indirect_dma source(%dma_start3A_652 : memref<128x16xf32, #tpu.memory_space<vmem>>) target(%dma_start3A_658 : memref<100016x16xf32, #tpu.memory_space<vmem_shared>>) offsets(%dma_start3A_655 : memref<128xi32, #tpu.memory_space<vmem>>) semaphore(%arg12 : memref<!tpu.dma_semaphore, #tpu.memory_space<semaphore_mem>>) {add = true}
      %dma_wait3A_659 = arith.constant 4 : i32
      %dma_wait3A_660 = arith.constant 512 : i32
      %dma_wait3A_661 = arith.constant 0 : i32
      %dma_wait3A_662 = tpu.memref_slice %arg9[%dma_wait3A_660, %dma_wait3A_661] : memref<1024x16xf32, #tpu.memory_space<vmem>> -> memref<128x16xf32, #tpu.memory_space<vmem>>
      %dma_wait3A_663 = arith.constant 0 : i32
      %dma_wait3A_664 = tpu.memref_slice %arg7[%dma_wait3A_659, %dma_wait3A_663] : memref<8x128xi32, #tpu.memory_space<vmem>> -> memref<1x128xi32, #tpu.memory_space<vmem>>
      %dma_wait3A_665 = tpu.memref_squeeze %dma_wait3A_664 : memref<1x128xi32, #tpu.memory_space<vmem>> -> memref<128xi32, #tpu.memory_space<vmem>>
      %dma_wait3A_666 = arith.constant 0 : i32
      %dma_wait3A_667 = arith.constant 0 : i32
      %dma_wait3A_668 = tpu.memref_slice %arg4[%dma_wait3A_666, %dma_wait3A_667] : memref<100016x16xf32, #tpu.memory_space<hbm>> -> memref<100016x16xf32, #tpu.memory_space<hbm>>
      tpu.wait_indirect_dma semaphore(%arg11 : memref<!tpu.dma_semaphore, #tpu.memory_space<semaphore_mem>>) src(%dma_wait3A_668 : memref<100016x16xf32, #tpu.memory_space<hbm>>) dst(%dma_wait3A_662 : memref<128x16xf32, #tpu.memory_space<vmem>>)
      %dma_start3A_669 = arith.constant 4 : i32
      %dma_start3A_670 = arith.constant 512 : i32
      %dma_start3A_671 = arith.constant 0 : i32
      %dma_start3A_672 = tpu.memref_slice %arg9[%dma_start3A_670, %dma_start3A_671] : memref<1024x16xf32, #tpu.memory_space<vmem>> -> memref<128x16xf32, #tpu.memory_space<vmem>>
      %dma_start3A_673 = arith.constant 0 : i32
      %dma_start3A_674 = tpu.memref_slice %arg8[%dma_start3A_669, %dma_start3A_673] : memref<8x128xi32, #tpu.memory_space<vmem>> -> memref<1x128xi32, #tpu.memory_space<vmem>>
      %dma_start3A_675 = tpu.memref_squeeze %dma_start3A_674 : memref<1x128xi32, #tpu.memory_space<vmem>> -> memref<128xi32, #tpu.memory_space<vmem>>
      %dma_start3A_676 = arith.constant 0 : i32
      %dma_start3A_677 = arith.constant 0 : i32
      %dma_start3A_678 = tpu.memref_slice %arg10[%dma_start3A_676, %dma_start3A_677] : memref<100016x16xf32, #tpu.memory_space<vmem_shared>> -> memref<100016x16xf32, #tpu.memory_space<vmem_shared>>
      tpu.enqueue_indirect_dma source(%dma_start3A_672 : memref<128x16xf32, #tpu.memory_space<vmem>>) target(%dma_start3A_678 : memref<100016x16xf32, #tpu.memory_space<vmem_shared>>) offsets(%dma_start3A_675 : memref<128xi32, #tpu.memory_space<vmem>>) semaphore(%arg12 : memref<!tpu.dma_semaphore, #tpu.memory_space<semaphore_mem>>) {add = true}
      %dma_wait3A_679 = arith.constant 5 : i32
      %dma_wait3A_680 = arith.constant 640 : i32
      %dma_wait3A_681 = arith.constant 0 : i32
      %dma_wait3A_682 = tpu.memref_slice %arg9[%dma_wait3A_680, %dma_wait3A_681] : memref<1024x16xf32, #tpu.memory_space<vmem>> -> memref<128x16xf32, #tpu.memory_space<vmem>>
      %dma_wait3A_683 = arith.constant 0 : i32
      %dma_wait3A_684 = tpu.memref_slice %arg7[%dma_wait3A_679, %dma_wait3A_683] : memref<8x128xi32, #tpu.memory_space<vmem>> -> memref<1x128xi32, #tpu.memory_space<vmem>>
      %dma_wait3A_685 = tpu.memref_squeeze %dma_wait3A_684 : memref<1x128xi32, #tpu.memory_space<vmem>> -> memref<128xi32, #tpu.memory_space<vmem>>
      %dma_wait3A_686 = arith.constant 0 : i32
      %dma_wait3A_687 = arith.constant 0 : i32
      %dma_wait3A_688 = tpu.memref_slice %arg4[%dma_wait3A_686, %dma_wait3A_687] : memref<100016x16xf32, #tpu.memory_space<hbm>> -> memref<100016x16xf32, #tpu.memory_space<hbm>>
      tpu.wait_indirect_dma semaphore(%arg11 : memref<!tpu.dma_semaphore, #tpu.memory_space<semaphore_mem>>) src(%dma_wait3A_688 : memref<100016x16xf32, #tpu.memory_space<hbm>>) dst(%dma_wait3A_682 : memref<128x16xf32, #tpu.memory_space<vmem>>)
      %dma_start3A_689 = arith.constant 5 : i32
      %dma_start3A_690 = arith.constant 640 : i32
      %dma_start3A_691 = arith.constant 0 : i32
      %dma_start3A_692 = tpu.memref_slice %arg9[%dma_start3A_690, %dma_start3A_691] : memref<1024x16xf32, #tpu.memory_space<vmem>> -> memref<128x16xf32, #tpu.memory_space<vmem>>
      %dma_start3A_693 = arith.constant 0 : i32
      %dma_start3A_694 = tpu.memref_slice %arg8[%dma_start3A_689, %dma_start3A_693] : memref<8x128xi32, #tpu.memory_space<vmem>> -> memref<1x128xi32, #tpu.memory_space<vmem>>
      %dma_start3A_695 = tpu.memref_squeeze %dma_start3A_694 : memref<1x128xi32, #tpu.memory_space<vmem>> -> memref<128xi32, #tpu.memory_space<vmem>>
      %dma_start3A_696 = arith.constant 0 : i32
      %dma_start3A_697 = arith.constant 0 : i32
      %dma_start3A_698 = tpu.memref_slice %arg10[%dma_start3A_696, %dma_start3A_697] : memref<100016x16xf32, #tpu.memory_space<vmem_shared>> -> memref<100016x16xf32, #tpu.memory_space<vmem_shared>>
      tpu.enqueue_indirect_dma source(%dma_start3A_692 : memref<128x16xf32, #tpu.memory_space<vmem>>) target(%dma_start3A_698 : memref<100016x16xf32, #tpu.memory_space<vmem_shared>>) offsets(%dma_start3A_695 : memref<128xi32, #tpu.memory_space<vmem>>) semaphore(%arg12 : memref<!tpu.dma_semaphore, #tpu.memory_space<semaphore_mem>>) {add = true}
      %dma_wait3A_699 = arith.constant 6 : i32
      %dma_wait3A_700 = arith.constant 768 : i32
      %dma_wait3A_701 = arith.constant 0 : i32
      %dma_wait3A_702 = tpu.memref_slice %arg9[%dma_wait3A_700, %dma_wait3A_701] : memref<1024x16xf32, #tpu.memory_space<vmem>> -> memref<128x16xf32, #tpu.memory_space<vmem>>
      %dma_wait3A_703 = arith.constant 0 : i32
      %dma_wait3A_704 = tpu.memref_slice %arg7[%dma_wait3A_699, %dma_wait3A_703] : memref<8x128xi32, #tpu.memory_space<vmem>> -> memref<1x128xi32, #tpu.memory_space<vmem>>
      %dma_wait3A_705 = tpu.memref_squeeze %dma_wait3A_704 : memref<1x128xi32, #tpu.memory_space<vmem>> -> memref<128xi32, #tpu.memory_space<vmem>>
      %dma_wait3A_706 = arith.constant 0 : i32
      %dma_wait3A_707 = arith.constant 0 : i32
      %dma_wait3A_708 = tpu.memref_slice %arg4[%dma_wait3A_706, %dma_wait3A_707] : memref<100016x16xf32, #tpu.memory_space<hbm>> -> memref<100016x16xf32, #tpu.memory_space<hbm>>
      tpu.wait_indirect_dma semaphore(%arg11 : memref<!tpu.dma_semaphore, #tpu.memory_space<semaphore_mem>>) src(%dma_wait3A_708 : memref<100016x16xf32, #tpu.memory_space<hbm>>) dst(%dma_wait3A_702 : memref<128x16xf32, #tpu.memory_space<vmem>>)
      %dma_start3A_709 = arith.constant 6 : i32
      %dma_start3A_710 = arith.constant 768 : i32
      %dma_start3A_711 = arith.constant 0 : i32
      %dma_start3A_712 = tpu.memref_slice %arg9[%dma_start3A_710, %dma_start3A_711] : memref<1024x16xf32, #tpu.memory_space<vmem>> -> memref<128x16xf32, #tpu.memory_space<vmem>>
      %dma_start3A_713 = arith.constant 0 : i32
      %dma_start3A_714 = tpu.memref_slice %arg8[%dma_start3A_709, %dma_start3A_713] : memref<8x128xi32, #tpu.memory_space<vmem>> -> memref<1x128xi32, #tpu.memory_space<vmem>>
      %dma_start3A_715 = tpu.memref_squeeze %dma_start3A_714 : memref<1x128xi32, #tpu.memory_space<vmem>> -> memref<128xi32, #tpu.memory_space<vmem>>
      %dma_start3A_716 = arith.constant 0 : i32
      %dma_start3A_717 = arith.constant 0 : i32
      %dma_start3A_718 = tpu.memref_slice %arg10[%dma_start3A_716, %dma_start3A_717] : memref<100016x16xf32, #tpu.memory_space<vmem_shared>> -> memref<100016x16xf32, #tpu.memory_space<vmem_shared>>
      tpu.enqueue_indirect_dma source(%dma_start3A_712 : memref<128x16xf32, #tpu.memory_space<vmem>>) target(%dma_start3A_718 : memref<100016x16xf32, #tpu.memory_space<vmem_shared>>) offsets(%dma_start3A_715 : memref<128xi32, #tpu.memory_space<vmem>>) semaphore(%arg12 : memref<!tpu.dma_semaphore, #tpu.memory_space<semaphore_mem>>) {add = true}
      %dma_wait3A_719 = arith.constant 7 : i32
      %dma_wait3A_720 = arith.constant 896 : i32
      %dma_wait3A_721 = arith.constant 0 : i32
      %dma_wait3A_722 = tpu.memref_slice %arg9[%dma_wait3A_720, %dma_wait3A_721] : memref<1024x16xf32, #tpu.memory_space<vmem>> -> memref<128x16xf32, #tpu.memory_space<vmem>>
      %dma_wait3A_723 = arith.constant 0 : i32
      %dma_wait3A_724 = tpu.memref_slice %arg7[%dma_wait3A_719, %dma_wait3A_723] : memref<8x128xi32, #tpu.memory_space<vmem>> -> memref<1x128xi32, #tpu.memory_space<vmem>>
      %dma_wait3A_725 = tpu.memref_squeeze %dma_wait3A_724 : memref<1x128xi32, #tpu.memory_space<vmem>> -> memref<128xi32, #tpu.memory_space<vmem>>
      %dma_wait3A_726 = arith.constant 0 : i32
      %dma_wait3A_727 = arith.constant 0 : i32
      %dma_wait3A_728 = tpu.memref_slice %arg4[%dma_wait3A_726, %dma_wait3A_727] : memref<100016x16xf32, #tpu.memory_space<hbm>> -> memref<100016x16xf32, #tpu.memory_space<hbm>>
      tpu.wait_indirect_dma semaphore(%arg11 : memref<!tpu.dma_semaphore, #tpu.memory_space<semaphore_mem>>) src(%dma_wait3A_728 : memref<100016x16xf32, #tpu.memory_space<hbm>>) dst(%dma_wait3A_722 : memref<128x16xf32, #tpu.memory_space<vmem>>)
      %dma_start3A_729 = arith.constant 7 : i32
      %dma_start3A_730 = arith.constant 896 : i32
      %dma_start3A_731 = arith.constant 0 : i32
      %dma_start3A_732 = tpu.memref_slice %arg9[%dma_start3A_730, %dma_start3A_731] : memref<1024x16xf32, #tpu.memory_space<vmem>> -> memref<128x16xf32, #tpu.memory_space<vmem>>
      %dma_start3A_733 = arith.constant 0 : i32
      %dma_start3A_734 = tpu.memref_slice %arg8[%dma_start3A_729, %dma_start3A_733] : memref<8x128xi32, #tpu.memory_space<vmem>> -> memref<1x128xi32, #tpu.memory_space<vmem>>
      %dma_start3A_735 = tpu.memref_squeeze %dma_start3A_734 : memref<1x128xi32, #tpu.memory_space<vmem>> -> memref<128xi32, #tpu.memory_space<vmem>>
      %dma_start3A_736 = arith.constant 0 : i32
      %dma_start3A_737 = arith.constant 0 : i32
      %dma_start3A_738 = tpu.memref_slice %arg10[%dma_start3A_736, %dma_start3A_737] : memref<100016x16xf32, #tpu.memory_space<vmem_shared>> -> memref<100016x16xf32, #tpu.memory_space<vmem_shared>>
      tpu.enqueue_indirect_dma source(%dma_start3A_732 : memref<128x16xf32, #tpu.memory_space<vmem>>) target(%dma_start3A_738 : memref<100016x16xf32, #tpu.memory_space<vmem_shared>>) offsets(%dma_start3A_735 : memref<128xi32, #tpu.memory_space<vmem>>) semaphore(%arg12 : memref<!tpu.dma_semaphore, #tpu.memory_space<semaphore_mem>>) {add = true}
    }
    %scan3A_480 = arith.constant 98 : i32
    %dma_wait3A = arith.constant 0 : i32
    %dma_wait3A_481 = arith.constant 0 : i32
    %dma_wait3A_482 = tpu.memref_slice %arg5[%dma_wait3A, %dma_wait3A_481] : memref<6251x16xf32, #tpu.memory_space<hbm>> -> memref<1024x16xf32, #tpu.memory_space<hbm>>
    %dma_wait3A_483 = arith.constant 0 : i32
    %dma_wait3A_484 = arith.constant 0 : i32
    %dma_wait3A_485 = tpu.memref_slice %arg5[%dma_wait3A_483, %dma_wait3A_484] : memref<6251x16xf32, #tpu.memory_space<hbm>> -> memref<1024x16xf32, #tpu.memory_space<hbm>>
    tpu.wait_dma2 semaphore(%arg12 : memref<!tpu.dma_semaphore, #tpu.memory_space<semaphore_mem>>) src(%dma_wait3A_485 : memref<1024x16xf32, #tpu.memory_space<hbm>>) dst(%arg9 : memref<1024x16xf32, #tpu.memory_space<vmem>>)
    %barrier3A_486 = arith.constant 0 : index
    tpu.barrier barrier_id(%barrier3A_486)
    "tpu.region"() ({
      %run_scoped3A = tpu.sem_alloc : memref<!tpu.dma_semaphore, #tpu.memory_space<semaphore_mem>>
      %dma_start3A_487 = arith.constant 0 : i32
      %dma_start3A_488 = tpu.memref_slice %arg6[%arg0, %mul3A_2, %dma_start3A_487] : memref<2x100016x16xf32, #tpu.memory_space<hbm>> -> memref<1x6251x16xf32, #tpu.memory_space<hbm>>
      %dma_start3A_489 = tpu.memref_squeeze %dma_start3A_488 : memref<1x6251x16xf32, #tpu.memory_space<hbm>> -> memref<6251x16xf32, #tpu.memory_space<hbm>>
      %dma_start3A_490 = arith.constant 0 : i32
      %dma_start3A_491 = tpu.memref_slice %arg10[%mul3A_2, %dma_start3A_490] : memref<100016x16xf32, #tpu.memory_space<vmem_shared>> -> memref<6251x16xf32, #tpu.memory_space<vmem_shared>>
      tpu.enqueue_dma source(%dma_start3A_491 : memref<6251x16xf32, #tpu.memory_space<vmem_shared>>) target(%dma_start3A_489 : memref<6251x16xf32, #tpu.memory_space<hbm>>) target_semaphore(%run_scoped3A : memref<!tpu.dma_semaphore, #tpu.memory_space<semaphore_mem>>)
      %dma_wait3A_492 = arith.constant 0 : i32
      %dma_wait3A_493 = tpu.memref_slice %arg6[%arg0, %mul3A_2, %dma_wait3A_492] : memref<2x100016x16xf32, #tpu.memory_space<hbm>> -> memref<1x6251x16xf32, #tpu.memory_space<hbm>>
      %dma_wait3A_494 = tpu.memref_squeeze %dma_wait3A_493 : memref<1x6251x16xf32, #tpu.memory_space<hbm>> -> memref<6251x16xf32, #tpu.memory_space<hbm>>
      %dma_wait3A_495 = arith.constant 0 : i32
      %dma_wait3A_496 = tpu.memref_slice %arg10[%mul3A_2, %dma_wait3A_495] : memref<100016x16xf32, #tpu.memory_space<vmem_shared>> -> memref<6251x16xf32, #tpu.memory_space<vmem_shared>>
      tpu.wait_dma2 semaphore(%run_scoped3A : memref<!tpu.dma_semaphore, #tpu.memory_space<semaphore_mem>>) src(%dma_wait3A_496 : memref<6251x16xf32, #tpu.memory_space<vmem_shared>>) dst(%dma_wait3A_494 : memref<6251x16xf32, #tpu.memory_space<hbm>>)
      tpu.yield
    }) : () -> ()
    return
  }
}

module attributes {stable_mosaic.version = 14 : i64} {
  func.func @_mm1_body(%arg0: i32, %arg1: memref<5000x128xf32, #tpu.memory_space<vmem>>, %arg2: memref<2x1x1x5000xf32, #tpu.memory_space<vmem>>, %arg3: memref<128x16xf32, #tpu.memory_space<vmem>>, %arg4: memref<5000x16xf32, #tpu.memory_space<vmem>>) attributes {dimension_semantics = [#tpu.dimension_semantics<arbitrary>], iteration_bounds = array<i64: 20>, scalar_prefetch = 0 : i64, scratch_operands = 0 : i64, tpu.core_type = #tpu.core_type<tc>, window_params = [{transform_indices = @transform_0, window_bounds = array<i64: 5000, 128>}, {transform_indices = @transform_1, window_bounds = array<i64: 2, 1, 1, 5000>}, {pipeline_mode = #tpu.pipeline_mode<synchronous>, transform_indices = @transform_2, window_bounds = array<i64: 128, 16>}, {transform_indices = @transform_3, window_bounds = array<i64: 5000, 16>}]} {
    %get3A = arith.constant 0 : index
    %get3A_0 = arith.constant 0 : index
    %get3A_1 = arith.constant 0 : index
    %get3A_2 = arith.constant 0 : index
    %get3A_3 = vector.load %arg2[%get3A, %get3A_0, %get3A_1, %get3A_2] : memref<2x1x1x5000xf32, #tpu.memory_space<vmem>>, vector<1x1x1x5000xf32>
    %get3A_4 = vector.shape_cast %get3A_3 : vector<1x1x1x5000xf32> to vector<5000xf32>
    %get3A_5 = arith.constant 1 : index
    %get3A_6 = arith.constant 0 : index
    %get3A_7 = arith.constant 0 : index
    %get3A_8 = arith.constant 0 : index
    %get3A_9 = vector.load %arg2[%get3A_5, %get3A_6, %get3A_7, %get3A_8] : memref<2x1x1x5000xf32, #tpu.memory_space<vmem>>, vector<1x1x1x5000xf32>
    %get3A_10 = vector.shape_cast %get3A_9 : vector<1x1x1x5000xf32> to vector<5000xf32>
    %add3A = arith.addf %get3A_4, %get3A_10 : vector<5000xf32>
    %add3A_11 = arith.constant 1.000000e+00 : f32
    %add3A_12 = vector.broadcast %add3A_11 : f32 to vector<5000xf32>
    %add3A_13 = arith.addf %add3A, %add3A_12 : vector<5000xf32>
    %rsqrt3A = math.rsqrt %add3A_13 : vector<5000xf32>
    %broadcast_in_dim3A = vector.shape_cast %rsqrt3A : vector<5000xf32> to vector<5000x1xf32>
    %get3A_14 = arith.constant 0 : index
    %get3A_15 = arith.constant 0 : index
    %get3A_16 = vector.load %arg1[%get3A_14, %get3A_15] : memref<5000x128xf32, #tpu.memory_space<vmem>>, vector<5000x128xf32>
    %get3A_17 = arith.constant 0 : index
    %get3A_18 = arith.constant 0 : index
    %get3A_19 = vector.load %arg3[%get3A_17, %get3A_18] : memref<128x16xf32, #tpu.memory_space<vmem>>, vector<128x16xf32>
    %dot_general3A = arith.constant dense<0.000000e+00> : vector<5000x16xf32>
    %dot_general3A_20 = tpu.matmul %get3A_16, %get3A_19, %dot_general3A {dimension_numbers = #tpu.dot_dimension_numbers<[1], [0], [0], [1], [0, 0, 1, 1], [], []>, transpose_lhs_hint = false} : vector<5000x128xf32>, vector<128x16xf32>, vector<5000x16xf32> -> vector<5000x16xf32>
    %mul3A = vector.broadcast %broadcast_in_dim3A : vector<5000x1xf32> to vector<5000x16xf32>
    %mul3A_21 = arith.mulf %dot_general3A_20, %mul3A : vector<5000x16xf32>
    %swap3A = arith.constant 0 : index
    %swap3A_22 = arith.constant 0 : index
    %swap3A_23 = vector.load %arg4[%swap3A, %swap3A_22] : memref<5000x16xf32, #tpu.memory_space<vmem>>, vector<5000x16xf32>
    tpu.vector_store %arg4[%swap3A, %swap3A_22], %mul3A_21 {strides = array<i32>} : memref<5000x16xf32, #tpu.memory_space<vmem>>, vector<5000x16xf32>,
    return
  }
  func.func @transform_0(%arg0: i32) -> (i32, i32) {
    %c0_i32 = arith.constant 0 : i32
    %c0_i32_0 = arith.constant 0 : i32
    return %arg0, %c0_i32 : i32, i32
  }
  func.func @transform_1(%arg0: i32) -> (i32, i32, i32, i32) {
    %c0_i32 = arith.constant 0 : i32
    %c0_i32_0 = arith.constant 0 : i32
    %c0_i32_1 = arith.constant 0 : i32
    %c0_i32_2 = arith.constant 0 : i32
    return %c0_i32, %arg0, %c0_i32_0, %c0_i32_1 : i32, i32, i32, i32
  }
  func.func @transform_2(%arg0: i32) -> (i32, i32) {
    %c0_i32 = arith.constant 0 : i32
    %c0_i32_0 = arith.constant 0 : i32
    %c0_i32_1 = arith.constant 0 : i32
    return %c0_i32, %c0_i32_0 : i32, i32
  }
  func.func @transform_3(%arg0: i32) -> (i32, i32) {
    %c0_i32 = arith.constant 0 : i32
    %c0_i32_0 = arith.constant 0 : i32
    return %arg0, %c0_i32 : i32, i32
  }
}

module attributes {stable_mosaic.version = 14 : i64} {
  func.func @_mid_body(%arg0: i32, %arg1: memref<2x5000x16xf32, #tpu.memory_space<vmem>>, %arg2: memref<5000x16xf32, #tpu.memory_space<vmem>>, %arg3: memref<2x1x1x5000xf32, #tpu.memory_space<vmem>>, %arg4: memref<1x16xf32, #tpu.memory_space<vmem>>, %arg5: memref<16x16xf32, #tpu.memory_space<vmem>>, %arg6: memref<5000x16xf32, #tpu.memory_space<vmem>>) attributes {dimension_semantics = [#tpu.dimension_semantics<arbitrary>], iteration_bounds = array<i64: 20>, scalar_prefetch = 0 : i64, scratch_operands = 0 : i64, tpu.core_type = #tpu.core_type<tc>, window_params = [{transform_indices = @transform_0, window_bounds = array<i64: 2, 5000, 16>}, {transform_indices = @transform_1, window_bounds = array<i64: 5000, 16>}, {transform_indices = @transform_2, window_bounds = array<i64: 2, 1, 1, 5000>}, {pipeline_mode = #tpu.pipeline_mode<synchronous>, transform_indices = @transform_3, window_bounds = array<i64: 1, 16>}, {pipeline_mode = #tpu.pipeline_mode<synchronous>, transform_indices = @transform_4, window_bounds = array<i64: 16, 16>}, {transform_indices = @transform_5, window_bounds = array<i64: 5000, 16>}]} {
    %get3A = arith.constant 0 : index
    %get3A_0 = arith.constant 0 : index
    %get3A_1 = arith.constant 0 : index
    %get3A_2 = arith.constant 0 : index
    %get3A_3 = vector.load %arg3[%get3A, %get3A_0, %get3A_1, %get3A_2] : memref<2x1x1x5000xf32, #tpu.memory_space<vmem>>, vector<1x1x1x5000xf32>
    %get3A_4 = vector.shape_cast %get3A_3 : vector<1x1x1x5000xf32> to vector<5000xf32>
    %get3A_5 = arith.constant 1 : index
    %get3A_6 = arith.constant 0 : index
    %get3A_7 = arith.constant 0 : index
    %get3A_8 = arith.constant 0 : index
    %get3A_9 = vector.load %arg3[%get3A_5, %get3A_6, %get3A_7, %get3A_8] : memref<2x1x1x5000xf32, #tpu.memory_space<vmem>>, vector<1x1x1x5000xf32>
    %get3A_10 = vector.shape_cast %get3A_9 : vector<1x1x1x5000xf32> to vector<5000xf32>
    %add3A = arith.addf %get3A_4, %get3A_10 : vector<5000xf32>
    %add3A_11 = arith.constant 1.000000e+00 : f32
    %add3A_12 = vector.broadcast %add3A_11 : f32 to vector<5000xf32>
    %add3A_13 = arith.addf %add3A, %add3A_12 : vector<5000xf32>
    %rsqrt3A = math.rsqrt %add3A_13 : vector<5000xf32>
    %broadcast_in_dim3A = vector.shape_cast %rsqrt3A : vector<5000xf32> to vector<5000x1xf32>
    %get3A_14 = arith.constant 0 : index
    %get3A_15 = arith.constant 0 : index
    %get3A_16 = arith.constant 0 : index
    %get3A_17 = vector.load %arg1[%get3A_14, %get3A_15, %get3A_16] : memref<2x5000x16xf32, #tpu.memory_space<vmem>>, vector<1x5000x16xf32>
    %get3A_18 = vector.shape_cast %get3A_17 : vector<1x5000x16xf32> to vector<5000x16xf32>
    %get3A_19 = arith.constant 1 : index
    %get3A_20 = arith.constant 0 : index
    %get3A_21 = arith.constant 0 : index
    %get3A_22 = vector.load %arg1[%get3A_19, %get3A_20, %get3A_21] : memref<2x5000x16xf32, #tpu.memory_space<vmem>>, vector<1x5000x16xf32>
    %get3A_23 = vector.shape_cast %get3A_22 : vector<1x5000x16xf32> to vector<5000x16xf32>
    %add3A_24 = arith.addf %get3A_18, %get3A_23 : vector<5000x16xf32>
    %get3A_25 = arith.constant 0 : index
    %get3A_26 = arith.constant 0 : index
    %get3A_27 = vector.load %arg2[%get3A_25, %get3A_26] : memref<5000x16xf32, #tpu.memory_space<vmem>>, vector<5000x16xf32>
    %add3A_28 = arith.addf %add3A_24, %get3A_27 : vector<5000x16xf32>
    %mul3A = vector.broadcast %broadcast_in_dim3A : vector<5000x1xf32> to vector<5000x16xf32>
    %mul3A_29 = arith.mulf %add3A_28, %mul3A : vector<5000x16xf32>
    %get3A_30 = arith.constant 0 : index
    %get3A_31 = arith.constant 0 : index
    %get3A_32 = vector.load %arg4[%get3A_30, %get3A_31] : memref<1x16xf32, #tpu.memory_space<vmem>>, vector<1x16xf32>
    %add3A_33 = vector.broadcast %get3A_32 : vector<1x16xf32> to vector<5000x16xf32>
    %add3A_34 = arith.addf %mul3A_29, %add3A_33 : vector<5000x16xf32>
    %ge3A = arith.constant 0.000000e+00 : f32
    %ge3A_35 = vector.broadcast %ge3A : f32 to vector<5000x16xf32>
    %ge3A_36 = arith.cmpf oge, %add3A_34, %ge3A_35 : vector<5000x16xf32>
    %mul3A_37 = arith.constant 0.00999999977 : f32
    %mul3A_38 = vector.broadcast %mul3A_37 : f32 to vector<5000x16xf32>
    %mul3A_39 = arith.mulf %mul3A_38, %add3A_34 : vector<5000x16xf32>
    %select_n3A = arith.select %ge3A_36, %add3A_34, %mul3A_39 : vector<5000x16xi1>, vector<5000x16xf32>
    %get3A_40 = arith.constant 0 : index
    %get3A_41 = arith.constant 0 : index
    %get3A_42 = vector.load %arg5[%get3A_40, %get3A_41] : memref<16x16xf32, #tpu.memory_space<vmem>>, vector<16x16xf32>
    %dot_general3A = arith.constant dense<0.000000e+00> : vector<5000x16xf32>
    %dot_general3A_43 = tpu.matmul %select_n3A, %get3A_42, %dot_general3A {dimension_numbers = #tpu.dot_dimension_numbers<[1], [0], [0], [1], [0, 0, 1, 1], [], []>, transpose_lhs_hint = false} : vector<5000x16xf32>, vector<16x16xf32>, vector<5000x16xf32> -> vector<5000x16xf32>
    %mul3A_44 = vector.broadcast %broadcast_in_dim3A : vector<5000x1xf32> to vector<5000x16xf32>
    %mul3A_45 = arith.mulf %dot_general3A_43, %mul3A_44 : vector<5000x16xf32>
    %swap3A = arith.constant 0 : index
    %swap3A_46 = arith.constant 0 : index
    %swap3A_47 = vector.load %arg6[%swap3A, %swap3A_46] : memref<5000x16xf32, #tpu.memory_space<vmem>>, vector<5000x16xf32>
    tpu.vector_store %arg6[%swap3A, %swap3A_46], %mul3A_45 {strides = array<i32>} : memref<5000x16xf32, #tpu.memory_space<vmem>>, vector<5000x16xf32>,
    return
  }
  func.func @transform_0(%arg0: i32) -> (i32, i32, i32) {
    %c0_i32 = arith.constant 0 : i32
    %c0_i32_0 = arith.constant 0 : i32
    %c0_i32_1 = arith.constant 0 : i32
    return %c0_i32, %arg0, %c0_i32_0 : i32, i32, i32
  }
  func.func @transform_1(%arg0: i32) -> (i32, i32) {
    %c0_i32 = arith.constant 0 : i32
    %c0_i32_0 = arith.constant 0 : i32
    return %arg0, %c0_i32 : i32, i32
  }
  func.func @transform_2(%arg0: i32) -> (i32, i32, i32, i32) {
    %c0_i32 = arith.constant 0 : i32
    %c0_i32_0 = arith.constant 0 : i32
    %c0_i32_1 = arith.constant 0 : i32
    %c0_i32_2 = arith.constant 0 : i32
    return %c0_i32, %arg0, %c0_i32_0, %c0_i32_1 : i32, i32, i32, i32
  }
  func.func @transform_3(%arg0: i32) -> (i32, i32) {
    %c0_i32 = arith.constant 0 : i32
    %c0_i32_0 = arith.constant 0 : i32
    %c0_i32_1 = arith.constant 0 : i32
    return %c0_i32, %c0_i32_0 : i32, i32
  }
  func.func @transform_4(%arg0: i32) -> (i32, i32) {
    %c0_i32 = arith.constant 0 : i32
    %c0_i32_0 = arith.constant 0 : i32
    %c0_i32_1 = arith.constant 0 : i32
    return %c0_i32, %c0_i32_0 : i32, i32
  }
  func.func @transform_5(%arg0: i32) -> (i32, i32) {
    %c0_i32 = arith.constant 0 : i32
    %c0_i32_0 = arith.constant 0 : i32
    return %arg0, %c0_i32 : i32, i32
  }
}

module attributes {stable_mosaic.version = 14 : i64} {
  func.func @_pool_body(%arg0: i32, %arg1: memref<2x5000x16xf32, #tpu.memory_space<vmem>>, %arg2: memref<5000x16xf32, #tpu.memory_space<vmem>>, %arg3: memref<2x1x1x5000xf32, #tpu.memory_space<vmem>>, %arg4: memref<1x16xf32, #tpu.memory_space<vmem>>, %arg5: memref<1x1x5000xi32, #tpu.memory_space<vmem>>, %arg6: memref<64x16xf32, #tpu.memory_space<vmem>>) attributes {dimension_semantics = [#tpu.dimension_semantics<arbitrary>], iteration_bounds = array<i64: 20>, scalar_prefetch = 0 : i64, scratch_operands = 0 : i64, tpu.core_type = #tpu.core_type<tc>, window_params = [{transform_indices = @transform_0, window_bounds = array<i64: 2, 5000, 16>}, {transform_indices = @transform_1, window_bounds = array<i64: 5000, 16>}, {transform_indices = @transform_2, window_bounds = array<i64: 2, 1, 1, 5000>}, {pipeline_mode = #tpu.pipeline_mode<synchronous>, transform_indices = @transform_3, window_bounds = array<i64: 1, 16>}, {transform_indices = @transform_4, window_bounds = array<i64: 1, 1, 5000>}, {pipeline_mode = #tpu.pipeline_mode<synchronous>, transform_indices = @transform_5, window_bounds = array<i64: 64, 16>}]} {
    %eq3A = arith.constant 0 : i32
    %eq3A_0 = arith.cmpi eq, %arg0, %eq3A : i32
    %convert_element_type3A = arith.extui %eq3A_0 : i1 to i32
    %cond3A = arith.constant 0 : i32
    %cond3A_1 = arith.cmpi ne, %convert_element_type3A, %cond3A : i32
    scf.if %cond3A_1 {
      %broadcast_in_dim3A_58 = arith.constant 0.000000e+00 : f32
      %broadcast_in_dim3A_59 = vector.broadcast %broadcast_in_dim3A_58 : f32 to vector<64x16xf32>
      %swap3A_60 = arith.constant 0 : index
      %swap3A_61 = arith.constant 0 : index
      %swap3A_62 = vector.load %arg6[%swap3A_60, %swap3A_61] : memref<64x16xf32, #tpu.memory_space<vmem>>, vector<64x16xf32>
      tpu.vector_store %arg6[%swap3A_60, %swap3A_61], %broadcast_in_dim3A_59 {strides = array<i32>} : memref<64x16xf32, #tpu.memory_space<vmem>>, vector<64x16xf32>,
    } else {
    }
    %get3A = arith.constant 0 : index
    %get3A_2 = arith.constant 0 : index
    %get3A_3 = arith.constant 0 : index
    %get3A_4 = arith.constant 0 : index
    %get3A_5 = vector.load %arg3[%get3A, %get3A_2, %get3A_3, %get3A_4] : memref<2x1x1x5000xf32, #tpu.memory_space<vmem>>, vector<1x1x1x5000xf32>
    %get3A_6 = vector.shape_cast %get3A_5 : vector<1x1x1x5000xf32> to vector<5000xf32>
    %get3A_7 = arith.constant 1 : index
    %get3A_8 = arith.constant 0 : index
    %get3A_9 = arith.constant 0 : index
    %get3A_10 = arith.constant 0 : index
    %get3A_11 = vector.load %arg3[%get3A_7, %get3A_8, %get3A_9, %get3A_10] : memref<2x1x1x5000xf32, #tpu.memory_space<vmem>>, vector<1x1x1x5000xf32>
    %get3A_12 = vector.shape_cast %get3A_11 : vector<1x1x1x5000xf32> to vector<5000xf32>
    %add3A = arith.addf %get3A_6, %get3A_12 : vector<5000xf32>
    %add3A_13 = arith.constant 1.000000e+00 : f32
    %add3A_14 = vector.broadcast %add3A_13 : f32 to vector<5000xf32>
    %add3A_15 = arith.addf %add3A, %add3A_14 : vector<5000xf32>
    %rsqrt3A = math.rsqrt %add3A_15 : vector<5000xf32>
    %broadcast_in_dim3A = vector.shape_cast %rsqrt3A : vector<5000xf32> to vector<5000x1xf32>
    %get3A_16 = arith.constant 0 : index
    %get3A_17 = arith.constant 0 : index
    %get3A_18 = arith.constant 0 : index
    %get3A_19 = vector.load %arg1[%get3A_16, %get3A_17, %get3A_18] : memref<2x5000x16xf32, #tpu.memory_space<vmem>>, vector<1x5000x16xf32>
    %get3A_20 = vector.shape_cast %get3A_19 : vector<1x5000x16xf32> to vector<5000x16xf32>
    %get3A_21 = arith.constant 1 : index
    %get3A_22 = arith.constant 0 : index
    %get3A_23 = arith.constant 0 : index
    %get3A_24 = vector.load %arg1[%get3A_21, %get3A_22, %get3A_23] : memref<2x5000x16xf32, #tpu.memory_space<vmem>>, vector<1x5000x16xf32>
    %get3A_25 = vector.shape_cast %get3A_24 : vector<1x5000x16xf32> to vector<5000x16xf32>
    %add3A_26 = arith.addf %get3A_20, %get3A_25 : vector<5000x16xf32>
    %get3A_27 = arith.constant 0 : index
    %get3A_28 = arith.constant 0 : index
    %get3A_29 = vector.load %arg2[%get3A_27, %get3A_28] : memref<5000x16xf32, #tpu.memory_space<vmem>>, vector<5000x16xf32>
    %add3A_30 = arith.addf %add3A_26, %get3A_29 : vector<5000x16xf32>
    %mul3A = vector.broadcast %broadcast_in_dim3A : vector<5000x1xf32> to vector<5000x16xf32>
    %mul3A_31 = arith.mulf %add3A_30, %mul3A : vector<5000x16xf32>
    %get3A_32 = arith.constant 0 : index
    %get3A_33 = arith.constant 0 : index
    %get3A_34 = vector.load %arg4[%get3A_32, %get3A_33] : memref<1x16xf32, #tpu.memory_space<vmem>>, vector<1x16xf32>
    %add3A_35 = vector.broadcast %get3A_34 : vector<1x16xf32> to vector<5000x16xf32>
    %add3A_36 = arith.addf %mul3A_31, %add3A_35 : vector<5000x16xf32>
    %ge3A = arith.constant 0.000000e+00 : f32
    %ge3A_37 = vector.broadcast %ge3A : f32 to vector<5000x16xf32>
    %ge3A_38 = arith.cmpf oge, %add3A_36, %ge3A_37 : vector<5000x16xf32>
    %mul3A_39 = arith.constant 0.00999999977 : f32
    %mul3A_40 = vector.broadcast %mul3A_39 : f32 to vector<5000x16xf32>
    %mul3A_41 = arith.mulf %mul3A_40, %add3A_36 : vector<5000x16xf32>
    %select_n3A = arith.select %ge3A_38, %add3A_36, %mul3A_41 : vector<5000x16xi1>, vector<5000x16xf32>
    %get3A_42 = arith.constant 0 : index
    %get3A_43 = arith.constant 0 : index
    %get3A_44 = arith.constant 0 : index
    %get3A_45 = vector.load %arg5[%get3A_42, %get3A_43, %get3A_44] : memref<1x1x5000xi32, #tpu.memory_space<vmem>>, vector<1x1x5000xi32>
    %get3A_46 = vector.shape_cast %get3A_45 : vector<1x1x5000xi32> to vector<1x5000xi32>
    %iota3A = tpu.iota {dimensions = array<i32: 0>} : vector<64x5000xi32>
    %eq3A_47 = vector.broadcast %get3A_46 : vector<1x5000xi32> to vector<64x5000xi32>
    %eq3A_48 = arith.cmpi eq, %eq3A_47, %iota3A : vector<64x5000xi32>
    %convert_element_type3A_49 = arith.extui %eq3A_48 : vector<64x5000xi1> to vector<64x5000xi32>
    %convert_element_type3A_50 = arith.sitofp %convert_element_type3A_49 : vector<64x5000xi32> to vector<64x5000xf32>
    %get3A_51 = arith.constant 0 : index
    %get3A_52 = arith.constant 0 : index
    %get3A_53 = vector.load %arg6[%get3A_51, %get3A_52] : memref<64x16xf32, #tpu.memory_space<vmem>>, vector<64x16xf32>
    %dot_general3A = arith.constant dense<0.000000e+00> : vector<64x16xf32>
    %dot_general3A_54 = tpu.matmul %convert_element_type3A_50, %select_n3A, %dot_general3A {dimension_numbers = #tpu.dot_dimension_numbers<[1], [0], [0], [1], [0, 0, 1, 1], [], []>, transpose_lhs_hint = false} : vector<64x5000xf32>, vector<5000x16xf32>, vector<64x16xf32> -> vector<64x16xf32>
    %add3A_55 = arith.addf %get3A_53, %dot_general3A_54 : vector<64x16xf32>
    %swap3A = arith.constant 0 : index
    %swap3A_56 = arith.constant 0 : index
    %swap3A_57 = vector.load %arg6[%swap3A, %swap3A_56] : memref<64x16xf32, #tpu.memory_space<vmem>>, vector<64x16xf32>
    tpu.vector_store %arg6[%swap3A, %swap3A_56], %add3A_55 {strides = array<i32>} : memref<64x16xf32, #tpu.memory_space<vmem>>, vector<64x16xf32>,
    return
  }
  func.func @transform_0(%arg0: i32) -> (i32, i32, i32) {
    %c0_i32 = arith.constant 0 : i32
    %c0_i32_0 = arith.constant 0 : i32
    %c0_i32_1 = arith.constant 0 : i32
    return %c0_i32, %arg0, %c0_i32_0 : i32, i32, i32
  }
  func.func @transform_1(%arg0: i32) -> (i32, i32) {
    %c0_i32 = arith.constant 0 : i32
    %c0_i32_0 = arith.constant 0 : i32
    return %arg0, %c0_i32 : i32, i32
  }
  func.func @transform_2(%arg0: i32) -> (i32, i32, i32, i32) {
    %c0_i32 = arith.constant 0 : i32
    %c0_i32_0 = arith.constant 0 : i32
    %c0_i32_1 = arith.constant 0 : i32
    %c0_i32_2 = arith.constant 0 : i32
    return %c0_i32, %arg0, %c0_i32_0, %c0_i32_1 : i32, i32, i32, i32
  }
  func.func @transform_3(%arg0: i32) -> (i32, i32) {
    %c0_i32 = arith.constant 0 : i32
    %c0_i32_0 = arith.constant 0 : i32
    %c0_i32_1 = arith.constant 0 : i32
    return %c0_i32, %c0_i32_0 : i32, i32
  }
  func.func @transform_4(%arg0: i32) -> (i32, i32, i32) {
    %c0_i32 = arith.constant 0 : i32
    %c0_i32_0 = arith.constant 0 : i32
    %c0_i32_1 = arith.constant 0 : i32
    return %arg0, %c0_i32, %c0_i32_0 : i32, i32, i32
  }
  func.func @transform_5(%arg0: i32) -> (i32, i32) {
    %c0_i32 = arith.constant 0 : i32
    %c0_i32_0 = arith.constant 0 : i32
    %c0_i32_1 = arith.constant 0 : i32
    return %c0_i32, %c0_i32_0 : i32, i32
  }
}

module attributes {stable_mosaic.version = 14 : i64} {
  func.func @_head_body(%arg0: i32, %arg1: memref<64x16xf32, #tpu.memory_space<vmem>>, %arg2: memref<16x16xf32, #tpu.memory_space<vmem>>, %arg3: memref<1x16xf32, #tpu.memory_space<vmem>>, %arg4: memref<1x16xf32, #tpu.memory_space<vmem>>, %arg5: memref<64x16xf32, #tpu.memory_space<vmem>>) attributes {dimension_semantics = [#tpu.dimension_semantics<arbitrary>], iteration_bounds = array<i64: 1>, scalar_prefetch = 0 : i64, scratch_operands = 0 : i64, tpu.core_type = #tpu.core_type<tc>, window_params = [{pipeline_mode = #tpu.pipeline_mode<synchronous>, transform_indices = @transform_0, window_bounds = array<i64: 64, 16>}, {pipeline_mode = #tpu.pipeline_mode<synchronous>, transform_indices = @transform_1, window_bounds = array<i64: 16, 16>}, {pipeline_mode = #tpu.pipeline_mode<synchronous>, transform_indices = @transform_2, window_bounds = array<i64: 1, 16>}, {pipeline_mode = #tpu.pipeline_mode<synchronous>, transform_indices = @transform_3, window_bounds = array<i64: 1, 16>}, {pipeline_mode = #tpu.pipeline_mode<synchronous>, transform_indices = @transform_4, window_bounds = array<i64: 64, 16>}]} {
    %get3A = arith.constant 0 : index
    %get3A_0 = arith.constant 0 : index
    %get3A_1 = vector.load %arg1[%get3A, %get3A_0] : memref<64x16xf32, #tpu.memory_space<vmem>>, vector<64x16xf32>
    %get3A_2 = arith.constant 0 : index
    %get3A_3 = arith.constant 0 : index
    %get3A_4 = vector.load %arg2[%get3A_2, %get3A_3] : memref<16x16xf32, #tpu.memory_space<vmem>>, vector<16x16xf32>
    %dot_general3A = arith.constant dense<0.000000e+00> : vector<64x16xf32>
    %dot_general3A_5 = tpu.matmul %get3A_1, %get3A_4, %dot_general3A {dimension_numbers = #tpu.dot_dimension_numbers<[1], [0], [0], [1], [0, 0, 1, 1], [], []>, transpose_lhs_hint = false} : vector<64x16xf32>, vector<16x16xf32>, vector<64x16xf32> -> vector<64x16xf32>
    %get3A_6 = arith.constant 0 : index
    %get3A_7 = arith.constant 0 : index
    %get3A_8 = vector.load %arg3[%get3A_6, %get3A_7] : memref<1x16xf32, #tpu.memory_space<vmem>>, vector<1x16xf32>
    %add3A = vector.broadcast %get3A_8 : vector<1x16xf32> to vector<64x16xf32>
    %add3A_9 = arith.addf %dot_general3A_5, %add3A : vector<64x16xf32>
    %get3A_10 = arith.constant 0 : index
    %get3A_11 = arith.constant 0 : index
    %get3A_12 = vector.load %arg4[%get3A_10, %get3A_11] : memref<1x16xf32, #tpu.memory_space<vmem>>, vector<1x16xf32>
    %add3A_13 = vector.broadcast %get3A_12 : vector<1x16xf32> to vector<64x16xf32>
    %add3A_14 = arith.addf %add3A_9, %add3A_13 : vector<64x16xf32>
    %swap3A = arith.constant 0 : index
    %swap3A_15 = arith.constant 0 : index
    %swap3A_16 = vector.load %arg5[%swap3A, %swap3A_15] : memref<64x16xf32, #tpu.memory_space<vmem>>, vector<64x16xf32>
    tpu.vector_store %arg5[%swap3A, %swap3A_15], %add3A_14 {strides = array<i32>} : memref<64x16xf32, #tpu.memory_space<vmem>>, vector<64x16xf32>,
    return
  }
  func.func @transform_0(%arg0: i32) -> (i32, i32) {
    %c0_i32 = arith.constant 0 : i32
    %c0_i32_0 = arith.constant 0 : i32
    %c0_i32_1 = arith.constant 0 : i32
    return %c0_i32, %c0_i32_0 : i32, i32
  }
  func.func @transform_1(%arg0: i32) -> (i32, i32) {
    %c0_i32 = arith.constant 0 : i32
    %c0_i32_0 = arith.constant 0 : i32
    %c0_i32_1 = arith.constant 0 : i32
    return %c0_i32, %c0_i32_0 : i32, i32
  }
  func.func @transform_2(%arg0: i32) -> (i32, i32) {
    %c0_i32 = arith.constant 0 : i32
    %c0_i32_0 = arith.constant 0 : i32
    %c0_i32_1 = arith.constant 0 : i32
    return %c0_i32, %c0_i32_0 : i32, i32
  }
  func.func @transform_3(%arg0: i32) -> (i32, i32) {
    %c0_i32 = arith.constant 0 : i32
    %c0_i32_0 = arith.constant 0 : i32
    %c0_i32_1 = arith.constant 0 : i32
    return %c0_i32, %c0_i32_0 : i32, i32
  }
  func.func @transform_4(%arg0: i32) -> (i32, i32) {
    %c0_i32 = arith.constant 0 : i32
    %c0_i32_0 = arith.constant 0 : i32
    %c0_i32_1 = arith.constant 0 : i32
    return %c0_i32, %c0_i32_0 : i32, i32
  }
}

</mosaic_0001>

<sc_bundles>
// kernel: kernel.12.cloned.1.call-start
scs
__scs_entry_jumppad:
0x0: {  	(pc) =	sbr.rel $0x88, $3  }
0x1: {  	(tag) =	ssettag $0x0;
	lr =	simm.s32 $0x1  }
0x2: {  	[smem:$0x3F98] =	sst lr;
	_ =	strace $0xD0000000  }
0x3: {  	_ = 	snop  }
0x4: {  	_ = 	snop  }
0x5: {  	_ = 	snop  }
0x6: {  	_ = 	snop  }
0x7: {  	_ = 	snop  }
__scs_overlays_trampoline_lowered:
0x8: {  	[smem:$0x3FA7] =	sst s0  }
0x9: {  	[smem:$0x3FA8] =	sst s1  }
0xa: {  	[smem:$0x3FA9] =	sst s2  }
0xb: {  	[smem:$0x3FAA] =	sst s3  }
0xc: {  	[smem:$0x3FAB] =	sst s4  }
0xd: {  	[smem:$0x3FAC] =	sst s5  }
0xe: {  	[smem:$0x3FAD] =	sst s6  }
0xf: {  	[smem:$0x3FAE] =	sst s7  }
0x10: {  	[smem:$0x3FAF] =	sst s8  }
0x11: {  	[smem:$0x3FB0] =	sst s9;
	s0 =	simm.s32 @!p0 $0x0  }
0x12: {  	s1 =	sld [smem:$0x3F96];
	s0 =	simm.s32 @p0 $0x1  }
0x13: {  	[smem:$0x3FB1] =	sst s0;
	s0 =	simm.s32 @!p1 $0x0  }
0x14: {  	s2 =	sld [smem:$0x3F95];
	s0 =	simm.s32 @p1 $0x1  }
0x15: {  	[smem:$0x3FB2] =	sst s0;
	s0 =	simm.s32 @!p2 $0x0  }
0x16: {  	s3 =	sld [smem:$0x3FDB];
	s0 =	simm.s32 @p2 $0x1  }
0x17: {  	s4 =	simm.s32 $0x1BF5;
	[smem:$0x3FB4] =	sst s0  }
0x18: {  	s0 =	sld [smem:$0x3F97];
	_ =	swait.ge [sflag:s4], $0x0  }
0x19: {  	s7 =	sld [smem:$0x3F98]  }
0x1a: {  	s8 =	sadd.s32 $0xFFFFE003, lr  }
0x1b: {  	s9 =	sadd.s32 $0xFFFFFEF7, lr;
	s5 =	simm.s32 $0xFFFFFFFF;
	p2 =	slt.u32 s8, $0xFFFFF086  }
0x1c: {  	p1 =	slt.u32 s9, $0xF7A;
	s5 =	simm.s32 @!p2 $0x0  }
0x1d: {  	s5 =	simm.s32 @p1 $0x1;
	p0 =	seq.s32 s7, s2  }
0x1e: {  	s7 =	smul.u32 @!p0 $0xF7A, s2;
	p2 =	seq.s32 @!p0 s5, $0x0  }
0x1f: {  	s9 =	smul.u32 $0xF7A, s1;
	s8 =	simm.s32 @!p0 $0x1BF5;
	p2 =	por !p2, p0  }
0x20: {  	[sflag:s8] =	ssyncset.s32 @!p0 $0xFFFFF086;
	s6 =	sadd.s32 @!p0 s3, s7;
	s7 =	simm.s32 @!p0 $0x108  }
0x21: {  	s3 =	sadd.s32 s3, s9;
	s6 =	sadd.s32 @!p0 $0x88, s6;
	s7 =	simm.s32 @p2 $0x1082  }
0x22: {  	[simem:s7], [sflag:s8] =	dma.local @!p0 [hbm:s6], $0xF7A  }
0x23: {  	s9 =	sor.u32 $0xD0000000, s2;
	s6 =	simm.s32 $0x108;
	_ =	swait.ge @!p0 [sflag:s8], $0x0  }
0x24: {  	s3 =	sadd.s32 $0x88, s3;
	s6 =	simm.s32 @!p1 $0x1082;
	[sflag:s4] =	ssyncset.s32 $0xFFFFF086  }
0x25: {  	[simem:s6], [sflag:s4] =	dma.local [hbm:s3], $0xF7A  }
0x26: {  	[smem:$0x3F98] =	sst s1;
	(tag) =	ssettag s2;
	_ =	strace s9  }
0x27: {  	s1 =	sld [smem:$0x3FA8]  }
0x28: {  	s2 =	sld [smem:$0x3FA9]  }
0x29: {  	s4 =	sld [smem:$0x3FAB]  }
0x2a: {  	p0 =	seq.s32 s5, $0x0;
	s5 =	sld [smem:$0x3FAC]  }
0x2b: {  	s6 =	sld [smem:$0x3FAD]  }
0x2c: {  	s7 =	sld [smem:$0x3FAE]  }
0x2d: {  	s3 =	simm.s32 $0x108;
	s8 =	sld [smem:$0x3FAF]  }
0x2e: {  	s3 =	simm.s32 @!p0 $0x1082;
	s9 =	sld [smem:$0x3FB0]  }
0x2f: {  	lr =	sadd.s32 s0, s3;
	s0 =	sld [smem:$0x3FA7]  }
0x30: {  	s3 =	sld [smem:$0x3FAA]  }
0x31: {  	[smem:$0x3FB3] =	sst s10  }
0x32: {  	s10 =	sld [smem:$0x3FB1];
	_ =	sdelay $0x3  }
0x33: {  	p0 =	seq.s32 s10, $0x1;
	s10 =	sld [smem:$0x3FB3];
	_ =	sdelay $0x3  }
0x34: {  	[smem:$0x3FB3] =	sst s10  }
0x35: {  	s10 =	sld [smem:$0x3FB2];
	_ =	sdelay $0x3  }
0x36: {  	p1 =	seq.s32 s10, $0x1;
	s10 =	sld [smem:$0x3FB3];
	_ =	sdelay $0x3  }
0x37: {  	[smem:$0x3FB3] =	sst s10  }
0x38: {  	s10 =	sld [smem:$0x3FB4]  }
0x39: {  	_ = 	snop;
	(pc) =	sbr.ind lr, $3  }
0x3a: {  	_ = 	snop  }
0x3b: {  	_ = 	snop  }
0x3c: {  	p2 =	seq.s32 s10, $0x1;
	s10 =	sld [smem:$0x3FB3]  }
0x3d: {  	_ =	shalt  }
0x3e: {  	_ =	shalt  }
0x3f: {  	_ =	shalt  }
0x40: {  	_ =	shalt  }
0x41: {  	_ =	shalt  }
0x42: {  	_ =	shalt  }
0x43: {  	_ =	shalt  }
0x44: {  	_ =	shalt  }
0x45: {  	_ =	shalt  }
0x46: {  	_ =	shalt  }
0x47: {  	_ =	shalt  }
0x48: {  	_ =	shalt  }
0x49: {  	_ =	shalt  }
0x4a: {  	_ =	shalt  }
0x4b: {  	_ =	shalt  }
0x4c: {  	_ =	shalt  }
0x4d: {  	_ =	shalt  }
0x4e: {  	_ =	shalt  }
0x4f: {  	_ =	shalt  }
0x50: {  	_ =	shalt  }
0x51: {  	_ =	shalt  }
0x52: {  	_ =	shalt  }
0x53: {  	_ =	shalt  }
0x54: {  	_ =	shalt  }
0x55: {  	_ =	shalt  }
0x56: {  	_ =	shalt  }
0x57: {  	_ =	shalt  }
0x58: {  	_ =	shalt  }
0x59: {  	_ =	shalt  }
0x5a: {  	_ =	shalt  }
0x5b: {  	_ =	shalt  }
0x5c: {  	_ =	shalt  }
0x5d: {  	_ =	shalt  }
0x5e: {  	_ =	shalt  }
0x5f: {  	_ =	shalt  }
0x60: {  	_ =	shalt  }
0x61: {  	_ =	shalt  }
0x62: {  	_ =	shalt  }
0x63: {  	_ =	shalt  }
0x64: {  	_ =	shalt  }
0x65: {  	_ =	shalt  }
0x66: {  	_ =	shalt  }
0x67: {  	_ =	shalt  }
0x68: {  	_ =	shalt  }
0x69: {  	_ =	shalt  }
0x6a: {  	_ =	shalt  }
0x6b: {  	_ =	shalt  }
0x6c: {  	_ =	shalt  }
0x6d: {  	_ =	shalt  }
0x6e: {  	_ =	shalt  }
0x6f: {  	_ =	shalt  }
0x70: {  	_ =	shalt  }
0x71: {  	_ =	shalt  }
0x72: {  	_ =	shalt  }
0x73: {  	_ =	shalt  }
0x74: {  	_ =	shalt  }
0x75: {  	_ =	shalt  }
0x76: {  	_ =	shalt  }
0x77: {  	_ =	shalt  }
0x78: {  	_ =	shalt  }
0x79: {  	_ =	shalt  }
0x7a: {  	_ =	shalt  }
0x7b: {  	_ =	shalt  }
0x7c: {  	_ =	shalt  }
0x7d: {  	_ =	shalt  }
0x7e: {  	_ =	shalt  }
0x7f: {  	_ =	shalt  }
0x80: {  	_ =	shalt  }
0x81: {  	_ =	shalt  }
0x82: {  	_ =	shalt  }
0x83: {  	_ =	shalt  }
0x84: {  	_ =	shalt  }
0x85: {  	_ =	shalt  }
0x86: {  	_ =	shalt  }
0x87: {  	_ =	shalt  }
.Lfunc_end0:
.L_simem_size_0:
called_computation.1_lowered:
.L_overlay_start_0:
0x88: {  	s2 =	sld [smem:$0x3FD9]  }
0x89: {  	s3 =	sld [smem:$0x3FFE];
	_ =	sdelay $0x1  }
0x8a: {  	s1 =	srdreg.scid  }
0x8b: {  	s0 =	sand.u32 $0x1, s1  }
0x8c: {  	s16 =	sshll.u32 s0, $0xA;
	s2 =	sadd.s32 s3, s2  }
0x8d: {  	s2 =	sadd.s32 s2, s16  }
0x8e: {  	[smem:$0x3FBF] =	sst s2  }
0x8f: {  	_ = 	snop  }
0x90: {  	(tm) =	ssettm $0x1  }
0x91: {  	s17 =	sld [smem:$0x3FFB];
	_ =	sdelay $0x3  }
0x92: {  	_ =	strace s17  }
0x93: {  	s2 =	sld [smem:$0x3FFC];
	_ =	sdelay $0x3  }
0x94: {  	_ =	strace s2  }
0x95: {  	s2 =	sld [smem:$0x3FFD];
	_ =	sdelay $0x3  }
0x96: {  	_ =	strace s2  }
0x97: {  	_ =	strace $0x8FFFFFFF  }
0x98: {  	s18 =	sld [smem:$0x3FDB];
	_ =	sdelay $0x1  }
0x99: {  	s19 =	simm.s32 $_scs_section_size  }
0x9a: {  	s4 =	simm.s32 $_size__tile_overlayer_lowered;
	s5 =	simm.s32 $_tile_overlayer_lowered  }
0x9b: {  	s22 =	simm.s32 $0x1BFF;
	s21 =	sshll.u32 s5, $0x1;
	s2 =	sadd.s32 s19, s18  }
0x9c: {  	s6 =	simm.s32 $0x0;
	s20 =	sshll.u32 s4, $0x1;
	s4 =	sadd.s32 s21, s2  }
0x9d: {  	[timem:s6], [sflag:s22] =	dma.local [hbm:s4], s20  }
0x9e: {  	_ =	swait.ge [sflag:s22], s20  }
0x9f: {  	s3 =	ssub.s32 $0x0, s20;
	[sflag:s22] =	ssyncset.done $0x0  }
0xa0: {  	[sflag:s22] =	ssyncadd.s32 s3;
	_ =	sdelay $0x1  }
0xa1: {  	s23 =	simm.s32 $0x1B8B  }
0xa2: {  	_ =	swait.ge [sflag:s23], $0x1  }
0xa3: {  	[sflag:s23] =	ssyncset.done $0x0  }
0xa4: {  	s25 =	simm.s32 $0x1B8E;
	s24 =	sld [smem:$0x3FFE];
	[sflag:s23] =	ssyncadd.s32 $0xFFFFFFFF  }
0xa5: {  	s26 =	simm.s32 $execute0_lowered;
	[smem:$0x3FD2] =	sst s25  }
0xa6: {  	s4 =	sshll.u32 s26, $0x1;
	_ =	strace $0x80000049;
	[dreg:$0x1] =	wrdreg $0xFFFFFFFF  }
0xa7: {  	s28 =	simm.s32 $_size_execute0_lowered;
	s2 =	sadd.s32 s2, s4;
	[dreg:$0x0] =	wrdreg $0x0  }
0xa8: {  	s4 =	sshll.u32 s28, $0x1;
	[dreg:$0x2] =	wrdreg s2  }
0xa9: {  	[dreg:$0x3] =	wrdreg s4  }
0xaa: {  	[dreg:$0x4] =	wrdreg $0xC0  }
0xab: {  	_ =	task [dreg:s6], $0x5FFFF  }
0xac: {  	[dreg:$0x1] =	wrdreg $0xFFFFFFFF  }
0xad: {  	[dreg:$0x0] =	wrdreg $0x60  }
0xae: {  	[dreg:$0x2] =	wrdreg s24  }
0xaf: {  	[dreg:$0x3] =	wrdreg $0x48000  }
0xb0: {  	[dreg:$0x4] =	wrdreg $0x9  }
0xb1: {  	_ =	task.clear_ibuf [dreg:s6], $0x5FFFF;
	_ =	strace $0x90000049  }
0xb2: {  	s29 =	simm.s32 $0x9;
	_ =	strace $0x8000004B  }
0xb3: {  	_ =	swait.ge [sflag:s29], $0x1  }
0xb4: {  	[sflag:s29] =	ssyncadd.s32 $0xFFFFFFFF  }
0xb5: {  	_ =	strace $0x9000004B  }
0xb6: {  	_ =	sfence  }
0xb7: {  	s30 =	sld [smem:$0x0];
	_ =	sdelay $0x2  }
0xb8: {  	s31 =	sshll.u32 s1, $0xD;
	s1 =	sshrl.u32 s1, $0x2  }
0xb9: {  	s3 =	sand.u32 $0x4000, s31;
	s1 =	sadd.s32 s1, s30  }
0xba: {  	s0 =	sor.u32 s3, s0;
	s1 =	sshll.u32 s1, $0x11  }
0xbb: {  	s0 =	sor.u32 s1, s0  }
0xbc: {  	s0 =	sadd.s32 $0x8F2B, s0  }
0xbd: {  	[sflag:s0] =	ssyncadd.remote.s32 $0x1  }
0xbe: {  	_ =	sfence.sel $0xFFFF  }
0xbf: {  	[dreg:$0x0] =	wrdreg $0xFFFFFFFF;
	(pc) =	sbr.abs _section_cstart, $3  }
0xc0: {  	[dreg:$0x1] =	wrdreg $0xFFFFFFFF  }
0xc1: {  	_ =	task.clear_ibuf [dreg:s6], $0x2FFFF;
	_ =	strace $0x9FFFFFFF  }
0xc2: {  	(tm) =	ssettm $0x7FFFFFFF  }
0xc3: {  	_ =	shalt  }
tec
execute0_lowered:
.L_overlay_start_1:
0x0: {  	(tag) =	ssettag $0x1  }
0x1: {  	s0 =	rddreg [dreg:$0x0];
	s1 =	srdreg.scid  }
0x2: {  	s2 =	rddreg [dreg:$0x1];
	s9 =	stileid.u32  }
0x3: {  	s3 =	simm.s32 $0x0;
	s11 =	simm.s32 $0x80;
	s12 =	simm.s32 $0x400  }
0x4: {  	s13 =	simm.s32 $0x800;
	s14 =	simm.s32 $0x480;
	s15 =	simm.s32 $0x1000  }
0x5: {  	s16 =	simm.s32 $0x500;
	s17 =	simm.s32 $0x1800;
	s18 =	simm.s32 $0x580  }
0x6: {  	s19 =	simm.s32 $0x2000;
	s20 =	simm.s32 $0x600;
	s21 =	simm.s32 $0x2800  }
0x7: {  	s22 =	simm.s32 $0x680;
	s23 =	simm.s32 $0x3000;
	s24 =	simm.s32 $0x700  }
0x8: {  	s28 =	simm.s32 $0x4000;
	s29 =	simm.s32 $0x2;
	s5 =	smul.u32 $0x186B0, s9  }
0x9: {  	s30 =	simm.s32 $0x200;
	s1 =	sand.u32 $0x1, s1;
	s8 =	smul.u32 $0x3100, s9  }
0xa: {  	[smem:$0x7FF] =	sst s3;
	s10 =	sadd.s32 $0x27D800, s0;
	s4 =	smul.u32 $0x31000, s1  }
0xb: {  	s26 =	sshll.u32 s9, $0x6;
	s9 =	sor.u32 $0x186A0, s9;
	s6 =	smul.u32 $0x186B00, s1  }
0xc: {  	_ =	strace $0x8000004A;
	s1 =	ssub.s32 $0x2, s1;
	[dreg:$0x7] =	wrdreg s10  }
0xd: {  	s31 =	simm.s32 $0x280;
	[dreg:$0xc] =	wrdreg s9;
	s25 =	sshrl.u32 s1, $0x1  }
0xe: {  	s10 =	simm.s32 $0x3;
	s7 =	sadd.s32 s4, s0;
	s1 =	ssub.s32 s1, s25  }
0xf: {  	s6 =	sadd.s32 s5, s6;
	s5 =	sadd.s32 s5, s2;
	s1 =	smax.u32 s1, $0x1  }
0x10: {  	s9 =	sshrl.u32 s5, $0x3;
	s5 =	simm.s32 $0x100;
	[dreg:$0xa] =	wrdreg s1  }
0x11: {  	s4 =	sadd.s32 $0x24CA00, s0;
	s7 =	sadd.s32 s8, s7;
	[dreg:$0x5] =	wrdreg s5  }
0x12: {  	s25 =	simm.s32 $0x3800;
	s8 =	sadd.s32 $0x1E00, s7;
	[dreg:$0xb] =	wrdreg s9  }
0x13: {  	s6 =	sshrl.u32 s6, $0x3;
	s7 =	sadd.s32 $0x63E00, s7;
	[dreg:$0x3] =	wrdreg s8  }
0x14: {  	s0 =	sadd.s32 s6, s0;
	s6 =	sor.u32 $0x1C03, s26;
	[dreg:$0x4] =	wrdreg s7  }
0x15: {  	s26 =	simm.s32 $0x780;
	s0 =	sadd.s32 $0x280A00, s0;
	s7 =	rddreg [dreg:$0xc]  }
0x16: {  	s8 =	smov.u32 s6;
	s6 =	simm.s32 $0x180;
	[dreg:$0x9] =	wrdreg s0  }
0x17: {  	s1 =	simm.s32 $0x380;
	s5 =	simm.s32 $0x1;
	[dreg:$0x6] =	wrdreg s6  }
0x18: {  	s0 =	simm.s32 $0x300;
	v0 =	vmov s7;
	s7 =	simm.s32 $0x0;
	[dreg:$0x8] =	wrdreg s8  }
.LBB2_1:
0x19: {  	s6 =	rddreg [dreg:$0x7]  }
0x1a: {  	[spmem:s9], [sflag:s8] =	dma.local [hbm:s6], $0x30D6  }
0x1b: {  	_ =	swait.ge [sflag:s10], $0x30D6  }
0x1c: {  	[sflag:s10] =	ssyncset.done $0x0  }
0x1d: {  	[sflag:s10] =	ssyncadd.s32 $0xFFFFCF2A  }
0x1e: {  	[bflag:$0x0] =	sbarrier.arrive $0xFFFF  }
0x1f: {  	[tilespmem:$0x400] =	vst v0  }
0x20: {  	[tilespmem:$0x410] =	vst v0  }
0x21: {  	[tilespmem:$0x420] =	vst v0  }
0x22: {  	[tilespmem:$0x430] =	vst v0  }
0x23: {  	[tilespmem:$0x440] =	vst v0  }
0x24: {  	[tilespmem:$0x450] =	vst v0  }
0x25: {  	[tilespmem:$0x460] =	vst v0  }
0x26: {  	[tilespmem:$0x470] =	vst v0  }
0x27: {  	[tilespmem:$0x480] =	vst v0  }
0x28: {  	[tilespmem:$0x490] =	vst v0  }
0x29: {  	[tilespmem:$0x4A0] =	vst v0  }
0x2a: {  	[tilespmem:$0x4B0] =	vst v0  }
0x2b: {  	[tilespmem:$0x4C0] =	vst v0  }
0x2c: {  	[tilespmem:$0x4D0] =	vst v0  }
0x2d: {  	[tilespmem:$0x4E0] =	vst v0  }
0x2e: {  	[tilespmem:$0x4F0] =	vst v0  }
0x2f: {  	[tilespmem:$0x500] =	vst v0  }
0x30: {  	[tilespmem:$0x510] =	vst v0  }
0x31: {  	[tilespmem:$0x520] =	vst v0  }
0x32: {  	[tilespmem:$0x530] =	vst v0  }
0x33: {  	[tilespmem:$0x540] =	vst v0  }
0x34: {  	[tilespmem:$0x550] =	vst v0  }
0x35: {  	[tilespmem:$0x560] =	vst v0  }
0x36: {  	[tilespmem:$0x570] =	vst v0  }
0x37: {  	[tilespmem:$0x580] =	vst v0  }
0x38: {  	[tilespmem:$0x590] =	vst v0  }
0x39: {  	[tilespmem:$0x5A0] =	vst v0  }
0x3a: {  	[tilespmem:$0x5B0] =	vst v0  }
0x3b: {  	[tilespmem:$0x5C0] =	vst v0  }
0x3c: {  	[tilespmem:$0x5D0] =	vst v0  }
0x3d: {  	[tilespmem:$0x5E0] =	vst v0  }
0x3e: {  	[tilespmem:$0x5F0] =	vst v0  }
0x3f: {  	[tilespmem:$0x600] =	vst v0  }
0x40: {  	[tilespmem:$0x610] =	vst v0  }
0x41: {  	[tilespmem:$0x620] =	vst v0  }
0x42: {  	[tilespmem:$0x630] =	vst v0  }
0x43: {  	[tilespmem:$0x640] =	vst v0  }
0x44: {  	[tilespmem:$0x650] =	vst v0  }
0x45: {  	[tilespmem:$0x660] =	vst v0  }
0x46: {  	[tilespmem:$0x670] =	vst v0  }
0x47: {  	[tilespmem:$0x680] =	vst v0  }
0x48: {  	[tilespmem:$0x690] =	vst v0  }
0x49: {  	[tilespmem:$0x6A0] =	vst v0  }
0x4a: {  	[tilespmem:$0x6B0] =	vst v0  }
0x4b: {  	[tilespmem:$0x6C0] =	vst v0  }
0x4c: {  	[tilespmem:$0x6D0] =	vst v0  }
0x4d: {  	[tilespmem:$0x6E0] =	vst v0  }
0x4e: {  	[tilespmem:$0x6F0] =	vst v0  }
0x4f: {  	[tilespmem:$0x700] =	vst v0  }
0x50: {  	[tilespmem:$0x710] =	vst v0  }
0x51: {  	[tilespmem:$0x720] =	vst v0  }
0x52: {  	[tilespmem:$0x730] =	vst v0  }
0x53: {  	[tilespmem:$0x740] =	vst v0  }
0x54: {  	[tilespmem:$0x750] =	vst v0  }
0x55: {  	[tilespmem:$0x760] =	vst v0  }
0x56: {  	[tilespmem:$0x770] =	vst v0  }
0x57: {  	[tilespmem:$0x780] =	vst v0  }
0x58: {  	[tilespmem:$0x790] =	vst v0  }
0x59: {  	[tilespmem:$0x7A0] =	vst v0  }
0x5a: {  	[tilespmem:$0x7B0] =	vst v0  }
0x5b: {  	[tilespmem:$0x7C0] =	vst v0  }
0x5c: {  	[tilespmem:$0x7D0] =	vst v0  }
0x5d: {  	[tilespmem:$0x7E0] =	vst v0  }
0x5e: {  	[tilespmem:$0x7F0] =	vst v0  }
0x5f: {  	[spmem:s2] =	stream.indirect.scatter.add.f32 [tilespmem:s13], [sflag:$0x2], $0x10, s12, s11, $0xb8;
	[tilespmem:$0x1CEB0] =	vst v63  }
0x60: {  	_ = 	snop  }
0x61: {  	[spmem:s2] =	stream.indirect.scatter.add.f32 [tilespmem:s15], [sflag:$0x2], $0x10, s14, s11, $0xb8;
	[tilespmem:$0x1CEB0] =	vst v63  }
0x62: {  	_ = 	snop  }
0x63: {  	[spmem:s2] =	stream.indirect.scatter.add.f32 [tilespmem:s17], [sflag:$0x2], $0x10, s16, s11, $0xb8;
	[tilespmem:$0x1CEB0] =	vst v63  }
0x64: {  	_ = 	snop  }
0x65: {  	[spmem:s2] =	stream.indirect.scatter.add.f32 [tilespmem:s19], [sflag:$0x2], $0x10, s18, s11, $0xb8;
	[tilespmem:$0x1CEB0] =	vst v63  }
0x66: {  	_ = 	snop  }
0x67: {  	[spmem:s2] =	stream.indirect.scatter.add.f32 [tilespmem:s21], [sflag:$0x2], $0x10, s20, s11, $0xb8;
	[tilespmem:$0x1CEB0] =	vst v63  }
0x68: {  	_ = 	snop  }
0x69: {  	[spmem:s2] =	stream.indirect.scatter.add.f32 [tilespmem:s23], [sflag:$0x2], $0x10, s22, s11, $0xb8;
	[tilespmem:$0x1CEB0] =	vst v63  }
0x6a: {  	_ = 	snop  }
0x6b: {  	[spmem:s2] =	stream.indirect.scatter.add.f32 [tilespmem:s25], [sflag:$0x2], $0x10, s24, s11, $0xb8;
	[tilespmem:$0x1CEB0] =	vst v63  }
0x6c: {  	_ = 	snop  }
0x6d: {  	[spmem:s2] =	stream.indirect.scatter.add.f32 [tilespmem:s28], [sflag:$0x2], $0x10, s26, s11, $0xb8;
	[tilespmem:$0x1CEB0] =	vst v63  }
0x6e: {  	_ =	swait.ge [sflag:s29], $0x4000  }
0x6f: {  	s6 =	rddreg [dreg:$0x4];
	[sflag:s29] =	ssyncset.done $0x0  }
0x70: {  	[sflag:s29] =	ssyncadd.s32 $0xFFFFC000;
	s8 =	sadd.s32 $0x0, s6  }
0x71: {  	[tilespmem:s3], [sflag:$0x3] =	stream.linear.gather [hbm4b:s8+s3], $0x400, $0x38;
	[tilespmem:$0x1CEB0] =	vst v63  }
0x72: {  	_ =	swait.ge [sflag:s10], $0x400  }
0x73: {  	s9 =	rddreg [dreg:$0x3];
	[sflag:s10] =	ssyncset.done $0x0  }
0x74: {  	[sflag:s10] =	ssyncadd.s32 $0xFFFFFC00;
	s8 =	sadd.s32 $0x0, s9  }
0x75: {  	[tilespmem:s12], [sflag:$0x3] =	stream.linear.gather [hbm4b:s8+s3], $0x400, $0x38;
	[tilespmem:$0x1CEB0] =	vst v63  }
0x76: {  	_ =	swait.ge [sflag:s10], $0x400  }
0x77: {  	[sflag:s10] =	ssyncset.done $0x0  }
0x78: {  	[sflag:s10] =	ssyncadd.s32 $0xFFFFFC00  }
0x79: {  	[tilespmem:s13], [sflag:$0x1] =	stream.indirect.gather [hbm4b:s4+s11], $0x10, s3, s11, $0xb8;
	[tilespmem:$0x1CEB0] =	vst v63  }
0x7a: {  	_ = 	snop  }
0x7b: {  	[tilespmem:s15], [sflag:$0x1] =	stream.indirect.gather [hbm4b:s4+s11], $0x10, s11, s11, $0xb8;
	[tilespmem:$0x1CEB0] =	vst v63  }
0x7c: {  	s6 =	rddreg [dreg:$0x5]  }
0x7d: {  	[tilespmem:s17], [sflag:$0x1] =	stream.indirect.gather [hbm4b:s4+s11], $0x10, s6, s11, $0xb8;
	[tilespmem:$0x1CEB0] =	vst v63  }
0x7e: {  	s9 =	rddreg [dreg:$0x6]  }
0x7f: {  	[tilespmem:s19], [sflag:$0x1] =	stream.indirect.gather [hbm4b:s4+s11], $0x10, s9, s11, $0xb8;
	[tilespmem:$0x1CEB0] =	vst v63  }
0x80: {  	_ = 	snop  }
0x81: {  	[tilespmem:s21], [sflag:$0x1] =	stream.indirect.gather [hbm4b:s4+s11], $0x10, s30, s11, $0xb8;
	[tilespmem:$0x1CEB0] =	vst v63  }
0x82: {  	_ = 	snop  }
0x83: {  	[tilespmem:s23], [sflag:$0x1] =	stream.indirect.gather [hbm4b:s4+s11], $0x10, s31, s11, $0xb8;
	[tilespmem:$0x1CEB0] =	vst v63  }
0x84: {  	_ = 	snop  }
0x85: {  	[tilespmem:s25], [sflag:$0x1] =	stream.indirect.gather [hbm4b:s4+s11], $0x10, s0, s11, $0xb8;
	[tilespmem:$0x1CEB0] =	vst v63  }
0x86: {  	_ = 	snop  }
0x87: {  	[tilespmem:s28], [sflag:$0x1] =	stream.indirect.gather [hbm4b:s4+s11], $0x10, s1, s11, $0xb8;
	[tilespmem:$0x1CEB0] =	vst v63  }
0x88: {  	_ =	swait.ge [sflag:s5], $0x800  }
0x89: {  	[sflag:s5] =	ssyncset.done $0x0  }
0x8a: {  	[sflag:s5] =	ssyncadd.s32 $0xFFFFF800  }
0x8b: {  	[spmem:s2] =	stream.indirect.scatter.add.f32 [tilespmem:s13], [sflag:$0x2], $0x10, s12, s11, $0xb8;
	[tilespmem:$0x1CEB0] =	vst v63  }
0x8c: {  	_ =	swait.ge [sflag:s5], $0x800  }
0x8d: {  	[sflag:s5] =	ssyncset.done $0x0  }
0x8e: {  	[sflag:s5] =	ssyncadd.s32 $0xFFFFF800  }
0x8f: {  	[spmem:s2] =	stream.indirect.scatter.add.f32 [tilespmem:s15], [sflag:$0x2], $0x10, s14, s11, $0xb8;
	[tilespmem:$0x1CEB0] =	vst v63  }
0x90: {  	_ =	swait.ge [sflag:s5], $0x800  }
0x91: {  	[sflag:s5] =	ssyncset.done $0x0  }
0x92: {  	[sflag:s5] =	ssyncadd.s32 $0xFFFFF800  }
0x93: {  	[spmem:s2] =	stream.indirect.scatter.add.f32 [tilespmem:s17], [sflag:$0x2], $0x10, s16, s11, $0xb8;
	[tilespmem:$0x1CEB0] =	vst v63  }
0x94: {  	_ =	swait.ge [sflag:s5], $0x800  }
0x95: {  	[sflag:s5] =	ssyncset.done $0x0  }
0x96: {  	[sflag:s5] =	ssyncadd.s32 $0xFFFFF800  }
0x97: {  	[spmem:s2] =	stream.indirect.scatter.add.f32 [tilespmem:s19], [sflag:$0x2], $0x10, s18, s11, $0xb8;
	[tilespmem:$0x1CEB0] =	vst v63  }
0x98: {  	_ =	swait.ge [sflag:s5], $0x800  }
0x99: {  	[sflag:s5] =	ssyncset.done $0x0  }
0x9a: {  	[sflag:s5] =	ssyncadd.s32 $0xFFFFF800  }
0x9b: {  	[spmem:s2] =	stream.indirect.scatter.add.f32 [tilespmem:s21], [sflag:$0x2], $0x10, s20, s11, $0xb8;
	[tilespmem:$0x1CEB0] =	vst v63  }
0x9c: {  	_ =	swait.ge [sflag:s5], $0x800  }
0x9d: {  	[sflag:s5] =	ssyncset.done $0x0  }
0x9e: {  	[sflag:s5] =	ssyncadd.s32 $0xFFFFF800  }
0x9f: {  	[spmem:s2] =	stream.indirect.scatter.add.f32 [tilespmem:s23], [sflag:$0x2], $0x10, s22, s11, $0xb8;
	[tilespmem:$0x1CEB0] =	vst v63  }
0xa0: {  	_ =	swait.ge [sflag:s5], $0x800  }
0xa1: {  	[sflag:s5] =	ssyncset.done $0x0  }
0xa2: {  	[sflag:s5] =	ssyncadd.s32 $0xFFFFF800  }
0xa3: {  	[spmem:s2] =	stream.indirect.scatter.add.f32 [tilespmem:s25], [sflag:$0x2], $0x10, s24, s11, $0xb8;
	[tilespmem:$0x1CEB0] =	vst v63  }
0xa4: {  	_ =	swait.ge [sflag:s5], $0x800  }
0xa5: {  	[sflag:s5] =	ssyncset.done $0x0  }
0xa6: {  	s8 =	simm.s32 $0x80;
	[sflag:s5] =	ssyncadd.s32 $0xFFFFF800  }
.LBB2_2:
0xa7: {  	[spmem:s2] =	stream.indirect.scatter.add.f32 [tilespmem:s28], [sflag:$0x2], $0x10, s26, s11, $0xb8;
	[tilespmem:$0x1CEB0] =	vst v63  }
0xa8: {  	_ =	swait.ge [sflag:s29], $0x4000  }
0xa9: {  	s6 =	smov.u32 s8;
	s9 =	rddreg [dreg:$0x4];
	[sflag:s29] =	ssyncset.done $0x0  }
0xaa: {  	[sflag:s29] =	ssyncadd.s32 $0xFFFFC000;
	s9 =	sadd.s32 s6, s9  }
0xab: {  	[tilespmem:s3], [sflag:$0x3] =	stream.linear.gather [hbm4b:s9+s3], $0x400, $0x38;
	[tilespmem:$0x1CEB0] =	vst v63  }
0xac: {  	_ =	swait.ge [sflag:s10], $0x400  }
0xad: {  	s9 =	rddreg [dreg:$0x3];
	[sflag:s10] =	ssyncset.done $0x0  }
0xae: {  	[sflag:s10] =	ssyncadd.s32 $0xFFFFFC00;
	s6 =	sadd.s32 s6, s9  }
0xaf: {  	[tilespmem:s12], [sflag:$0x3] =	stream.linear.gather [hbm4b:s6+s3], $0x400, $0x38;
	[tilespmem:$0x1CEB0] =	vst v63  }
0xb0: {  	_ =	swait.ge [sflag:s10], $0x400  }
0xb1: {  	[sflag:s10] =	ssyncset.done $0x0  }
0xb2: {  	[sflag:s10] =	ssyncadd.s32 $0xFFFFFC00  }
0xb3: {  	[tilespmem:s13], [sflag:$0x1] =	stream.indirect.gather [hbm4b:s4+s11], $0x10, s3, s11, $0xb8;
	[tilespmem:$0x1CEB0] =	vst v63  }
0xb4: {  	_ = 	snop  }
0xb5: {  	[tilespmem:s15], [sflag:$0x1] =	stream.indirect.gather [hbm4b:s4+s11], $0x10, s11, s11, $0xb8;
	[tilespmem:$0x1CEB0] =	vst v63  }
0xb6: {  	s6 =	rddreg [dreg:$0x5]  }
0xb7: {  	[tilespmem:s17], [sflag:$0x1] =	stream.indirect.gather [hbm4b:s4+s11], $0x10, s6, s11, $0xb8;
	[tilespmem:$0x1CEB0] =	vst v63  }
0xb8: {  	s9 =	rddreg [dreg:$0x6]  }
0xb9: {  	[tilespmem:s19], [sflag:$0x1] =	stream.indirect.gather [hbm4b:s4+s11], $0x10, s9, s11, $0xb8;
	[tilespmem:$0x1CEB0] =	vst v63  }
0xba: {  	_ = 	snop  }
0xbb: {  	[tilespmem:s21], [sflag:$0x1] =	stream.indirect.gather [hbm4b:s4+s11], $0x10, s30, s11, $0xb8;
	[tilespmem:$0x1CEB0] =	vst v63  }
0xbc: {  	_ = 	snop  }
0xbd: {  	[tilespmem:s23], [sflag:$0x1] =	stream.indirect.gather [hbm4b:s4+s11], $0x10, s31, s11, $0xb8;
	[tilespmem:$0x1CEB0] =	vst v63  }
0xbe: {  	_ = 	snop  }
0xbf: {  	[tilespmem:s25], [sflag:$0x1] =	stream.indirect.gather [hbm4b:s4+s11], $0x10, s0, s11, $0xb8;
	[tilespmem:$0x1CEB0] =	vst v63  }
0xc0: {  	_ = 	snop  }
0xc1: {  	[tilespmem:s28], [sflag:$0x1] =	stream.indirect.gather [hbm4b:s4+s11], $0x10, s1, s11, $0xb8;
	[tilespmem:$0x1CEB0] =	vst v63  }
0xc2: {  	_ =	swait.ge [sflag:s5], $0x800  }
0xc3: {  	[sflag:s5] =	ssyncset.done $0x0  }
0xc4: {  	[sflag:s5] =	ssyncadd.s32 $0xFFFFF800  }
0xc5: {  	[spmem:s2] =	stream.indirect.scatter.add.f32 [tilespmem:s13], [sflag:$0x2], $0x10, s12, s11, $0xb8;
	[tilespmem:$0x1CEB0] =	vst v63  }
0xc6: {  	_ =	swait.ge [sflag:s5], $0x800  }
0xc7: {  	[sflag:s5] =	ssyncset.done $0x0  }
0xc8: {  	[sflag:s5] =	ssyncadd.s32 $0xFFFFF800  }
0xc9: {  	[spmem:s2] =	stream.indirect.scatter.add.f32 [tilespmem:s15], [sflag:$0x2], $0x10, s14, s11, $0xb8;
	[tilespmem:$0x1CEB0] =	vst v63  }
0xca: {  	_ =	swait.ge [sflag:s5], $0x800  }
0xcb: {  	[sflag:s5] =	ssyncset.done $0x0  }
0xcc: {  	[sflag:s5] =	ssyncadd.s32 $0xFFFFF800  }
0xcd: {  	[spmem:s2] =	stream.indirect.scatter.add.f32 [tilespmem:s17], [sflag:$0x2], $0x10, s16, s11, $0xb8;
	[tilespmem:$0x1CEB0] =	vst v63  }
0xce: {  	_ =	swait.ge [sflag:s5], $0x800  }
0xcf: {  	[sflag:s5] =	ssyncset.done $0x0  }
0xd0: {  	[sflag:s5] =	ssyncadd.s32 $0xFFFFF800  }
0xd1: {  	[spmem:s2] =	stream.indirect.scatter.add.f32 [tilespmem:s19], [sflag:$0x2], $0x10, s18, s11, $0xb8;
	[tilespmem:$0x1CEB0] =	vst v63  }
0xd2: {  	_ =	swait.ge [sflag:s5], $0x800  }
0xd3: {  	[sflag:s5] =	ssyncset.done $0x0  }
0xd4: {  	[sflag:s5] =	ssyncadd.s32 $0xFFFFF800  }
0xd5: {  	[spmem:s2] =	stream.indirect.scatter.add.f32 [tilespmem:s21], [sflag:$0x2], $0x10, s20, s11, $0xb8;
	[tilespmem:$0x1CEB0] =	vst v63  }
0xd6: {  	_ =	swait.ge [sflag:s5], $0x800  }
0xd7: {  	[sflag:s5] =	ssyncset.done $0x0  }
0xd8: {  	[sflag:s5] =	ssyncadd.s32 $0xFFFFF800  }
0xd9: {  	[spmem:s2] =	stream.indirect.scatter.add.f32 [tilespmem:s23], [sflag:$0x2], $0x10, s22, s11, $0xb8;
	[tilespmem:$0x1CEB0] =	vst v63  }
0xda: {  	_ =	swait.ge [sflag:s5], $0x800  }
0xdb: {  	p0 =	sne.s32 s8, $0x3080;
	[sflag:s5] =	ssyncset.done $0x0  }
.Ltmp0:
0xdc: {  	[sflag:s5] =	ssyncadd.s32 $0xFFFFF800;
	(pc) =	sbr.rel @p0 .LBB2_2-.Ltmp0, $4  }
0xdd: {  	[spmem:s2] =	stream.indirect.scatter.add.f32 [tilespmem:s25], [sflag:$0x2], $0x10, s24, s11, $0xb8;
	[tilespmem:$0x1CEB0] =	vst v63  }
0xde: {  	_ =	swait.ge [sflag:s5], $0x800  }
0xdf: {  	[sflag:s5] =	ssyncset.done $0x0  }
0xe0: {  	s8 =	sadd.s32 $0x80, s8;
	[sflag:s5] =	ssyncadd.s32 $0xFFFFF800  }
0xe1: {  	[spmem:s2] =	stream.indirect.scatter.add.f32 [tilespmem:s28], [sflag:$0x2], $0x10, s26, s11, $0xb8;
	[tilespmem:$0x1CEB0] =	vst v63  }
0xe2: {  	_ =	swait.ge [sflag:s29], $0x4000  }
0xe3: {  	[sflag:s29] =	ssyncset.done $0x0  }
0xe4: {  	[sflag:s29] =	ssyncadd.s32 $0xFFFFC000  }
0xe5: {  	[bflag:$0x0] =	sbarrier.arrive $0xFFFF  }
0xe6: {  	s8 =	rddreg [dreg:$0x8]  }
0xe7: {  	s6 =	rddreg [dreg:$0x9]  }
0xe8: {  	s9 =	rddreg [dreg:$0xb]  }
0xe9: {  	[hbm:s6], [sflag:s8] =	dma.local [spmem:s9], $0x30D6  }
0xea: {  	_ =	swait.ge [sflag:s10], $0x30D6  }
0xeb: {  	s7 =	sadd.s32 $0x1, s7;
	s6 =	rddreg [dreg:$0xa]  }
0xec: {  	p0 =	sne.s32 s7, s6  }
.Ltmp1:
0xed: {  	_ = 	snop;
	(pc) =	sbr.rel @p0 .LBB2_1-.Ltmp1, $3  }
0xee: {  	_ =	sdelay $0x1  }
0xef: {  	[sflag:s10] =	ssyncset.done $0x0  }
0xf0: {  	[sflag:s10] =	ssyncadd.s32 $0xFFFFCF2A  }
0xf1: {  	_ =	sfence.sel $0x180000  }
0xf2: {  	[bflag:$0x0] =	sbarrier.arrive $0xFFFF  }
0xf3: {  	_ =	strace $0x9000004A  }
0xf4: {  	s0 =	stileid.u32;
	[bflag:$0x2] =	sbarrier.arrive $0xFFFF  }
0xf5: {  	p0 =	sne.s32 s0, $0x0;
	s0 =	rddreg [dreg:$0x2]  }
0xf6: {  	s0 =	sadd.s32 @!p0 $0x100000, s0  }
0xf7: {  	[sflag:s0] =	ssyncadd.tile.s32 @!p0 $0x1;
	_ =	shalt  }
.Lfunc_end2:
_tile_overlayer_lowered:
.L_overlay_start_2:
0xf8: {  	(tag) =	ssettag $0x2  }
0xf9: {  	s0 =	rddreg [dreg:$0x0];
	s2 =	stileid.u32  }
0xfa: {  	s1 =	rddreg [dreg:$0x1];
	p0 =	sne.s32 s2, $0x0  }
0xfb: {  	s3 =	rddreg [dreg:$0x2];
	[bflag:$0x3] =	sbarrier.arrive $0xFFFF;
	s2 =	simm.s32 @!p0 $0x1C03  }
0xfc: {  	[timem:s3], [sflag:s2] =	dma.local @!p0 [hbm:s0], s1  }
0xfd: {  	s0 =	simm.s32 @!p0 $0x3  }
0xfe: {  	_ =	swait.ge @!p0 [sflag:s0], s1  }
0xff: {  	s1 =	ssub.s32 @!p0 $0x0, s1;
	[sflag:s0] =	ssyncset.done @!p0 $0x0  }
0x100: {  	[sflag:s0] =	ssyncadd.s32 @!p0 s1  }
0x101: {  	[bflag:$0x3] =	sbarrier.arrive $0xFFFF  }
0x102: {  	_ =	shalt  }

// kernel: kernel.15.cloned.1.call-start
scs
__scs_entry_jumppad:
0x0: {  	(pc) =	sbr.rel $0x88, $3  }
0x1: {  	(tag) =	ssettag $0x0;
	lr =	simm.s32 $0x1  }
0x2: {  	[smem:$0x3F98] =	sst lr;
	_ =	strace $0xD0000000  }
0x3: {  	_ = 	snop  }
0x4: {  	_ = 	snop  }
0x5: {  	_ = 	snop  }
0x6: {  	_ = 	snop  }
0x7: {  	_ = 	snop  }
__scs_overlays_trampoline_lowered:
0x8: {  	[smem:$0x3FA7] =	sst s0  }
0x9: {  	[smem:$0x3FA8] =	sst s1  }
0xa: {  	[smem:$0x3FA9] =	sst s2  }
0xb: {  	[smem:$0x3FAA] =	sst s3  }
0xc: {  	[smem:$0x3FAB] =	sst s4  }
0xd: {  	[smem:$0x3FAC] =	sst s5  }
0xe: {  	[smem:$0x3FAD] =	sst s6  }
0xf: {  	[smem:$0x3FAE] =	sst s7  }
0x10: {  	[smem:$0x3FAF] =	sst s8  }
0x11: {  	[smem:$0x3FB0] =	sst s9;
	s0 =	simm.s32 @!p0 $0x0  }
0x12: {  	s1 =	sld [smem:$0x3F96];
	s0 =	simm.s32 @p0 $0x1  }
0x13: {  	[smem:$0x3FB1] =	sst s0;
	s0 =	simm.s32 @!p1 $0x0  }
0x14: {  	s2 =	sld [smem:$0x3F95];
	s0 =	simm.s32 @p1 $0x1  }
0x15: {  	[smem:$0x3FB2] =	sst s0;
	s0 =	simm.s32 @!p2 $0x0  }
0x16: {  	s3 =	sld [smem:$0x3FDB];
	s0 =	simm.s32 @p2 $0x1  }
0x17: {  	s4 =	simm.s32 $0x1BF5;
	[smem:$0x3FB4] =	sst s0  }
0x18: {  	s0 =	sld [smem:$0x3F97];
	_ =	swait.ge [sflag:s4], $0x0  }
0x19: {  	s7 =	sld [smem:$0x3F98]  }
0x1a: {  	s8 =	sadd.s32 $0xFFFFE003, lr  }
0x1b: {  	s9 =	sadd.s32 $0xFFFFFEF7, lr;
	s5 =	simm.s32 $0xFFFFFFFF;
	p2 =	slt.u32 s8, $0xFFFFF086  }
0x1c: {  	p1 =	slt.u32 s9, $0xF7A;
	s5 =	simm.s32 @!p2 $0x0  }
0x1d: {  	s5 =	simm.s32 @p1 $0x1;
	p0 =	seq.s32 s7, s2  }
0x1e: {  	s7 =	smul.u32 @!p0 $0xF7A, s2;
	p2 =	seq.s32 @!p0 s5, $0x0  }
0x1f: {  	s9 =	smul.u32 $0xF7A, s1;
	s8 =	simm.s32 @!p0 $0x1BF5;
	p2 =	por !p2, p0  }
0x20: {  	[sflag:s8] =	ssyncset.s32 @!p0 $0xFFFFF086;
	s6 =	sadd.s32 @!p0 s3, s7;
	s7 =	simm.s32 @!p0 $0x108  }
0x21: {  	s3 =	sadd.s32 s3, s9;
	s6 =	sadd.s32 @!p0 $0x88, s6;
	s7 =	simm.s32 @p2 $0x1082  }
0x22: {  	[simem:s7], [sflag:s8] =	dma.local @!p0 [hbm:s6], $0xF7A  }
0x23: {  	s9 =	sor.u32 $0xD0000000, s2;
	s6 =	simm.s32 $0x108;
	_ =	swait.ge @!p0 [sflag:s8], $0x0  }
0x24: {  	s3 =	sadd.s32 $0x88, s3;
	s6 =	simm.s32 @!p1 $0x1082;
	[sflag:s4] =	ssyncset.s32 $0xFFFFF086  }
0x25: {  	[simem:s6], [sflag:s4] =	dma.local [hbm:s3], $0xF7A  }
0x26: {  	[smem:$0x3F98] =	sst s1;
	(tag) =	ssettag s2;
	_ =	strace s9  }
0x27: {  	s1 =	sld [smem:$0x3FA8]  }
0x28: {  	s2 =	sld [smem:$0x3FA9]  }
0x29: {  	s4 =	sld [smem:$0x3FAB]  }
0x2a: {  	p0 =	seq.s32 s5, $0x0;
	s5 =	sld [smem:$0x3FAC]  }
0x2b: {  	s6 =	sld [smem:$0x3FAD]  }
0x2c: {  	s7 =	sld [smem:$0x3FAE]  }
0x2d: {  	s3 =	simm.s32 $0x108;
	s8 =	sld [smem:$0x3FAF]  }
0x2e: {  	s3 =	simm.s32 @!p0 $0x1082;
	s9 =	sld [smem:$0x3FB0]  }
0x2f: {  	lr =	sadd.s32 s0, s3;
	s0 =	sld [smem:$0x3FA7]  }
0x30: {  	s3 =	sld [smem:$0x3FAA]  }
0x31: {  	[smem:$0x3FB3] =	sst s10  }
0x32: {  	s10 =	sld [smem:$0x3FB1];
	_ =	sdelay $0x3  }
0x33: {  	p0 =	seq.s32 s10, $0x1;
	s10 =	sld [smem:$0x3FB3];
	_ =	sdelay $0x3  }
0x34: {  	[smem:$0x3FB3] =	sst s10  }
0x35: {  	s10 =	sld [smem:$0x3FB2];
	_ =	sdelay $0x3  }
0x36: {  	p1 =	seq.s32 s10, $0x1;
	s10 =	sld [smem:$0x3FB3];
	_ =	sdelay $0x3  }
0x37: {  	[smem:$0x3FB3] =	sst s10  }
0x38: {  	s10 =	sld [smem:$0x3FB4]  }
0x39: {  	_ = 	snop;
	(pc) =	sbr.ind lr, $3  }
0x3a: {  	_ = 	snop  }
0x3b: {  	_ = 	snop  }
0x3c: {  	p2 =	seq.s32 s10, $0x1;
	s10 =	sld [smem:$0x3FB3]  }
0x3d: {  	_ =	shalt  }
0x3e: {  	_ =	shalt  }
0x3f: {  	_ =	shalt  }
0x40: {  	_ =	shalt  }
0x41: {  	_ =	shalt  }
0x42: {  	_ =	shalt  }
0x43: {  	_ =	shalt  }
0x44: {  	_ =	shalt  }
0x45: {  	_ =	shalt  }
0x46: {  	_ =	shalt  }
0x47: {  	_ =	shalt  }
0x48: {  	_ =	shalt  }
0x49: {  	_ =	shalt  }
0x4a: {  	_ =	shalt  }
0x4b: {  	_ =	shalt  }
0x4c: {  	_ =	shalt  }
0x4d: {  	_ =	shalt  }
0x4e: {  	_ =	shalt  }
0x4f: {  	_ =	shalt  }
0x50: {  	_ =	shalt  }
0x51: {  	_ =	shalt  }
0x52: {  	_ =	shalt  }
0x53: {  	_ =	shalt  }
0x54: {  	_ =	shalt  }
0x55: {  	_ =	shalt  }
0x56: {  	_ =	shalt  }
0x57: {  	_ =	shalt  }
0x58: {  	_ =	shalt  }
0x59: {  	_ =	shalt  }
0x5a: {  	_ =	shalt  }
0x5b: {  	_ =	shalt  }
0x5c: {  	_ =	shalt  }
0x5d: {  	_ =	shalt  }
0x5e: {  	_ =	shalt  }
0x5f: {  	_ =	shalt  }
0x60: {  	_ =	shalt  }
0x61: {  	_ =	shalt  }
0x62: {  	_ =	shalt  }
0x63: {  	_ =	shalt  }
0x64: {  	_ =	shalt  }
0x65: {  	_ =	shalt  }
0x66: {  	_ =	shalt  }
0x67: {  	_ =	shalt  }
0x68: {  	_ =	shalt  }
0x69: {  	_ =	shalt  }
0x6a: {  	_ =	shalt  }
0x6b: {  	_ =	shalt  }
0x6c: {  	_ =	shalt  }
0x6d: {  	_ =	shalt  }
0x6e: {  	_ =	shalt  }
0x6f: {  	_ =	shalt  }
0x70: {  	_ =	shalt  }
0x71: {  	_ =	shalt  }
0x72: {  	_ =	shalt  }
0x73: {  	_ =	shalt  }
0x74: {  	_ =	shalt  }
0x75: {  	_ =	shalt  }
0x76: {  	_ =	shalt  }
0x77: {  	_ =	shalt  }
0x78: {  	_ =	shalt  }
0x79: {  	_ =	shalt  }
0x7a: {  	_ =	shalt  }
0x7b: {  	_ =	shalt  }
0x7c: {  	_ =	shalt  }
0x7d: {  	_ =	shalt  }
0x7e: {  	_ =	shalt  }
0x7f: {  	_ =	shalt  }
0x80: {  	_ =	shalt  }
0x81: {  	_ =	shalt  }
0x82: {  	_ =	shalt  }
0x83: {  	_ =	shalt  }
0x84: {  	_ =	shalt  }
0x85: {  	_ =	shalt  }
0x86: {  	_ =	shalt  }
0x87: {  	_ =	shalt  }
.Lfunc_end0:
.L_simem_size_0:
called_computation.2_lowered:
.L_overlay_start_0:
0x88: {  	s2 =	sld [smem:$0x3FD9]  }
0x89: {  	s3 =	sld [smem:$0x3FFE];
	_ =	sdelay $0x1  }
0x8a: {  	s1 =	srdreg.scid  }
0x8b: {  	s0 =	sand.u32 $0x1, s1  }
0x8c: {  	s16 =	sshll.u32 s0, $0xA;
	s2 =	sadd.s32 s3, s2  }
0x8d: {  	s2 =	sadd.s32 s2, s16  }
0x8e: {  	[smem:$0x3FBF] =	sst s2  }
0x8f: {  	_ = 	snop  }
0x90: {  	(tm) =	ssettm $0x1  }
0x91: {  	s17 =	sld [smem:$0x3FFB];
	_ =	sdelay $0x3  }
0x92: {  	_ =	strace s17  }
0x93: {  	s2 =	sld [smem:$0x3FFC];
	_ =	sdelay $0x3  }
0x94: {  	_ =	strace s2  }
0x95: {  	s2 =	sld [smem:$0x3FFD];
	_ =	sdelay $0x3  }
0x96: {  	_ =	strace s2  }
0x97: {  	_ =	strace $0x8FFFFFFF  }
0x98: {  	s18 =	sld [smem:$0x3FDB];
	_ =	sdelay $0x1  }
0x99: {  	s19 =	simm.s32 $_scs_section_size  }
0x9a: {  	s4 =	simm.s32 $_size__tile_overlayer_lowered;
	s5 =	simm.s32 $_tile_overlayer_lowered  }
0x9b: {  	s22 =	simm.s32 $0x1BFF;
	s21 =	sshll.u32 s5, $0x1;
	s2 =	sadd.s32 s19, s18  }
0x9c: {  	s6 =	simm.s32 $0x0;
	s20 =	sshll.u32 s4, $0x1;
	s4 =	sadd.s32 s21, s2  }
0x9d: {  	[timem:s6], [sflag:s22] =	dma.local [hbm:s4], s20  }
0x9e: {  	_ =	swait.ge [sflag:s22], s20  }
0x9f: {  	s3 =	ssub.s32 $0x0, s20;
	[sflag:s22] =	ssyncset.done $0x0  }
0xa0: {  	[sflag:s22] =	ssyncadd.s32 s3;
	_ =	sdelay $0x1  }
0xa1: {  	s23 =	simm.s32 $0x1B8B  }
0xa2: {  	_ =	swait.ge [sflag:s23], $0x1  }
0xa3: {  	[sflag:s23] =	ssyncset.done $0x0  }
0xa4: {  	s25 =	simm.s32 $0x1B8E;
	s24 =	sld [smem:$0x3FFE];
	[sflag:s23] =	ssyncadd.s32 $0xFFFFFFFF  }
0xa5: {  	s26 =	simm.s32 $execute0_lowered;
	[smem:$0x3FD2] =	sst s25  }
0xa6: {  	s4 =	sshll.u32 s26, $0x1;
	_ =	strace $0x8000004C;
	[dreg:$0x1] =	wrdreg $0xFFFFFFFF  }
0xa7: {  	s28 =	simm.s32 $_size_execute0_lowered;
	s2 =	sadd.s32 s2, s4;
	[dreg:$0x0] =	wrdreg $0x0  }
0xa8: {  	s4 =	sshll.u32 s28, $0x1;
	[dreg:$0x2] =	wrdreg s2  }
0xa9: {  	[dreg:$0x3] =	wrdreg s4  }
0xaa: {  	[dreg:$0x4] =	wrdreg $0xC0  }
0xab: {  	_ =	task [dreg:s6], $0x5FFFF  }
0xac: {  	[dreg:$0x1] =	wrdreg $0xFFFFFFFF  }
0xad: {  	[dreg:$0x0] =	wrdreg $0x60  }
0xae: {  	[dreg:$0x2] =	wrdreg s24  }
0xaf: {  	[dreg:$0x3] =	wrdreg $0x48000  }
0xb0: {  	[dreg:$0x4] =	wrdreg $0x9  }
0xb1: {  	_ =	task.clear_ibuf [dreg:s6], $0x5FFFF;
	_ =	strace $0x9000004C  }
0xb2: {  	s29 =	simm.s32 $0x9;
	_ =	strace $0x8000004E  }
0xb3: {  	_ =	swait.ge [sflag:s29], $0x1  }
0xb4: {  	[sflag:s29] =	ssyncadd.s32 $0xFFFFFFFF  }
0xb5: {  	_ =	strace $0x9000004E  }
0xb6: {  	_ =	sfence  }
0xb7: {  	s30 =	sld [smem:$0x0];
	_ =	sdelay $0x2  }
0xb8: {  	s31 =	sshll.u32 s1, $0xD;
	s1 =	sshrl.u32 s1, $0x2  }
0xb9: {  	s3 =	sand.u32 $0x4000, s31;
	s1 =	sadd.s32 s1, s30  }
0xba: {  	s0 =	sor.u32 s3, s0;
	s1 =	sshll.u32 s1, $0x11  }
0xbb: {  	s0 =	sor.u32 s1, s0  }
0xbc: {  	s0 =	sadd.s32 $0x8F2B, s0  }
0xbd: {  	[sflag:s0] =	ssyncadd.remote.s32 $0x1  }
0xbe: {  	_ =	sfence.sel $0xFFFF  }
0xbf: {  	[dreg:$0x0] =	wrdreg $0xFFFFFFFF;
	(pc) =	sbr.abs _section_cstart, $3  }
0xc0: {  	[dreg:$0x1] =	wrdreg $0xFFFFFFFF  }
0xc1: {  	_ =	task.clear_ibuf [dreg:s6], $0x2FFFF;
	_ =	strace $0x9FFFFFFF  }
0xc2: {  	(tm) =	ssettm $0x7FFFFFFF  }
0xc3: {  	_ =	shalt  }
tec
execute0_lowered:
.L_overlay_start_1:
0x0: {  	(tag) =	ssettag $0x1  }
0x1: {  	s0 =	rddreg [dreg:$0x0];
	s1 =	srdreg.scid  }
0x2: {  	s2 =	rddreg [dreg:$0x1];
	s9 =	stileid.u32  }
0x3: {  	s3 =	simm.s32 $0x0;
	s11 =	simm.s32 $0x80;
	s12 =	simm.s32 $0x400  }
0x4: {  	s13 =	simm.s32 $0x800;
	s14 =	simm.s32 $0x480;
	s15 =	simm.s32 $0x1000  }
0x5: {  	s16 =	simm.s32 $0x500;
	s17 =	simm.s32 $0x1800;
	s18 =	simm.s32 $0x580  }
0x6: {  	s19 =	simm.s32 $0x2000;
	s20 =	simm.s32 $0x600;
	s21 =	simm.s32 $0x2800  }
0x7: {  	s22 =	simm.s32 $0x680;
	s23 =	simm.s32 $0x3000;
	s24 =	simm.s32 $0x700  }
0x8: {  	s28 =	simm.s32 $0x4000;
	s29 =	simm.s32 $0x2;
	s5 =	smul.u32 $0x186B0, s9  }
0x9: {  	s30 =	simm.s32 $0x200;
	s1 =	sand.u32 $0x1, s1;
	s8 =	smul.u32 $0x3100, s9  }
0xa: {  	[smem:$0x7FF] =	sst s3;
	s10 =	sadd.s32 $0x27D800, s0;
	s4 =	smul.u32 $0x31000, s1  }
0xb: {  	s26 =	sshll.u32 s9, $0x6;
	s9 =	sor.u32 $0x186A0, s9;
	s6 =	smul.u32 $0x186B00, s1  }
0xc: {  	_ =	strace $0x8000004D;
	s1 =	ssub.s32 $0x2, s1;
	[dreg:$0x7] =	wrdreg s10  }
0xd: {  	s31 =	simm.s32 $0x280;
	[dreg:$0xc] =	wrdreg s9;
	s25 =	sshrl.u32 s1, $0x1  }
0xe: {  	s10 =	simm.s32 $0x3;
	s7 =	sadd.s32 s4, s0;
	s1 =	ssub.s32 s1, s25  }
0xf: {  	s6 =	sadd.s32 s5, s6;
	s5 =	sadd.s32 s5, s2;
	s1 =	smax.u32 s1, $0x1  }
0x10: {  	s9 =	sshrl.u32 s5, $0x3;
	s5 =	simm.s32 $0x100;
	[dreg:$0xa] =	wrdreg s1  }
0x11: {  	s4 =	sadd.s32 $0xC5E00, s0;
	s7 =	sadd.s32 s8, s7;
	[dreg:$0x5] =	wrdreg s5  }
0x12: {  	s25 =	simm.s32 $0x3800;
	s8 =	sadd.s32 $0x1E00, s7;
	[dreg:$0xb] =	wrdreg s9  }
0x13: {  	s6 =	sshrl.u32 s6, $0x3;
	s7 =	sadd.s32 $0x63E00, s7;
	[dreg:$0x3] =	wrdreg s8  }
0x14: {  	s0 =	sadd.s32 s6, s0;
	s6 =	sor.u32 $0x1C03, s26;
	[dreg:$0x4] =	wrdreg s7  }
0x15: {  	s26 =	simm.s32 $0x780;
	s0 =	sadd.s32 $0xF6C00, s0;
	s7 =	rddreg [dreg:$0xc]  }
0x16: {  	s8 =	smov.u32 s6;
	s6 =	simm.s32 $0x180;
	[dreg:$0x9] =	wrdreg s0  }
0x17: {  	s1 =	simm.s32 $0x380;
	s5 =	simm.s32 $0x1;
	[dreg:$0x6] =	wrdreg s6  }
0x18: {  	s0 =	simm.s32 $0x300;
	v0 =	vmov s7;
	s7 =	simm.s32 $0x0;
	[dreg:$0x8] =	wrdreg s8  }
.LBB2_1:
0x19: {  	s6 =	rddreg [dreg:$0x7]  }
0x1a: {  	[spmem:s9], [sflag:s8] =	dma.local [hbm:s6], $0x30D6  }
0x1b: {  	_ =	swait.ge [sflag:s10], $0x30D6  }
0x1c: {  	[sflag:s10] =	ssyncset.done $0x0  }
0x1d: {  	[sflag:s10] =	ssyncadd.s32 $0xFFFFCF2A  }
0x1e: {  	[bflag:$0x0] =	sbarrier.arrive $0xFFFF  }
0x1f: {  	[tilespmem:$0x400] =	vst v0  }
0x20: {  	[tilespmem:$0x410] =	vst v0  }
0x21: {  	[tilespmem:$0x420] =	vst v0  }
0x22: {  	[tilespmem:$0x430] =	vst v0  }
0x23: {  	[tilespmem:$0x440] =	vst v0  }
0x24: {  	[tilespmem:$0x450] =	vst v0  }
0x25: {  	[tilespmem:$0x460] =	vst v0  }
0x26: {  	[tilespmem:$0x470] =	vst v0  }
0x27: {  	[tilespmem:$0x480] =	vst v0  }
0x28: {  	[tilespmem:$0x490] =	vst v0  }
0x29: {  	[tilespmem:$0x4A0] =	vst v0  }
0x2a: {  	[tilespmem:$0x4B0] =	vst v0  }
0x2b: {  	[tilespmem:$0x4C0] =	vst v0  }
0x2c: {  	[tilespmem:$0x4D0] =	vst v0  }
0x2d: {  	[tilespmem:$0x4E0] =	vst v0  }
0x2e: {  	[tilespmem:$0x4F0] =	vst v0  }
0x2f: {  	[tilespmem:$0x500] =	vst v0  }
0x30: {  	[tilespmem:$0x510] =	vst v0  }
0x31: {  	[tilespmem:$0x520] =	vst v0  }
0x32: {  	[tilespmem:$0x530] =	vst v0  }
0x33: {  	[tilespmem:$0x540] =	vst v0  }
0x34: {  	[tilespmem:$0x550] =	vst v0  }
0x35: {  	[tilespmem:$0x560] =	vst v0  }
0x36: {  	[tilespmem:$0x570] =	vst v0  }
0x37: {  	[tilespmem:$0x580] =	vst v0  }
0x38: {  	[tilespmem:$0x590] =	vst v0  }
0x39: {  	[tilespmem:$0x5A0] =	vst v0  }
0x3a: {  	[tilespmem:$0x5B0] =	vst v0  }
0x3b: {  	[tilespmem:$0x5C0] =	vst v0  }
0x3c: {  	[tilespmem:$0x5D0] =	vst v0  }
0x3d: {  	[tilespmem:$0x5E0] =	vst v0  }
0x3e: {  	[tilespmem:$0x5F0] =	vst v0  }
0x3f: {  	[tilespmem:$0x600] =	vst v0  }
0x40: {  	[tilespmem:$0x610] =	vst v0  }
0x41: {  	[tilespmem:$0x620] =	vst v0  }
0x42: {  	[tilespmem:$0x630] =	vst v0  }
0x43: {  	[tilespmem:$0x640] =	vst v0  }
0x44: {  	[tilespmem:$0x650] =	vst v0  }
0x45: {  	[tilespmem:$0x660] =	vst v0  }
0x46: {  	[tilespmem:$0x670] =	vst v0  }
0x47: {  	[tilespmem:$0x680] =	vst v0  }
0x48: {  	[tilespmem:$0x690] =	vst v0  }
0x49: {  	[tilespmem:$0x6A0] =	vst v0  }
0x4a: {  	[tilespmem:$0x6B0] =	vst v0  }
0x4b: {  	[tilespmem:$0x6C0] =	vst v0  }
0x4c: {  	[tilespmem:$0x6D0] =	vst v0  }
0x4d: {  	[tilespmem:$0x6E0] =	vst v0  }
0x4e: {  	[tilespmem:$0x6F0] =	vst v0  }
0x4f: {  	[tilespmem:$0x700] =	vst v0  }
0x50: {  	[tilespmem:$0x710] =	vst v0  }
0x51: {  	[tilespmem:$0x720] =	vst v0  }
0x52: {  	[tilespmem:$0x730] =	vst v0  }
0x53: {  	[tilespmem:$0x740] =	vst v0  }
0x54: {  	[tilespmem:$0x750] =	vst v0  }
0x55: {  	[tilespmem:$0x760] =	vst v0  }
0x56: {  	[tilespmem:$0x770] =	vst v0  }
0x57: {  	[tilespmem:$0x780] =	vst v0  }
0x58: {  	[tilespmem:$0x790] =	vst v0  }
0x59: {  	[tilespmem:$0x7A0] =	vst v0  }
0x5a: {  	[tilespmem:$0x7B0] =	vst v0  }
0x5b: {  	[tilespmem:$0x7C0] =	vst v0  }
0x5c: {  	[tilespmem:$0x7D0] =	vst v0  }
0x5d: {  	[tilespmem:$0x7E0] =	vst v0  }
0x5e: {  	[tilespmem:$0x7F0] =	vst v0  }
0x5f: {  	[spmem:s2] =	stream.indirect.scatter.add.f32 [tilespmem:s13], [sflag:$0x2], $0x10, s12, s11, $0xb8;
	[tilespmem:$0x1CEB0] =	vst v63  }
0x60: {  	_ = 	snop  }
0x61: {  	[spmem:s2] =	stream.indirect.scatter.add.f32 [tilespmem:s15], [sflag:$0x2], $0x10, s14, s11, $0xb8;
	[tilespmem:$0x1CEB0] =	vst v63  }
0x62: {  	_ = 	snop  }
0x63: {  	[spmem:s2] =	stream.indirect.scatter.add.f32 [tilespmem:s17], [sflag:$0x2], $0x10, s16, s11, $0xb8;
	[tilespmem:$0x1CEB0] =	vst v63  }
0x64: {  	_ = 	snop  }
0x65: {  	[spmem:s2] =	stream.indirect.scatter.add.f32 [tilespmem:s19], [sflag:$0x2], $0x10, s18, s11, $0xb8;
	[tilespmem:$0x1CEB0] =	vst v63  }
0x66: {  	_ = 	snop  }
0x67: {  	[spmem:s2] =	stream.indirect.scatter.add.f32 [tilespmem:s21], [sflag:$0x2], $0x10, s20, s11, $0xb8;
	[tilespmem:$0x1CEB0] =	vst v63  }
0x68: {  	_ = 	snop  }
0x69: {  	[spmem:s2] =	stream.indirect.scatter.add.f32 [tilespmem:s23], [sflag:$0x2], $0x10, s22, s11, $0xb8;
	[tilespmem:$0x1CEB0] =	vst v63  }
0x6a: {  	_ = 	snop  }
0x6b: {  	[spmem:s2] =	stream.indirect.scatter.add.f32 [tilespmem:s25], [sflag:$0x2], $0x10, s24, s11, $0xb8;
	[tilespmem:$0x1CEB0] =	vst v63  }
0x6c: {  	_ = 	snop  }
0x6d: {  	[spmem:s2] =	stream.indirect.scatter.add.f32 [tilespmem:s28], [sflag:$0x2], $0x10, s26, s11, $0xb8;
	[tilespmem:$0x1CEB0] =	vst v63  }
0x6e: {  	_ =	swait.ge [sflag:s29], $0x4000  }
0x6f: {  	s6 =	rddreg [dreg:$0x4];
	[sflag:s29] =	ssyncset.done $0x0  }
0x70: {  	[sflag:s29] =	ssyncadd.s32 $0xFFFFC000;
	s8 =	sadd.s32 $0x0, s6  }
0x71: {  	[tilespmem:s3], [sflag:$0x3] =	stream.linear.gather [hbm4b:s8+s3], $0x400, $0x38;
	[tilespmem:$0x1CEB0] =	vst v63  }
0x72: {  	_ =	swait.ge [sflag:s10], $0x400  }
0x73: {  	s9 =	rddreg [dreg:$0x3];
	[sflag:s10] =	ssyncset.done $0x0  }
0x74: {  	[sflag:s10] =	ssyncadd.s32 $0xFFFFFC00;
	s8 =	sadd.s32 $0x0, s9  }
0x75: {  	[tilespmem:s12], [sflag:$0x3] =	stream.linear.gather [hbm4b:s8+s3], $0x400, $0x38;
	[tilespmem:$0x1CEB0] =	vst v63  }
0x76: {  	_ =	swait.ge [sflag:s10], $0x400  }
0x77: {  	[sflag:s10] =	ssyncset.done $0x0  }
0x78: {  	[sflag:s10] =	ssyncadd.s32 $0xFFFFFC00  }
0x79: {  	[tilespmem:s13], [sflag:$0x1] =	stream.indirect.gather [hbm4b:s4+s11], $0x10, s3, s11, $0xb8;
	[tilespmem:$0x1CEB0] =	vst v63  }
0x7a: {  	_ = 	snop  }
0x7b: {  	[tilespmem:s15], [sflag:$0x1] =	stream.indirect.gather [hbm4b:s4+s11], $0x10, s11, s11, $0xb8;
	[tilespmem:$0x1CEB0] =	vst v63  }
0x7c: {  	s6 =	rddreg [dreg:$0x5]  }
0x7d: {  	[tilespmem:s17], [sflag:$0x1] =	stream.indirect.gather [hbm4b:s4+s11], $0x10, s6, s11, $0xb8;
	[tilespmem:$0x1CEB0] =	vst v63  }
0x7e: {  	s9 =	rddreg [dreg:$0x6]  }
0x7f: {  	[tilespmem:s19], [sflag:$0x1] =	stream.indirect.gather [hbm4b:s4+s11], $0x10, s9, s11, $0xb8;
	[tilespmem:$0x1CEB0] =	vst v63  }
0x80: {  	_ = 	snop  }
0x81: {  	[tilespmem:s21], [sflag:$0x1] =	stream.indirect.gather [hbm4b:s4+s11], $0x10, s30, s11, $0xb8;
	[tilespmem:$0x1CEB0] =	vst v63  }
0x82: {  	_ = 	snop  }
0x83: {  	[tilespmem:s23], [sflag:$0x1] =	stream.indirect.gather [hbm4b:s4+s11], $0x10, s31, s11, $0xb8;
	[tilespmem:$0x1CEB0] =	vst v63  }
0x84: {  	_ = 	snop  }
0x85: {  	[tilespmem:s25], [sflag:$0x1] =	stream.indirect.gather [hbm4b:s4+s11], $0x10, s0, s11, $0xb8;
	[tilespmem:$0x1CEB0] =	vst v63  }
0x86: {  	_ = 	snop  }
0x87: {  	[tilespmem:s28], [sflag:$0x1] =	stream.indirect.gather [hbm4b:s4+s11], $0x10, s1, s11, $0xb8;
	[tilespmem:$0x1CEB0] =	vst v63  }
0x88: {  	_ =	swait.ge [sflag:s5], $0x800  }
0x89: {  	[sflag:s5] =	ssyncset.done $0x0  }
0x8a: {  	[sflag:s5] =	ssyncadd.s32 $0xFFFFF800  }
0x8b: {  	[spmem:s2] =	stream.indirect.scatter.add.f32 [tilespmem:s13], [sflag:$0x2], $0x10, s12, s11, $0xb8;
	[tilespmem:$0x1CEB0] =	vst v63  }
0x8c: {  	_ =	swait.ge [sflag:s5], $0x800  }
0x8d: {  	[sflag:s5] =	ssyncset.done $0x0  }
0x8e: {  	[sflag:s5] =	ssyncadd.s32 $0xFFFFF800  }
0x8f: {  	[spmem:s2] =	stream.indirect.scatter.add.f32 [tilespmem:s15], [sflag:$0x2], $0x10, s14, s11, $0xb8;
	[tilespmem:$0x1CEB0] =	vst v63  }
0x90: {  	_ =	swait.ge [sflag:s5], $0x800  }
0x91: {  	[sflag:s5] =	ssyncset.done $0x0  }
0x92: {  	[sflag:s5] =	ssyncadd.s32 $0xFFFFF800  }
0x93: {  	[spmem:s2] =	stream.indirect.scatter.add.f32 [tilespmem:s17], [sflag:$0x2], $0x10, s16, s11, $0xb8;
	[tilespmem:$0x1CEB0] =	vst v63  }
0x94: {  	_ =	swait.ge [sflag:s5], $0x800  }
0x95: {  	[sflag:s5] =	ssyncset.done $0x0  }
0x96: {  	[sflag:s5] =	ssyncadd.s32 $0xFFFFF800  }
0x97: {  	[spmem:s2] =	stream.indirect.scatter.add.f32 [tilespmem:s19], [sflag:$0x2], $0x10, s18, s11, $0xb8;
	[tilespmem:$0x1CEB0] =	vst v63  }
0x98: {  	_ =	swait.ge [sflag:s5], $0x800  }
0x99: {  	[sflag:s5] =	ssyncset.done $0x0  }
0x9a: {  	[sflag:s5] =	ssyncadd.s32 $0xFFFFF800  }
0x9b: {  	[spmem:s2] =	stream.indirect.scatter.add.f32 [tilespmem:s21], [sflag:$0x2], $0x10, s20, s11, $0xb8;
	[tilespmem:$0x1CEB0] =	vst v63  }
0x9c: {  	_ =	swait.ge [sflag:s5], $0x800  }
0x9d: {  	[sflag:s5] =	ssyncset.done $0x0  }
0x9e: {  	[sflag:s5] =	ssyncadd.s32 $0xFFFFF800  }
0x9f: {  	[spmem:s2] =	stream.indirect.scatter.add.f32 [tilespmem:s23], [sflag:$0x2], $0x10, s22, s11, $0xb8;
	[tilespmem:$0x1CEB0] =	vst v63  }
0xa0: {  	_ =	swait.ge [sflag:s5], $0x800  }
0xa1: {  	[sflag:s5] =	ssyncset.done $0x0  }
0xa2: {  	[sflag:s5] =	ssyncadd.s32 $0xFFFFF800  }
0xa3: {  	[spmem:s2] =	stream.indirect.scatter.add.f32 [tilespmem:s25], [sflag:$0x2], $0x10, s24, s11, $0xb8;
	[tilespmem:$0x1CEB0] =	vst v63  }
0xa4: {  	_ =	swait.ge [sflag:s5], $0x800  }
0xa5: {  	[sflag:s5] =	ssyncset.done $0x0  }
0xa6: {  	s8 =	simm.s32 $0x80;
	[sflag:s5] =	ssyncadd.s32 $0xFFFFF800  }
.LBB2_2:
0xa7: {  	[spmem:s2] =	stream.indirect.scatter.add.f32 [tilespmem:s28], [sflag:$0x2], $0x10, s26, s11, $0xb8;
	[tilespmem:$0x1CEB0] =	vst v63  }
0xa8: {  	_ =	swait.ge [sflag:s29], $0x4000  }
0xa9: {  	s6 =	smov.u32 s8;
	s9 =	rddreg [dreg:$0x4];
	[sflag:s29] =	ssyncset.done $0x0  }
0xaa: {  	[sflag:s29] =	ssyncadd.s32 $0xFFFFC000;
	s9 =	sadd.s32 s6, s9  }
0xab: {  	[tilespmem:s3], [sflag:$0x3] =	stream.linear.gather [hbm4b:s9+s3], $0x400, $0x38;
	[tilespmem:$0x1CEB0] =	vst v63  }
0xac: {  	_ =	swait.ge [sflag:s10], $0x400  }
0xad: {  	s9 =	rddreg [dreg:$0x3];
	[sflag:s10] =	ssyncset.done $0x0  }
0xae: {  	[sflag:s10] =	ssyncadd.s32 $0xFFFFFC00;
	s6 =	sadd.s32 s6, s9  }
0xaf: {  	[tilespmem:s12], [sflag:$0x3] =	stream.linear.gather [hbm4b:s6+s3], $0x400, $0x38;
	[tilespmem:$0x1CEB0] =	vst v63  }
0xb0: {  	_ =	swait.ge [sflag:s10], $0x400  }
0xb1: {  	[sflag:s10] =	ssyncset.done $0x0  }
0xb2: {  	[sflag:s10] =	ssyncadd.s32 $0xFFFFFC00  }
0xb3: {  	[tilespmem:s13], [sflag:$0x1] =	stream.indirect.gather [hbm4b:s4+s11], $0x10, s3, s11, $0xb8;
	[tilespmem:$0x1CEB0] =	vst v63  }
0xb4: {  	_ = 	snop  }
0xb5: {  	[tilespmem:s15], [sflag:$0x1] =	stream.indirect.gather [hbm4b:s4+s11], $0x10, s11, s11, $0xb8;
	[tilespmem:$0x1CEB0] =	vst v63  }
0xb6: {  	s6 =	rddreg [dreg:$0x5]  }
0xb7: {  	[tilespmem:s17], [sflag:$0x1] =	stream.indirect.gather [hbm4b:s4+s11], $0x10, s6, s11, $0xb8;
	[tilespmem:$0x1CEB0] =	vst v63  }
0xb8: {  	s9 =	rddreg [dreg:$0x6]  }
0xb9: {  	[tilespmem:s19], [sflag:$0x1] =	stream.indirect.gather [hbm4b:s4+s11], $0x10, s9, s11, $0xb8;
	[tilespmem:$0x1CEB0] =	vst v63  }
0xba: {  	_ = 	snop  }
0xbb: {  	[tilespmem:s21], [sflag:$0x1] =	stream.indirect.gather [hbm4b:s4+s11], $0x10, s30, s11, $0xb8;
	[tilespmem:$0x1CEB0] =	vst v63  }
0xbc: {  	_ = 	snop  }
0xbd: {  	[tilespmem:s23], [sflag:$0x1] =	stream.indirect.gather [hbm4b:s4+s11], $0x10, s31, s11, $0xb8;
	[tilespmem:$0x1CEB0] =	vst v63  }
0xbe: {  	_ = 	snop  }
0xbf: {  	[tilespmem:s25], [sflag:$0x1] =	stream.indirect.gather [hbm4b:s4+s11], $0x10, s0, s11, $0xb8;
	[tilespmem:$0x1CEB0] =	vst v63  }
0xc0: {  	_ = 	snop  }
0xc1: {  	[tilespmem:s28], [sflag:$0x1] =	stream.indirect.gather [hbm4b:s4+s11], $0x10, s1, s11, $0xb8;
	[tilespmem:$0x1CEB0] =	vst v63  }
0xc2: {  	_ =	swait.ge [sflag:s5], $0x800  }
0xc3: {  	[sflag:s5] =	ssyncset.done $0x0  }
0xc4: {  	[sflag:s5] =	ssyncadd.s32 $0xFFFFF800  }
0xc5: {  	[spmem:s2] =	stream.indirect.scatter.add.f32 [tilespmem:s13], [sflag:$0x2], $0x10, s12, s11, $0xb8;
	[tilespmem:$0x1CEB0] =	vst v63  }
0xc6: {  	_ =	swait.ge [sflag:s5], $0x800  }
0xc7: {  	[sflag:s5] =	ssyncset.done $0x0  }
0xc8: {  	[sflag:s5] =	ssyncadd.s32 $0xFFFFF800  }
0xc9: {  	[spmem:s2] =	stream.indirect.scatter.add.f32 [tilespmem:s15], [sflag:$0x2], $0x10, s14, s11, $0xb8;
	[tilespmem:$0x1CEB0] =	vst v63  }
0xca: {  	_ =	swait.ge [sflag:s5], $0x800  }
0xcb: {  	[sflag:s5] =	ssyncset.done $0x0  }
0xcc: {  	[sflag:s5] =	ssyncadd.s32 $0xFFFFF800  }
0xcd: {  	[spmem:s2] =	stream.indirect.scatter.add.f32 [tilespmem:s17], [sflag:$0x2], $0x10, s16, s11, $0xb8;
	[tilespmem:$0x1CEB0] =	vst v63  }
0xce: {  	_ =	swait.ge [sflag:s5], $0x800  }
0xcf: {  	[sflag:s5] =	ssyncset.done $0x0  }
0xd0: {  	[sflag:s5] =	ssyncadd.s32 $0xFFFFF800  }
0xd1: {  	[spmem:s2] =	stream.indirect.scatter.add.f32 [tilespmem:s19], [sflag:$0x2], $0x10, s18, s11, $0xb8;
	[tilespmem:$0x1CEB0] =	vst v63  }
0xd2: {  	_ =	swait.ge [sflag:s5], $0x800  }
0xd3: {  	[sflag:s5] =	ssyncset.done $0x0  }
0xd4: {  	[sflag:s5] =	ssyncadd.s32 $0xFFFFF800  }
0xd5: {  	[spmem:s2] =	stream.indirect.scatter.add.f32 [tilespmem:s21], [sflag:$0x2], $0x10, s20, s11, $0xb8;
	[tilespmem:$0x1CEB0] =	vst v63  }
0xd6: {  	_ =	swait.ge [sflag:s5], $0x800  }
0xd7: {  	[sflag:s5] =	ssyncset.done $0x0  }
0xd8: {  	[sflag:s5] =	ssyncadd.s32 $0xFFFFF800  }
0xd9: {  	[spmem:s2] =	stream.indirect.scatter.add.f32 [tilespmem:s23], [sflag:$0x2], $0x10, s22, s11, $0xb8;
	[tilespmem:$0x1CEB0] =	vst v63  }
0xda: {  	_ =	swait.ge [sflag:s5], $0x800  }
0xdb: {  	p0 =	sne.s32 s8, $0x3080;
	[sflag:s5] =	ssyncset.done $0x0  }
.Ltmp0:
0xdc: {  	[sflag:s5] =	ssyncadd.s32 $0xFFFFF800;
	(pc) =	sbr.rel @p0 .LBB2_2-.Ltmp0, $4  }
0xdd: {  	[spmem:s2] =	stream.indirect.scatter.add.f32 [tilespmem:s25], [sflag:$0x2], $0x10, s24, s11, $0xb8;
	[tilespmem:$0x1CEB0] =	vst v63  }
0xde: {  	_ =	swait.ge [sflag:s5], $0x800  }
0xdf: {  	[sflag:s5] =	ssyncset.done $0x0  }
0xe0: {  	s8 =	sadd.s32 $0x80, s8;
	[sflag:s5] =	ssyncadd.s32 $0xFFFFF800  }
0xe1: {  	[spmem:s2] =	stream.indirect.scatter.add.f32 [tilespmem:s28], [sflag:$0x2], $0x10, s26, s11, $0xb8;
	[tilespmem:$0x1CEB0] =	vst v63  }
0xe2: {  	_ =	swait.ge [sflag:s29], $0x4000  }
0xe3: {  	[sflag:s29] =	ssyncset.done $0x0  }
0xe4: {  	[sflag:s29] =	ssyncadd.s32 $0xFFFFC000  }
0xe5: {  	[bflag:$0x0] =	sbarrier.arrive $0xFFFF  }
0xe6: {  	s8 =	rddreg [dreg:$0x8]  }
0xe7: {  	s6 =	rddreg [dreg:$0x9]  }
0xe8: {  	s9 =	rddreg [dreg:$0xb]  }
0xe9: {  	[hbm:s6], [sflag:s8] =	dma.local [spmem:s9], $0x30D6  }
0xea: {  	_ =	swait.ge [sflag:s10], $0x30D6  }
0xeb: {  	s7 =	sadd.s32 $0x1, s7;
	s6 =	rddreg [dreg:$0xa]  }
0xec: {  	p0 =	sne.s32 s7, s6  }
.Ltmp1:
0xed: {  	_ = 	snop;
	(pc) =	sbr.rel @p0 .LBB2_1-.Ltmp1, $3  }
0xee: {  	_ =	sdelay $0x1  }
0xef: {  	[sflag:s10] =	ssyncset.done $0x0  }
0xf0: {  	[sflag:s10] =	ssyncadd.s32 $0xFFFFCF2A  }
0xf1: {  	_ =	sfence.sel $0x180000  }
0xf2: {  	[bflag:$0x0] =	sbarrier.arrive $0xFFFF  }
0xf3: {  	_ =	strace $0x9000004D  }
0xf4: {  	s0 =	stileid.u32;
	[bflag:$0x2] =	sbarrier.arrive $0xFFFF  }
0xf5: {  	p0 =	sne.s32 s0, $0x0;
	s0 =	rddreg [dreg:$0x2]  }
0xf6: {  	s0 =	sadd.s32 @!p0 $0x100000, s0  }
0xf7: {  	[sflag:s0] =	ssyncadd.tile.s32 @!p0 $0x1;
	_ =	shalt  }
.Lfunc_end2:
_tile_overlayer_lowered:
.L_overlay_start_2:
0xf8: {  	(tag) =	ssettag $0x2  }
0xf9: {  	s0 =	rddreg [dreg:$0x0];
	s2 =	stileid.u32  }
0xfa: {  	s1 =	rddreg [dreg:$0x1];
	p0 =	sne.s32 s2, $0x0  }
0xfb: {  	s3 =	rddreg [dreg:$0x2];
	[bflag:$0x3] =	sbarrier.arrive $0xFFFF;
	s2 =	simm.s32 @!p0 $0x1C03  }
0xfc: {  	[timem:s3], [sflag:s2] =	dma.local @!p0 [hbm:s0], s1  }
0xfd: {  	s0 =	simm.s32 @!p0 $0x3  }
0xfe: {  	_ =	swait.ge @!p0 [sflag:s0], s1  }
0xff: {  	s1 =	ssub.s32 @!p0 $0x0, s1;
	[sflag:s0] =	ssyncset.done @!p0 $0x0  }
0x100: {  	[sflag:s0] =	ssyncadd.s32 @!p0 s1  }
0x101: {  	[bflag:$0x3] =	sbarrier.arrive $0xFFFF  }
0x102: {  	_ =	shalt  }

// kernel: kernel.9.cloned.1.call-start
scs
__scs_entry_jumppad:
0x0: {  	(pc) =	sbr.rel $0x88, $3  }
0x1: {  	(tag) =	ssettag $0x0;
	lr =	simm.s32 $0x1  }
0x2: {  	[smem:$0x3F98] =	sst lr;
	_ =	strace $0xD0000000  }
0x3: {  	_ = 	snop  }
0x4: {  	_ = 	snop  }
0x5: {  	_ = 	snop  }
0x6: {  	_ = 	snop  }
0x7: {  	_ = 	snop  }
__scs_overlays_trampoline_lowered:
0x8: {  	[smem:$0x3FA7] =	sst s0  }
0x9: {  	[smem:$0x3FA8] =	sst s1  }
0xa: {  	[smem:$0x3FA9] =	sst s2  }
0xb: {  	[smem:$0x3FAA] =	sst s3  }
0xc: {  	[smem:$0x3FAB] =	sst s4  }
0xd: {  	[smem:$0x3FAC] =	sst s5  }
0xe: {  	[smem:$0x3FAD] =	sst s6  }
0xf: {  	[smem:$0x3FAE] =	sst s7  }
0x10: {  	[smem:$0x3FAF] =	sst s8  }
0x11: {  	[smem:$0x3FB0] =	sst s9;
	s0 =	simm.s32 @!p0 $0x0  }
0x12: {  	s1 =	sld [smem:$0x3F96];
	s0 =	simm.s32 @p0 $0x1  }
0x13: {  	[smem:$0x3FB1] =	sst s0;
	s0 =	simm.s32 @!p1 $0x0  }
0x14: {  	s2 =	sld [smem:$0x3F95];
	s0 =	simm.s32 @p1 $0x1  }
0x15: {  	[smem:$0x3FB2] =	sst s0;
	s0 =	simm.s32 @!p2 $0x0  }
0x16: {  	s3 =	sld [smem:$0x3FDB];
	s0 =	simm.s32 @p2 $0x1  }
0x17: {  	s4 =	simm.s32 $0x1BF5;
	[smem:$0x3FB4] =	sst s0  }
0x18: {  	s0 =	sld [smem:$0x3F97];
	_ =	swait.ge [sflag:s4], $0x0  }
0x19: {  	s7 =	sld [smem:$0x3F98]  }
0x1a: {  	s8 =	sadd.s32 $0xFFFFE003, lr  }
0x1b: {  	s9 =	sadd.s32 $0xFFFFFEF7, lr;
	s5 =	simm.s32 $0xFFFFFFFF;
	p2 =	slt.u32 s8, $0xFFFFF086  }
0x1c: {  	p1 =	slt.u32 s9, $0xF7A;
	s5 =	simm.s32 @!p2 $0x0  }
0x1d: {  	s5 =	simm.s32 @p1 $0x1;
	p0 =	seq.s32 s7, s2  }
0x1e: {  	s7 =	smul.u32 @!p0 $0xF7A, s2;
	p2 =	seq.s32 @!p0 s5, $0x0  }
0x1f: {  	s9 =	smul.u32 $0xF7A, s1;
	s8 =	simm.s32 @!p0 $0x1BF5;
	p2 =	por !p2, p0  }
0x20: {  	[sflag:s8] =	ssyncset.s32 @!p0 $0xFFFFF086;
	s6 =	sadd.s32 @!p0 s3, s7;
	s7 =	simm.s32 @!p0 $0x108  }
0x21: {  	s3 =	sadd.s32 s3, s9;
	s6 =	sadd.s32 @!p0 $0x88, s6;
	s7 =	simm.s32 @p2 $0x1082  }
0x22: {  	[simem:s7], [sflag:s8] =	dma.local @!p0 [hbm:s6], $0xF7A  }
0x23: {  	s9 =	sor.u32 $0xD0000000, s2;
	s6 =	simm.s32 $0x108;
	_ =	swait.ge @!p0 [sflag:s8], $0x0  }
0x24: {  	s3 =	sadd.s32 $0x88, s3;
	s6 =	simm.s32 @!p1 $0x1082;
	[sflag:s4] =	ssyncset.s32 $0xFFFFF086  }
0x25: {  	[simem:s6], [sflag:s4] =	dma.local [hbm:s3], $0xF7A  }
0x26: {  	[smem:$0x3F98] =	sst s1;
	(tag) =	ssettag s2;
	_ =	strace s9  }
0x27: {  	s1 =	sld [smem:$0x3FA8]  }
0x28: {  	s2 =	sld [smem:$0x3FA9]  }
0x29: {  	s4 =	sld [smem:$0x3FAB]  }
0x2a: {  	p0 =	seq.s32 s5, $0x0;
	s5 =	sld [smem:$0x3FAC]  }
0x2b: {  	s6 =	sld [smem:$0x3FAD]  }
0x2c: {  	s7 =	sld [smem:$0x3FAE]  }
0x2d: {  	s3 =	simm.s32 $0x108;
	s8 =	sld [smem:$0x3FAF]  }
0x2e: {  	s3 =	simm.s32 @!p0 $0x1082;
	s9 =	sld [smem:$0x3FB0]  }
0x2f: {  	lr =	sadd.s32 s0, s3;
	s0 =	sld [smem:$0x3FA7]  }
0x30: {  	s3 =	sld [smem:$0x3FAA]  }
0x31: {  	[smem:$0x3FB3] =	sst s10  }
0x32: {  	s10 =	sld [smem:$0x3FB1];
	_ =	sdelay $0x3  }
0x33: {  	p0 =	seq.s32 s10, $0x1;
	s10 =	sld [smem:$0x3FB3];
	_ =	sdelay $0x3  }
0x34: {  	[smem:$0x3FB3] =	sst s10  }
0x35: {  	s10 =	sld [smem:$0x3FB2];
	_ =	sdelay $0x3  }
0x36: {  	p1 =	seq.s32 s10, $0x1;
	s10 =	sld [smem:$0x3FB3];
	_ =	sdelay $0x3  }
0x37: {  	[smem:$0x3FB3] =	sst s10  }
0x38: {  	s10 =	sld [smem:$0x3FB4]  }
0x39: {  	_ = 	snop;
	(pc) =	sbr.ind lr, $3  }
0x3a: {  	_ = 	snop  }
0x3b: {  	_ = 	snop  }
0x3c: {  	p2 =	seq.s32 s10, $0x1;
	s10 =	sld [smem:$0x3FB3]  }
0x3d: {  	_ =	shalt  }
0x3e: {  	_ =	shalt  }
0x3f: {  	_ =	shalt  }
0x40: {  	_ =	shalt  }
0x41: {  	_ =	shalt  }
0x42: {  	_ =	shalt  }
0x43: {  	_ =	shalt  }
0x44: {  	_ =	shalt  }
0x45: {  	_ =	shalt  }
0x46: {  	_ =	shalt  }
0x47: {  	_ =	shalt  }
0x48: {  	_ =	shalt  }
0x49: {  	_ =	shalt  }
0x4a: {  	_ =	shalt  }
0x4b: {  	_ =	shalt  }
0x4c: {  	_ =	shalt  }
0x4d: {  	_ =	shalt  }
0x4e: {  	_ =	shalt  }
0x4f: {  	_ =	shalt  }
0x50: {  	_ =	shalt  }
0x51: {  	_ =	shalt  }
0x52: {  	_ =	shalt  }
0x53: {  	_ =	shalt  }
0x54: {  	_ =	shalt  }
0x55: {  	_ =	shalt  }
0x56: {  	_ =	shalt  }
0x57: {  	_ =	shalt  }
0x58: {  	_ =	shalt  }
0x59: {  	_ =	shalt  }
0x5a: {  	_ =	shalt  }
0x5b: {  	_ =	shalt  }
0x5c: {  	_ =	shalt  }
0x5d: {  	_ =	shalt  }
0x5e: {  	_ =	shalt  }
0x5f: {  	_ =	shalt  }
0x60: {  	_ =	shalt  }
0x61: {  	_ =	shalt  }
0x62: {  	_ =	shalt  }
0x63: {  	_ =	shalt  }
0x64: {  	_ =	shalt  }
0x65: {  	_ =	shalt  }
0x66: {  	_ =	shalt  }
0x67: {  	_ =	shalt  }
0x68: {  	_ =	shalt  }
0x69: {  	_ =	shalt  }
0x6a: {  	_ =	shalt  }
0x6b: {  	_ =	shalt  }
0x6c: {  	_ =	shalt  }
0x6d: {  	_ =	shalt  }
0x6e: {  	_ =	shalt  }
0x6f: {  	_ =	shalt  }
0x70: {  	_ =	shalt  }
0x71: {  	_ =	shalt  }
0x72: {  	_ =	shalt  }
0x73: {  	_ =	shalt  }
0x74: {  	_ =	shalt  }
0x75: {  	_ =	shalt  }
0x76: {  	_ =	shalt  }
0x77: {  	_ =	shalt  }
0x78: {  	_ =	shalt  }
0x79: {  	_ =	shalt  }
0x7a: {  	_ =	shalt  }
0x7b: {  	_ =	shalt  }
0x7c: {  	_ =	shalt  }
0x7d: {  	_ =	shalt  }
0x7e: {  	_ =	shalt  }
0x7f: {  	_ =	shalt  }
0x80: {  	_ =	shalt  }
0x81: {  	_ =	shalt  }
0x82: {  	_ =	shalt  }
0x83: {  	_ =	shalt  }
0x84: {  	_ =	shalt  }
0x85: {  	_ =	shalt  }
0x86: {  	_ =	shalt  }
0x87: {  	_ =	shalt  }
.Lfunc_end0:
.L_simem_size_0:
called_computation_lowered:
.L_overlay_start_0:
0x88: {  	s2 =	sld [smem:$0x3FD9]  }
0x89: {  	s3 =	sld [smem:$0x3FFE];
	_ =	sdelay $0x1  }
0x8a: {  	s1 =	srdreg.scid  }
0x8b: {  	s0 =	sand.u32 $0x1, s1  }
0x8c: {  	s16 =	sshll.u32 s0, $0xA;
	s2 =	sadd.s32 s3, s2  }
0x8d: {  	s2 =	sadd.s32 s2, s16  }
0x8e: {  	[smem:$0x3FBF] =	sst s2  }
0x8f: {  	_ = 	snop  }
0x90: {  	(tm) =	ssettm $0x1  }
0x91: {  	s17 =	sld [smem:$0x3FFB];
	_ =	sdelay $0x3  }
0x92: {  	_ =	strace s17  }
0x93: {  	s2 =	sld [smem:$0x3FFC];
	_ =	sdelay $0x3  }
0x94: {  	_ =	strace s2  }
0x95: {  	s2 =	sld [smem:$0x3FFD];
	_ =	sdelay $0x3  }
0x96: {  	_ =	strace s2  }
0x97: {  	_ =	strace $0x8FFFFFFF  }
0x98: {  	s18 =	sld [smem:$0x3FDB];
	_ =	sdelay $0x1  }
0x99: {  	s19 =	simm.s32 $_scs_section_size  }
0x9a: {  	s4 =	simm.s32 $_size__tile_overlayer_lowered;
	s5 =	simm.s32 $_tile_overlayer_lowered  }
0x9b: {  	s22 =	simm.s32 $0x1BFF;
	s21 =	sshll.u32 s5, $0x1;
	s2 =	sadd.s32 s19, s18  }
0x9c: {  	s6 =	simm.s32 $0x0;
	s20 =	sshll.u32 s4, $0x1;
	s4 =	sadd.s32 s21, s2  }
0x9d: {  	[timem:s6], [sflag:s22] =	dma.local [hbm:s4], s20  }
0x9e: {  	_ =	swait.ge [sflag:s22], s20  }
0x9f: {  	s3 =	ssub.s32 $0x0, s20;
	[sflag:s22] =	ssyncset.done $0x0  }
0xa0: {  	[sflag:s22] =	ssyncadd.s32 s3;
	_ =	sdelay $0x1  }
0xa1: {  	s23 =	simm.s32 $0x1B8B  }
0xa2: {  	_ =	swait.ge [sflag:s23], $0x1  }
0xa3: {  	[sflag:s23] =	ssyncset.done $0x0  }
0xa4: {  	s25 =	simm.s32 $0x1B8E;
	s24 =	sld [smem:$0x3FFE];
	[sflag:s23] =	ssyncadd.s32 $0xFFFFFFFF  }
0xa5: {  	s26 =	simm.s32 $execute0_lowered;
	[smem:$0x3FD2] =	sst s25  }
0xa6: {  	s4 =	sshll.u32 s26, $0x1;
	_ =	strace $0x80000046;
	[dreg:$0x1] =	wrdreg $0xFFFFFFFF  }
0xa7: {  	s28 =	simm.s32 $_size_execute0_lowered;
	s2 =	sadd.s32 s2, s4;
	[dreg:$0x0] =	wrdreg $0x0  }
0xa8: {  	s4 =	sshll.u32 s28, $0x1;
	[dreg:$0x2] =	wrdreg s2  }
0xa9: {  	[dreg:$0x3] =	wrdreg s4  }
0xaa: {  	[dreg:$0x4] =	wrdreg $0xC0  }
0xab: {  	_ =	task [dreg:s6], $0x5FFFF  }
0xac: {  	[dreg:$0x1] =	wrdreg $0xFFFFFFFF  }
0xad: {  	[dreg:$0x0] =	wrdreg $0x60  }
0xae: {  	[dreg:$0x2] =	wrdreg s24  }
0xaf: {  	[dreg:$0x3] =	wrdreg $0x8800  }
0xb0: {  	[dreg:$0x4] =	wrdreg $0x9  }
0xb1: {  	_ =	task.clear_ibuf [dreg:s6], $0x5FFFF;
	_ =	strace $0x90000046  }
0xb2: {  	s29 =	simm.s32 $0x9;
	_ =	strace $0x80000048  }
0xb3: {  	_ =	swait.ge [sflag:s29], $0x1  }
0xb4: {  	[sflag:s29] =	ssyncadd.s32 $0xFFFFFFFF  }
0xb5: {  	_ =	strace $0x90000048  }
0xb6: {  	_ =	sfence  }
0xb7: {  	s30 =	sld [smem:$0x0];
	_ =	sdelay $0x2  }
0xb8: {  	s31 =	sshll.u32 s1, $0xD;
	s1 =	sshrl.u32 s1, $0x2  }
0xb9: {  	s3 =	sand.u32 $0x4000, s31;
	s1 =	sadd.s32 s1, s30  }
0xba: {  	s0 =	sor.u32 s3, s0;
	s1 =	sshll.u32 s1, $0x11  }
0xbb: {  	s0 =	sor.u32 s1, s0  }
0xbc: {  	s0 =	sadd.s32 $0x8F2B, s0  }
0xbd: {  	[sflag:s0] =	ssyncadd.remote.s32 $0x1  }
0xbe: {  	_ =	sfence.sel $0xFFFF  }
0xbf: {  	[dreg:$0x0] =	wrdreg $0xFFFFFFFF;
	(pc) =	sbr.abs _section_cstart, $3  }
0xc0: {  	[dreg:$0x1] =	wrdreg $0xFFFFFFFF  }
0xc1: {  	_ =	task.clear_ibuf [dreg:s6], $0x2FFFF;
	_ =	strace $0x9FFFFFFF  }
0xc2: {  	(tm) =	ssettm $0x7FFFFFFF  }
0xc3: {  	_ =	shalt  }
tec
execute0_lowered:
.L_overlay_start_1:
0x0: {  	(tag) =	ssettag $0x1  }
0x1: {  	s4 =	rddreg [dreg:$0x0];
	s1 =	srdreg.scid  }
0x2: {  	s0 =	stileid.u32;
	s2 =	rddreg [dreg:$0x1]  }
0x3: {  	s3 =	simm.s32 $0x0;
	s15 =	simm.s32 $0x2;
	s16 =	simm.s32 $0x480  }
0x4: {  	s17 =	simm.s32 $0x500;
	s18 =	simm.s32 $0x580;
	s19 =	simm.s32 $0x600  }
0x5: {  	s20 =	simm.s32 $0x680;
	s21 =	simm.s32 $0x700;
	s22 =	simm.s32 $0x780  }
0x6: {  	s23 =	simm.s32 $0x800;
	s5 =	sand.u32 $0x1, s1;
	s6 =	smul.u32 $0x1900, s0  }
0x7: {  	s24 =	simm.s32 $0x1;
	s1 =	rddreg [dreg:$0x2];
	s7 =	smul.u32 $0x19000, s5  }
0x8: {  	s25 =	simm.s32 $0x0;
	[smem:$0x7FF] =	sst s3;
	s14 =	smul.u32 $0x3100, s0  }
0x9: {  	s8 =	smul.u32 $0x31000, s5;
	s5 =	ssub.s32 $0x2, s5;
	s7 =	sadd.s32 s6, s7  }
0xa: {  	_ =	strace $0x80000047;
	s31 =	sshrl.u32 s5, $0x1;
	s7 =	sshrl.u32 s7, $0x3  }
0xb: {  	s11 =	sadd.s32 s8, s4;
	s12 =	sadd.s32 s7, s4;
	s4 =	sadd.s32 s6, s2  }
0xc: {  	s13 =	ssub.s32 s5, s31;
	s14 =	sadd.s32 s14, s11;
	s5 =	sadd.s32 $0x400, s4  }
0xd: {  	s6 =	sadd.s32 $0x800, s4;
	s7 =	sadd.s32 $0xC00, s4;
	s8 =	sadd.s32 $0x1000, s4  }
0xe: {  	s9 =	sadd.s32 $0x1400, s4;
	s10 =	sadd.s32 $0x1800, s4;
	s11 =	sadd.s32 $0xC5E00, s12  }
0xf: {  	v0 =	vimm.f32 $1.000000000e+00;
	v1 =	vimm.f32 $0.0e+00;
	s12 =	smax.u32 s13, $0x1;
	s13 =	sadd.s32 $0x1E00, s14;
	s14 =	simm.s32 $0x80  }
.LBB2_1:
0x10: {  	[tilespmem:$0x0] =	vst v0  }
0x11: {  	[tilespmem:$0x10] =	vst v0  }
0x12: {  	[tilespmem:$0x20] =	vst v0  }
0x13: {  	[tilespmem:$0x30] =	vst v0  }
0x14: {  	[tilespmem:$0x40] =	vst v0  }
0x15: {  	[tilespmem:$0x50] =	vst v0  }
0x16: {  	[tilespmem:$0x60] =	vst v0  }
0x17: {  	[tilespmem:$0x70] =	vst v0;
	s26 =	simm.s32 $0x40;
	s28 =	simm.s32 $0x0  }
.LBB2_2:
0x18: {  	p0 =	sne.s32 s26, $0xFC0;
	[tilespmem:s28+$0x80] =	vst v1;
	s28 =	smov.u32 s26;
	s26 =	sadd.s32 $0x40, s26  }
.Ltmp0:
0x19: {  	(pc) =	sbr.rel @p0 .LBB2_2-.Ltmp0, $2  }
0x1a: {  	_ =	sdelay $0x2  }
0x1b: {  	s28 =	sshra.s32 s28, $0x2  }
0x1c: {  	[tilespmem:s28+$0x80] =	vst v1  }
0x1d: {  	[spmem:s4] =	stream.linear.scatter [tilespmem:s14], [sflag:$0x2], $0x400, $0x38;
	[tilespmem:$0x2180] =	vst v63  }
0x1e: {  	_ =	swait.ge [sflag:s15], $0x400  }
0x1f: {  	[sflag:s15] =	ssyncset.done $0x0  }
0x20: {  	[sflag:s15] =	ssyncadd.s32 $0xFFFFFC00  }
0x21: {  	[spmem:s5] =	stream.linear.scatter [tilespmem:s14], [sflag:$0x2], $0x400, $0x38;
	[tilespmem:$0x2180] =	vst v63  }
0x22: {  	_ =	swait.ge [sflag:s15], $0x400  }
0x23: {  	[sflag:s15] =	ssyncset.done $0x0  }
0x24: {  	[sflag:s15] =	ssyncadd.s32 $0xFFFFFC00  }
0x25: {  	[spmem:s6] =	stream.linear.scatter [tilespmem:s14], [sflag:$0x2], $0x400, $0x38;
	[tilespmem:$0x2180] =	vst v63  }
0x26: {  	_ =	swait.ge [sflag:s15], $0x400  }
0x27: {  	[sflag:s15] =	ssyncset.done $0x0  }
0x28: {  	[sflag:s15] =	ssyncadd.s32 $0xFFFFFC00  }
0x29: {  	[spmem:s7] =	stream.linear.scatter [tilespmem:s14], [sflag:$0x2], $0x400, $0x38;
	[tilespmem:$0x2180] =	vst v63  }
0x2a: {  	_ =	swait.ge [sflag:s15], $0x400  }
0x2b: {  	[sflag:s15] =	ssyncset.done $0x0  }
0x2c: {  	[sflag:s15] =	ssyncadd.s32 $0xFFFFFC00  }
0x2d: {  	[spmem:s8] =	stream.linear.scatter [tilespmem:s14], [sflag:$0x2], $0x400, $0x38;
	[tilespmem:$0x2180] =	vst v63  }
0x2e: {  	_ =	swait.ge [sflag:s15], $0x400  }
0x2f: {  	[sflag:s15] =	ssyncset.done $0x0  }
0x30: {  	[sflag:s15] =	ssyncadd.s32 $0xFFFFFC00  }
0x31: {  	[spmem:s9] =	stream.linear.scatter [tilespmem:s14], [sflag:$0x2], $0x400, $0x38;
	[tilespmem:$0x2180] =	vst v63  }
0x32: {  	_ =	swait.ge [sflag:s15], $0x400  }
0x33: {  	[sflag:s15] =	ssyncset.done $0x0  }
0x34: {  	[sflag:s15] =	ssyncadd.s32 $0xFFFFFC00  }
0x35: {  	[spmem:s10] =	stream.linear.scatter [tilespmem:s14], [sflag:$0x2], $0x100, $0x38;
	[tilespmem:$0x2180] =	vst v63  }
0x36: {  	_ =	swait.ge [sflag:s15], $0x100  }
0x37: {  	[sflag:s15] =	ssyncset.done $0x0  }
0x38: {  	[sflag:s15] =	ssyncadd.s32 $0xFFFFFF00  }
0x39: {  	s26 =	sadd.s32 $0x0, s13;
	[bflag:$0x0] =	sbarrier.arrive $0xFFFF  }
0x3a: {  	[tilespmem:s16], [sflag:$0x2] =	stream.linear.gather [hbm4b:s26+s3], $0x400, $0x38;
	[tilespmem:$0x2180] =	vst v63  }
0x3b: {  	_ =	swait.ge [sflag:s15], $0x400  }
0x3c: {  	[sflag:s15] =	ssyncset.done $0x0  }
0x3d: {  	[sflag:s15] =	ssyncadd.s32 $0xFFFFFC00  }
0x3e: {  	[spmem:s2] =	stream.indirect.scatter.add.f32 [tilespmem:s3], [sflag:$0x1], $0x1, s16, s14, $0xb8;
	[tilespmem:$0x2180] =	vst v63  }
0x3f: {  	_ = 	snop  }
0x40: {  	[spmem:s2] =	stream.indirect.scatter.add.f32 [tilespmem:s3], [sflag:$0x1], $0x1, s17, s14, $0xb8;
	[tilespmem:$0x2180] =	vst v63  }
0x41: {  	_ = 	snop  }
0x42: {  	[spmem:s2] =	stream.indirect.scatter.add.f32 [tilespmem:s3], [sflag:$0x1], $0x1, s18, s14, $0xb8;
	[tilespmem:$0x2180] =	vst v63  }
0x43: {  	_ = 	snop  }
0x44: {  	[spmem:s2] =	stream.indirect.scatter.add.f32 [tilespmem:s3], [sflag:$0x1], $0x1, s19, s14, $0xb8;
	[tilespmem:$0x2180] =	vst v63  }
0x45: {  	_ = 	snop  }
0x46: {  	[spmem:s2] =	stream.indirect.scatter.add.f32 [tilespmem:s3], [sflag:$0x1], $0x1, s20, s14, $0xb8;
	[tilespmem:$0x2180] =	vst v63  }
0x47: {  	_ = 	snop  }
0x48: {  	[spmem:s2] =	stream.indirect.scatter.add.f32 [tilespmem:s3], [sflag:$0x1], $0x1, s21, s14, $0xb8;
	[tilespmem:$0x2180] =	vst v63  }
0x49: {  	_ = 	snop  }
0x4a: {  	[spmem:s2] =	stream.indirect.scatter.add.f32 [tilespmem:s3], [sflag:$0x1], $0x1, s22, s14, $0xb8;
	[tilespmem:$0x2180] =	vst v63  }
0x4b: {  	_ = 	snop  }
0x4c: {  	[spmem:s2] =	stream.indirect.scatter.add.f32 [tilespmem:s3], [sflag:$0x1], $0x1, s23, s14, $0xb8;
	[tilespmem:$0x2180] =	vst v63  }
0x4d: {  	_ =	swait.ge [sflag:s24], $0x80  }
0x4e: {  	[sflag:s24] =	ssyncset.done $0x0  }
0x4f: {  	[sflag:s24] =	ssyncadd.s32 $0xFFFFFF80  }
0x50: {  	_ =	swait.ge [sflag:s24], $0x80  }
0x51: {  	[sflag:s24] =	ssyncset.done $0x0  }
0x52: {  	[sflag:s24] =	ssyncadd.s32 $0xFFFFFF80  }
0x53: {  	_ =	swait.ge [sflag:s24], $0x80  }
0x54: {  	[sflag:s24] =	ssyncset.done $0x0  }
0x55: {  	[sflag:s24] =	ssyncadd.s32 $0xFFFFFF80  }
0x56: {  	_ =	swait.ge [sflag:s24], $0x80  }
0x57: {  	[sflag:s24] =	ssyncset.done $0x0  }
0x58: {  	[sflag:s24] =	ssyncadd.s32 $0xFFFFFF80  }
0x59: {  	_ =	swait.ge [sflag:s24], $0x80  }
0x5a: {  	[sflag:s24] =	ssyncset.done $0x0  }
0x5b: {  	[sflag:s24] =	ssyncadd.s32 $0xFFFFFF80  }
0x5c: {  	_ =	swait.ge [sflag:s24], $0x80  }
0x5d: {  	[sflag:s24] =	ssyncset.done $0x0  }
0x5e: {  	[sflag:s24] =	ssyncadd.s32 $0xFFFFFF80  }
0x5f: {  	_ =	swait.ge [sflag:s24], $0x80  }
0x60: {  	[sflag:s24] =	ssyncset.done $0x0  }
0x61: {  	[sflag:s24] =	ssyncadd.s32 $0xFFFFFF80  }
0x62: {  	_ =	swait.ge [sflag:s24], $0x80  }
0x63: {  	s29 =	simm.s32 $0x100;
	s26 =	simm.s32 $0x80;
	[sflag:s24] =	ssyncset.done $0x0  }
.LBB2_4:
0x64: {  	s30 =	sadd.s32 s26, s13  }
0x65: {  	[sflag:s24] =	ssyncadd.s32 $0xFFFFFF80;
	s26 =	smov.u32 s29;
	s28 =	sadd.s32 $0x80, s29  }
0x66: {  	[tilespmem:s16], [sflag:$0x2] =	stream.linear.gather [hbm4b:s30+s3], $0x400, $0x38;
	[tilespmem:$0x2180] =	vst v63  }
0x67: {  	p0 =	sne.s32 s29, $0x3080;
	_ =	swait.ge [sflag:s15], $0x400  }
0x68: {  	[sflag:s15] =	ssyncset.done $0x0  }
0x69: {  	[sflag:s15] =	ssyncadd.s32 $0xFFFFFC00  }
0x6a: {  	[spmem:s2] =	stream.indirect.scatter.add.f32 [tilespmem:s3], [sflag:$0x1], $0x1, s16, s14, $0xb8;
	[tilespmem:$0x2180] =	vst v63  }
0x6b: {  	_ = 	snop  }
0x6c: {  	[spmem:s2] =	stream.indirect.scatter.add.f32 [tilespmem:s3], [sflag:$0x1], $0x1, s17, s14, $0xb8;
	[tilespmem:$0x2180] =	vst v63  }
0x6d: {  	_ = 	snop  }
0x6e: {  	[spmem:s2] =	stream.indirect.scatter.add.f32 [tilespmem:s3], [sflag:$0x1], $0x1, s18, s14, $0xb8;
	[tilespmem:$0x2180] =	vst v63  }
0x6f: {  	_ = 	snop  }
0x70: {  	[spmem:s2] =	stream.indirect.scatter.add.f32 [tilespmem:s3], [sflag:$0x1], $0x1, s19, s14, $0xb8;
	[tilespmem:$0x2180] =	vst v63  }
0x71: {  	_ = 	snop  }
0x72: {  	[spmem:s2] =	stream.indirect.scatter.add.f32 [tilespmem:s3], [sflag:$0x1], $0x1, s20, s14, $0xb8;
	[tilespmem:$0x2180] =	vst v63  }
0x73: {  	_ = 	snop  }
0x74: {  	[spmem:s2] =	stream.indirect.scatter.add.f32 [tilespmem:s3], [sflag:$0x1], $0x1, s21, s14, $0xb8;
	[tilespmem:$0x2180] =	vst v63  }
0x75: {  	_ = 	snop  }
0x76: {  	[spmem:s2] =	stream.indirect.scatter.add.f32 [tilespmem:s3], [sflag:$0x1], $0x1, s22, s14, $0xb8;
	[tilespmem:$0x2180] =	vst v63  }
0x77: {  	_ = 	snop  }
0x78: {  	[spmem:s2] =	stream.indirect.scatter.add.f32 [tilespmem:s3], [sflag:$0x1], $0x1, s23, s14, $0xb8;
	[tilespmem:$0x2180] =	vst v63  }
0x79: {  	_ =	swait.ge [sflag:s24], $0x80  }
0x7a: {  	[sflag:s24] =	ssyncset.done $0x0  }
0x7b: {  	[sflag:s24] =	ssyncadd.s32 $0xFFFFFF80  }
0x7c: {  	_ =	swait.ge [sflag:s24], $0x80  }
0x7d: {  	[sflag:s24] =	ssyncset.done $0x0  }
0x7e: {  	[sflag:s24] =	ssyncadd.s32 $0xFFFFFF80  }
0x7f: {  	_ =	swait.ge [sflag:s24], $0x80  }
0x80: {  	[sflag:s24] =	ssyncset.done $0x0  }
0x81: {  	[sflag:s24] =	ssyncadd.s32 $0xFFFFFF80  }
0x82: {  	_ =	swait.ge [sflag:s24], $0x80  }
0x83: {  	[sflag:s24] =	ssyncset.done $0x0  }
0x84: {  	[sflag:s24] =	ssyncadd.s32 $0xFFFFFF80  }
0x85: {  	_ =	swait.ge [sflag:s24], $0x80  }
0x86: {  	[sflag:s24] =	ssyncset.done $0x0  }
0x87: {  	[sflag:s24] =	ssyncadd.s32 $0xFFFFFF80  }
0x88: {  	_ =	swait.ge [sflag:s24], $0x80  }
0x89: {  	[sflag:s24] =	ssyncset.done $0x0  }
0x8a: {  	[sflag:s24] =	ssyncadd.s32 $0xFFFFFF80  }
.Ltmp1:
0x8b: {  	_ =	swait.ge [sflag:s24], $0x80;
	(pc) =	sbr.rel @p0 .LBB2_4-.Ltmp1, $4  }
0x8c: {  	[sflag:s24] =	ssyncset.done $0x0  }
0x8d: {  	[sflag:s24] =	ssyncadd.s32 $0xFFFFFF80  }
0x8e: {  	_ =	swait.ge [sflag:s24], $0x80  }
0x8f: {  	s29 =	smov.u32 s28;
	[sflag:s24] =	ssyncset.done $0x0  }
0x90: {  	s26 =	sadd.s32 s26, s13;
	[sflag:s24] =	ssyncadd.s32 $0xFFFFFF80  }
0x91: {  	[tilespmem:s16], [sflag:$0x2] =	stream.linear.gather [hbm4b:s26+s3], $0x400, $0x38;
	[tilespmem:$0x2180] =	vst v63  }
0x92: {  	_ =	swait.ge [sflag:s15], $0x400  }
0x93: {  	[sflag:s15] =	ssyncset.done $0x0  }
0x94: {  	[sflag:s15] =	ssyncadd.s32 $0xFFFFFC00  }
0x95: {  	[spmem:s2] =	stream.indirect.scatter.add.f32 [tilespmem:s3], [sflag:$0x1], $0x1, s16, s14, $0xb8;
	[tilespmem:$0x2180] =	vst v63  }
0x96: {  	_ = 	snop  }
0x97: {  	[spmem:s2] =	stream.indirect.scatter.add.f32 [tilespmem:s3], [sflag:$0x1], $0x1, s17, s14, $0xb8;
	[tilespmem:$0x2180] =	vst v63  }
0x98: {  	_ = 	snop  }
0x99: {  	[spmem:s2] =	stream.indirect.scatter.add.f32 [tilespmem:s3], [sflag:$0x1], $0x1, s18, s14, $0xb8;
	[tilespmem:$0x2180] =	vst v63  }
0x9a: {  	_ = 	snop  }
0x9b: {  	[spmem:s2] =	stream.indirect.scatter.add.f32 [tilespmem:s3], [sflag:$0x1], $0x1, s19, s14, $0xb8;
	[tilespmem:$0x2180] =	vst v63  }
0x9c: {  	_ = 	snop  }
0x9d: {  	[spmem:s2] =	stream.indirect.scatter.add.f32 [tilespmem:s3], [sflag:$0x1], $0x1, s20, s14, $0xb8;
	[tilespmem:$0x2180] =	vst v63  }
0x9e: {  	_ = 	snop  }
0x9f: {  	[spmem:s2] =	stream.indirect.scatter.add.f32 [tilespmem:s3], [sflag:$0x1], $0x1, s21, s14, $0xb8;
	[tilespmem:$0x2180] =	vst v63  }
0xa0: {  	_ = 	snop  }
0xa1: {  	[spmem:s2] =	stream.indirect.scatter.add.f32 [tilespmem:s3], [sflag:$0x1], $0x1, s22, s14, $0xb8;
	[tilespmem:$0x2180] =	vst v63  }
0xa2: {  	_ = 	snop  }
0xa3: {  	[spmem:s2] =	stream.indirect.scatter.add.f32 [tilespmem:s3], [sflag:$0x1], $0x1, s23, s14, $0xb8;
	[tilespmem:$0x2180] =	vst v63  }
0xa4: {  	_ =	swait.ge [sflag:s24], $0x80  }
0xa5: {  	[sflag:s24] =	ssyncset.done $0x0  }
0xa6: {  	[sflag:s24] =	ssyncadd.s32 $0xFFFFFF80  }
0xa7: {  	_ =	swait.ge [sflag:s24], $0x80  }
0xa8: {  	[sflag:s24] =	ssyncset.done $0x0  }
0xa9: {  	[sflag:s24] =	ssyncadd.s32 $0xFFFFFF80  }
0xaa: {  	_ =	swait.ge [sflag:s24], $0x80  }
0xab: {  	[sflag:s24] =	ssyncset.done $0x0  }
0xac: {  	[sflag:s24] =	ssyncadd.s32 $0xFFFFFF80  }
0xad: {  	_ =	swait.ge [sflag:s24], $0x80  }
0xae: {  	[sflag:s24] =	ssyncset.done $0x0  }
0xaf: {  	[sflag:s24] =	ssyncadd.s32 $0xFFFFFF80  }
0xb0: {  	_ =	swait.ge [sflag:s24], $0x80  }
0xb1: {  	[sflag:s24] =	ssyncset.done $0x0  }
0xb2: {  	[sflag:s24] =	ssyncadd.s32 $0xFFFFFF80  }
0xb3: {  	_ =	swait.ge [sflag:s24], $0x80  }
0xb4: {  	[sflag:s24] =	ssyncset.done $0x0  }
0xb5: {  	[sflag:s24] =	ssyncadd.s32 $0xFFFFFF80  }
0xb6: {  	_ =	swait.ge [sflag:s24], $0x80  }
0xb7: {  	[sflag:s24] =	ssyncset.done $0x0  }
0xb8: {  	[sflag:s24] =	ssyncadd.s32 $0xFFFFFF80  }
0xb9: {  	_ =	swait.ge [sflag:s24], $0x80  }
0xba: {  	s31 =	sshll.u32 s0, $0x6;
	s25 =	sadd.s32 $0x1, s25;
	[sflag:s24] =	ssyncset.done $0x0  }
0xbb: {  	s28 =	sshrl.u32 s4, $0x3;
	p0 =	sne.s32 s25, s12;
	[sflag:s24] =	ssyncadd.s32 $0xFFFFFF80  }
.Ltmp2:
0xbc: {  	s26 =	sor.u32 $0x1C02, s31;
	[bflag:$0x0] =	sbarrier.arrive $0xFFFF;
	(pc) =	sbr.rel @p0 .LBB2_1-.Ltmp2, $4  }
0xbd: {  	[hbm:s11], [sflag:s26] =	dma.local [spmem:s28], $0x320  }
0xbe: {  	_ =	swait.ge [sflag:s15], $0x320  }
0xbf: {  	[sflag:s15] =	ssyncset.done $0x0  }
0xc0: {  	[sflag:s15] =	ssyncadd.s32 $0xFFFFFCE0  }
0xc1: {  	_ =	sfence.sel $0x180000  }
0xc2: {  	[bflag:$0x0] =	sbarrier.arrive $0xFFFF  }
0xc3: {  	p0 =	sne.s32 s0, $0x0;
	_ =	strace $0x90000047  }
0xc4: {  	s0 =	sadd.s32 @!p0 $0x100000, s1;
	[bflag:$0x2] =	sbarrier.arrive $0xFFFF  }
0xc5: {  	[sflag:s0] =	ssyncadd.tile.s32 @!p0 $0x1;
	_ =	shalt  }
.Lfunc_end2:
_tile_overlayer_lowered:
.L_overlay_start_2:
0xc6: {  	(tag) =	ssettag $0x2  }
0xc7: {  	s0 =	rddreg [dreg:$0x0];
	s2 =	stileid.u32  }
0xc8: {  	s1 =	rddreg [dreg:$0x1];
	p0 =	sne.s32 s2, $0x0  }
0xc9: {  	s3 =	rddreg [dreg:$0x2];
	[bflag:$0x3] =	sbarrier.arrive $0xFFFF;
	s2 =	simm.s32 @!p0 $0x1C02  }
0xca: {  	[timem:s3], [sflag:s2] =	dma.local @!p0 [hbm:s0], s1  }
0xcb: {  	s0 =	simm.s32 @!p0 $0x2  }
0xcc: {  	_ =	swait.ge @!p0 [sflag:s0], s1  }
0xcd: {  	s1 =	ssub.s32 @!p0 $0x0, s1;
	[sflag:s0] =	ssyncset.done @!p0 $0x0  }
0xce: {  	[sflag:s0] =	ssyncadd.s32 @!p0 s1  }
0xcf: {  	[bflag:$0x3] =	sbarrier.arrive $0xFFFF  }
0xd0: {  	_ =	shalt  }

</sc_bundles>
